<compile_context>
chip_gen: v7x
topology: tpu7x:2x2x1
jax: 0.10.2.dev20260603
libtpu: 0.0.44.dev20260713+nightly
codegen_flags: <defaults>
</compile_context>

<pallas_src>
import functools

import jax
import jax.numpy as jnp
from jax import lax
from jax.experimental import pallas as pl
from jax.experimental.pallas import tpu as pltpu
from jax.experimental.pallas import tpu_sc as plsc

_N = 10000
_E = 320000
_NG = 8
_NF = 128
_EF = 16
_GF = 16

_EB = 1000
_EF8 = _E // 8
_GRID = _EF8 // _EB

_NW = 32
_EW = _E // _NW
_CH = 80
_NCH = _EW // _CH
_SC_MESH = plsc.VectorSubcoreMesh(core_axis_name="c", subcore_axis_name="s")


def _k0a_body(x_ref, u_ref, batch_ref, wex_ref, weu_ref, wa_ref,
              tt_ref, xa_ref):
    x = x_ref[...]
    t1 = 0.5 * jnp.dot(x, wex_ref[...].T, preferred_element_type=jnp.float32)
    oh = (batch_ref[...] == lax.broadcasted_iota(jnp.int32, (1, _NG), 1)
          ).astype(jnp.float32)
    ub = jnp.dot(oh, u_ref[...], preferred_element_type=jnp.float32)
    ta = t1 + jnp.dot(ub, weu_ref[...].T, preferred_element_type=jnp.float32)
    xa = jnp.dot(x, wa_ref[...].T, preferred_element_type=jnp.float32)
    tt_ref[...] = jnp.concatenate(
        [ta, t1, jnp.zeros((_N, _NF - 2 * _EF), jnp.float32)], axis=1)
    xa_ref[...] = xa


def _k0a(x, u, batch2d, We_x, We_u, A):
    return pl.pallas_call(
        _k0a_body,
        out_shape=(
            jax.ShapeDtypeStruct((_N, _NF), jnp.float32),
            jax.ShapeDtypeStruct((_N, _NF), jnp.float32),
        ),
    )(x, u, batch2d, We_x, We_u, A)


def _k1_body(tt_hbm, ea_hbm, row_hbm, col_hbm,
             p_hbm, st_hbm,
             ridx_v, cidx_v, gr_v, gc_v, ea_v, p_v, st_v, sem):
    cid = lax.axis_index("c")
    sid = lax.axis_index("s")
    wid = cid * 16 + sid

    st_v[0, :] = jnp.zeros((16,), jnp.float32)
    st_v[1, :] = jnp.zeros((16,), jnp.float32)

    def chunk(j, _):
        base = wid * _EW + j * _CH
        pltpu.sync_copy(row_hbm.at[pl.ds(base, _CH)], ridx_v)
        pltpu.sync_copy(col_hbm.at[pl.ds(base, _CH)], cidx_v)
        pltpu.async_copy(tt_hbm.at[ridx_v], gr_v, sem).wait()
        pltpu.async_copy(tt_hbm.at[cidx_v], gc_v, sem).wait()
        pltpu.sync_copy(ea_hbm.at[pl.ds(base, _CH)], ea_v)

        def edge(e, _):
            p = gr_v[e, pl.ds(0, 16)] + gc_v[e, pl.ds(16, 16)] + ea_v[e, :]
            p_v[e, :] = p
            st_v[0, :] = st_v[0, :] + p
            st_v[1, :] = st_v[1, :] + p * p
            return 0
        lax.fori_loop(0, _CH, edge, 0)
        pltpu.sync_copy(p_v, p_hbm.at[pl.ds(base, _CH)])
        return 0

    lax.fori_loop(0, _NCH, chunk, 0)
    pltpu.sync_copy(st_v, st_hbm.at[wid])


_k1 = functools.partial(
    pl.kernel, _k1_body, mesh=_SC_MESH,
    out_type=(
        jax.ShapeDtypeStruct((_E, _EF), jnp.float32),
        jax.ShapeDtypeStruct((_NW, 2, 16), jnp.float32),
    ),
    scratch_types=[
        pltpu.VMEM((_CH,), jnp.int32),
        pltpu.VMEM((_CH,), jnp.int32),
        pltpu.VMEM((_CH, _NF), jnp.float32),
        pltpu.VMEM((_CH, _NF), jnp.float32),
        pltpu.VMEM((_CH, _EF), jnp.float32),
        pltpu.VMEM((_CH, _EF), jnp.float32),
        pltpu.VMEM((2, 16), jnp.float32),
        pltpu.SemaphoreType.DMA,
    ],
)()


def _k0b_body(eattr_ref, m0_ref, out_ref):
    out_ref[...] = jnp.dot(eattr_ref[...], m0_ref[...],
                           preferred_element_type=jnp.float32)


def _k0b(eattr_f, M0):
    return pl.pallas_call(
        _k0b_body,
        grid=(_GRID,),
        in_specs=[
            pl.BlockSpec((_EB, 128), lambda i: (i, 0)),
            pl.BlockSpec((128, 128), lambda i: (0, 0)),
        ],
        out_specs=pl.BlockSpec((_EB, 128), lambda i: (i, 0)),
        out_shape=jax.ShapeDtypeStruct((_EF8, 128), jnp.float32),
    )(eattr_f, M0)


def _k2_body(p_ref, s1_ref, t1_ref, a_ref, e2_ref, r_ref, se_ref):
    i = pl.program_id(0)
    y = p_ref[...] * s1_ref[...] + t1_ref[...]
    a = a_ref[0, 0]
    e2 = jnp.maximum(y, 0.0) + a * jnp.minimum(y, 0.0)
    e2_ref[...] = e2

    @pl.when(i == 0)
    def _():
        r_ref[...] = jnp.zeros_like(r_ref)
        se_ref[...] = jnp.zeros_like(se_ref)

    r_ref[...] += lax.dot_general(e2, e2, (((0,), (0,)), ((), ())),
                                  preferred_element_type=jnp.float32)
    se_ref[...] += jnp.sum(e2, axis=0, keepdims=True)


def _k2(p_f, s1_tiled, t1_tiled, ae):
    return pl.pallas_call(
        _k2_body,
        grid=(_GRID,),
        in_specs=[
            pl.BlockSpec((_EB, 128), lambda i: (i, 0)),
            pl.BlockSpec((1, 128), lambda i: (0, 0)),
            pl.BlockSpec((1, 128), lambda i: (0, 0)),
            pl.BlockSpec((1, 1), lambda i: (0, 0)),
        ],
        out_specs=(
            pl.BlockSpec((_EB, 128), lambda i: (i, 0)),
            pl.BlockSpec((128, 128), lambda i: (0, 0)),
            pl.BlockSpec((1, 128), lambda i: (0, 0)),
        ),
        out_shape=(
            jax.ShapeDtypeStruct((_EF8, 128), jnp.float32),
            jax.ShapeDtypeStruct((128, 128), jnp.float32),
            jax.ShapeDtypeStruct((1, 128), jnp.float32),
        ),
    )(p_f, s1_tiled, t1_tiled, ae)


def _k4_body(cntp_ref, xa_ref, sc2p_ref, s2_ref, se2_ref, bt_ref,
             gn1_ref, bn1_ref,
             xas_ref, s3_ref, tt3_ref, cnt2_ref):
    cnt2 = jnp.sum(cntp_ref[...], axis=0)
    cnt2_ref[...] = cnt2
    cc = cnt2[1:2, :]
    xa = xa_ref[...]
    sc2 = sc2p_ref[0] + sc2p_ref[1]
    bt = bt_ref[...]
    sum_h = (jnp.dot(cc, xa, preferred_element_type=jnp.float32)
             + jnp.dot(se2_ref[...], bt, preferred_element_type=jnp.float32))
    sq1 = jnp.dot(cc, xa * xa, preferred_element_type=jnp.float32)
    ct = lax.dot_general(sc2, xa, (((0,), (0,)), ((), ())),
                         preferred_element_type=jnp.float32)
    sq2 = 2.0 * jnp.sum(bt * ct, axis=0, keepdims=True)
    q = jnp.dot(s2_ref[...], bt, preferred_element_type=jnp.float32)
    sq3 = jnp.sum(bt * q, axis=0, keepdims=True)
    inv_e = 1.0 / _E
    mean3 = sum_h * inv_e
    var3 = (sq1 + sq2 + sq3) * inv_e - mean3 * mean3
    s3 = gn1_ref[...] * lax.rsqrt(var3 + 1e-5)
    tt3 = bn1_ref[...] - mean3 * s3
    s3_ref[...] = s3
    tt3_ref[...] = tt3
    xas_ref[...] = xa * s3


def _k4(cntP, xa, sc2P, S2, sum_e2, Bt, gn1, bn1):
    return pl.pallas_call(
        _k4_body,
        out_shape=(
            jax.ShapeDtypeStruct((_N, _NF), jnp.float32),
            jax.ShapeDtypeStruct((1, _NF), jnp.float32),
            jax.ShapeDtypeStruct((1, _NF), jnp.float32),
            jax.ShapeDtypeStruct((2, _N), jnp.float32),
        ),
    )(cntP, xa, sc2P, S2, sum_e2, Bt, gn1, bn1)


def _k5_body(e2_ref, m5_ref, tt3_ref, out_ref):
    out_ref[...] = (jnp.dot(e2_ref[...], m5_ref[...],
                            preferred_element_type=jnp.float32)
                    + tt3_ref[...])


def _k5(e2_f, M5, tt3_tiled):
    return pl.pallas_call(
        _k5_body,
        grid=(_GRID,),
        in_specs=[
            pl.BlockSpec((_EB, 128), lambda i: (i, 0)),
            pl.BlockSpec((128, 1024), lambda i: (0, 0)),
            pl.BlockSpec((1, 1024), lambda i: (0, 0)),
        ],
        out_specs=pl.BlockSpec((_EB, 1024), lambda i: (i, 0)),
        out_shape=jax.ShapeDtypeStruct((_EF8, 1024), jnp.float32),
    )(e2_f, M5, tt3_tiled)


def _k7_body(shp_ref, cnt_ref, u_ref, batch_ref, wn2x_ref, wn2u_ref,
             gn2_ref, bn2_ref, an2_ref, wgu_ref, wgx_ref,
             gg_ref, bg_ref, ag_ref,
             x2_ref, u2_ref):
    sh = shp_ref[0] + shp_ref[1]
    hm = sh / jnp.maximum(cnt_ref[...], 1.0)
    oh = (batch_ref[...] == lax.broadcasted_iota(jnp.int32, (1, _NG), 1)
          ).astype(jnp.float32)
    ub = jnp.dot(oh, u_ref[...], preferred_element_type=jnp.float32)
    y = (jnp.dot(hm, wn2x_ref[...].T, preferred_element_type=jnp.float32)
         + jnp.dot(ub, wn2u_ref[...].T, preferred_element_type=jnp.float32))
    m = jnp.mean(y, axis=0, keepdims=True)
    yc = y - m
    v = jnp.mean(yc * yc, axis=0, keepdims=True)
    y = yc * lax.rsqrt(v + 1e-5) * gn2_ref[...] + bn2_ref[...]
    a2 = an2_ref[0, 0]
    x2 = jnp.maximum(y, 0.0) + a2 * jnp.minimum(y, 0.0)
    x2_ref[...] = x2

    segn = lax.dot_general(oh, x2, (((0,), (0,)), ((), ())),
                           preferred_element_type=jnp.float32)
    cntb = jnp.sum(oh, axis=0)[:, None]
    segm = segn / jnp.maximum(cntb, 1.0)
    yg = (jnp.dot(u_ref[...], wgu_ref[...].T, preferred_element_type=jnp.float32)
          + jnp.dot(segm, wgx_ref[...].T, preferred_element_type=jnp.float32))
    mg = jnp.mean(yg, axis=0, keepdims=True)
    ygc = yg - mg
    vg = jnp.mean(ygc * ygc, axis=0, keepdims=True)
    yg = ygc * lax.rsqrt(vg + 1e-5) * gg_ref[...] + bg_ref[...]
    ag = ag_ref[0, 0]
    u2_ref[...] = jnp.maximum(yg, 0.0) + ag * jnp.minimum(yg, 0.0)


def _k7(shP, cnt_row, u, batch2d, Wn2x, Wn2u, gn2, bn2, an2,
        Wgu, Wgx, gg, bg, ag):
    return pl.pallas_call(
        _k7_body,
        out_shape=(
            jax.ShapeDtypeStruct((_N, _NF), jnp.float32),
            jax.ShapeDtypeStruct((_NG, _GF), jnp.float32),
        ),
    )(shP, cnt_row, u, batch2d, Wn2x, Wn2u, gn2, bn2, an2,
      Wgu, Wgx, gg, bg, ag)


def _zero_acc(zero_v, acc_sh, sid, width):
    def zrow(i, _):
        zero_v[i, :] = jnp.zeros((width,), jnp.float32)
        return 0
    lax.fori_loop(0, 48, zrow, 0)

    def zchunk(k, _):
        pltpu.sync_copy(zero_v, acc_sh.at[pl.ds(sid * 624 + k * 48, 48)])
        return 0
    lax.fori_loop(0, 13, zchunk, 0)

    @pl.when(sid == 15)
    def _():
        pltpu.sync_copy(zero_v.at[pl.ds(0, 16)], acc_sh.at[pl.ds(9984, 16)])


def _read_acc(acc_sh, out_hbm, cid, sid):
    def rchunk(k, _):
        off = sid * 624 + k * 48
        pltpu.sync_copy(acc_sh.at[pl.ds(off, 48)],
                        out_hbm.at[cid, pl.ds(off, 48)])
        return 0
    lax.fori_loop(0, 13, rchunk, 0)

    @pl.when(sid == 15)
    def _():
        pltpu.sync_copy(acc_sh.at[pl.ds(9984, 16)],
                        out_hbm.at[cid, pl.ds(9984, 16)])


def _k6_body(xas_hbm, w_hbm, row_hbm, col_hbm, cvec_hbm, out_hbm,
             ridx_v, cidx_v, g_v, w_v, cv_v, zero_v, acc_sh, sem):
    cid = lax.axis_index("c")
    sid = lax.axis_index("s")
    wid = cid * 16 + sid

    pltpu.sync_copy(cvec_hbm, cv_v)
    _zero_acc(zero_v, acc_sh, sid, _NF)
    plsc.subcore_barrier()
    c1 = cv_v[0, :]
    c2 = cv_v[1, :]

    def chunk(j, _):
        base = wid * _EW + j * _CH
        pltpu.sync_copy(row_hbm.at[pl.ds(base, _CH)], ridx_v)
        pltpu.sync_copy(col_hbm.at[pl.ds(base, _CH)], cidx_v)
        pltpu.async_copy(xas_hbm.at[cidx_v], g_v, sem).wait()
        pltpu.sync_copy(w_hbm.at[pl.ds(base, _CH)], w_v)

        def edge(e, _):
            for l in range(8):
                sl = pl.ds(16 * l, 16)
                z = g_v[e, sl] + w_v[e, sl]
                w_v[e, sl] = c1 * z + c2 * jnp.abs(z)
            return 0
        lax.fori_loop(0, _CH, edge, 0)
        pltpu.sync_copy(w_v, acc_sh.at[ridx_v], add=True)
        return 0
    lax.fori_loop(0, _NCH, chunk, 0)
    plsc.subcore_barrier()

    _read_acc(acc_sh, out_hbm, cid, sid)


_k6 = functools.partial(
    pl.kernel, _k6_body, mesh=_SC_MESH,
    out_type=jax.ShapeDtypeStruct((2, _N, _NF), jnp.float32),
    scratch_types=[
        pltpu.VMEM((_CH,), jnp.int32),
        pltpu.VMEM((_CH,), jnp.int32),
        pltpu.VMEM((_CH, _NF), jnp.float32),
        pltpu.VMEM((_CH, _NF), jnp.float32),
        pltpu.VMEM((2, 16), jnp.float32),
        pltpu.VMEM((48, _NF), jnp.float32),
        pltpu.VMEM_SHARED((_N, _NF), jnp.float32),
        pltpu.SemaphoreType.DMA,
    ],
)()


def kernel(x, edge_index, edge_attr, u, batch,
           We, ge, be, ae,
           Wn1, gn1, bn1, an1,
           Wn2, gn2, bn2, an2,
           Wg, gg, bg, ag):
    row = edge_index[0]
    col = edge_index[1]
    batch2d = batch[:, None].astype(jnp.int32)

    We_x = We[:, :_NF]
    We_e = We[:, _NF:_NF + _EF]
    We_u = We[:, _NF + _EF:]
    A = Wn1[:, :_NF]
    Bt = Wn1[:, _NF:].T
    eye8 = jnp.eye(8, dtype=jnp.float32)
    M0 = jnp.einsum('ij,fg->ifjg', eye8, We_e.T).reshape(128, 128)
    Wn2x = Wn2[:, :_NF]
    Wn2u = Wn2[:, _NF:]
    Wgu = Wg[:, :_GF]
    Wgx = Wg[:, _GF:]
    r2 = lambda v: v[None, :]
    r11 = lambda s: jnp.asarray(s, jnp.float32).reshape(1, 1)

    tt, xa = _k0a(x, u, batch2d, We_x, We_u, A)
    ea_f = _k0b(edge_attr.reshape(_EF8, 128), M0)
    ea = ea_f.reshape(_E, _EF)

    row32 = row.astype(jnp.int32)
    col32 = col.astype(jnp.int32)
    p, stP = _k1(tt, ea, row32, col32)
    sp = jnp.sum(stP[:, 0], axis=0)
    spp = jnp.sum(stP[:, 1], axis=0)
    ones_e = jnp.ones((_E,), jnp.float32)
    cnt_row = jax.ops.segment_sum(ones_e, row, num_segments=_N)
    cnt_col = jax.ops.segment_sum(ones_e, col, num_segments=_N)
    cntP = jnp.zeros((_NW, 2, _N), jnp.float32)
    cntP = cntP.at[0, 0].set(cnt_row).at[0, 1].set(cnt_col)

    mean1 = sp / _E
    var1 = spp / _E - mean1 * mean1
    s1 = ge * lax.rsqrt(var1 + 1e-5)
    t1bn = be - mean1 * s1

    e2_f, R, se_row = _k2(p.reshape(_EF8, 128),
                          jnp.tile(s1, 8)[None, :],
                          jnp.tile(t1bn, 8)[None, :], r11(ae))
    e2 = e2_f.reshape(_E, _EF)
    S2 = jnp.einsum('ifig->fg', R.reshape(8, 16, 8, 16))
    sum_e2 = jnp.sum(se_row.reshape(8, 16), axis=0, keepdims=True)

    sc2 = jax.ops.segment_sum(e2, col, num_segments=_N)
    sc2P = jnp.zeros((2, _N, _EF), jnp.float32).at[0].set(sc2)

    xas, s3, tt3, cnt2 = _k4(cntP, xa, sc2P, S2, sum_e2, Bt, r2(gn1), r2(bn1))

    Bs_t = Bt * s3.reshape(-1)[None, :]
    M5 = jnp.einsum('ji,of->jfio', eye8,
                    Bs_t.T).reshape(128, 1024)
    w_f = _k5(e2_f, M5, jnp.tile(tt3.reshape(-1), 8)[None, :])
    w = w_f.reshape(_E, _NF)

    c1 = (1.0 + an1) * 0.5
    c2 = (1.0 - an1) * 0.5
    cvec = jnp.stack([jnp.full((16,), c1, jnp.float32),
                      jnp.full((16,), c2, jnp.float32)])
    shP = _k6(xas, w, row32, col32, cvec)

    x2, u2 = _k7(shP, cnt2[0][:, None], u, batch2d, Wn2x, Wn2u,
                 r2(gn2), r2(bn2), r11(an2), Wgu, Wgx,
                 r2(gg), r2(bg), r11(ag))
    return (x2, e2, u2)

# --- scband reference (transcript-rebuilt; emitter-appended) ---
"""Pipeline reference for scband-layer-44126493999719 (READ-ONLY COPY).

The authoritative reference and input builder live on the scoring server;
editing this copy changes nothing except your own understanding.
"""

import jax, jax.numpy as jnp
import numpy as np

N = 10000
E = 320000
NG = 8
NF = 128
EF = 16
GF = 16


def lin_norm_relu(x, W, gamma, beta, a):
    # Linear(bias=False) -> BatchNorm1d (training-mode batch stats) -> PReLU(scalar a)
    x = x @ W.T
    mean = jnp.mean(x, axis=0)
    var = jnp.var(x, axis=0)
    x = (x - mean) / jnp.sqrt(var + 1e-5) * gamma + beta
    return jnp.maximum(x, 0.0) + a * jnp.minimum(x, 0.0)


def scatter_mean(src, index, dim_size):
    s = jax.ops.segment_sum(src, index, num_segments=dim_size)
    cnt = jax.ops.segment_sum(jnp.ones((src.shape[0],), src.dtype), index, num_segments=dim_size)
    cnt = jnp.maximum(cnt, 1.0)
    return s / cnt[:, None]


def setup_inputs(seed: int = 0) -> dict:
    key = jax.random.key(seed)
    ks = jax.random.split(key, 12)
    x = jax.random.normal(ks[0], (N, NF), dtype=jnp.float32)
    edge_index = jax.random.randint(ks[1], (2, E), 0, N)
    edge_attr = jax.random.normal(ks[2], (E, EF), dtype=jnp.float32)
    u = jax.random.normal(ks[3], (NG, GF), dtype=jnp.float32)
    batch = jnp.sort(jax.random.randint(ks[4], (N,), 0, NG))

    def lin(k, out_f, in_f):
        return jax.random.normal(k, (out_f, in_f), dtype=jnp.float32) / np.sqrt(in_f)

    return {
        "x": x, "edge_index": edge_index, "edge_attr": edge_attr, "u": u, "batch": batch,
        "We": lin(ks[5], EF, NF + EF + GF),
        "ge": jnp.ones((EF,), jnp.float32), "be": jnp.zeros((EF,), jnp.float32), "ae": jnp.array(0.25, dtype=jnp.float32),
        "Wn1": lin(ks[6], NF, NF + EF),
        "gn1": jnp.ones((NF,), jnp.float32), "bn1": jnp.zeros((NF,), jnp.float32), "an1": jnp.array(0.25, dtype=jnp.float32),
        "Wn2": lin(ks[7], NF, NF + GF),
        "gn2": jnp.ones((NF,), jnp.float32), "bn2": jnp.zeros((NF,), jnp.float32), "an2": jnp.array(0.25, dtype=jnp.float32),
        "Wg": lin(ks[8], GF, GF + NF),
        "gg": jnp.ones((GF,), jnp.float32), "bg": jnp.zeros((GF,), jnp.float32), "ag": jnp.array(0.25, dtype=jnp.float32),
    }


def reference(x, edge_index, edge_attr, u, batch,
              We, ge, be, ae,
              Wn1, gn1, bn1, an1,
              Wn2, gn2, bn2, an2,
              Wg, gg, bg, ag):
    row = edge_index[0]
    col = edge_index[1]
    # --- EdgeModel (MetaLayer passes src=x[row], dst=x[col], per-edge batch=batch[row]) ---
    src = x[row]
    dst = x[col]
    e_in = jnp.concatenate([(src + dst) / 2.0, edge_attr, u[batch[row]]], axis=1)
    edge_attr2 = lin_norm_relu(e_in, We, ge, be, ae)
    # --- NodeModel ---
    h = jnp.concatenate([x[col], edge_attr2], axis=1)
    h = lin_norm_relu(h, Wn1, gn1, bn1, an1)
    h = scatter_mean(h, row, N)
    h = jnp.concatenate([h, u[batch]], axis=1)
    x2 = lin_norm_relu(h, Wn2, gn2, bn2, an2)
    # --- GlobalModel ---
    ug = jnp.concatenate([u, scatter_mean(x2, batch, NG)], axis=1)
    u2 = lin_norm_relu(ug, Wg, gg, bg, ag)
    return (x2, edge_attr2, u2)

if __name__ == "__main__":
    import jax
    _d = setup_inputs()
    print(jax.jit(kernel)(*tuple(_d.values())))

</pallas_src>

<mosaic_0001>
#map = affine_map<(d0, d1) -> (0, 0)>
#map1 = affine_map<(d0, d1) -> (0)>
#map2 = affine_map<(d0, d1) -> (0, 0, 0)>
module attributes {stable_mosaic.version = 14 : i64} {
  func.func @_k1_body(%arg0: i32, %arg1: i32, %arg2: memref<10000x128xf32, #tpu.memory_space<hbm>>, %arg3: memref<320000x16xf32, #tpu.memory_space<hbm>>, %arg4: memref<320000xi32, #tpu.memory_space<hbm>>, %arg5: memref<320000xi32, #tpu.memory_space<hbm>>, %arg6: memref<320000x16xf32, #tpu.memory_space<hbm>>, %arg7: memref<32x2x16xf32, #tpu.memory_space<hbm>>, %arg8: memref<80xi32, #tpu.memory_space<vmem>>, %arg9: memref<80xi32, #tpu.memory_space<vmem>>, %arg10: memref<80x128xf32, #tpu.memory_space<vmem>>, %arg11: memref<80x128xf32, #tpu.memory_space<vmem>>, %arg12: memref<80x16xf32, #tpu.memory_space<vmem>>, %arg13: memref<80x16xf32, #tpu.memory_space<vmem>>, %arg14: memref<2x16xf32, #tpu.memory_space<vmem>>, %arg15: memref<!tpu.dma_semaphore, #tpu.memory_space<semaphore_mem>>) attributes {dimension_semantics = [#tpu.dimension_semantics<core_parallel>, #tpu.dimension_semantics<subcore_parallel>], iteration_bounds = array<i64: 2, 16>, scalar_prefetch = 0 : i64, scratch_operands = 8 : i64, tpu.core_type = #tpu.core_type<sc_vector_subcore>, window_params = [{transform_indices = #map}, {transform_indices = #map}, {transform_indices = #map1}, {transform_indices = #map1}, {transform_indices = #map}, {transform_indices = #map2}]} {
    %mul3A = arith.constant 16 : i32
    %mul3A_0 = arith.muli %arg0, %mul3A : i32
    %add3A = arith.addi %mul3A_0, %arg1 : i32
    %broadcast_in_dim3A = arith.constant 0.000000e+00 : f32
    %broadcast_in_dim3A_1 = vector.broadcast %broadcast_in_dim3A : f32 to vector<16xf32>
    %swap3A = arith.constant 0 : i32
    %swap3A_2 = arith.index_cast %swap3A : i32 to index
    %swap3A_3 = arith.constant 0 : index
    %swap3A_4 = tpu.vector_load %arg14[%swap3A_2, %swap3A_3] {strides = array<i32>} : memref<2x16xf32, #tpu.memory_space<vmem>>, vector<1x16xf32>,
    %swap3A_5 = vector.shape_cast %swap3A_4 : vector<1x16xf32> to vector<16xf32>
    %swap3A_6 = vector.shape_cast %broadcast_in_dim3A_1 : vector<16xf32> to vector<1x16xf32>
    tpu.vector_store %arg14[%swap3A_2, %swap3A_3], %swap3A_6 {strides = array<i32>} : memref<2x16xf32, #tpu.memory_space<vmem>>, vector<1x16xf32>,
    %broadcast_in_dim3A_7 = arith.constant 0.000000e+00 : f32
    %broadcast_in_dim3A_8 = vector.broadcast %broadcast_in_dim3A_7 : f32 to vector<16xf32>
    %swap3A_9 = arith.constant 1 : i32
    %swap3A_10 = arith.index_cast %swap3A_9 : i32 to index
    %swap3A_11 = arith.constant 0 : index
    %swap3A_12 = tpu.vector_load %arg14[%swap3A_10, %swap3A_11] {strides = array<i32>} : memref<2x16xf32, #tpu.memory_space<vmem>>, vector<1x16xf32>,
    %swap3A_13 = vector.shape_cast %swap3A_12 : vector<1x16xf32> to vector<16xf32>
    %swap3A_14 = vector.shape_cast %broadcast_in_dim3A_8 : vector<16xf32> to vector<1x16xf32>
    tpu.vector_store %arg14[%swap3A_10, %swap3A_11], %swap3A_14 {strides = array<i32>} : memref<2x16xf32, #tpu.memory_space<vmem>>, vector<1x16xf32>,
    %scan3A = arith.constant 0 : i32
    %scan3A_15 = arith.constant 0 : i32
    %scan3A_16 = arith.constant 125 : i32
    %scan3A_17 = arith.addi %scan3A_15, %scan3A_16 : i32
    %scan3A_18 = arith.constant 1 : i32
    %scan3A_19 = scf.for %scan3A_21 = %scan3A_15 to %scan3A_17 step %scan3A_18 iter_args(%scan3A_22 = %scan3A) -> (i32)  : i32 {
      %mul3A_23 = arith.constant 10000 : i32
      %mul3A_24 = arith.muli %add3A, %mul3A_23 : i32
      %mul3A_25 = arith.constant 80 : i32
      %mul3A_26 = arith.muli %scan3A_21, %mul3A_25 : i32
      %add3A_27 = arith.addi %mul3A_24, %mul3A_26 : i32
      "tpu.region"() ({
        %run_scoped3A = tpu.sem_alloc : memref<!tpu.dma_semaphore, #tpu.memory_space<semaphore_mem>>
        %dma_start3A_46 = tpu.memref_slice %arg4[%add3A_27] : memref<320000xi32, #tpu.memory_space<hbm>> -> memref<80xi32, #tpu.memory_space<hbm>>
        %dma_start3A_47 = tpu.memref_slice %arg4[%add3A_27] : memref<320000xi32, #tpu.memory_space<hbm>> -> memref<80xi32, #tpu.memory_space<hbm>>
        tpu.enqueue_dma source(%dma_start3A_47 : memref<80xi32, #tpu.memory_space<hbm>>) target(%arg8 : memref<80xi32, #tpu.memory_space<vmem>>) target_semaphore(%run_scoped3A : memref<!tpu.dma_semaphore, #tpu.memory_space<semaphore_mem>>)
        %dma_wait3A_48 = tpu.memref_slice %arg4[%add3A_27] : memref<320000xi32, #tpu.memory_space<hbm>> -> memref<80xi32, #tpu.memory_space<hbm>>
        %dma_wait3A_49 = tpu.memref_slice %arg4[%add3A_27] : memref<320000xi32, #tpu.memory_space<hbm>> -> memref<80xi32, #tpu.memory_space<hbm>>
        tpu.wait_dma2 semaphore(%run_scoped3A : memref<!tpu.dma_semaphore, #tpu.memory_space<semaphore_mem>>) src(%dma_wait3A_49 : memref<80xi32, #tpu.memory_space<hbm>>) dst(%arg8 : memref<80xi32, #tpu.memory_space<vmem>>)
        tpu.yield
      }) : () -> ()
      "tpu.region"() ({
        %run_scoped3A = tpu.sem_alloc : memref<!tpu.dma_semaphore, #tpu.memory_space<semaphore_mem>>
        %dma_start3A_46 = tpu.memref_slice %arg5[%add3A_27] : memref<320000xi32, #tpu.memory_space<hbm>> -> memref<80xi32, #tpu.memory_space<hbm>>
        %dma_start3A_47 = tpu.memref_slice %arg5[%add3A_27] : memref<320000xi32, #tpu.memory_space<hbm>> -> memref<80xi32, #tpu.memory_space<hbm>>
        tpu.enqueue_dma source(%dma_start3A_47 : memref<80xi32, #tpu.memory_space<hbm>>) target(%arg9 : memref<80xi32, #tpu.memory_space<vmem>>) target_semaphore(%run_scoped3A : memref<!tpu.dma_semaphore, #tpu.memory_space<semaphore_mem>>)
        %dma_wait3A_48 = tpu.memref_slice %arg5[%add3A_27] : memref<320000xi32, #tpu.memory_space<hbm>> -> memref<80xi32, #tpu.memory_space<hbm>>
        %dma_wait3A_49 = tpu.memref_slice %arg5[%add3A_27] : memref<320000xi32, #tpu.memory_space<hbm>> -> memref<80xi32, #tpu.memory_space<hbm>>
        tpu.wait_dma2 semaphore(%run_scoped3A : memref<!tpu.dma_semaphore, #tpu.memory_space<semaphore_mem>>) src(%dma_wait3A_49 : memref<80xi32, #tpu.memory_space<hbm>>) dst(%arg9 : memref<80xi32, #tpu.memory_space<vmem>>)
        tpu.yield
      }) : () -> ()
      %dma_start3A = arith.constant 0 : i32
      %dma_start3A_28 = arith.constant 0 : i32
      %dma_start3A_29 = tpu.memref_slice %arg2[%dma_start3A, %dma_start3A_28] : memref<10000x128xf32, #tpu.memory_space<hbm>> -> memref<10000x128xf32, #tpu.memory_space<hbm>>
      tpu.enqueue_indirect_dma source(%dma_start3A_29 : memref<10000x128xf32, #tpu.memory_space<hbm>>) target(%arg10 : memref<80x128xf32, #tpu.memory_space<vmem>>) offsets(%arg8 : memref<80xi32, #tpu.memory_space<vmem>>) semaphore(%arg15 : memref<!tpu.dma_semaphore, #tpu.memory_space<semaphore_mem>>)
      %dma_wait3A = arith.constant 0 : i32
      %dma_wait3A_30 = arith.constant 0 : i32
      %dma_wait3A_31 = tpu.memref_slice %arg2[%dma_wait3A, %dma_wait3A_30] : memref<10000x128xf32, #tpu.memory_space<hbm>> -> memref<10000x128xf32, #tpu.memory_space<hbm>>
      tpu.wait_indirect_dma semaphore(%arg15 : memref<!tpu.dma_semaphore, #tpu.memory_space<semaphore_mem>>) src(%dma_wait3A_31 : memref<10000x128xf32, #tpu.memory_space<hbm>>) dst(%arg10 : memref<80x128xf32, #tpu.memory_space<vmem>>)
      %dma_start3A_32 = arith.constant 0 : i32
      %dma_start3A_33 = arith.constant 0 : i32
      %dma_start3A_34 = tpu.memref_slice %arg2[%dma_start3A_32, %dma_start3A_33] : memref<10000x128xf32, #tpu.memory_space<hbm>> -> memref<10000x128xf32, #tpu.memory_space<hbm>>
      tpu.enqueue_indirect_dma source(%dma_start3A_34 : memref<10000x128xf32, #tpu.memory_space<hbm>>) target(%arg11 : memref<80x128xf32, #tpu.memory_space<vmem>>) offsets(%arg9 : memref<80xi32, #tpu.memory_space<vmem>>) semaphore(%arg15 : memref<!tpu.dma_semaphore, #tpu.memory_space<semaphore_mem>>)
      %dma_wait3A_35 = arith.constant 0 : i32
      %dma_wait3A_36 = arith.constant 0 : i32
      %dma_wait3A_37 = tpu.memref_slice %arg2[%dma_wait3A_35, %dma_wait3A_36] : memref<10000x128xf32, #tpu.memory_space<hbm>> -> memref<10000x128xf32, #tpu.memory_space<hbm>>
      tpu.wait_indirect_dma semaphore(%arg15 : memref<!tpu.dma_semaphore, #tpu.memory_space<semaphore_mem>>) src(%dma_wait3A_37 : memref<10000x128xf32, #tpu.memory_space<hbm>>) dst(%arg11 : memref<80x128xf32, #tpu.memory_space<vmem>>)
      "tpu.region"() ({
        %run_scoped3A = tpu.sem_alloc : memref<!tpu.dma_semaphore, #tpu.memory_space<semaphore_mem>>
        %dma_start3A_46 = arith.constant 0 : i32
        %dma_start3A_47 = tpu.memref_slice %arg3[%add3A_27, %dma_start3A_46] : memref<320000x16xf32, #tpu.memory_space<hbm>> -> memref<80x16xf32, #tpu.memory_space<hbm>>
        %dma_start3A_48 = arith.constant 0 : i32
        %dma_start3A_49 = tpu.memref_slice %arg3[%add3A_27, %dma_start3A_48] : memref<320000x16xf32, #tpu.memory_space<hbm>> -> memref<80x16xf32, #tpu.memory_space<hbm>>
        tpu.enqueue_dma source(%dma_start3A_49 : memref<80x16xf32, #tpu.memory_space<hbm>>) target(%arg12 : memref<80x16xf32, #tpu.memory_space<vmem>>) target_semaphore(%run_scoped3A : memref<!tpu.dma_semaphore, #tpu.memory_space<semaphore_mem>>)
        %dma_wait3A_50 = arith.constant 0 : i32
        %dma_wait3A_51 = tpu.memref_slice %arg3[%add3A_27, %dma_wait3A_50] : memref<320000x16xf32, #tpu.memory_space<hbm>> -> memref<80x16xf32, #tpu.memory_space<hbm>>
        %dma_wait3A_52 = arith.constant 0 : i32
        %dma_wait3A_53 = tpu.memref_slice %arg3[%add3A_27, %dma_wait3A_52] : memref<320000x16xf32, #tpu.memory_space<hbm>> -> memref<80x16xf32, #tpu.memory_space<hbm>>
        tpu.wait_dma2 semaphore(%run_scoped3A : memref<!tpu.dma_semaphore, #tpu.memory_space<semaphore_mem>>) src(%dma_wait3A_53 : memref<80x16xf32, #tpu.memory_space<hbm>>) dst(%arg12 : memref<80x16xf32, #tpu.memory_space<vmem>>)
        tpu.yield
      }) : () -> ()
      %scan3A_38 = arith.constant 0 : i32
      %scan3A_39 = arith.constant 0 : i32
      %scan3A_40 = arith.constant 80 : i32
      %scan3A_41 = arith.addi %scan3A_39, %scan3A_40 : i32
      %scan3A_42 = arith.constant 1 : i32
      %scan3A_43 = scf.for %scan3A_46 = %scan3A_39 to %scan3A_41 step %scan3A_42 iter_args(%scan3A_47 = %scan3A_38) -> (i32)  : i32 {
        %get3A = arith.index_cast %scan3A_46 : i32 to index
        %get3A_48 = arith.constant 0 : index
        %get3A_49 = tpu.vector_load %arg10[%get3A, %get3A_48] {strides = array<i32>} : memref<80x128xf32, #tpu.memory_space<vmem>>, vector<1x16xf32>,
        %get3A_50 = vector.shape_cast %get3A_49 : vector<1x16xf32> to vector<16xf32>
        %get3A_51 = arith.index_cast %scan3A_46 : i32 to index
        %get3A_52 = arith.constant 16 : index
        %get3A_53 = tpu.vector_load %arg11[%get3A_51, %get3A_52] {strides = array<i32>} : memref<80x128xf32, #tpu.memory_space<vmem>>, vector<1x16xf32>,
        %get3A_54 = vector.shape_cast %get3A_53 : vector<1x16xf32> to vector<16xf32>
        %add3A_55 = arith.addf %get3A_50, %get3A_54 : vector<16xf32>
        %get3A_56 = arith.index_cast %scan3A_46 : i32 to index
        %get3A_57 = arith.constant 0 : index
        %get3A_58 = tpu.vector_load %arg12[%get3A_56, %get3A_57] {strides = array<i32>} : memref<80x16xf32, #tpu.memory_space<vmem>>, vector<1x16xf32>,
        %get3A_59 = vector.shape_cast %get3A_58 : vector<1x16xf32> to vector<16xf32>
        %add3A_60 = arith.addf %add3A_55, %get3A_59 : vector<16xf32>
        %swap3A_61 = arith.index_cast %scan3A_46 : i32 to index
        %swap3A_62 = arith.constant 0 : index
        %swap3A_63 = tpu.vector_load %arg13[%swap3A_61, %swap3A_62] {strides = array<i32>} : memref<80x16xf32, #tpu.memory_space<vmem>>, vector<1x16xf32>,
        %swap3A_64 = vector.shape_cast %swap3A_63 : vector<1x16xf32> to vector<16xf32>
        %swap3A_65 = vector.shape_cast %add3A_60 : vector<16xf32> to vector<1x16xf32>
        tpu.vector_store %arg13[%swap3A_61, %swap3A_62], %swap3A_65 {strides = array<i32>} : memref<80x16xf32, #tpu.memory_space<vmem>>, vector<1x16xf32>,
        %get3A_66 = arith.constant 0 : i32
        %get3A_67 = arith.index_cast %get3A_66 : i32 to index
        %get3A_68 = arith.constant 0 : index
        %get3A_69 = tpu.vector_load %arg14[%get3A_67, %get3A_68] {strides = array<i32>} : memref<2x16xf32, #tpu.memory_space<vmem>>, vector<1x16xf32>,
        %get3A_70 = vector.shape_cast %get3A_69 : vector<1x16xf32> to vector<16xf32>
        %add3A_71 = arith.addf %get3A_70, %add3A_60 : vector<16xf32>
        %swap3A_72 = arith.constant 0 : i32
        %swap3A_73 = arith.index_cast %swap3A_72 : i32 to index
        %swap3A_74 = arith.constant 0 : index
        %swap3A_75 = tpu.vector_load %arg14[%swap3A_73, %swap3A_74] {strides = array<i32>} : memref<2x16xf32, #tpu.memory_space<vmem>>, vector<1x16xf32>,
        %swap3A_76 = vector.shape_cast %swap3A_75 : vector<1x16xf32> to vector<16xf32>
        %swap3A_77 = vector.shape_cast %add3A_71 : vector<16xf32> to vector<1x16xf32>
        tpu.vector_store %arg14[%swap3A_73, %swap3A_74], %swap3A_77 {strides = array<i32>} : memref<2x16xf32, #tpu.memory_space<vmem>>, vector<1x16xf32>,
        %get3A_78 = arith.constant 1 : i32
        %get3A_79 = arith.index_cast %get3A_78 : i32 to index
        %get3A_80 = arith.constant 0 : index
        %get3A_81 = tpu.vector_load %arg14[%get3A_79, %get3A_80] {strides = array<i32>} : memref<2x16xf32, #tpu.memory_space<vmem>>, vector<1x16xf32>,
        %get3A_82 = vector.shape_cast %get3A_81 : vector<1x16xf32> to vector<16xf32>
        %mul3A_83 = arith.mulf %add3A_60, %add3A_60 : vector<16xf32>
        %add3A_84 = arith.addf %get3A_82, %mul3A_83 : vector<16xf32>
        %swap3A_85 = arith.constant 1 : i32
        %swap3A_86 = arith.index_cast %swap3A_85 : i32 to index
        %swap3A_87 = arith.constant 0 : index
        %swap3A_88 = tpu.vector_load %arg14[%swap3A_86, %swap3A_87] {strides = array<i32>} : memref<2x16xf32, #tpu.memory_space<vmem>>, vector<1x16xf32>,
        %swap3A_89 = vector.shape_cast %swap3A_88 : vector<1x16xf32> to vector<16xf32>
        %swap3A_90 = vector.shape_cast %add3A_84 : vector<16xf32> to vector<1x16xf32>
        tpu.vector_store %arg14[%swap3A_86, %swap3A_87], %swap3A_90 {strides = array<i32>} : memref<2x16xf32, #tpu.memory_space<vmem>>, vector<1x16xf32>,
        %scan3A_91 = arith.constant 0 : i32
        scf.yield %scan3A_91 : i32
      }
      %scan3A_44 = arith.constant 80 : i32
      "tpu.region"() ({
        %run_scoped3A = tpu.sem_alloc : memref<!tpu.dma_semaphore, #tpu.memory_space<semaphore_mem>>
        %dma_start3A_46 = arith.constant 0 : i32
        %dma_start3A_47 = tpu.memref_slice %arg6[%add3A_27, %dma_start3A_46] : memref<320000x16xf32, #tpu.memory_space<hbm>> -> memref<80x16xf32, #tpu.memory_space<hbm>>
        %dma_start3A_48 = arith.constant 0 : i32
        %dma_start3A_49 = tpu.memref_slice %arg6[%add3A_27, %dma_start3A_48] : memref<320000x16xf32, #tpu.memory_space<hbm>> -> memref<80x16xf32, #tpu.memory_space<hbm>>
        tpu.enqueue_dma source(%arg13 : memref<80x16xf32, #tpu.memory_space<vmem>>) target(%dma_start3A_49 : memref<80x16xf32, #tpu.memory_space<hbm>>) target_semaphore(%run_scoped3A : memref<!tpu.dma_semaphore, #tpu.memory_space<semaphore_mem>>)
        %dma_wait3A_50 = arith.constant 0 : i32
        %dma_wait3A_51 = tpu.memref_slice %arg6[%add3A_27, %dma_wait3A_50] : memref<320000x16xf32, #tpu.memory_space<hbm>> -> memref<80x16xf32, #tpu.memory_space<hbm>>
        %dma_wait3A_52 = arith.constant 0 : i32
        %dma_wait3A_53 = tpu.memref_slice %arg6[%add3A_27, %dma_wait3A_52] : memref<320000x16xf32, #tpu.memory_space<hbm>> -> memref<80x16xf32, #tpu.memory_space<hbm>>
        tpu.wait_dma2 semaphore(%run_scoped3A : memref<!tpu.dma_semaphore, #tpu.memory_space<semaphore_mem>>) src(%arg13 : memref<80x16xf32, #tpu.memory_space<vmem>>) dst(%dma_wait3A_53 : memref<80x16xf32, #tpu.memory_space<hbm>>)
        tpu.yield
      }) : () -> ()
      %scan3A_45 = arith.constant 0 : i32
      scf.yield %scan3A_45 : i32
    }
    %scan3A_20 = arith.constant 125 : i32
    "tpu.region"() ({
      %run_scoped3A = tpu.sem_alloc : memref<!tpu.dma_semaphore, #tpu.memory_space<semaphore_mem>>
      %dma_start3A = arith.constant 0 : i32
      %dma_start3A_21 = arith.constant 0 : i32
      %dma_start3A_22 = tpu.memref_slice %arg7[%add3A, %dma_start3A, %dma_start3A_21] : memref<32x2x16xf32, #tpu.memory_space<hbm>> -> memref<1x2x16xf32, #tpu.memory_space<hbm>>
      %dma_start3A_23 = tpu.memref_squeeze %dma_start3A_22 : memref<1x2x16xf32, #tpu.memory_space<hbm>> -> memref<2x16xf32, #tpu.memory_space<hbm>>
      %dma_start3A_24 = arith.constant 0 : i32
      %dma_start3A_25 = arith.constant 0 : i32
      %dma_start3A_26 = tpu.memref_slice %arg7[%add3A, %dma_start3A_24, %dma_start3A_25] : memref<32x2x16xf32, #tpu.memory_space<hbm>> -> memref<1x2x16xf32, #tpu.memory_space<hbm>>
      %dma_start3A_27 = tpu.memref_squeeze %dma_start3A_26 : memref<1x2x16xf32, #tpu.memory_space<hbm>> -> memref<2x16xf32, #tpu.memory_space<hbm>>
      tpu.enqueue_dma source(%arg14 : memref<2x16xf32, #tpu.memory_space<vmem>>) target(%dma_start3A_27 : memref<2x16xf32, #tpu.memory_space<hbm>>) target_semaphore(%run_scoped3A : memref<!tpu.dma_semaphore, #tpu.memory_space<semaphore_mem>>)
      %dma_wait3A = arith.constant 0 : i32
      %dma_wait3A_28 = arith.constant 0 : i32
      %dma_wait3A_29 = tpu.memref_slice %arg7[%add3A, %dma_wait3A, %dma_wait3A_28] : memref<32x2x16xf32, #tpu.memory_space<hbm>> -> memref<1x2x16xf32, #tpu.memory_space<hbm>>
      %dma_wait3A_30 = tpu.memref_squeeze %dma_wait3A_29 : memref<1x2x16xf32, #tpu.memory_space<hbm>> -> memref<2x16xf32, #tpu.memory_space<hbm>>
      %dma_wait3A_31 = arith.constant 0 : i32
      %dma_wait3A_32 = arith.constant 0 : i32
      %dma_wait3A_33 = tpu.memref_slice %arg7[%add3A, %dma_wait3A_31, %dma_wait3A_32] : memref<32x2x16xf32, #tpu.memory_space<hbm>> -> memref<1x2x16xf32, #tpu.memory_space<hbm>>
      %dma_wait3A_34 = tpu.memref_squeeze %dma_wait3A_33 : memref<1x2x16xf32, #tpu.memory_space<hbm>> -> memref<2x16xf32, #tpu.memory_space<hbm>>
      tpu.wait_dma2 semaphore(%run_scoped3A : memref<!tpu.dma_semaphore, #tpu.memory_space<semaphore_mem>>) src(%arg14 : memref<2x16xf32, #tpu.memory_space<vmem>>) dst(%dma_wait3A_34 : memref<2x16xf32, #tpu.memory_space<hbm>>)
      tpu.yield
    }) : () -> ()
    return
  }
}

#map = affine_map<(d0, d1) -> (0, 0)>
#map1 = affine_map<(d0, d1) -> (0)>
#map2 = affine_map<(d0, d1) -> (0, 0, 0)>
module attributes {stable_mosaic.version = 14 : i64} {
  func.func @_k6_body(%arg0: i32, %arg1: i32, %arg2: memref<10000x128xf32, #tpu.memory_space<hbm>>, %arg3: memref<320000x128xf32, #tpu.memory_space<hbm>>, %arg4: memref<320000xi32, #tpu.memory_space<hbm>>, %arg5: memref<320000xi32, #tpu.memory_space<hbm>>, %arg6: memref<2x16xf32, #tpu.memory_space<hbm>>, %arg7: memref<2x10000x128xf32, #tpu.memory_space<hbm>>, %arg8: memref<80xi32, #tpu.memory_space<vmem>>, %arg9: memref<80xi32, #tpu.memory_space<vmem>>, %arg10: memref<80x128xf32, #tpu.memory_space<vmem>>, %arg11: memref<80x128xf32, #tpu.memory_space<vmem>>, %arg12: memref<2x16xf32, #tpu.memory_space<vmem>>, %arg13: memref<48x128xf32, #tpu.memory_space<vmem>>, %arg14: memref<10000x128xf32, #tpu.memory_space<vmem_shared>>, %arg15: memref<!tpu.dma_semaphore, #tpu.memory_space<semaphore_mem>>) attributes {dimension_semantics = [#tpu.dimension_semantics<core_parallel>, #tpu.dimension_semantics<subcore_parallel>], iteration_bounds = array<i64: 2, 16>, scalar_prefetch = 0 : i64, scratch_operands = 8 : i64, tpu.core_type = #tpu.core_type<sc_vector_subcore>, window_params = [{transform_indices = #map}, {transform_indices = #map}, {transform_indices = #map1}, {transform_indices = #map1}, {transform_indices = #map}, {transform_indices = #map2}]} {
    %mul3A = arith.constant 16 : i32
    %mul3A_0 = arith.muli %arg0, %mul3A : i32
    %add3A = arith.addi %mul3A_0, %arg1 : i32
    "tpu.region"() ({
      %run_scoped3A = tpu.sem_alloc : memref<!tpu.dma_semaphore, #tpu.memory_space<semaphore_mem>>
      tpu.enqueue_dma source(%arg6 : memref<2x16xf32, #tpu.memory_space<hbm>>) target(%arg12 : memref<2x16xf32, #tpu.memory_space<vmem>>) target_semaphore(%run_scoped3A : memref<!tpu.dma_semaphore, #tpu.memory_space<semaphore_mem>>)
      tpu.wait_dma2 semaphore(%run_scoped3A : memref<!tpu.dma_semaphore, #tpu.memory_space<semaphore_mem>>) src(%arg6 : memref<2x16xf32, #tpu.memory_space<hbm>>) dst(%arg12 : memref<2x16xf32, #tpu.memory_space<vmem>>)
      tpu.yield
    }) : () -> ()
    %scan3A = arith.constant 0 : i32
    %scan3A_1 = arith.constant 0 : i32
    %scan3A_2 = arith.constant 48 : i32
    %scan3A_3 = arith.addi %scan3A_1, %scan3A_2 : i32
    %scan3A_4 = arith.constant 1 : i32
    %scan3A_5 = scf.for %scan3A_45 = %scan3A_1 to %scan3A_3 step %scan3A_4 iter_args(%scan3A_46 = %scan3A) -> (i32)  : i32 {
      %broadcast_in_dim3A = arith.constant 0.000000e+00 : f32
      %broadcast_in_dim3A_47 = vector.broadcast %broadcast_in_dim3A : f32 to vector<128xf32>
      %swap3A = arith.index_cast %scan3A_45 : i32 to index
      %swap3A_48 = arith.constant 0 : index
      %swap3A_49 = tpu.vector_load %arg13[%swap3A, %swap3A_48] {strides = array<i32>} : memref<48x128xf32, #tpu.memory_space<vmem>>, vector<1x128xf32>,
      %swap3A_50 = vector.shape_cast %swap3A_49 : vector<1x128xf32> to vector<128xf32>
      %swap3A_51 = vector.shape_cast %broadcast_in_dim3A_47 : vector<128xf32> to vector<1x128xf32>
      tpu.vector_store %arg13[%swap3A, %swap3A_48], %swap3A_51 {strides = array<i32>} : memref<48x128xf32, #tpu.memory_space<vmem>>, vector<1x128xf32>,
      %scan3A_52 = arith.constant 0 : i32
      scf.yield %scan3A_52 : i32
    }
    %scan3A_6 = arith.constant 48 : i32
    %scan3A_7 = arith.constant 0 : i32
    %scan3A_8 = arith.constant 0 : i32
    %scan3A_9 = arith.constant 13 : i32
    %scan3A_10 = arith.addi %scan3A_8, %scan3A_9 : i32
    %scan3A_11 = arith.constant 1 : i32
    %scan3A_12 = scf.for %scan3A_45 = %scan3A_8 to %scan3A_10 step %scan3A_11 iter_args(%scan3A_46 = %scan3A_7) -> (i32)  : i32 {
      %mul3A_47 = arith.constant 624 : i32
      %mul3A_48 = arith.muli %arg1, %mul3A_47 : i32
      %mul3A_49 = arith.constant 48 : i32
      %mul3A_50 = arith.muli %scan3A_45, %mul3A_49 : i32
      %add3A_51 = arith.addi %mul3A_48, %mul3A_50 : i32
      "tpu.region"() ({
        %run_scoped3A = tpu.sem_alloc : memref<!tpu.dma_semaphore, #tpu.memory_space<semaphore_mem>>
        %dma_start3A = arith.constant 0 : i32
        %dma_start3A_53 = tpu.memref_slice %arg14[%add3A_51, %dma_start3A] : memref<10000x128xf32, #tpu.memory_space<vmem_shared>> -> memref<48x128xf32, #tpu.memory_space<vmem_shared>>
        %dma_start3A_54 = arith.constant 0 : i32
        %dma_start3A_55 = tpu.memref_slice %arg14[%add3A_51, %dma_start3A_54] : memref<10000x128xf32, #tpu.memory_space<vmem_shared>> -> memref<48x128xf32, #tpu.memory_space<vmem_shared>>
        tpu.enqueue_dma source(%arg13 : memref<48x128xf32, #tpu.memory_space<vmem>>) target(%dma_start3A_55 : memref<48x128xf32, #tpu.memory_space<vmem_shared>>) target_semaphore(%run_scoped3A : memref<!tpu.dma_semaphore, #tpu.memory_space<semaphore_mem>>)
        %dma_wait3A = arith.constant 0 : i32
        %dma_wait3A_56 = tpu.memref_slice %arg14[%add3A_51, %dma_wait3A] : memref<10000x128xf32, #tpu.memory_space<vmem_shared>> -> memref<48x128xf32, #tpu.memory_space<vmem_shared>>
        %dma_wait3A_57 = arith.constant 0 : i32
        %dma_wait3A_58 = tpu.memref_slice %arg14[%add3A_51, %dma_wait3A_57] : memref<10000x128xf32, #tpu.memory_space<vmem_shared>> -> memref<48x128xf32, #tpu.memory_space<vmem_shared>>
        tpu.wait_dma2 semaphore(%run_scoped3A : memref<!tpu.dma_semaphore, #tpu.memory_space<semaphore_mem>>) src(%arg13 : memref<48x128xf32, #tpu.memory_space<vmem>>) dst(%dma_wait3A_58 : memref<48x128xf32, #tpu.memory_space<vmem_shared>>)
        tpu.yield
      }) : () -> ()
      %scan3A_52 = arith.constant 0 : i32
      scf.yield %scan3A_52 : i32
    }
    %scan3A_13 = arith.constant 13 : i32
    %eq3A = arith.constant 15 : i32
    %eq3A_14 = arith.cmpi eq, %arg1, %eq3A : i32
    %convert_element_type3A = arith.extui %eq3A_14 : i1 to i32
    %cond3A = arith.constant 0 : i32
    %cond3A_15 = arith.cmpi ne, %convert_element_type3A, %cond3A : i32
    scf.if %cond3A_15 {
      "tpu.region"() ({
        %run_scoped3A = tpu.sem_alloc : memref<!tpu.dma_semaphore, #tpu.memory_space<semaphore_mem>>
        %dma_start3A = arith.constant 0 : i32
        %dma_start3A_45 = arith.constant 0 : i32
        %dma_start3A_46 = tpu.memref_slice %arg13[%dma_start3A, %dma_start3A_45] : memref<48x128xf32, #tpu.memory_space<vmem>> -> memref<16x128xf32, #tpu.memory_space<vmem>>
        %dma_start3A_47 = arith.constant 9984 : i32
        %dma_start3A_48 = arith.constant 0 : i32
        %dma_start3A_49 = tpu.memref_slice %arg14[%dma_start3A_47, %dma_start3A_48] : memref<10000x128xf32, #tpu.memory_space<vmem_shared>> -> memref<16x128xf32, #tpu.memory_space<vmem_shared>>
        %dma_start3A_50 = arith.constant 9984 : i32
        %dma_start3A_51 = arith.constant 0 : i32
        %dma_start3A_52 = tpu.memref_slice %arg14[%dma_start3A_50, %dma_start3A_51] : memref<10000x128xf32, #tpu.memory_space<vmem_shared>> -> memref<16x128xf32, #tpu.memory_space<vmem_shared>>
        %dma_start3A_53 = arith.constant 0 : i32
        %dma_start3A_54 = arith.constant 0 : i32
        %dma_start3A_55 = tpu.memref_slice %arg13[%dma_start3A_53, %dma_start3A_54] : memref<48x128xf32, #tpu.memory_space<vmem>> -> memref<16x128xf32, #tpu.memory_space<vmem>>
        tpu.enqueue_dma source(%dma_start3A_55 : memref<16x128xf32, #tpu.memory_space<vmem>>) target(%dma_start3A_52 : memref<16x128xf32, #tpu.memory_space<vmem_shared>>) target_semaphore(%run_scoped3A : memref<!tpu.dma_semaphore, #tpu.memory_space<semaphore_mem>>)
        %dma_wait3A = arith.constant 0 : i32
        %dma_wait3A_56 = arith.constant 0 : i32
        %dma_wait3A_57 = tpu.memref_slice %arg13[%dma_wait3A, %dma_wait3A_56] : memref<48x128xf32, #tpu.memory_space<vmem>> -> memref<16x128xf32, #tpu.memory_space<vmem>>
        %dma_wait3A_58 = arith.constant 9984 : i32
        %dma_wait3A_59 = arith.constant 0 : i32
        %dma_wait3A_60 = tpu.memref_slice %arg14[%dma_wait3A_58, %dma_wait3A_59] : memref<10000x128xf32, #tpu.memory_space<vmem_shared>> -> memref<16x128xf32, #tpu.memory_space<vmem_shared>>
        %dma_wait3A_61 = arith.constant 9984 : i32
        %dma_wait3A_62 = arith.constant 0 : i32
        %dma_wait3A_63 = tpu.memref_slice %arg14[%dma_wait3A_61, %dma_wait3A_62] : memref<10000x128xf32, #tpu.memory_space<vmem_shared>> -> memref<16x128xf32, #tpu.memory_space<vmem_shared>>
        %dma_wait3A_64 = arith.constant 0 : i32
        %dma_wait3A_65 = arith.constant 0 : i32
        %dma_wait3A_66 = tpu.memref_slice %arg13[%dma_wait3A_64, %dma_wait3A_65] : memref<48x128xf32, #tpu.memory_space<vmem>> -> memref<16x128xf32, #tpu.memory_space<vmem>>
        tpu.wait_dma2 semaphore(%run_scoped3A : memref<!tpu.dma_semaphore, #tpu.memory_space<semaphore_mem>>) src(%dma_wait3A_66 : memref<16x128xf32, #tpu.memory_space<vmem>>) dst(%dma_wait3A_63 : memref<16x128xf32, #tpu.memory_space<vmem_shared>>)
        tpu.yield
      }) : () -> ()
    } else {
    }
    %barrier3A = arith.constant 0 : index
    tpu.barrier barrier_id(%barrier3A)
    %get3A = arith.constant 0 : i32
    %get3A_16 = arith.index_cast %get3A : i32 to index
    %get3A_17 = arith.constant 0 : index
    %get3A_18 = tpu.vector_load %arg12[%get3A_16, %get3A_17] {strides = array<i32>} : memref<2x16xf32, #tpu.memory_space<vmem>>, vector<1x16xf32>,
    %get3A_19 = vector.shape_cast %get3A_18 : vector<1x16xf32> to vector<16xf32>
    %get3A_20 = arith.constant 1 : i32
    %get3A_21 = arith.index_cast %get3A_20 : i32 to index
    %get3A_22 = arith.constant 0 : index
    %get3A_23 = tpu.vector_load %arg12[%get3A_21, %get3A_22] {strides = array<i32>} : memref<2x16xf32, #tpu.memory_space<vmem>>, vector<1x16xf32>,
    %get3A_24 = vector.shape_cast %get3A_23 : vector<1x16xf32> to vector<16xf32>
    %scan3A_25 = arith.constant 0 : i32
    %scan3A_26 = arith.constant 0 : i32
    %scan3A_27 = arith.constant 125 : i32
    %scan3A_28 = arith.addi %scan3A_26, %scan3A_27 : i32
    %scan3A_29 = arith.constant 1 : i32
    %scan3A_30 = scf.for %scan3A_45 = %scan3A_26 to %scan3A_28 step %scan3A_29 iter_args(%scan3A_46 = %scan3A_25) -> (i32)  : i32 {
      %mul3A_47 = arith.constant 10000 : i32
      %mul3A_48 = arith.muli %add3A, %mul3A_47 : i32
      %mul3A_49 = arith.constant 80 : i32
      %mul3A_50 = arith.muli %scan3A_45, %mul3A_49 : i32
      %add3A_51 = arith.addi %mul3A_48, %mul3A_50 : i32
      "tpu.region"() ({
        %run_scoped3A = tpu.sem_alloc : memref<!tpu.dma_semaphore, #tpu.memory_space<semaphore_mem>>
        %dma_start3A_64 = tpu.memref_slice %arg4[%add3A_51] : memref<320000xi32, #tpu.memory_space<hbm>> -> memref<80xi32, #tpu.memory_space<hbm>>
        %dma_start3A_65 = tpu.memref_slice %arg4[%add3A_51] : memref<320000xi32, #tpu.memory_space<hbm>> -> memref<80xi32, #tpu.memory_space<hbm>>
        tpu.enqueue_dma source(%dma_start3A_65 : memref<80xi32, #tpu.memory_space<hbm>>) target(%arg8 : memref<80xi32, #tpu.memory_space<vmem>>) target_semaphore(%run_scoped3A : memref<!tpu.dma_semaphore, #tpu.memory_space<semaphore_mem>>)
        %dma_wait3A_66 = tpu.memref_slice %arg4[%add3A_51] : memref<320000xi32, #tpu.memory_space<hbm>> -> memref<80xi32, #tpu.memory_space<hbm>>
        %dma_wait3A_67 = tpu.memref_slice %arg4[%add3A_51] : memref<320000xi32, #tpu.memory_space<hbm>> -> memref<80xi32, #tpu.memory_space<hbm>>
        tpu.wait_dma2 semaphore(%run_scoped3A : memref<!tpu.dma_semaphore, #tpu.memory_space<semaphore_mem>>) src(%dma_wait3A_67 : memref<80xi32, #tpu.memory_space<hbm>>) dst(%arg8 : memref<80xi32, #tpu.memory_space<vmem>>)
        tpu.yield
      }) : () -> ()
      "tpu.region"() ({
        %run_scoped3A = tpu.sem_alloc : memref<!tpu.dma_semaphore, #tpu.memory_space<semaphore_mem>>
        %dma_start3A_64 = tpu.memref_slice %arg5[%add3A_51] : memref<320000xi32, #tpu.memory_space<hbm>> -> memref<80xi32, #tpu.memory_space<hbm>>
        %dma_start3A_65 = tpu.memref_slice %arg5[%add3A_51] : memref<320000xi32, #tpu.memory_space<hbm>> -> memref<80xi32, #tpu.memory_space<hbm>>
        tpu.enqueue_dma source(%dma_start3A_65 : memref<80xi32, #tpu.memory_space<hbm>>) target(%arg9 : memref<80xi32, #tpu.memory_space<vmem>>) target_semaphore(%run_scoped3A : memref<!tpu.dma_semaphore, #tpu.memory_space<semaphore_mem>>)
        %dma_wait3A_66 = tpu.memref_slice %arg5[%add3A_51] : memref<320000xi32, #tpu.memory_space<hbm>> -> memref<80xi32, #tpu.memory_space<hbm>>
        %dma_wait3A_67 = tpu.memref_slice %arg5[%add3A_51] : memref<320000xi32, #tpu.memory_space<hbm>> -> memref<80xi32, #tpu.memory_space<hbm>>
        tpu.wait_dma2 semaphore(%run_scoped3A : memref<!tpu.dma_semaphore, #tpu.memory_space<semaphore_mem>>) src(%dma_wait3A_67 : memref<80xi32, #tpu.memory_space<hbm>>) dst(%arg9 : memref<80xi32, #tpu.memory_space<vmem>>)
        tpu.yield
      }) : () -> ()
      %dma_start3A = arith.constant 0 : i32
      %dma_start3A_52 = arith.constant 0 : i32
      %dma_start3A_53 = tpu.memref_slice %arg2[%dma_start3A, %dma_start3A_52] : memref<10000x128xf32, #tpu.memory_space<hbm>> -> memref<10000x128xf32, #tpu.memory_space<hbm>>
      tpu.enqueue_indirect_dma source(%dma_start3A_53 : memref<10000x128xf32, #tpu.memory_space<hbm>>) target(%arg10 : memref<80x128xf32, #tpu.memory_space<vmem>>) offsets(%arg9 : memref<80xi32, #tpu.memory_space<vmem>>) semaphore(%arg15 : memref<!tpu.dma_semaphore, #tpu.memory_space<semaphore_mem>>)
      %dma_wait3A = arith.constant 0 : i32
      %dma_wait3A_54 = arith.constant 0 : i32
      %dma_wait3A_55 = tpu.memref_slice %arg2[%dma_wait3A, %dma_wait3A_54] : memref<10000x128xf32, #tpu.memory_space<hbm>> -> memref<10000x128xf32, #tpu.memory_space<hbm>>
      tpu.wait_indirect_dma semaphore(%arg15 : memref<!tpu.dma_semaphore, #tpu.memory_space<semaphore_mem>>) src(%dma_wait3A_55 : memref<10000x128xf32, #tpu.memory_space<hbm>>) dst(%arg10 : memref<80x128xf32, #tpu.memory_space<vmem>>)
      "tpu.region"() ({
        %run_scoped3A = tpu.sem_alloc : memref<!tpu.dma_semaphore, #tpu.memory_space<semaphore_mem>>
        %dma_start3A_64 = arith.constant 0 : i32
        %dma_start3A_65 = tpu.memref_slice %arg3[%add3A_51, %dma_start3A_64] : memref<320000x128xf32, #tpu.memory_space<hbm>> -> memref<80x128xf32, #tpu.memory_space<hbm>>
        %dma_start3A_66 = arith.constant 0 : i32
        %dma_start3A_67 = tpu.memref_slice %arg3[%add3A_51, %dma_start3A_66] : memref<320000x128xf32, #tpu.memory_space<hbm>> -> memref<80x128xf32, #tpu.memory_space<hbm>>
        tpu.enqueue_dma source(%dma_start3A_67 : memref<80x128xf32, #tpu.memory_space<hbm>>) target(%arg11 : memref<80x128xf32, #tpu.memory_space<vmem>>) target_semaphore(%run_scoped3A : memref<!tpu.dma_semaphore, #tpu.memory_space<semaphore_mem>>)
        %dma_wait3A_68 = arith.constant 0 : i32
        %dma_wait3A_69 = tpu.memref_slice %arg3[%add3A_51, %dma_wait3A_68] : memref<320000x128xf32, #tpu.memory_space<hbm>> -> memref<80x128xf32, #tpu.memory_space<hbm>>
        %dma_wait3A_70 = arith.constant 0 : i32
        %dma_wait3A_71 = tpu.memref_slice %arg3[%add3A_51, %dma_wait3A_70] : memref<320000x128xf32, #tpu.memory_space<hbm>> -> memref<80x128xf32, #tpu.memory_space<hbm>>
        tpu.wait_dma2 semaphore(%run_scoped3A : memref<!tpu.dma_semaphore, #tpu.memory_space<semaphore_mem>>) src(%dma_wait3A_71 : memref<80x128xf32, #tpu.memory_space<hbm>>) dst(%arg11 : memref<80x128xf32, #tpu.memory_space<vmem>>)
        tpu.yield
      }) : () -> ()
      %scan3A_56 = arith.constant 0 : i32
      %scan3A_57 = arith.constant 0 : i32
      %scan3A_58 = arith.constant 80 : i32
      %scan3A_59 = arith.addi %scan3A_57, %scan3A_58 : i32
      %scan3A_60 = arith.constant 1 : i32
      %scan3A_61 = scf.for %scan3A_64 = %scan3A_57 to %scan3A_59 step %scan3A_60 iter_args(%scan3A_65 = %scan3A_56) -> (i32)  : i32 {
        %get3A_66 = arith.index_cast %scan3A_64 : i32 to index
        %get3A_67 = arith.constant 0 : index
        %get3A_68 = tpu.vector_load %arg10[%get3A_66, %get3A_67] {strides = array<i32>} : memref<80x128xf32, #tpu.memory_space<vmem>>, vector<1x16xf32>,
        %get3A_69 = vector.shape_cast %get3A_68 : vector<1x16xf32> to vector<16xf32>
        %get3A_70 = arith.index_cast %scan3A_64 : i32 to index
        %get3A_71 = arith.constant 0 : index
        %get3A_72 = tpu.vector_load %arg11[%get3A_70, %get3A_71] {strides = array<i32>} : memref<80x128xf32, #tpu.memory_space<vmem>>, vector<1x16xf32>,
        %get3A_73 = vector.shape_cast %get3A_72 : vector<1x16xf32> to vector<16xf32>
        %add3A_74 = arith.addf %get3A_69, %get3A_73 : vector<16xf32>
        %mul3A_75 = arith.mulf %get3A_19, %add3A_74 : vector<16xf32>
        %abs3A = math.absf %add3A_74 : vector<16xf32>
        %mul3A_76 = arith.mulf %get3A_24, %abs3A : vector<16xf32>
        %add3A_77 = arith.addf %mul3A_75, %mul3A_76 : vector<16xf32>
        %swap3A = arith.index_cast %scan3A_64 : i32 to index
        %swap3A_78 = arith.constant 0 : index
        %swap3A_79 = tpu.vector_load %arg11[%swap3A, %swap3A_78] {strides = array<i32>} : memref<80x128xf32, #tpu.memory_space<vmem>>, vector<1x16xf32>,
        %swap3A_80 = vector.shape_cast %swap3A_79 : vector<1x16xf32> to vector<16xf32>
        %swap3A_81 = vector.shape_cast %add3A_77 : vector<16xf32> to vector<1x16xf32>
        tpu.vector_store %arg11[%swap3A, %swap3A_78], %swap3A_81 {strides = array<i32>} : memref<80x128xf32, #tpu.memory_space<vmem>>, vector<1x16xf32>,
        %get3A_82 = arith.index_cast %scan3A_64 : i32 to index
        %get3A_83 = arith.constant 16 : index
        %get3A_84 = tpu.vector_load %arg10[%get3A_82, %get3A_83] {strides = array<i32>} : memref<80x128xf32, #tpu.memory_space<vmem>>, vector<1x16xf32>,
        %get3A_85 = vector.shape_cast %get3A_84 : vector<1x16xf32> to vector<16xf32>
        %get3A_86 = arith.index_cast %scan3A_64 : i32 to index
        %get3A_87 = arith.constant 16 : index
        %get3A_88 = tpu.vector_load %arg11[%get3A_86, %get3A_87] {strides = array<i32>} : memref<80x128xf32, #tpu.memory_space<vmem>>, vector<1x16xf32>,
        %get3A_89 = vector.shape_cast %get3A_88 : vector<1x16xf32> to vector<16xf32>
        %add3A_90 = arith.addf %get3A_85, %get3A_89 : vector<16xf32>
        %mul3A_91 = arith.mulf %get3A_19, %add3A_90 : vector<16xf32>
        %abs3A_92 = math.absf %add3A_90 : vector<16xf32>
        %mul3A_93 = arith.mulf %get3A_24, %abs3A_92 : vector<16xf32>
        %add3A_94 = arith.addf %mul3A_91, %mul3A_93 : vector<16xf32>
        %swap3A_95 = arith.index_cast %scan3A_64 : i32 to index
        %swap3A_96 = arith.constant 16 : index
        %swap3A_97 = tpu.vector_load %arg11[%swap3A_95, %swap3A_96] {strides = array<i32>} : memref<80x128xf32, #tpu.memory_space<vmem>>, vector<1x16xf32>,
        %swap3A_98 = vector.shape_cast %swap3A_97 : vector<1x16xf32> to vector<16xf32>
        %swap3A_99 = vector.shape_cast %add3A_94 : vector<16xf32> to vector<1x16xf32>
        tpu.vector_store %arg11[%swap3A_95, %swap3A_96], %swap3A_99 {strides = array<i32>} : memref<80x128xf32, #tpu.memory_space<vmem>>, vector<1x16xf32>,
        %get3A_100 = arith.index_cast %scan3A_64 : i32 to index
        %get3A_101 = arith.constant 32 : index
        %get3A_102 = tpu.vector_load %arg10[%get3A_100, %get3A_101] {strides = array<i32>} : memref<80x128xf32, #tpu.memory_space<vmem>>, vector<1x16xf32>,
        %get3A_103 = vector.shape_cast %get3A_102 : vector<1x16xf32> to vector<16xf32>
        %get3A_104 = arith.index_cast %scan3A_64 : i32 to index
        %get3A_105 = arith.constant 32 : index
        %get3A_106 = tpu.vector_load %arg11[%get3A_104, %get3A_105] {strides = array<i32>} : memref<80x128xf32, #tpu.memory_space<vmem>>, vector<1x16xf32>,
        %get3A_107 = vector.shape_cast %get3A_106 : vector<1x16xf32> to vector<16xf32>
        %add3A_108 = arith.addf %get3A_103, %get3A_107 : vector<16xf32>
        %mul3A_109 = arith.mulf %get3A_19, %add3A_108 : vector<16xf32>
        %abs3A_110 = math.absf %add3A_108 : vector<16xf32>
        %mul3A_111 = arith.mulf %get3A_24, %abs3A_110 : vector<16xf32>
        %add3A_112 = arith.addf %mul3A_109, %mul3A_111 : vector<16xf32>
        %swap3A_113 = arith.index_cast %scan3A_64 : i32 to index
        %swap3A_114 = arith.constant 32 : index
        %swap3A_115 = tpu.vector_load %arg11[%swap3A_113, %swap3A_114] {strides = array<i32>} : memref<80x128xf32, #tpu.memory_space<vmem>>, vector<1x16xf32>,
        %swap3A_116 = vector.shape_cast %swap3A_115 : vector<1x16xf32> to vector<16xf32>
        %swap3A_117 = vector.shape_cast %add3A_112 : vector<16xf32> to vector<1x16xf32>
        tpu.vector_store %arg11[%swap3A_113, %swap3A_114], %swap3A_117 {strides = array<i32>} : memref<80x128xf32, #tpu.memory_space<vmem>>, vector<1x16xf32>,
        %get3A_118 = arith.index_cast %scan3A_64 : i32 to index
        %get3A_119 = arith.constant 48 : index
        %get3A_120 = tpu.vector_load %arg10[%get3A_118, %get3A_119] {strides = array<i32>} : memref<80x128xf32, #tpu.memory_space<vmem>>, vector<1x16xf32>,
        %get3A_121 = vector.shape_cast %get3A_120 : vector<1x16xf32> to vector<16xf32>
        %get3A_122 = arith.index_cast %scan3A_64 : i32 to index
        %get3A_123 = arith.constant 48 : index
        %get3A_124 = tpu.vector_load %arg11[%get3A_122, %get3A_123] {strides = array<i32>} : memref<80x128xf32, #tpu.memory_space<vmem>>, vector<1x16xf32>,
        %get3A_125 = vector.shape_cast %get3A_124 : vector<1x16xf32> to vector<16xf32>
        %add3A_126 = arith.addf %get3A_121, %get3A_125 : vector<16xf32>
        %mul3A_127 = arith.mulf %get3A_19, %add3A_126 : vector<16xf32>
        %abs3A_128 = math.absf %add3A_126 : vector<16xf32>
        %mul3A_129 = arith.mulf %get3A_24, %abs3A_128 : vector<16xf32>
        %add3A_130 = arith.addf %mul3A_127, %mul3A_129 : vector<16xf32>
        %swap3A_131 = arith.index_cast %scan3A_64 : i32 to index
        %swap3A_132 = arith.constant 48 : index
        %swap3A_133 = tpu.vector_load %arg11[%swap3A_131, %swap3A_132] {strides = array<i32>} : memref<80x128xf32, #tpu.memory_space<vmem>>, vector<1x16xf32>,
        %swap3A_134 = vector.shape_cast %swap3A_133 : vector<1x16xf32> to vector<16xf32>
        %swap3A_135 = vector.shape_cast %add3A_130 : vector<16xf32> to vector<1x16xf32>
        tpu.vector_store %arg11[%swap3A_131, %swap3A_132], %swap3A_135 {strides = array<i32>} : memref<80x128xf32, #tpu.memory_space<vmem>>, vector<1x16xf32>,
        %get3A_136 = arith.index_cast %scan3A_64 : i32 to index
        %get3A_137 = arith.constant 64 : index
        %get3A_138 = tpu.vector_load %arg10[%get3A_136, %get3A_137] {strides = array<i32>} : memref<80x128xf32, #tpu.memory_space<vmem>>, vector<1x16xf32>,
        %get3A_139 = vector.shape_cast %get3A_138 : vector<1x16xf32> to vector<16xf32>
        %get3A_140 = arith.index_cast %scan3A_64 : i32 to index
        %get3A_141 = arith.constant 64 : index
        %get3A_142 = tpu.vector_load %arg11[%get3A_140, %get3A_141] {strides = array<i32>} : memref<80x128xf32, #tpu.memory_space<vmem>>, vector<1x16xf32>,
        %get3A_143 = vector.shape_cast %get3A_142 : vector<1x16xf32> to vector<16xf32>
        %add3A_144 = arith.addf %get3A_139, %get3A_143 : vector<16xf32>
        %mul3A_145 = arith.mulf %get3A_19, %add3A_144 : vector<16xf32>
        %abs3A_146 = math.absf %add3A_144 : vector<16xf32>
        %mul3A_147 = arith.mulf %get3A_24, %abs3A_146 : vector<16xf32>
        %add3A_148 = arith.addf %mul3A_145, %mul3A_147 : vector<16xf32>
        %swap3A_149 = arith.index_cast %scan3A_64 : i32 to index
        %swap3A_150 = arith.constant 64 : index
        %swap3A_151 = tpu.vector_load %arg11[%swap3A_149, %swap3A_150] {strides = array<i32>} : memref<80x128xf32, #tpu.memory_space<vmem>>, vector<1x16xf32>,
        %swap3A_152 = vector.shape_cast %swap3A_151 : vector<1x16xf32> to vector<16xf32>
        %swap3A_153 = vector.shape_cast %add3A_148 : vector<16xf32> to vector<1x16xf32>
        tpu.vector_store %arg11[%swap3A_149, %swap3A_150], %swap3A_153 {strides = array<i32>} : memref<80x128xf32, #tpu.memory_space<vmem>>, vector<1x16xf32>,
        %get3A_154 = arith.index_cast %scan3A_64 : i32 to index
        %get3A_155 = arith.constant 80 : index
        %get3A_156 = tpu.vector_load %arg10[%get3A_154, %get3A_155] {strides = array<i32>} : memref<80x128xf32, #tpu.memory_space<vmem>>, vector<1x16xf32>,
        %get3A_157 = vector.shape_cast %get3A_156 : vector<1x16xf32> to vector<16xf32>
        %get3A_158 = arith.index_cast %scan3A_64 : i32 to index
        %get3A_159 = arith.constant 80 : index
        %get3A_160 = tpu.vector_load %arg11[%get3A_158, %get3A_159] {strides = array<i32>} : memref<80x128xf32, #tpu.memory_space<vmem>>, vector<1x16xf32>,
        %get3A_161 = vector.shape_cast %get3A_160 : vector<1x16xf32> to vector<16xf32>
        %add3A_162 = arith.addf %get3A_157, %get3A_161 : vector<16xf32>
        %mul3A_163 = arith.mulf %get3A_19, %add3A_162 : vector<16xf32>
        %abs3A_164 = math.absf %add3A_162 : vector<16xf32>
        %mul3A_165 = arith.mulf %get3A_24, %abs3A_164 : vector<16xf32>
        %add3A_166 = arith.addf %mul3A_163, %mul3A_165 : vector<16xf32>
        %swap3A_167 = arith.index_cast %scan3A_64 : i32 to index
        %swap3A_168 = arith.constant 80 : index
        %swap3A_169 = tpu.vector_load %arg11[%swap3A_167, %swap3A_168] {strides = array<i32>} : memref<80x128xf32, #tpu.memory_space<vmem>>, vector<1x16xf32>,
        %swap3A_170 = vector.shape_cast %swap3A_169 : vector<1x16xf32> to vector<16xf32>
        %swap3A_171 = vector.shape_cast %add3A_166 : vector<16xf32> to vector<1x16xf32>
        tpu.vector_store %arg11[%swap3A_167, %swap3A_168], %swap3A_171 {strides = array<i32>} : memref<80x128xf32, #tpu.memory_space<vmem>>, vector<1x16xf32>,
        %get3A_172 = arith.index_cast %scan3A_64 : i32 to index
        %get3A_173 = arith.constant 96 : index
        %get3A_174 = tpu.vector_load %arg10[%get3A_172, %get3A_173] {strides = array<i32>} : memref<80x128xf32, #tpu.memory_space<vmem>>, vector<1x16xf32>,
        %get3A_175 = vector.shape_cast %get3A_174 : vector<1x16xf32> to vector<16xf32>
        %get3A_176 = arith.index_cast %scan3A_64 : i32 to index
        %get3A_177 = arith.constant 96 : index
        %get3A_178 = tpu.vector_load %arg11[%get3A_176, %get3A_177] {strides = array<i32>} : memref<80x128xf32, #tpu.memory_space<vmem>>, vector<1x16xf32>,
        %get3A_179 = vector.shape_cast %get3A_178 : vector<1x16xf32> to vector<16xf32>
        %add3A_180 = arith.addf %get3A_175, %get3A_179 : vector<16xf32>
        %mul3A_181 = arith.mulf %get3A_19, %add3A_180 : vector<16xf32>
        %abs3A_182 = math.absf %add3A_180 : vector<16xf32>
        %mul3A_183 = arith.mulf %get3A_24, %abs3A_182 : vector<16xf32>
        %add3A_184 = arith.addf %mul3A_181, %mul3A_183 : vector<16xf32>
        %swap3A_185 = arith.index_cast %scan3A_64 : i32 to index
        %swap3A_186 = arith.constant 96 : index
        %swap3A_187 = tpu.vector_load %arg11[%swap3A_185, %swap3A_186] {strides = array<i32>} : memref<80x128xf32, #tpu.memory_space<vmem>>, vector<1x16xf32>,
        %swap3A_188 = vector.shape_cast %swap3A_187 : vector<1x16xf32> to vector<16xf32>
        %swap3A_189 = vector.shape_cast %add3A_184 : vector<16xf32> to vector<1x16xf32>
        tpu.vector_store %arg11[%swap3A_185, %swap3A_186], %swap3A_189 {strides = array<i32>} : memref<80x128xf32, #tpu.memory_space<vmem>>, vector<1x16xf32>,
        %get3A_190 = arith.index_cast %scan3A_64 : i32 to index
        %get3A_191 = arith.constant 112 : index
        %get3A_192 = tpu.vector_load %arg10[%get3A_190, %get3A_191] {strides = array<i32>} : memref<80x128xf32, #tpu.memory_space<vmem>>, vector<1x16xf32>,
        %get3A_193 = vector.shape_cast %get3A_192 : vector<1x16xf32> to vector<16xf32>
        %get3A_194 = arith.index_cast %scan3A_64 : i32 to index
        %get3A_195 = arith.constant 112 : index
        %get3A_196 = tpu.vector_load %arg11[%get3A_194, %get3A_195] {strides = array<i32>} : memref<80x128xf32, #tpu.memory_space<vmem>>, vector<1x16xf32>,
        %get3A_197 = vector.shape_cast %get3A_196 : vector<1x16xf32> to vector<16xf32>
        %add3A_198 = arith.addf %get3A_193, %get3A_197 : vector<16xf32>
        %mul3A_199 = arith.mulf %get3A_19, %add3A_198 : vector<16xf32>
        %abs3A_200 = math.absf %add3A_198 : vector<16xf32>
        %mul3A_201 = arith.mulf %get3A_24, %abs3A_200 : vector<16xf32>
        %add3A_202 = arith.addf %mul3A_199, %mul3A_201 : vector<16xf32>
        %swap3A_203 = arith.index_cast %scan3A_64 : i32 to index
        %swap3A_204 = arith.constant 112 : index
        %swap3A_205 = tpu.vector_load %arg11[%swap3A_203, %swap3A_204] {strides = array<i32>} : memref<80x128xf32, #tpu.memory_space<vmem>>, vector<1x16xf32>,
        %swap3A_206 = vector.shape_cast %swap3A_205 : vector<1x16xf32> to vector<16xf32>
        %swap3A_207 = vector.shape_cast %add3A_202 : vector<16xf32> to vector<1x16xf32>
        tpu.vector_store %arg11[%swap3A_203, %swap3A_204], %swap3A_207 {strides = array<i32>} : memref<80x128xf32, #tpu.memory_space<vmem>>, vector<1x16xf32>,
        %scan3A_208 = arith.constant 0 : i32
        scf.yield %scan3A_208 : i32
      }
      %scan3A_62 = arith.constant 80 : i32
      "tpu.region"() ({
        %run_scoped3A = tpu.sem_alloc : memref<!tpu.dma_semaphore, #tpu.memory_space<semaphore_mem>>
        %dma_start3A_64 = arith.constant 0 : i32
        %dma_start3A_65 = arith.constant 0 : i32
        %dma_start3A_66 = tpu.memref_slice %arg14[%dma_start3A_64, %dma_start3A_65] : memref<10000x128xf32, #tpu.memory_space<vmem_shared>> -> memref<10000x128xf32, #tpu.memory_space<vmem_shared>>
        tpu.enqueue_indirect_dma source(%arg11 : memref<80x128xf32, #tpu.memory_space<vmem>>) target(%dma_start3A_66 : memref<10000x128xf32, #tpu.memory_space<vmem_shared>>) offsets(%arg8 : memref<80xi32, #tpu.memory_space<vmem>>) semaphore(%run_scoped3A : memref<!tpu.dma_semaphore, #tpu.memory_space<semaphore_mem>>) {add = true}
        %dma_wait3A_67 = arith.constant 0 : i32
        %dma_wait3A_68 = arith.constant 0 : i32
        %dma_wait3A_69 = tpu.memref_slice %arg14[%dma_wait3A_67, %dma_wait3A_68] : memref<10000x128xf32, #tpu.memory_space<vmem_shared>> -> memref<10000x128xf32, #tpu.memory_space<vmem_shared>>
        tpu.wait_indirect_dma semaphore(%run_scoped3A : memref<!tpu.dma_semaphore, #tpu.memory_space<semaphore_mem>>) src(%arg11 : memref<80x128xf32, #tpu.memory_space<vmem>>) dst(%dma_wait3A_69 : memref<10000x128xf32, #tpu.memory_space<vmem_shared>>)
        tpu.yield
      }) : () -> ()
      %scan3A_63 = arith.constant 0 : i32
      scf.yield %scan3A_63 : i32
    }
    %scan3A_31 = arith.constant 125 : i32
    %barrier3A_32 = arith.constant 0 : index
    tpu.barrier barrier_id(%barrier3A_32)
    %scan3A_33 = arith.constant 0 : i32
    %scan3A_34 = arith.constant 0 : i32
    %scan3A_35 = arith.constant 13 : i32
    %scan3A_36 = arith.addi %scan3A_34, %scan3A_35 : i32
    %scan3A_37 = arith.constant 1 : i32
    %scan3A_38 = scf.for %scan3A_45 = %scan3A_34 to %scan3A_36 step %scan3A_37 iter_args(%scan3A_46 = %scan3A_33) -> (i32)  : i32 {
      %mul3A_47 = arith.constant 624 : i32
      %mul3A_48 = arith.muli %arg1, %mul3A_47 : i32
      %mul3A_49 = arith.constant 48 : i32
      %mul3A_50 = arith.muli %scan3A_45, %mul3A_49 : i32
      %add3A_51 = arith.addi %mul3A_48, %mul3A_50 : i32
      "tpu.region"() ({
        %run_scoped3A = tpu.sem_alloc : memref<!tpu.dma_semaphore, #tpu.memory_space<semaphore_mem>>
        %dma_start3A = arith.constant 0 : i32
        %dma_start3A_53 = tpu.memref_slice %arg7[%arg0, %add3A_51, %dma_start3A] : memref<2x10000x128xf32, #tpu.memory_space<hbm>> -> memref<1x48x128xf32, #tpu.memory_space<hbm>>
        %dma_start3A_54 = tpu.memref_squeeze %dma_start3A_53 : memref<1x48x128xf32, #tpu.memory_space<hbm>> -> memref<48x128xf32, #tpu.memory_space<hbm>>
        %dma_start3A_55 = arith.constant 0 : i32
        %dma_start3A_56 = tpu.memref_slice %arg14[%add3A_51, %dma_start3A_55] : memref<10000x128xf32, #tpu.memory_space<vmem_shared>> -> memref<48x128xf32, #tpu.memory_space<vmem_shared>>
        tpu.enqueue_dma source(%dma_start3A_56 : memref<48x128xf32, #tpu.memory_space<vmem_shared>>) target(%dma_start3A_54 : memref<48x128xf32, #tpu.memory_space<hbm>>) target_semaphore(%run_scoped3A : memref<!tpu.dma_semaphore, #tpu.memory_space<semaphore_mem>>)
        %dma_wait3A = arith.constant 0 : i32
        %dma_wait3A_57 = tpu.memref_slice %arg7[%arg0, %add3A_51, %dma_wait3A] : memref<2x10000x128xf32, #tpu.memory_space<hbm>> -> memref<1x48x128xf32, #tpu.memory_space<hbm>>
        %dma_wait3A_58 = tpu.memref_squeeze %dma_wait3A_57 : memref<1x48x128xf32, #tpu.memory_space<hbm>> -> memref<48x128xf32, #tpu.memory_space<hbm>>
        %dma_wait3A_59 = arith.constant 0 : i32
        %dma_wait3A_60 = tpu.memref_slice %arg14[%add3A_51, %dma_wait3A_59] : memref<10000x128xf32, #tpu.memory_space<vmem_shared>> -> memref<48x128xf32, #tpu.memory_space<vmem_shared>>
        tpu.wait_dma2 semaphore(%run_scoped3A : memref<!tpu.dma_semaphore, #tpu.memory_space<semaphore_mem>>) src(%dma_wait3A_60 : memref<48x128xf32, #tpu.memory_space<vmem_shared>>) dst(%dma_wait3A_58 : memref<48x128xf32, #tpu.memory_space<hbm>>)
        tpu.yield
      }) : () -> ()
      %scan3A_52 = arith.constant 0 : i32
      scf.yield %scan3A_52 : i32
    }
    %scan3A_39 = arith.constant 13 : i32
    %eq3A_40 = arith.constant 15 : i32
    %eq3A_41 = arith.cmpi eq, %arg1, %eq3A_40 : i32
    %convert_element_type3A_42 = arith.extui %eq3A_41 : i1 to i32
    %cond3A_43 = arith.constant 0 : i32
    %cond3A_44 = arith.cmpi ne, %convert_element_type3A_42, %cond3A_43 : i32
    scf.if %cond3A_44 {
      "tpu.region"() ({
        %run_scoped3A = tpu.sem_alloc : memref<!tpu.dma_semaphore, #tpu.memory_space<semaphore_mem>>
        %dma_start3A = arith.constant 9984 : i32
        %dma_start3A_45 = arith.constant 0 : i32
        %dma_start3A_46 = tpu.memref_slice %arg7[%arg0, %dma_start3A, %dma_start3A_45] : memref<2x10000x128xf32, #tpu.memory_space<hbm>> -> memref<1x16x128xf32, #tpu.memory_space<hbm>>
        %dma_start3A_47 = tpu.memref_squeeze %dma_start3A_46 : memref<1x16x128xf32, #tpu.memory_space<hbm>> -> memref<16x128xf32, #tpu.memory_space<hbm>>
        %dma_start3A_48 = arith.constant 9984 : i32
        %dma_start3A_49 = arith.constant 0 : i32
        %dma_start3A_50 = tpu.memref_slice %arg14[%dma_start3A_48, %dma_start3A_49] : memref<10000x128xf32, #tpu.memory_space<vmem_shared>> -> memref<16x128xf32, #tpu.memory_space<vmem_shared>>
        tpu.enqueue_dma source(%dma_start3A_50 : memref<16x128xf32, #tpu.memory_space<vmem_shared>>) target(%dma_start3A_47 : memref<16x128xf32, #tpu.memory_space<hbm>>) target_semaphore(%run_scoped3A : memref<!tpu.dma_semaphore, #tpu.memory_space<semaphore_mem>>)
        %dma_wait3A = arith.constant 9984 : i32
        %dma_wait3A_51 = arith.constant 0 : i32
        %dma_wait3A_52 = tpu.memref_slice %arg7[%arg0, %dma_wait3A, %dma_wait3A_51] : memref<2x10000x128xf32, #tpu.memory_space<hbm>> -> memref<1x16x128xf32, #tpu.memory_space<hbm>>
        %dma_wait3A_53 = tpu.memref_squeeze %dma_wait3A_52 : memref<1x16x128xf32, #tpu.memory_space<hbm>> -> memref<16x128xf32, #tpu.memory_space<hbm>>
        %dma_wait3A_54 = arith.constant 9984 : i32
        %dma_wait3A_55 = arith.constant 0 : i32
        %dma_wait3A_56 = tpu.memref_slice %arg14[%dma_wait3A_54, %dma_wait3A_55] : memref<10000x128xf32, #tpu.memory_space<vmem_shared>> -> memref<16x128xf32, #tpu.memory_space<vmem_shared>>
        tpu.wait_dma2 semaphore(%run_scoped3A : memref<!tpu.dma_semaphore, #tpu.memory_space<semaphore_mem>>) src(%dma_wait3A_56 : memref<16x128xf32, #tpu.memory_space<vmem_shared>>) dst(%dma_wait3A_53 : memref<16x128xf32, #tpu.memory_space<hbm>>)
        tpu.yield
      }) : () -> ()
    } else {
    }
    return
  }
}

module attributes {stable_mosaic.version = 14 : i64} {
  func.func @_k0b_body(%arg0: i32, %arg1: memref<1000x128xf32, #tpu.memory_space<vmem>>, %arg2: memref<128x128xf32, #tpu.memory_space<vmem>>, %arg3: memref<1000x128xf32, #tpu.memory_space<vmem>>) attributes {dimension_semantics = [#tpu.dimension_semantics<arbitrary>], iteration_bounds = array<i64: 40>, scalar_prefetch = 0 : i64, scratch_operands = 0 : i64, tpu.core_type = #tpu.core_type<tc>, window_params = [{transform_indices = @transform_0, window_bounds = array<i64: 1000, 128>}, {pipeline_mode = #tpu.pipeline_mode<synchronous>, transform_indices = @transform_1, window_bounds = array<i64: 128, 128>}, {transform_indices = @transform_2, window_bounds = array<i64: 1000, 128>}]} {
    %get3A = arith.constant 0 : index
    %get3A_0 = arith.constant 0 : index
    %get3A_1 = vector.load %arg1[%get3A, %get3A_0] : memref<1000x128xf32, #tpu.memory_space<vmem>>, vector<1000x128xf32>
    %get3A_2 = arith.constant 0 : index
    %get3A_3 = arith.constant 0 : index
    %get3A_4 = vector.load %arg2[%get3A_2, %get3A_3] : memref<128x128xf32, #tpu.memory_space<vmem>>, vector<128x128xf32>
    %dot_general3A = arith.constant dense<0.000000e+00> : vector<1000x128xf32>
    %dot_general3A_5 = tpu.matmul %get3A_1, %get3A_4, %dot_general3A {dimension_numbers = #tpu.dot_dimension_numbers<[1], [0], [0], [1], [0, 0, 1, 1], [], []>, transpose_lhs_hint = false} : vector<1000x128xf32>, vector<128x128xf32>, vector<1000x128xf32> -> vector<1000x128xf32>
    %swap3A = arith.constant 0 : index
    %swap3A_6 = arith.constant 0 : index
    %swap3A_7 = vector.load %arg3[%swap3A, %swap3A_6] : memref<1000x128xf32, #tpu.memory_space<vmem>>, vector<1000x128xf32>
    tpu.vector_store %arg3[%swap3A, %swap3A_6], %dot_general3A_5 {strides = array<i32>} : memref<1000x128xf32, #tpu.memory_space<vmem>>, vector<1000x128xf32>,
    return
  }
  func.func @transform_0(%arg0: i32) -> (i32, i32) {
    %c0_i32 = arith.constant 0 : i32
    %c0_i32_0 = arith.constant 0 : i32
    return %arg0, %c0_i32 : i32, i32
  }
  func.func @transform_1(%arg0: i32) -> (i32, i32) {
    %c0_i32 = arith.constant 0 : i32
    %c0_i32_0 = arith.constant 0 : i32
    %c0_i32_1 = arith.constant 0 : i32
    return %c0_i32, %c0_i32_0 : i32, i32
  }
  func.func @transform_2(%arg0: i32) -> (i32, i32) {
    %c0_i32 = arith.constant 0 : i32
    %c0_i32_0 = arith.constant 0 : i32
    return %arg0, %c0_i32 : i32, i32
  }
}

module attributes {stable_mosaic.version = 14 : i64} {
  func.func @_k0a_body(%arg0: memref<10000x128xf32, #tpu.memory_space<vmem>>, %arg1: memref<8x16xf32, #tpu.memory_space<vmem>>, %arg2: memref<10000x1xi32, #tpu.memory_space<vmem>>, %arg3: memref<16x128xf32, #tpu.memory_space<vmem>>, %arg4: memref<16x16xf32, #tpu.memory_space<vmem>>, %arg5: memref<128x128xf32, #tpu.memory_space<vmem>>, %arg6: memref<10000x128xf32, #tpu.memory_space<vmem>>, %arg7: memref<10000x128xf32, #tpu.memory_space<vmem>>) attributes {dimension_semantics = [], scalar_prefetch = 0 : i64, scratch_operands = 0 : i64, tpu.core_type = #tpu.core_type<tc>} {
    %get3A = arith.constant 0 : index
    %get3A_0 = arith.constant 0 : index
    %get3A_1 = vector.load %arg0[%get3A, %get3A_0] : memref<10000x128xf32, #tpu.memory_space<vmem>>, vector<10000x128xf32>
    %get3A_2 = arith.constant 0 : index
    %get3A_3 = arith.constant 0 : index
    %get3A_4 = vector.load %arg3[%get3A_2, %get3A_3] : memref<16x128xf32, #tpu.memory_space<vmem>>, vector<16x128xf32>
    %transpose3A = tpu.transpose %get3A_4, [1, 0] : vector<16x128xf32> -> vector<128x16xf32>
    %dot_general3A = arith.constant dense<0.000000e+00> : vector<10000x16xf32>
    %dot_general3A_5 = tpu.matmul %get3A_1, %transpose3A, %dot_general3A {dimension_numbers = #tpu.dot_dimension_numbers<[1], [0], [0], [1], [0, 0, 1, 1], [], []>, transpose_lhs_hint = false} : vector<10000x128xf32>, vector<128x16xf32>, vector<10000x16xf32> -> vector<10000x16xf32>
    %mul3A = arith.constant 5.000000e-01 : f32
    %mul3A_6 = vector.broadcast %mul3A : f32 to vector<10000x16xf32>
    %mul3A_7 = arith.mulf %mul3A_6, %dot_general3A_5 : vector<10000x16xf32>
    %get3A_8 = arith.constant 0 : index
    %get3A_9 = arith.constant 0 : index
    %get3A_10 = vector.load %arg2[%get3A_8, %get3A_9] : memref<10000x1xi32, #tpu.memory_space<vmem>>, vector<10000x1xi32>
    %iota3A = tpu.iota {dimensions = array<i32: 1>} : vector<1x8xi32>
    %eq3A = vector.broadcast %get3A_10 : vector<10000x1xi32> to vector<10000x8xi32>
    %eq3A_11 = vector.broadcast %iota3A : vector<1x8xi32> to vector<10000x8xi32>
    %eq3A_12 = arith.cmpi eq, %eq3A, %eq3A_11 : vector<10000x8xi32>
    %convert_element_type3A = arith.extui %eq3A_12 : vector<10000x8xi1> to vector<10000x8xi32>
    %convert_element_type3A_13 = arith.sitofp %convert_element_type3A : vector<10000x8xi32> to vector<10000x8xf32>
    %get3A_14 = arith.constant 0 : index
    %get3A_15 = arith.constant 0 : index
    %get3A_16 = vector.load %arg1[%get3A_14, %get3A_15] : memref<8x16xf32, #tpu.memory_space<vmem>>, vector<8x16xf32>
    %dot_general3A_17 = arith.constant dense<0.000000e+00> : vector<10000x16xf32>
    %dot_general3A_18 = tpu.matmul %convert_element_type3A_13, %get3A_16, %dot_general3A_17 {dimension_numbers = #tpu.dot_dimension_numbers<[1], [0], [0], [1], [0, 0, 1, 1], [], []>, transpose_lhs_hint = false} : vector<10000x8xf32>, vector<8x16xf32>, vector<10000x16xf32> -> vector<10000x16xf32>
    %get3A_19 = arith.constant 0 : index
    %get3A_20 = arith.constant 0 : index
    %get3A_21 = vector.load %arg4[%get3A_19, %get3A_20] : memref<16x16xf32, #tpu.memory_space<vmem>>, vector<16x16xf32>
    %transpose3A_22 = tpu.transpose %get3A_21, [1, 0] : vector<16x16xf32> -> vector<16x16xf32>
    %dot_general3A_23 = arith.constant dense<0.000000e+00> : vector<10000x16xf32>
    %dot_general3A_24 = tpu.matmul %dot_general3A_18, %transpose3A_22, %dot_general3A_23 {dimension_numbers = #tpu.dot_dimension_numbers<[1], [0], [0], [1], [0, 0, 1, 1], [], []>, transpose_lhs_hint = false} : vector<10000x16xf32>, vector<16x16xf32>, vector<10000x16xf32> -> vector<10000x16xf32>
    %add3A = arith.addf %mul3A_7, %dot_general3A_24 : vector<10000x16xf32>
    %get3A_25 = arith.constant 0 : index
    %get3A_26 = arith.constant 0 : index
    %get3A_27 = vector.load %arg5[%get3A_25, %get3A_26] : memref<128x128xf32, #tpu.memory_space<vmem>>, vector<128x128xf32>
    %transpose3A_28 = tpu.transpose %get3A_27, [1, 0] : vector<128x128xf32> -> vector<128x128xf32>
    %dot_general3A_29 = arith.constant dense<0.000000e+00> : vector<10000x128xf32>
    %dot_general3A_30 = tpu.matmul %get3A_1, %transpose3A_28, %dot_general3A_29 {dimension_numbers = #tpu.dot_dimension_numbers<[1], [0], [0], [1], [0, 0, 1, 1], [], []>, transpose_lhs_hint = false} : vector<10000x128xf32>, vector<128x128xf32>, vector<10000x128xf32> -> vector<10000x128xf32>
    %broadcast_in_dim3A = arith.constant 0.000000e+00 : f32
    %broadcast_in_dim3A_31 = vector.broadcast %broadcast_in_dim3A : f32 to vector<10000x96xf32>
    %concatenate3A = tpu.concatenate %add3A, %mul3A_7, %broadcast_in_dim3A_31 in 1 : vector<10000x16xf32>, vector<10000x16xf32>, vector<10000x96xf32> -> vector<10000x128xf32>
    %swap3A = arith.constant 0 : index
    %swap3A_32 = arith.constant 0 : index
    %swap3A_33 = vector.load %arg6[%swap3A, %swap3A_32] : memref<10000x128xf32, #tpu.memory_space<vmem>>, vector<10000x128xf32>
    tpu.vector_store %arg6[%swap3A, %swap3A_32], %concatenate3A {strides = array<i32>} : memref<10000x128xf32, #tpu.memory_space<vmem>>, vector<10000x128xf32>,
    %swap3A_34 = arith.constant 0 : index
    %swap3A_35 = arith.constant 0 : index
    %swap3A_36 = vector.load %arg7[%swap3A_34, %swap3A_35] : memref<10000x128xf32, #tpu.memory_space<vmem>>, vector<10000x128xf32>
    tpu.vector_store %arg7[%swap3A_34, %swap3A_35], %dot_general3A_30 {strides = array<i32>} : memref<10000x128xf32, #tpu.memory_space<vmem>>, vector<10000x128xf32>,
    return
  }
}

module attributes {stable_mosaic.version = 14 : i64} {
  func.func @_k2_body(%arg0: i32, %arg1: memref<1000x128xf32, #tpu.memory_space<vmem>>, %arg2: memref<1x128xf32, #tpu.memory_space<vmem>>, %arg3: memref<1x128xf32, #tpu.memory_space<vmem>>, %arg4: memref<1x1xf32, #tpu.memory_space<vmem>>, %arg5: memref<1000x128xf32, #tpu.memory_space<vmem>>, %arg6: memref<128x128xf32, #tpu.memory_space<vmem>>, %arg7: memref<1x128xf32, #tpu.memory_space<vmem>>) attributes {dimension_semantics = [#tpu.dimension_semantics<arbitrary>], iteration_bounds = array<i64: 40>, scalar_prefetch = 0 : i64, scratch_operands = 0 : i64, tpu.core_type = #tpu.core_type<tc>, window_params = [{transform_indices = @transform_0, window_bounds = array<i64: 1000, 128>}, {pipeline_mode = #tpu.pipeline_mode<synchronous>, transform_indices = @transform_1, window_bounds = array<i64: 1, 128>}, {pipeline_mode = #tpu.pipeline_mode<synchronous>, transform_indices = @transform_2, window_bounds = array<i64: 1, 128>}, {pipeline_mode = #tpu.pipeline_mode<synchronous>, transform_indices = @transform_3, window_bounds = array<i64: 1, 1>}, {transform_indices = @transform_4, window_bounds = array<i64: 1000, 128>}, {pipeline_mode = #tpu.pipeline_mode<synchronous>, transform_indices = @transform_5, window_bounds = array<i64: 128, 128>}, {pipeline_mode = #tpu.pipeline_mode<synchronous>, transform_indices = @transform_6, window_bounds = array<i64: 1, 128>}]} {
    %get3A = arith.constant 0 : index
    %get3A_0 = arith.constant 0 : index
    %get3A_1 = vector.load %arg1[%get3A, %get3A_0] : memref<1000x128xf32, #tpu.memory_space<vmem>>, vector<1000x128xf32>
    %get3A_2 = arith.constant 0 : index
    %get3A_3 = arith.constant 0 : index
    %get3A_4 = vector.load %arg2[%get3A_2, %get3A_3] : memref<1x128xf32, #tpu.memory_space<vmem>>, vector<1x128xf32>
    %mul3A = vector.broadcast %get3A_4 : vector<1x128xf32> to vector<1000x128xf32>
    %mul3A_5 = arith.mulf %get3A_1, %mul3A : vector<1000x128xf32>
    %get3A_6 = arith.constant 0 : index
    %get3A_7 = arith.constant 0 : index
    %get3A_8 = vector.load %arg3[%get3A_6, %get3A_7] : memref<1x128xf32, #tpu.memory_space<vmem>>, vector<1x128xf32>
    %add3A = vector.broadcast %get3A_8 : vector<1x128xf32> to vector<1000x128xf32>
    %add3A_9 = arith.addf %mul3A_5, %add3A : vector<1000x128xf32>
    %get3A_10 = arith.constant 0 : index
    %get3A_11 = arith.constant 0 : index
    %get3A_12 = vector.load %arg4[%get3A_10, %get3A_11] : memref<1x1xf32, #tpu.memory_space<vmem>>, vector<1x1xf32>
    %get3A_13 = vector.extract %get3A_12[0, 0] : f32 from vector<1x1xf32>
    %max3A = arith.constant 0.000000e+00 : f32
    %max3A_14 = vector.broadcast %max3A : f32 to vector<1000x128xf32>
    %max3A_15 = arith.maximumf %add3A_9, %max3A_14 : vector<1000x128xf32>
    %min3A = arith.constant 0.000000e+00 : f32
    %min3A_16 = vector.broadcast %min3A : f32 to vector<1000x128xf32>
    %min3A_17 = arith.minimumf %add3A_9, %min3A_16 : vector<1000x128xf32>
    %mul3A_18 = vector.broadcast %get3A_13 : f32 to vector<1000x128xf32>
    %mul3A_19 = arith.mulf %mul3A_18, %min3A_17 : vector<1000x128xf32>
    %add3A_20 = arith.addf %max3A_15, %mul3A_19 : vector<1000x128xf32>
    %swap3A = arith.constant 0 : index
    %swap3A_21 = arith.constant 0 : index
    %swap3A_22 = vector.load %arg5[%swap3A, %swap3A_21] : memref<1000x128xf32, #tpu.memory_space<vmem>>, vector<1000x128xf32>
    tpu.vector_store %arg5[%swap3A, %swap3A_21], %add3A_20 {strides = array<i32>} : memref<1000x128xf32, #tpu.memory_space<vmem>>, vector<1000x128xf32>,
    %eq3A = arith.constant 0 : i32
    %eq3A_23 = arith.cmpi eq, %arg0, %eq3A : i32
    %convert_element_type3A = arith.extui %eq3A_23 : i1 to i32
    %cond3A = arith.constant 0 : i32
    %cond3A_24 = arith.cmpi ne, %convert_element_type3A, %cond3A : i32
    scf.if %cond3A_24 {
      %broadcast_in_dim3A_41 = arith.constant 0.000000e+00 : f32
      %broadcast_in_dim3A_42 = vector.broadcast %broadcast_in_dim3A_41 : f32 to vector<128x128xf32>
      %swap3A_43 = arith.constant 0 : index
      %swap3A_44 = arith.constant 0 : index
      %swap3A_45 = vector.load %arg6[%swap3A_43, %swap3A_44] : memref<128x128xf32, #tpu.memory_space<vmem>>, vector<128x128xf32>
      tpu.vector_store %arg6[%swap3A_43, %swap3A_44], %broadcast_in_dim3A_42 {strides = array<i32>} : memref<128x128xf32, #tpu.memory_space<vmem>>, vector<128x128xf32>,
      %broadcast_in_dim3A_46 = arith.constant 0.000000e+00 : f32
      %broadcast_in_dim3A_47 = vector.broadcast %broadcast_in_dim3A_46 : f32 to vector<1x128xf32>
      %swap3A_48 = arith.constant 0 : index
      %swap3A_49 = arith.constant 0 : index
      %swap3A_50 = vector.load %arg7[%swap3A_48, %swap3A_49] : memref<1x128xf32, #tpu.memory_space<vmem>>, vector<1x128xf32>
      tpu.vector_store %arg7[%swap3A_48, %swap3A_49], %broadcast_in_dim3A_47 {strides = array<i32>} : memref<1x128xf32, #tpu.memory_space<vmem>>, vector<1x128xf32>,
    } else {
    }
    %get3A_25 = arith.constant 0 : index
    %get3A_26 = arith.constant 0 : index
    %get3A_27 = vector.load %arg6[%get3A_25, %get3A_26] : memref<128x128xf32, #tpu.memory_space<vmem>>, vector<128x128xf32>
    %dot_general3A = arith.constant dense<0.000000e+00> : vector<128x128xf32>
    %dot_general3A_28 = tpu.matmul %add3A_20, %add3A_20, %dot_general3A {dimension_numbers = #tpu.dot_dimension_numbers<[0], [0], [1], [1], [0, 1, 1, 1], [], []>, transpose_lhs_hint = false} : vector<1000x128xf32>, vector<1000x128xf32>, vector<128x128xf32> -> vector<128x128xf32>
    %add3A_29 = arith.addf %get3A_27, %dot_general3A_28 : vector<128x128xf32>
    %swap3A_30 = arith.constant 0 : index
    %swap3A_31 = arith.constant 0 : index
    %swap3A_32 = vector.load %arg6[%swap3A_30, %swap3A_31] : memref<128x128xf32, #tpu.memory_space<vmem>>, vector<128x128xf32>
    tpu.vector_store %arg6[%swap3A_30, %swap3A_31], %add3A_29 {strides = array<i32>} : memref<128x128xf32, #tpu.memory_space<vmem>>, vector<128x128xf32>,
    %get3A_33 = arith.constant 0 : index
    %get3A_34 = arith.constant 0 : index
    %get3A_35 = vector.load %arg7[%get3A_33, %get3A_34] : memref<1x128xf32, #tpu.memory_space<vmem>>, vector<1x128xf32>
    %reduce_sum3A = arith.constant dense<0.000000e+00> : vector<128xf32>
    %reduce_sum3A_36 = vector.multi_reduction <add>, %add3A_20, %reduce_sum3A [0] : vector<1000x128xf32> to vector<128xf32>
    %broadcast_in_dim3A = vector.shape_cast %reduce_sum3A_36 : vector<128xf32> to vector<1x128xf32>
    %add3A_37 = arith.addf %get3A_35, %broadcast_in_dim3A : vector<1x128xf32>
    %swap3A_38 = arith.constant 0 : index
    %swap3A_39 = arith.constant 0 : index
    %swap3A_40 = vector.load %arg7[%swap3A_38, %swap3A_39] : memref<1x128xf32, #tpu.memory_space<vmem>>, vector<1x128xf32>
    tpu.vector_store %arg7[%swap3A_38, %swap3A_39], %add3A_37 {strides = array<i32>} : memref<1x128xf32, #tpu.memory_space<vmem>>, vector<1x128xf32>,
    return
  }
  func.func @transform_0(%arg0: i32) -> (i32, i32) {
    %c0_i32 = arith.constant 0 : i32
    %c0_i32_0 = arith.constant 0 : i32
    return %arg0, %c0_i32 : i32, i32
  }
  func.func @transform_1(%arg0: i32) -> (i32, i32) {
    %c0_i32 = arith.constant 0 : i32
    %c0_i32_0 = arith.constant 0 : i32
    %c0_i32_1 = arith.constant 0 : i32
    return %c0_i32, %c0_i32_0 : i32, i32
  }
  func.func @transform_2(%arg0: i32) -> (i32, i32) {
    %c0_i32 = arith.constant 0 : i32
    %c0_i32_0 = arith.constant 0 : i32
    %c0_i32_1 = arith.constant 0 : i32
    return %c0_i32, %c0_i32_0 : i32, i32
  }
  func.func @transform_3(%arg0: i32) -> (i32, i32) {
    %c0_i32 = arith.constant 0 : i32
    %c0_i32_0 = arith.constant 0 : i32
    %c0_i32_1 = arith.constant 0 : i32
    return %c0_i32, %c0_i32_0 : i32, i32
  }
  func.func @transform_4(%arg0: i32) -> (i32, i32) {
    %c0_i32 = arith.constant 0 : i32
    %c0_i32_0 = arith.constant 0 : i32
    return %arg0, %c0_i32 : i32, i32
  }
  func.func @transform_5(%arg0: i32) -> (i32, i32) {
    %c0_i32 = arith.constant 0 : i32
    %c0_i32_0 = arith.constant 0 : i32
    %c0_i32_1 = arith.constant 0 : i32
    return %c0_i32, %c0_i32_0 : i32, i32
  }
  func.func @transform_6(%arg0: i32) -> (i32, i32) {
    %c0_i32 = arith.constant 0 : i32
    %c0_i32_0 = arith.constant 0 : i32
    %c0_i32_1 = arith.constant 0 : i32
    return %c0_i32, %c0_i32_0 : i32, i32
  }
}

module attributes {stable_mosaic.version = 14 : i64} {
  func.func @_k4_body(%arg0: memref<32x2x10000xf32, #tpu.memory_space<vmem>>, %arg1: memref<10000x128xf32, #tpu.memory_space<vmem>>, %arg2: memref<2x10000x16xf32, #tpu.memory_space<vmem>>, %arg3: memref<16x16xf32, #tpu.memory_space<vmem>>, %arg4: memref<1x16xf32, #tpu.memory_space<vmem>>, %arg5: memref<16x128xf32, #tpu.memory_space<vmem>>, %arg6: memref<1x128xf32, #tpu.memory_space<vmem>>, %arg7: memref<1x128xf32, #tpu.memory_space<vmem>>, %arg8: memref<10000x128xf32, #tpu.memory_space<vmem>>, %arg9: memref<1x128xf32, #tpu.memory_space<vmem>>, %arg10: memref<1x128xf32, #tpu.memory_space<vmem>>, %arg11: memref<2x10000xf32, #tpu.memory_space<vmem>>) attributes {dimension_semantics = [], scalar_prefetch = 0 : i64, scratch_operands = 0 : i64, tpu.core_type = #tpu.core_type<tc>} {
    %get3A = arith.constant 0 : index
    %get3A_0 = arith.constant 0 : index
    %get3A_1 = arith.constant 0 : index
    %get3A_2 = vector.load %arg0[%get3A, %get3A_0, %get3A_1] : memref<32x2x10000xf32, #tpu.memory_space<vmem>>, vector<32x2x10000xf32>
    %reduce_sum3A = arith.constant dense<0.000000e+00> : vector<2x10000xf32>
    %reduce_sum3A_3 = vector.multi_reduction <add>, %get3A_2, %reduce_sum3A [0] : vector<32x2x10000xf32> to vector<2x10000xf32>
    %swap3A = arith.constant 0 : index
    %swap3A_4 = arith.constant 0 : index
    %swap3A_5 = vector.load %arg11[%swap3A, %swap3A_4] : memref<2x10000xf32, #tpu.memory_space<vmem>>, vector<2x10000xf32>
    tpu.vector_store %arg11[%swap3A, %swap3A_4], %reduce_sum3A_3 {strides = array<i32>} : memref<2x10000xf32, #tpu.memory_space<vmem>>, vector<2x10000xf32>,
    %slice3A = vector.extract_strided_slice %reduce_sum3A_3 {offsets = [1, 0], sizes = [1, 10000], strides = [1, 1]} : vector<2x10000xf32> to vector<1x10000xf32>
    %get3A_6 = arith.constant 0 : index
    %get3A_7 = arith.constant 0 : index
    %get3A_8 = vector.load %arg1[%get3A_6, %get3A_7] : memref<10000x128xf32, #tpu.memory_space<vmem>>, vector<10000x128xf32>
    %get3A_9 = arith.constant 0 : index
    %get3A_10 = arith.constant 0 : index
    %get3A_11 = arith.constant 0 : index
    %get3A_12 = vector.load %arg2[%get3A_9, %get3A_10, %get3A_11] : memref<2x10000x16xf32, #tpu.memory_space<vmem>>, vector<1x10000x16xf32>
    %get3A_13 = vector.shape_cast %get3A_12 : vector<1x10000x16xf32> to vector<10000x16xf32>
    %get3A_14 = arith.constant 1 : index
    %get3A_15 = arith.constant 0 : index
    %get3A_16 = arith.constant 0 : index
    %get3A_17 = vector.load %arg2[%get3A_14, %get3A_15, %get3A_16] : memref<2x10000x16xf32, #tpu.memory_space<vmem>>, vector<1x10000x16xf32>
    %get3A_18 = vector.shape_cast %get3A_17 : vector<1x10000x16xf32> to vector<10000x16xf32>
    %add3A = arith.addf %get3A_13, %get3A_18 : vector<10000x16xf32>
    %get3A_19 = arith.constant 0 : index
    %get3A_20 = arith.constant 0 : index
    %get3A_21 = vector.load %arg5[%get3A_19, %get3A_20] : memref<16x128xf32, #tpu.memory_space<vmem>>, vector<16x128xf32>
    %dot_general3A = arith.constant dense<0.000000e+00> : vector<1x128xf32>
    %dot_general3A_22 = tpu.matmul %slice3A, %get3A_8, %dot_general3A {dimension_numbers = #tpu.dot_dimension_numbers<[1], [0], [0], [1], [0, 0, 1, 1], [], []>, transpose_lhs_hint = false} : vector<1x10000xf32>, vector<10000x128xf32>, vector<1x128xf32> -> vector<1x128xf32>
    %get3A_23 = arith.constant 0 : index
    %get3A_24 = arith.constant 0 : index
    %get3A_25 = vector.load %arg4[%get3A_23, %get3A_24] : memref<1x16xf32, #tpu.memory_space<vmem>>, vector<1x16xf32>
    %dot_general3A_26 = arith.constant dense<0.000000e+00> : vector<1x128xf32>
    %dot_general3A_27 = tpu.matmul %get3A_25, %get3A_21, %dot_general3A_26 {dimension_numbers = #tpu.dot_dimension_numbers<[1], [0], [0], [1], [0, 0, 1, 1], [], []>, transpose_lhs_hint = false} : vector<1x16xf32>, vector<16x128xf32>, vector<1x128xf32> -> vector<1x128xf32>
    %add3A_28 = arith.addf %dot_general3A_22, %dot_general3A_27 : vector<1x128xf32>
    %mul3A = arith.mulf %get3A_8, %get3A_8 : vector<10000x128xf32>
    %dot_general3A_29 = arith.constant dense<0.000000e+00> : vector<1x128xf32>
    %dot_general3A_30 = tpu.matmul %slice3A, %mul3A, %dot_general3A_29 {dimension_numbers = #tpu.dot_dimension_numbers<[1], [0], [0], [1], [0, 0, 1, 1], [], []>, transpose_lhs_hint = false} : vector<1x10000xf32>, vector<10000x128xf32>, vector<1x128xf32> -> vector<1x128xf32>
    %dot_general3A_31 = arith.constant dense<0.000000e+00> : vector<16x128xf32>
    %dot_general3A_32 = tpu.matmul %add3A, %get3A_8, %dot_general3A_31 {dimension_numbers = #tpu.dot_dimension_numbers<[0], [0], [1], [1], [0, 1, 1, 1], [], []>, transpose_lhs_hint = false} : vector<10000x16xf32>, vector<10000x128xf32>, vector<16x128xf32> -> vector<16x128xf32>
    %mul3A_33 = arith.mulf %get3A_21, %dot_general3A_32 : vector<16x128xf32>
    %reduce_sum3A_34 = arith.constant dense<0.000000e+00> : vector<128xf32>
    %reduce_sum3A_35 = vector.multi_reduction <add>, %mul3A_33, %reduce_sum3A_34 [0] : vector<16x128xf32> to vector<128xf32>
    %broadcast_in_dim3A = vector.shape_cast %reduce_sum3A_35 : vector<128xf32> to vector<1x128xf32>
    %mul3A_36 = arith.constant 2.000000e+00 : f32
    %mul3A_37 = vector.broadcast %mul3A_36 : f32 to vector<1x128xf32>
    %mul3A_38 = arith.mulf %mul3A_37, %broadcast_in_dim3A : vector<1x128xf32>
    %get3A_39 = arith.constant 0 : index
    %get3A_40 = arith.constant 0 : index
    %get3A_41 = vector.load %arg3[%get3A_39, %get3A_40] : memref<16x16xf32, #tpu.memory_space<vmem>>, vector<16x16xf32>
    %dot_general3A_42 = arith.constant dense<0.000000e+00> : vector<16x128xf32>
    %dot_general3A_43 = tpu.matmul %get3A_41, %get3A_21, %dot_general3A_42 {dimension_numbers = #tpu.dot_dimension_numbers<[1], [0], [0], [1], [0, 0, 1, 1], [], []>, transpose_lhs_hint = false} : vector<16x16xf32>, vector<16x128xf32>, vector<16x128xf32> -> vector<16x128xf32>
    %mul3A_44 = arith.mulf %get3A_21, %dot_general3A_43 : vector<16x128xf32>
    %reduce_sum3A_45 = arith.constant dense<0.000000e+00> : vector<128xf32>
    %reduce_sum3A_46 = vector.multi_reduction <add>, %mul3A_44, %reduce_sum3A_45 [0] : vector<16x128xf32> to vector<128xf32>
    %broadcast_in_dim3A_47 = vector.shape_cast %reduce_sum3A_46 : vector<128xf32> to vector<1x128xf32>
    %mul3A_48 = arith.constant 3.125000e-06 : f32
    %mul3A_49 = vector.broadcast %mul3A_48 : f32 to vector<1x128xf32>
    %mul3A_50 = arith.mulf %add3A_28, %mul3A_49 : vector<1x128xf32>
    %add3A_51 = arith.addf %dot_general3A_30, %mul3A_38 : vector<1x128xf32>
    %add3A_52 = arith.addf %add3A_51, %broadcast_in_dim3A_47 : vector<1x128xf32>
    %mul3A_53 = arith.constant 3.125000e-06 : f32
    %mul3A_54 = vector.broadcast %mul3A_53 : f32 to vector<1x128xf32>
    %mul3A_55 = arith.mulf %add3A_52, %mul3A_54 : vector<1x128xf32>
    %mul3A_56 = arith.mulf %mul3A_50, %mul3A_50 : vector<1x128xf32>
    %sub3A = arith.subf %mul3A_55, %mul3A_56 : vector<1x128xf32>
    %get3A_57 = arith.constant 0 : index
    %get3A_58 = arith.constant 0 : index
    %get3A_59 = vector.load %arg6[%get3A_57, %get3A_58] : memref<1x128xf32, #tpu.memory_space<vmem>>, vector<1x128xf32>
    %add3A_60 = arith.constant 9.99999974E-6 : f32
    %add3A_61 = vector.broadcast %add3A_60 : f32 to vector<1x128xf32>
    %add3A_62 = arith.addf %sub3A, %add3A_61 : vector<1x128xf32>
    %rsqrt3A = math.rsqrt %add3A_62 : vector<1x128xf32>
    %mul3A_63 = arith.mulf %get3A_59, %rsqrt3A : vector<1x128xf32>
    %get3A_64 = arith.constant 0 : index
    %get3A_65 = arith.constant 0 : index
    %get3A_66 = vector.load %arg7[%get3A_64, %get3A_65] : memref<1x128xf32, #tpu.memory_space<vmem>>, vector<1x128xf32>
    %mul3A_67 = arith.mulf %mul3A_50, %mul3A_63 : vector<1x128xf32>
    %sub3A_68 = arith.subf %get3A_66, %mul3A_67 : vector<1x128xf32>
    %swap3A_69 = arith.constant 0 : index
    %swap3A_70 = arith.constant 0 : index
    %swap3A_71 = vector.load %arg9[%swap3A_69, %swap3A_70] : memref<1x128xf32, #tpu.memory_space<vmem>>, vector<1x128xf32>
    tpu.vector_store %arg9[%swap3A_69, %swap3A_70], %mul3A_63 {strides = array<i32>} : memref<1x128xf32, #tpu.memory_space<vmem>>, vector<1x128xf32>,
    %swap3A_72 = arith.constant 0 : index
    %swap3A_73 = arith.constant 0 : index
    %swap3A_74 = vector.load %arg10[%swap3A_72, %swap3A_73] : memref<1x128xf32, #tpu.memory_space<vmem>>, vector<1x128xf32>
    tpu.vector_store %arg10[%swap3A_72, %swap3A_73], %sub3A_68 {strides = array<i32>} : memref<1x128xf32, #tpu.memory_space<vmem>>, vector<1x128xf32>,
    %mul3A_75 = vector.broadcast %mul3A_63 : vector<1x128xf32> to vector<10000x128xf32>
    %mul3A_76 = arith.mulf %get3A_8, %mul3A_75 : vector<10000x128xf32>
    %swap3A_77 = arith.constant 0 : index
    %swap3A_78 = arith.constant 0 : index
    %swap3A_79 = vector.load %arg8[%swap3A_77, %swap3A_78] : memref<10000x128xf32, #tpu.memory_space<vmem>>, vector<10000x128xf32>
    tpu.vector_store %arg8[%swap3A_77, %swap3A_78], %mul3A_76 {strides = array<i32>} : memref<10000x128xf32, #tpu.memory_space<vmem>>, vector<10000x128xf32>,
    return
  }
}

module attributes {stable_mosaic.version = 14 : i64} {
  func.func @_k5_body(%arg0: i32, %arg1: memref<1000x128xf32, #tpu.memory_space<vmem>>, %arg2: memref<128x1024xf32, #tpu.memory_space<vmem>>, %arg3: memref<1x1024xf32, #tpu.memory_space<vmem>>, %arg4: memref<1000x1024xf32, #tpu.memory_space<vmem>>) attributes {dimension_semantics = [#tpu.dimension_semantics<arbitrary>], iteration_bounds = array<i64: 40>, scalar_prefetch = 0 : i64, scratch_operands = 0 : i64, tpu.core_type = #tpu.core_type<tc>, window_params = [{transform_indices = @transform_0, window_bounds = array<i64: 1000, 128>}, {pipeline_mode = #tpu.pipeline_mode<synchronous>, transform_indices = @transform_1, window_bounds = array<i64: 128, 1024>}, {pipeline_mode = #tpu.pipeline_mode<synchronous>, transform_indices = @transform_2, window_bounds = array<i64: 1, 1024>}, {transform_indices = @transform_3, window_bounds = array<i64: 1000, 1024>}]} {
    %get3A = arith.constant 0 : index
    %get3A_0 = arith.constant 0 : index
    %get3A_1 = vector.load %arg1[%get3A, %get3A_0] : memref<1000x128xf32, #tpu.memory_space<vmem>>, vector<1000x128xf32>
    %get3A_2 = arith.constant 0 : index
    %get3A_3 = arith.constant 0 : index
    %get3A_4 = vector.load %arg2[%get3A_2, %get3A_3] : memref<128x1024xf32, #tpu.memory_space<vmem>>, vector<128x1024xf32>
    %dot_general3A = arith.constant dense<0.000000e+00> : vector<1000x1024xf32>
    %dot_general3A_5 = tpu.matmul %get3A_1, %get3A_4, %dot_general3A {dimension_numbers = #tpu.dot_dimension_numbers<[1], [0], [0], [1], [0, 0, 1, 1], [], []>, transpose_lhs_hint = false} : vector<1000x128xf32>, vector<128x1024xf32>, vector<1000x1024xf32> -> vector<1000x1024xf32>
    %get3A_6 = arith.constant 0 : index
    %get3A_7 = arith.constant 0 : index
    %get3A_8 = vector.load %arg3[%get3A_6, %get3A_7] : memref<1x1024xf32, #tpu.memory_space<vmem>>, vector<1x1024xf32>
    %add3A = vector.broadcast %get3A_8 : vector<1x1024xf32> to vector<1000x1024xf32>
    %add3A_9 = arith.addf %dot_general3A_5, %add3A : vector<1000x1024xf32>
    %swap3A = arith.constant 0 : index
    %swap3A_10 = arith.constant 0 : index
    %swap3A_11 = vector.load %arg4[%swap3A, %swap3A_10] : memref<1000x1024xf32, #tpu.memory_space<vmem>>, vector<1000x1024xf32>
    tpu.vector_store %arg4[%swap3A, %swap3A_10], %add3A_9 {strides = array<i32>} : memref<1000x1024xf32, #tpu.memory_space<vmem>>, vector<1000x1024xf32>,
    return
  }
  func.func @transform_0(%arg0: i32) -> (i32, i32) {
    %c0_i32 = arith.constant 0 : i32
    %c0_i32_0 = arith.constant 0 : i32
    return %arg0, %c0_i32 : i32, i32
  }
  func.func @transform_1(%arg0: i32) -> (i32, i32) {
    %c0_i32 = arith.constant 0 : i32
    %c0_i32_0 = arith.constant 0 : i32
    %c0_i32_1 = arith.constant 0 : i32
    return %c0_i32, %c0_i32_0 : i32, i32
  }
  func.func @transform_2(%arg0: i32) -> (i32, i32) {
    %c0_i32 = arith.constant 0 : i32
    %c0_i32_0 = arith.constant 0 : i32
    %c0_i32_1 = arith.constant 0 : i32
    return %c0_i32, %c0_i32_0 : i32, i32
  }
  func.func @transform_3(%arg0: i32) -> (i32, i32) {
    %c0_i32 = arith.constant 0 : i32
    %c0_i32_0 = arith.constant 0 : i32
    return %arg0, %c0_i32 : i32, i32
  }
}

module attributes {stable_mosaic.version = 14 : i64} {
  func.func @_k7_body(%arg0: memref<2x10000x128xf32, #tpu.memory_space<vmem>>, %arg1: memref<10000x1xf32, #tpu.memory_space<vmem>>, %arg2: memref<8x16xf32, #tpu.memory_space<vmem>>, %arg3: memref<10000x1xi32, #tpu.memory_space<vmem>>, %arg4: memref<128x128xf32, #tpu.memory_space<vmem>>, %arg5: memref<128x16xf32, #tpu.memory_space<vmem>>, %arg6: memref<1x128xf32, #tpu.memory_space<vmem>>, %arg7: memref<1x128xf32, #tpu.memory_space<vmem>>, %arg8: memref<1x1xf32, #tpu.memory_space<vmem>>, %arg9: memref<16x16xf32, #tpu.memory_space<vmem>>, %arg10: memref<16x128xf32, #tpu.memory_space<vmem>>, %arg11: memref<1x16xf32, #tpu.memory_space<vmem>>, %arg12: memref<1x16xf32, #tpu.memory_space<vmem>>, %arg13: memref<1x1xf32, #tpu.memory_space<vmem>>, %arg14: memref<10000x128xf32, #tpu.memory_space<vmem>>, %arg15: memref<8x16xf32, #tpu.memory_space<vmem>>) attributes {dimension_semantics = [], scalar_prefetch = 0 : i64, scratch_operands = 0 : i64, tpu.core_type = #tpu.core_type<tc>} {
    %get3A = arith.constant 0 : index
    %get3A_0 = arith.constant 0 : index
    %get3A_1 = arith.constant 0 : index
    %get3A_2 = vector.load %arg0[%get3A, %get3A_0, %get3A_1] : memref<2x10000x128xf32, #tpu.memory_space<vmem>>, vector<1x10000x128xf32>
    %get3A_3 = vector.shape_cast %get3A_2 : vector<1x10000x128xf32> to vector<10000x128xf32>
    %get3A_4 = arith.constant 1 : index
    %get3A_5 = arith.constant 0 : index
    %get3A_6 = arith.constant 0 : index
    %get3A_7 = vector.load %arg0[%get3A_4, %get3A_5, %get3A_6] : memref<2x10000x128xf32, #tpu.memory_space<vmem>>, vector<1x10000x128xf32>
    %get3A_8 = vector.shape_cast %get3A_7 : vector<1x10000x128xf32> to vector<10000x128xf32>
    %add3A = arith.addf %get3A_3, %get3A_8 : vector<10000x128xf32>
    %get3A_9 = arith.constant 0 : index
    %get3A_10 = arith.constant 0 : index
    %get3A_11 = vector.load %arg1[%get3A_9, %get3A_10] : memref<10000x1xf32, #tpu.memory_space<vmem>>, vector<10000x1xf32>
    %max3A = arith.constant 1.000000e+00 : f32
    %max3A_12 = vector.broadcast %max3A : f32 to vector<10000x1xf32>
    %max3A_13 = arith.maximumf %get3A_11, %max3A_12 : vector<10000x1xf32>
    %div3A = vector.broadcast %max3A_13 : vector<10000x1xf32> to vector<10000x128xf32>
    %div3A_14 = arith.divf %add3A, %div3A : vector<10000x128xf32>
    %get3A_15 = arith.constant 0 : index
    %get3A_16 = arith.constant 0 : index
    %get3A_17 = vector.load %arg3[%get3A_15, %get3A_16] : memref<10000x1xi32, #tpu.memory_space<vmem>>, vector<10000x1xi32>
    %iota3A = tpu.iota {dimensions = array<i32: 1>} : vector<1x8xi32>
    %eq3A = vector.broadcast %get3A_17 : vector<10000x1xi32> to vector<10000x8xi32>
    %eq3A_18 = vector.broadcast %iota3A : vector<1x8xi32> to vector<10000x8xi32>
    %eq3A_19 = arith.cmpi eq, %eq3A, %eq3A_18 : vector<10000x8xi32>
    %convert_element_type3A = arith.extui %eq3A_19 : vector<10000x8xi1> to vector<10000x8xi32>
    %convert_element_type3A_20 = arith.sitofp %convert_element_type3A : vector<10000x8xi32> to vector<10000x8xf32>
    %get3A_21 = arith.constant 0 : index
    %get3A_22 = arith.constant 0 : index
    %get3A_23 = vector.load %arg2[%get3A_21, %get3A_22] : memref<8x16xf32, #tpu.memory_space<vmem>>, vector<8x16xf32>
    %dot_general3A = arith.constant dense<0.000000e+00> : vector<10000x16xf32>
    %dot_general3A_24 = tpu.matmul %convert_element_type3A_20, %get3A_23, %dot_general3A {dimension_numbers = #tpu.dot_dimension_numbers<[1], [0], [0], [1], [0, 0, 1, 1], [], []>, transpose_lhs_hint = false} : vector<10000x8xf32>, vector<8x16xf32>, vector<10000x16xf32> -> vector<10000x16xf32>
    %get3A_25 = arith.constant 0 : index
    %get3A_26 = arith.constant 0 : index
    %get3A_27 = vector.load %arg4[%get3A_25, %get3A_26] : memref<128x128xf32, #tpu.memory_space<vmem>>, vector<128x128xf32>
    %transpose3A = tpu.transpose %get3A_27, [1, 0] : vector<128x128xf32> -> vector<128x128xf32>
    %dot_general3A_28 = arith.constant dense<0.000000e+00> : vector<10000x128xf32>
    %dot_general3A_29 = tpu.matmul %div3A_14, %transpose3A, %dot_general3A_28 {dimension_numbers = #tpu.dot_dimension_numbers<[1], [0], [0], [1], [0, 0, 1, 1], [], []>, transpose_lhs_hint = false} : vector<10000x128xf32>, vector<128x128xf32>, vector<10000x128xf32> -> vector<10000x128xf32>
    %get3A_30 = arith.constant 0 : index
    %get3A_31 = arith.constant 0 : index
    %get3A_32 = vector.load %arg5[%get3A_30, %get3A_31] : memref<128x16xf32, #tpu.memory_space<vmem>>, vector<128x16xf32>
    %transpose3A_33 = tpu.transpose %get3A_32, [1, 0] : vector<128x16xf32> -> vector<16x128xf32>
    %dot_general3A_34 = arith.constant dense<0.000000e+00> : vector<10000x128xf32>
    %dot_general3A_35 = tpu.matmul %dot_general3A_24, %transpose3A_33, %dot_general3A_34 {dimension_numbers = #tpu.dot_dimension_numbers<[1], [0], [0], [1], [0, 0, 1, 1], [], []>, transpose_lhs_hint = false} : vector<10000x16xf32>, vector<16x128xf32>, vector<10000x128xf32> -> vector<10000x128xf32>
    %add3A_36 = arith.addf %dot_general3A_29, %dot_general3A_35 : vector<10000x128xf32>
    %reduce_sum3A = arith.constant dense<0.000000e+00> : vector<128xf32>
    %reduce_sum3A_37 = vector.multi_reduction <add>, %add3A_36, %reduce_sum3A [0] : vector<10000x128xf32> to vector<128xf32>
    %broadcast_in_dim3A = vector.shape_cast %reduce_sum3A_37 : vector<128xf32> to vector<1x128xf32>
    %div3A_38 = arith.constant 1.000000e+04 : f32
    %div3A_39 = vector.broadcast %div3A_38 : f32 to vector<1x128xf32>
    %div3A_40 = arith.divf %broadcast_in_dim3A, %div3A_39 : vector<1x128xf32>
    %sub3A = vector.broadcast %div3A_40 : vector<1x128xf32> to vector<10000x128xf32>
    %sub3A_41 = arith.subf %add3A_36, %sub3A : vector<10000x128xf32>
    %mul3A = arith.mulf %sub3A_41, %sub3A_41 : vector<10000x128xf32>
    %reduce_sum3A_42 = arith.constant dense<0.000000e+00> : vector<128xf32>
    %reduce_sum3A_43 = vector.multi_reduction <add>, %mul3A, %reduce_sum3A_42 [0] : vector<10000x128xf32> to vector<128xf32>
    %broadcast_in_dim3A_44 = vector.shape_cast %reduce_sum3A_43 : vector<128xf32> to vector<1x128xf32>
    %div3A_45 = arith.constant 1.000000e+04 : f32
    %div3A_46 = vector.broadcast %div3A_45 : f32 to vector<1x128xf32>
    %div3A_47 = arith.divf %broadcast_in_dim3A_44, %div3A_46 : vector<1x128xf32>
    %add3A_48 = arith.constant 9.99999974E-6 : f32
    %add3A_49 = vector.broadcast %add3A_48 : f32 to vector<1x128xf32>
    %add3A_50 = arith.addf %div3A_47, %add3A_49 : vector<1x128xf32>
    %rsqrt3A = math.rsqrt %add3A_50 : vector<1x128xf32>
    %mul3A_51 = vector.broadcast %rsqrt3A : vector<1x128xf32> to vector<10000x128xf32>
    %mul3A_52 = arith.mulf %sub3A_41, %mul3A_51 : vector<10000x128xf32>
    %get3A_53 = arith.constant 0 : index
    %get3A_54 = arith.constant 0 : index
    %get3A_55 = vector.load %arg6[%get3A_53, %get3A_54] : memref<1x128xf32, #tpu.memory_space<vmem>>, vector<1x128xf32>
    %mul3A_56 = vector.broadcast %get3A_55 : vector<1x128xf32> to vector<10000x128xf32>
    %mul3A_57 = arith.mulf %mul3A_52, %mul3A_56 : vector<10000x128xf32>
    %get3A_58 = arith.constant 0 : index
    %get3A_59 = arith.constant 0 : index
    %get3A_60 = vector.load %arg7[%get3A_58, %get3A_59] : memref<1x128xf32, #tpu.memory_space<vmem>>, vector<1x128xf32>
    %add3A_61 = vector.broadcast %get3A_60 : vector<1x128xf32> to vector<10000x128xf32>
    %add3A_62 = arith.addf %mul3A_57, %add3A_61 : vector<10000x128xf32>
    %get3A_63 = arith.constant 0 : index
    %get3A_64 = arith.constant 0 : index
    %get3A_65 = vector.load %arg8[%get3A_63, %get3A_64] : memref<1x1xf32, #tpu.memory_space<vmem>>, vector<1x1xf32>
    %get3A_66 = vector.extract %get3A_65[0, 0] : f32 from vector<1x1xf32>
    %max3A_67 = arith.constant 0.000000e+00 : f32
    %max3A_68 = vector.broadcast %max3A_67 : f32 to vector<10000x128xf32>
    %max3A_69 = arith.maximumf %add3A_62, %max3A_68 : vector<10000x128xf32>
    %min3A = arith.constant 0.000000e+00 : f32
    %min3A_70 = vector.broadcast %min3A : f32 to vector<10000x128xf32>
    %min3A_71 = arith.minimumf %add3A_62, %min3A_70 : vector<10000x128xf32>
    %mul3A_72 = vector.broadcast %get3A_66 : f32 to vector<10000x128xf32>
    %mul3A_73 = arith.mulf %mul3A_72, %min3A_71 : vector<10000x128xf32>
    %add3A_74 = arith.addf %max3A_69, %mul3A_73 : vector<10000x128xf32>
    %swap3A = arith.constant 0 : index
    %swap3A_75 = arith.constant 0 : index
    %swap3A_76 = vector.load %arg14[%swap3A, %swap3A_75] : memref<10000x128xf32, #tpu.memory_space<vmem>>, vector<10000x128xf32>
    tpu.vector_store %arg14[%swap3A, %swap3A_75], %add3A_74 {strides = array<i32>} : memref<10000x128xf32, #tpu.memory_space<vmem>>, vector<10000x128xf32>,
    %dot_general3A_77 = arith.constant dense<0.000000e+00> : vector<8x128xf32>
    %dot_general3A_78 = tpu.matmul %convert_element_type3A_20, %add3A_74, %dot_general3A_77 {dimension_numbers = #tpu.dot_dimension_numbers<[0], [0], [1], [1], [0, 1, 1, 1], [], []>, transpose_lhs_hint = false} : vector<10000x8xf32>, vector<10000x128xf32>, vector<8x128xf32> -> vector<8x128xf32>
    %reduce_sum3A_79 = arith.constant dense<0.000000e+00> : vector<8xf32>
    %reduce_sum3A_80 = vector.multi_reduction <add>, %convert_element_type3A_20, %reduce_sum3A_79 [0] : vector<10000x8xf32> to vector<8xf32>
    %broadcast_in_dim3A_81 = vector.shape_cast %reduce_sum3A_80 : vector<8xf32> to vector<8x1xf32>
    %max3A_82 = arith.constant 1.000000e+00 : f32
    %max3A_83 = vector.broadcast %max3A_82 : f32 to vector<8x1xf32>
    %max3A_84 = arith.maximumf %broadcast_in_dim3A_81, %max3A_83 : vector<8x1xf32>
    %div3A_85 = vector.broadcast %max3A_84 : vector<8x1xf32> to vector<8x128xf32>
    %div3A_86 = arith.divf %dot_general3A_78, %div3A_85 : vector<8x128xf32>
    %get3A_87 = arith.constant 0 : index
    %get3A_88 = arith.constant 0 : index
    %get3A_89 = vector.load %arg2[%get3A_87, %get3A_88] : memref<8x16xf32, #tpu.memory_space<vmem>>, vector<8x16xf32>
    %get3A_90 = arith.constant 0 : index
    %get3A_91 = arith.constant 0 : index
    %get3A_92 = vector.load %arg9[%get3A_90, %get3A_91] : memref<16x16xf32, #tpu.memory_space<vmem>>, vector<16x16xf32>
    %transpose3A_93 = tpu.transpose %get3A_92, [1, 0] : vector<16x16xf32> -> vector<16x16xf32>
    %dot_general3A_94 = arith.constant dense<0.000000e+00> : vector<8x16xf32>
    %dot_general3A_95 = tpu.matmul %get3A_89, %transpose3A_93, %dot_general3A_94 {dimension_numbers = #tpu.dot_dimension_numbers<[1], [0], [0], [1], [0, 0, 1, 1], [], []>, transpose_lhs_hint = false} : vector<8x16xf32>, vector<16x16xf32>, vector<8x16xf32> -> vector<8x16xf32>
    %get3A_96 = arith.constant 0 : index
    %get3A_97 = arith.constant 0 : index
    %get3A_98 = vector.load %arg10[%get3A_96, %get3A_97] : memref<16x128xf32, #tpu.memory_space<vmem>>, vector<16x128xf32>
    %transpose3A_99 = tpu.transpose %get3A_98, [1, 0] : vector<16x128xf32> -> vector<128x16xf32>
    %dot_general3A_100 = arith.constant dense<0.000000e+00> : vector<8x16xf32>
    %dot_general3A_101 = tpu.matmul %div3A_86, %transpose3A_99, %dot_general3A_100 {dimension_numbers = #tpu.dot_dimension_numbers<[1], [0], [0], [1], [0, 0, 1, 1], [], []>, transpose_lhs_hint = false} : vector<8x128xf32>, vector<128x16xf32>, vector<8x16xf32> -> vector<8x16xf32>
    %add3A_102 = arith.addf %dot_general3A_95, %dot_general3A_101 : vector<8x16xf32>
    %reduce_sum3A_103 = arith.constant dense<0.000000e+00> : vector<16xf32>
    %reduce_sum3A_104 = vector.multi_reduction <add>, %add3A_102, %reduce_sum3A_103 [0] : vector<8x16xf32> to vector<16xf32>
    %broadcast_in_dim3A_105 = vector.shape_cast %reduce_sum3A_104 : vector<16xf32> to vector<1x16xf32>
    %div3A_106 = arith.constant 8.000000e+00 : f32
    %div3A_107 = vector.broadcast %div3A_106 : f32 to vector<1x16xf32>
    %div3A_108 = arith.divf %broadcast_in_dim3A_105, %div3A_107 : vector<1x16xf32>
    %sub3A_109 = vector.broadcast %div3A_108 : vector<1x16xf32> to vector<8x16xf32>
    %sub3A_110 = arith.subf %add3A_102, %sub3A_109 : vector<8x16xf32>
    %mul3A_111 = arith.mulf %sub3A_110, %sub3A_110 : vector<8x16xf32>
    %reduce_sum3A_112 = arith.constant dense<0.000000e+00> : vector<16xf32>
    %reduce_sum3A_113 = vector.multi_reduction <add>, %mul3A_111, %reduce_sum3A_112 [0] : vector<8x16xf32> to vector<16xf32>
    %broadcast_in_dim3A_114 = vector.shape_cast %reduce_sum3A_113 : vector<16xf32> to vector<1x16xf32>
    %div3A_115 = arith.constant 8.000000e+00 : f32
    %div3A_116 = vector.broadcast %div3A_115 : f32 to vector<1x16xf32>
    %div3A_117 = arith.divf %broadcast_in_dim3A_114, %div3A_116 : vector<1x16xf32>
    %add3A_118 = arith.constant 9.99999974E-6 : f32
    %add3A_119 = vector.broadcast %add3A_118 : f32 to vector<1x16xf32>
    %add3A_120 = arith.addf %div3A_117, %add3A_119 : vector<1x16xf32>
    %rsqrt3A_121 = math.rsqrt %add3A_120 : vector<1x16xf32>
    %mul3A_122 = vector.broadcast %rsqrt3A_121 : vector<1x16xf32> to vector<8x16xf32>
    %mul3A_123 = arith.mulf %sub3A_110, %mul3A_122 : vector<8x16xf32>
    %get3A_124 = arith.constant 0 : index
    %get3A_125 = arith.constant 0 : index
    %get3A_126 = vector.load %arg11[%get3A_124, %get3A_125] : memref<1x16xf32, #tpu.memory_space<vmem>>, vector<1x16xf32>
    %mul3A_127 = vector.broadcast %get3A_126 : vector<1x16xf32> to vector<8x16xf32>
    %mul3A_128 = arith.mulf %mul3A_123, %mul3A_127 : vector<8x16xf32>
    %get3A_129 = arith.constant 0 : index
    %get3A_130 = arith.constant 0 : index
    %get3A_131 = vector.load %arg12[%get3A_129, %get3A_130] : memref<1x16xf32, #tpu.memory_space<vmem>>, vector<1x16xf32>
    %add3A_132 = vector.broadcast %get3A_131 : vector<1x16xf32> to vector<8x16xf32>
    %add3A_133 = arith.addf %mul3A_128, %add3A_132 : vector<8x16xf32>
    %get3A_134 = arith.constant 0 : index
    %get3A_135 = arith.constant 0 : index
    %get3A_136 = vector.load %arg13[%get3A_134, %get3A_135] : memref<1x1xf32, #tpu.memory_space<vmem>>, vector<1x1xf32>
    %get3A_137 = vector.extract %get3A_136[0, 0] : f32 from vector<1x1xf32>
    %max3A_138 = arith.constant 0.000000e+00 : f32
    %max3A_139 = vector.broadcast %max3A_138 : f32 to vector<8x16xf32>
    %max3A_140 = arith.maximumf %add3A_133, %max3A_139 : vector<8x16xf32>
    %min3A_141 = arith.constant 0.000000e+00 : f32
    %min3A_142 = vector.broadcast %min3A_141 : f32 to vector<8x16xf32>
    %min3A_143 = arith.minimumf %add3A_133, %min3A_142 : vector<8x16xf32>
    %mul3A_144 = vector.broadcast %get3A_137 : f32 to vector<8x16xf32>
    %mul3A_145 = arith.mulf %mul3A_144, %min3A_143 : vector<8x16xf32>
    %add3A_146 = arith.addf %max3A_140, %mul3A_145 : vector<8x16xf32>
    %swap3A_147 = arith.constant 0 : index
    %swap3A_148 = arith.constant 0 : index
    %swap3A_149 = vector.load %arg15[%swap3A_147, %swap3A_148] : memref<8x16xf32, #tpu.memory_space<vmem>>, vector<8x16xf32>
    tpu.vector_store %arg15[%swap3A_147, %swap3A_148], %add3A_146 {strides = array<i32>} : memref<8x16xf32, #tpu.memory_space<vmem>>, vector<8x16xf32>,
    return
  }
}

</mosaic_0001>

<sc_bundles>
// kernel: kernel.10.cloned.1.call-start
scs
__scs_entry_jumppad:
0x0: {  	(pc) =	sbr.rel $0x88, $3  }
0x1: {  	(tag) =	ssettag $0x0;
	lr =	simm.s32 $0x1  }
0x2: {  	[smem:$0x3F8C] =	sst lr;
	_ =	strace $0xD0000000  }
0x3: {  	_ = 	snop  }
0x4: {  	_ = 	snop  }
0x5: {  	_ = 	snop  }
0x6: {  	_ = 	snop  }
0x7: {  	_ = 	snop  }
__scs_overlays_trampoline_lowered:
0x8: {  	[smem:$0x3F9B] =	sst s0  }
0x9: {  	[smem:$0x3F9C] =	sst s1  }
0xa: {  	[smem:$0x3F9D] =	sst s2  }
0xb: {  	[smem:$0x3F9E] =	sst s3  }
0xc: {  	[smem:$0x3F9F] =	sst s4  }
0xd: {  	[smem:$0x3FA0] =	sst s5  }
0xe: {  	[smem:$0x3FA1] =	sst s6  }
0xf: {  	[smem:$0x3FA2] =	sst s7  }
0x10: {  	[smem:$0x3FA3] =	sst s8  }
0x11: {  	[smem:$0x3FA4] =	sst s9;
	s0 =	simm.s32 @!p0 $0x0  }
0x12: {  	s1 =	sld [smem:$0x3F8A];
	s0 =	simm.s32 @p0 $0x1  }
0x13: {  	[smem:$0x3FA5] =	sst s0;
	s0 =	simm.s32 @!p1 $0x0  }
0x14: {  	s2 =	sld [smem:$0x3F89];
	s0 =	simm.s32 @p1 $0x1  }
0x15: {  	[smem:$0x3FA6] =	sst s0;
	s0 =	simm.s32 @!p2 $0x0  }
0x16: {  	s3 =	sld [smem:$0x3FDB];
	s0 =	simm.s32 @p2 $0x1  }
0x17: {  	s4 =	simm.s32 $0x1BF5;
	[smem:$0x3FA8] =	sst s0  }
0x18: {  	s0 =	sld [smem:$0x3F8B];
	_ =	swait.ge [sflag:s4], $0x0  }
0x19: {  	s7 =	sld [smem:$0x3F8C]  }
0x1a: {  	s8 =	sadd.s32 $0xFFFFE003, lr  }
0x1b: {  	s9 =	sadd.s32 $0xFFFFFEF7, lr;
	s5 =	simm.s32 $0xFFFFFFFF;
	p2 =	slt.u32 s8, $0xFFFFF086  }
0x1c: {  	p1 =	slt.u32 s9, $0xF7A;
	s5 =	simm.s32 @!p2 $0x0  }
0x1d: {  	s5 =	simm.s32 @p1 $0x1;
	p0 =	seq.s32 s7, s2  }
0x1e: {  	s7 =	smul.u32 @!p0 $0xF7A, s2;
	p2 =	seq.s32 @!p0 s5, $0x0  }
0x1f: {  	s9 =	smul.u32 $0xF7A, s1;
	s8 =	simm.s32 @!p0 $0x1BF5;
	p2 =	por !p2, p0  }
0x20: {  	[sflag:s8] =	ssyncset.s32 @!p0 $0xFFFFF086;
	s6 =	sadd.s32 @!p0 s3, s7;
	s7 =	simm.s32 @!p0 $0x108  }
0x21: {  	s3 =	sadd.s32 s3, s9;
	s6 =	sadd.s32 @!p0 $0x88, s6;
	s7 =	simm.s32 @p2 $0x1082  }
0x22: {  	[simem:s7], [sflag:s8] =	dma.local @!p0 [hbm:s6], $0xF7A  }
0x23: {  	s9 =	sor.u32 $0xD0000000, s2;
	s6 =	simm.s32 $0x108;
	_ =	swait.ge @!p0 [sflag:s8], $0x0  }
0x24: {  	s3 =	sadd.s32 $0x88, s3;
	s6 =	simm.s32 @!p1 $0x1082;
	[sflag:s4] =	ssyncset.s32 $0xFFFFF086  }
0x25: {  	[simem:s6], [sflag:s4] =	dma.local [hbm:s3], $0xF7A  }
0x26: {  	[smem:$0x3F8C] =	sst s1;
	(tag) =	ssettag s2;
	_ =	strace s9  }
0x27: {  	s1 =	sld [smem:$0x3F9C]  }
0x28: {  	s2 =	sld [smem:$0x3F9D]  }
0x29: {  	s4 =	sld [smem:$0x3F9F]  }
0x2a: {  	p0 =	seq.s32 s5, $0x0;
	s5 =	sld [smem:$0x3FA0]  }
0x2b: {  	s6 =	sld [smem:$0x3FA1]  }
0x2c: {  	s7 =	sld [smem:$0x3FA2]  }
0x2d: {  	s3 =	simm.s32 $0x108;
	s8 =	sld [smem:$0x3FA3]  }
0x2e: {  	s3 =	simm.s32 @!p0 $0x1082;
	s9 =	sld [smem:$0x3FA4]  }
0x2f: {  	lr =	sadd.s32 s0, s3;
	s0 =	sld [smem:$0x3F9B]  }
0x30: {  	s3 =	sld [smem:$0x3F9E]  }
0x31: {  	[smem:$0x3FA7] =	sst s10  }
0x32: {  	s10 =	sld [smem:$0x3FA5];
	_ =	sdelay $0x3  }
0x33: {  	p0 =	seq.s32 s10, $0x1;
	s10 =	sld [smem:$0x3FA7];
	_ =	sdelay $0x3  }
0x34: {  	[smem:$0x3FA7] =	sst s10  }
0x35: {  	s10 =	sld [smem:$0x3FA6];
	_ =	sdelay $0x3  }
0x36: {  	p1 =	seq.s32 s10, $0x1;
	s10 =	sld [smem:$0x3FA7];
	_ =	sdelay $0x3  }
0x37: {  	[smem:$0x3FA7] =	sst s10  }
0x38: {  	s10 =	sld [smem:$0x3FA8]  }
0x39: {  	_ = 	snop;
	(pc) =	sbr.ind lr, $3  }
0x3a: {  	_ = 	snop  }
0x3b: {  	_ = 	snop  }
0x3c: {  	p2 =	seq.s32 s10, $0x1;
	s10 =	sld [smem:$0x3FA7]  }
0x3d: {  	_ =	shalt  }
0x3e: {  	_ =	shalt  }
0x3f: {  	_ =	shalt  }
0x40: {  	_ =	shalt  }
0x41: {  	_ =	shalt  }
0x42: {  	_ =	shalt  }
0x43: {  	_ =	shalt  }
0x44: {  	_ =	shalt  }
0x45: {  	_ =	shalt  }
0x46: {  	_ =	shalt  }
0x47: {  	_ =	shalt  }
0x48: {  	_ =	shalt  }
0x49: {  	_ =	shalt  }
0x4a: {  	_ =	shalt  }
0x4b: {  	_ =	shalt  }
0x4c: {  	_ =	shalt  }
0x4d: {  	_ =	shalt  }
0x4e: {  	_ =	shalt  }
0x4f: {  	_ =	shalt  }
0x50: {  	_ =	shalt  }
0x51: {  	_ =	shalt  }
0x52: {  	_ =	shalt  }
0x53: {  	_ =	shalt  }
0x54: {  	_ =	shalt  }
0x55: {  	_ =	shalt  }
0x56: {  	_ =	shalt  }
0x57: {  	_ =	shalt  }
0x58: {  	_ =	shalt  }
0x59: {  	_ =	shalt  }
0x5a: {  	_ =	shalt  }
0x5b: {  	_ =	shalt  }
0x5c: {  	_ =	shalt  }
0x5d: {  	_ =	shalt  }
0x5e: {  	_ =	shalt  }
0x5f: {  	_ =	shalt  }
0x60: {  	_ =	shalt  }
0x61: {  	_ =	shalt  }
0x62: {  	_ =	shalt  }
0x63: {  	_ =	shalt  }
0x64: {  	_ =	shalt  }
0x65: {  	_ =	shalt  }
0x66: {  	_ =	shalt  }
0x67: {  	_ =	shalt  }
0x68: {  	_ =	shalt  }
0x69: {  	_ =	shalt  }
0x6a: {  	_ =	shalt  }
0x6b: {  	_ =	shalt  }
0x6c: {  	_ =	shalt  }
0x6d: {  	_ =	shalt  }
0x6e: {  	_ =	shalt  }
0x6f: {  	_ =	shalt  }
0x70: {  	_ =	shalt  }
0x71: {  	_ =	shalt  }
0x72: {  	_ =	shalt  }
0x73: {  	_ =	shalt  }
0x74: {  	_ =	shalt  }
0x75: {  	_ =	shalt  }
0x76: {  	_ =	shalt  }
0x77: {  	_ =	shalt  }
0x78: {  	_ =	shalt  }
0x79: {  	_ =	shalt  }
0x7a: {  	_ =	shalt  }
0x7b: {  	_ =	shalt  }
0x7c: {  	_ =	shalt  }
0x7d: {  	_ =	shalt  }
0x7e: {  	_ =	shalt  }
0x7f: {  	_ =	shalt  }
0x80: {  	_ =	shalt  }
0x81: {  	_ =	shalt  }
0x82: {  	_ =	shalt  }
0x83: {  	_ =	shalt  }
0x84: {  	_ =	shalt  }
0x85: {  	_ =	shalt  }
0x86: {  	_ =	shalt  }
0x87: {  	_ =	shalt  }
.Lfunc_end0:
.L_simem_size_0:
called_computation.3_lowered:
.L_overlay_start_0:
0x88: {  	s2 =	sld [smem:$0x3FD9]  }
0x89: {  	s3 =	sld [smem:$0x3FFE];
	_ =	sdelay $0x1  }
0x8a: {  	s1 =	srdreg.scid  }
0x8b: {  	s0 =	sand.u32 $0x1, s1  }
0x8c: {  	s14 =	sshll.u32 s0, $0xA;
	s2 =	sadd.s32 s3, s2  }
0x8d: {  	s2 =	sadd.s32 s2, s14  }
0x8e: {  	[smem:$0x3FB3] =	sst s2  }
0x8f: {  	_ = 	snop  }
0x90: {  	s2 =	sld [smem:$0x3FD0];
	_ =	sdelay $0x2  }
0x91: {  	s15 =	simm.s32 $0xE;
	s4 =	simm.s32 $0x10  }
0x92: {  	[smem:s4], [sflag:s15] =	dma.local [hbm:s2], $0x1  }
0x93: {  	_ =	swait.eq [sflag:s15], $0x1  }
0x94: {  	[sflag:s15] =	ssyncset.done $0x0  }
0x95: {  	[sflag:s15] =	ssyncadd.s32 $0xFFFFFFFF  }
0x96: {  	s16 =	sld [smem:$0x11];
	(tm) =	ssettm $0x1  }
0x97: {  	s17 =	sld [smem:$0x3FFB];
	_ =	sdelay $0x3  }
0x98: {  	_ =	strace s17  }
0x99: {  	s3 =	sld [smem:$0x3FFC];
	_ =	sdelay $0x3  }
0x9a: {  	_ =	strace s3  }
0x9b: {  	s3 =	sld [smem:$0x3FFD];
	_ =	sdelay $0x3  }
0x9c: {  	_ =	strace s3  }
0x9d: {  	_ =	strace $0x8FFFFFFF  }
0x9e: {  	s18 =	sld [smem:$0x3FDB];
	_ =	sdelay $0x1  }
0x9f: {  	s19 =	simm.s32 $_scs_section_size  }
0xa0: {  	s5 =	simm.s32 $_size__tile_overlayer_lowered;
	s6 =	simm.s32 $_tile_overlayer_lowered  }
0xa1: {  	s22 =	simm.s32 $0x1BFF;
	s21 =	sshll.u32 s6, $0x1;
	s3 =	sadd.s32 s19, s18  }
0xa2: {  	s7 =	simm.s32 $0x0;
	s20 =	sshll.u32 s5, $0x1;
	s5 =	sadd.s32 s21, s3  }
0xa3: {  	[timem:s7], [sflag:s22] =	dma.local [hbm:s5], s20  }
0xa4: {  	_ =	swait.ge [sflag:s22], s20  }
0xa5: {  	s4 =	ssub.s32 $0x0, s20;
	[sflag:s22] =	ssyncset.done $0x0  }
0xa6: {  	[sflag:s22] =	ssyncadd.s32 s4;
	_ =	sdelay $0x1  }
0xa7: {  	s23 =	simm.s32 $0x1B8B  }
0xa8: {  	_ =	swait.ge [sflag:s23], $0x1  }
0xa9: {  	[sflag:s23] =	ssyncset.done $0x0  }
0xaa: {  	s25 =	simm.s32 $0x1B8E;
	s24 =	sld [smem:$0x3FFE];
	[sflag:s23] =	ssyncadd.s32 $0xFFFFFFFF  }
0xab: {  	s26 =	simm.s32 $execute0_lowered;
	[smem:$0x3FD2] =	sst s25  }
0xac: {  	s5 =	sshll.u32 s26, $0x1;
	_ =	strace $0x80000046;
	[dreg:$0x1] =	wrdreg $0xFFFFFFFF  }
0xad: {  	s28 =	simm.s32 $_size_execute0_lowered;
	s3 =	sadd.s32 s3, s5;
	[dreg:$0x0] =	wrdreg $0x0  }
0xae: {  	s5 =	sshll.u32 s28, $0x1;
	[dreg:$0x2] =	wrdreg s3  }
0xaf: {  	[dreg:$0x3] =	wrdreg s5  }
0xb0: {  	[dreg:$0x4] =	wrdreg $0xC0  }
0xb1: {  	_ =	task [dreg:s7], $0x5FFFF  }
0xb2: {  	[dreg:$0x1] =	wrdreg $0xFFFFFFFF  }
0xb3: {  	[dreg:$0x0] =	wrdreg $0x60  }
0xb4: {  	[dreg:$0x2] =	wrdreg s16  }
0xb5: {  	[dreg:$0x3] =	wrdreg s24  }
0xb6: {  	[dreg:$0x4] =	wrdreg $0xB  }
0xb7: {  	_ =	task.clear_ibuf [dreg:s7], $0x5FFFF;
	_ =	strace $0x90000046  }
0xb8: {  	s29 =	simm.s32 $0xB;
	_ =	strace $0x80000048  }
0xb9: {  	_ =	swait.ge [sflag:s29], $0x1  }
0xba: {  	[sflag:s29] =	ssyncadd.s32 $0xFFFFFFFF  }
0xbb: {  	_ =	strace $0x90000048  }
0xbc: {  	_ =	sfence  }
0xbd: {  	s30 =	sld [smem:$0x0];
	_ =	sdelay $0x2  }
0xbe: {  	s31 =	sshll.u32 s1, $0xD;
	s1 =	sshrl.u32 s1, $0x2  }
0xbf: {  	s3 =	sand.u32 $0x4000, s31;
	s1 =	sadd.s32 s1, s30  }
0xc0: {  	s0 =	sor.u32 s3, s0;
	s1 =	sshll.u32 s1, $0x11  }
0xc1: {  	s0 =	sor.u32 s1, s0  }
0xc2: {  	s0 =	sadd.s32 $0x8F2B, s0  }
0xc3: {  	[sflag:s0] =	ssyncadd.remote.s32 $0x1  }
0xc4: {  	_ =	sfence.sel $0xFFFF  }
0xc5: {  	[dreg:$0x0] =	wrdreg $0xFFFFFFFF;
	(pc) =	sbr.abs _section_cstart, $3  }
0xc6: {  	[dreg:$0x1] =	wrdreg $0xFFFFFFFF  }
0xc7: {  	_ =	task.clear_ibuf [dreg:s7], $0x2FFFF;
	_ =	strace $0x9FFFFFFF  }
0xc8: {  	(tm) =	ssettm $0x7FFFFFFF  }
0xc9: {  	_ =	shalt  }
tec
execute0_lowered:
.L_overlay_start_1:
0x0: {  	(tag) =	ssettag $0x1  }
0x1: {  	s1 =	rddreg [dreg:$0x0]  }
0x2: {  	s8 =	rddreg [dreg:$0x1]  }
0x3: {  	s0 =	rddreg [dreg:$0x2];
	s2 =	simm.s32 $0x0  }
0x4: {  	s3 =	srdreg.scid;
	s13 =	simm.s32 $0x50;
	s14 =	simm.s32 $0x100  }
0x5: {  	s15 =	simm.s32 $0x1;
	s16 =	simm.s32 $0x2900;
	s17 =	simm.s32 $0x5100  }
0x6: {  	s18 =	simm.s32 $0x7900;
	s19 =	simm.s32 $0xA100;
	s20 =	simm.s32 $0x0  }
0x7: {  	s25 =	simm.s32 $0x0;
	[smem:$0x7FF] =	sst s2;
	s4 =	sadd.s32 $0x18600, s8  }
0x8: {  	s7 =	sand.u32 $0x1, s3;
	s5 =	sadd.s32 $0xE800, s8;
	s3 =	stileid.u32  }
0x9: {  	s6 =	sadd.s32 $0x4A00, s8;
	s9 =	sshll.u32 s7, $0x4;
	s10 =	ssub.s32 $0x2, s7  }
0xa: {  	_ =	strace $0x80000047;
	s9 =	sor.u32 s3, s9;
	s12 =	sshrl.u32 s10, $0x1  }
0xb: {  	s7 =	sadd.s32 $0x521800, s8;
	s11 =	sshll.u32 s9, $0x5;
	s10 =	ssub.s32 s10, s12  }
0xc: {  	s12 =	simm.s32 $0x80;
	s11 =	sadd.s32 s11, s8;
	s8 =	smul.u32 $0x2710, s9  }
0xd: {  	v0 =	vimm.f32 $0.0e+00;
	s10 =	smax.u32 s10, $0x1;
	s9 =	sadd.s32 $0x3E00, s11;
	s11 =	simm.s32 $0x2  }
.LBB2_1:
0xe: {  	[tilespmem:$0xA100] =	vst v0  }
0xf: {  	[tilespmem:$0xA180] =	vst v0;
	s21 =	simm.s32 $0x0  }
.LBB2_2:
0x10: {  	s22 =	smul.u32 $0x50, s21;
	_ =	sdelay $0x1  }
0x11: {  	s22 =	sadd.s32 s8, s22  }
0x12: {  	s23 =	sshrl.u32 s22, $0x3  }
0x13: {  	s24 =	sadd.s32 s5, s23  }
0x14: {  	[tilespmem:s25], [sflag:$0x2] =	stream.linear.gather [hbm4b:s24+s25], $0x50, $0x38;
	[tilespmem:$0xA200] =	vst v63  }
0x15: {  	_ =	swait.ge [sflag:s11], $0x50  }
0x16: {  	[sflag:s11] =	ssyncset.done $0x0  }
0x17: {  	s23 =	sadd.s32 s6, s23;
	[sflag:s11] =	ssyncadd.s32 $0xFFFFFFB0  }
0x18: {  	[tilespmem:s12], [sflag:$0x2] =	stream.linear.gather [hbm4b:s23+s25], $0x50, $0x38;
	[tilespmem:$0xA200] =	vst v63  }
0x19: {  	_ =	swait.ge [sflag:s11], $0x50  }
0x1a: {  	[sflag:s11] =	ssyncset.done $0x0  }
0x1b: {  	[sflag:s11] =	ssyncadd.s32 $0xFFFFFFB0  }
0x1c: {  	[tilespmem:s14], [sflag:$0x1] =	stream.indirect.gather [hbm4b:s1+s13], $0x80, s25, s13, $0xb8;
	[tilespmem:$0xA200] =	vst v63  }
0x1d: {  	_ =	swait.ge [sflag:s15], $0x2800  }
0x1e: {  	[sflag:s15] =	ssyncset.done $0x0  }
0x1f: {  	[sflag:s15] =	ssyncadd.s32 $0xFFFFD800  }
0x20: {  	[tilespmem:s16], [sflag:$0x1] =	stream.indirect.gather [hbm4b:s1+s13], $0x80, s12, s13, $0xb8;
	[tilespmem:$0xA200] =	vst v63  }
0x21: {  	_ =	swait.ge [sflag:s15], $0x2800  }
0x22: {  	s22 =	sshll.u32 s22, $0x4;
	[sflag:s15] =	ssyncset.done $0x0  }
0x23: {  	s31 =	sadd.s32 s4, s22;
	[sflag:s15] =	ssyncadd.s32 $0xFFFFD800  }
0x24: {  	[tilespmem:s17], [sflag:$0x2] =	stream.linear.gather [hbm4b:s31+s25], $0x2800, $0x38;
	[tilespmem:$0xA200] =	vst v63  }
0x25: {  	_ =	swait.ge [sflag:s11], $0x2800  }
0x26: {  	[sflag:s11] =	ssyncset.done $0x0  }
0x27: {  	s24 =	simm.s32 $0x0;
	[sflag:s11] =	ssyncadd.s32 $0xFFFFD800  }
0x28: {  	s23 =	simm.s32 $0x200;
	v1 =	vld [tilespmem:s24+$0x2910]  }
.LBB2_3:
0x29: {  	p0 =	sne.s32 s23, $0x9E00;
	v2 =	vld [tilespmem:s24+$0x100]  }
0x2a: {  	v3 =	vld [tilespmem:s24+$0x5100];
	_ =	sdelay $0x3  }
0x2b: {  	v1 =	vadd.f32 v1, v2;
	_ =	sdelay $0x1  }
0x2c: {  	v1 =	vadd.f32 v3, v1;
	_ =	sdelay $0x1  }
0x2d: {  	[tilespmem:s24+$0x7900] =	vst v1;
	v2 =	vmul.f32 v1, v1  }
0x2e: {  	v3 =	vld [tilespmem:$0xA180]  }
0x2f: {  	v4 =	vld [tilespmem:$0xA100];
	_ =	sdelay $0x3  }
.Ltmp0:
0x30: {  	v2 =	vadd.f32 v3, v2;
	(pc) =	sbr.rel @p0 .LBB2_3-.Ltmp0, $4  }
0x31: {  	v1 =	vadd.f32 v4, v1  }
0x32: {  	[tilespmem:$0xA180] =	vst v2  }
0x33: {  	s24 =	sshra.s32 s23, $0x2;
	[tilespmem:$0xA100] =	vst v1  }
0x34: {  	s23 =	sadd.s32 $0x200, s23;
	v1 =	vld [tilespmem:s24+$0x2910]  }
0x35: {  	v2 =	vld [tilespmem:s24+$0x100];
	_ =	sdelay $0x1  }
0x36: {  	v3 =	vld [tilespmem:s24+$0x5100];
	_ =	sdelay $0x2  }
0x37: {  	v1 =	vadd.f32 v1, v2;
	_ =	sdelay $0x1  }
0x38: {  	v1 =	vadd.f32 v3, v1;
	_ =	sdelay $0x1  }
0x39: {  	[tilespmem:s24+$0x7900] =	vst v1  }
0x3a: {  	v2 =	vld [tilespmem:$0xA180]  }
0x3b: {  	v3 =	vld [tilespmem:$0xA100];
	_ =	sdelay $0x1  }
0x3c: {  	v4 =	vmul.f32 v1, v1;
	_ =	sdelay $0x1  }
0x3d: {  	v2 =	vadd.f32 v2, v4  }
0x3e: {  	s21 =	sadd.s32 $0x1, s21;
	v1 =	vadd.f32 v3, v1  }
0x3f: {  	p0 =	sne.s32 s21, $0x7D;
	[tilespmem:$0xA180] =	vst v2  }
.Ltmp1:
0x40: {  	s22 =	sadd.s32 s7, s22;
	[tilespmem:$0xA100] =	vst v1;
	(pc) =	sbr.rel @p0 .LBB2_2-.Ltmp1, $4  }
0x41: {  	[hbm4b:s22+s2] =	stream.linear.scatter [tilespmem:s18], [sflag:$0x2], $0x2800, $0x38;
	[tilespmem:$0xA200] =	vst v63  }
0x42: {  	_ =	swait.ge [sflag:s11], $0x2800  }
0x43: {  	[sflag:s11] =	ssyncset.done $0x0  }
0x44: {  	[sflag:s11] =	ssyncadd.s32 $0xFFFFD800  }
0x45: {  	s20 =	sadd.s32 $0x1, s20  }
0x46: {  	p0 =	sne.s32 s20, s10  }
.Ltmp2:
0x47: {  	_ = 	snop;
	(pc) =	sbr.rel @p0 .LBB2_1-.Ltmp2, $4  }
0x48: {  	[hbm4b:s9+s2] =	stream.linear.scatter [tilespmem:s19], [sflag:$0x2], $0x100, $0x38;
	[tilespmem:$0xA200] =	vst v63  }
0x49: {  	_ =	swait.ge [sflag:s11], $0x100  }
0x4a: {  	[sflag:s11] =	ssyncset.done $0x0  }
0x4b: {  	[sflag:s11] =	ssyncadd.s32 $0xFFFFFF00  }
0x4c: {  	_ =	sfence.sel $0x180000  }
0x4d: {  	[bflag:$0x0] =	sbarrier.arrive $0xFFFF  }
0x4e: {  	p0 =	sne.s32 s3, $0x0;
	_ =	strace $0x90000047  }
0x4f: {  	s0 =	sadd.s32 @!p0 $0x100000, s0;
	[bflag:$0x2] =	sbarrier.arrive $0xFFFF  }
0x50: {  	[sflag:s0] =	ssyncadd.tile.s32 @!p0 $0x1;
	_ =	shalt  }
.Lfunc_end2:
_tile_overlayer_lowered:
.L_overlay_start_2:
0x51: {  	(tag) =	ssettag $0x2  }
0x52: {  	s0 =	rddreg [dreg:$0x0];
	s2 =	stileid.u32  }
0x53: {  	s1 =	rddreg [dreg:$0x1];
	p0 =	sne.s32 s2, $0x0  }
0x54: {  	s3 =	rddreg [dreg:$0x2];
	[bflag:$0x3] =	sbarrier.arrive $0xFFFF;
	s2 =	simm.s32 @!p0 $0x1C02  }
0x55: {  	[timem:s3], [sflag:s2] =	dma.local @!p0 [hbm:s0], s1  }
0x56: {  	s0 =	simm.s32 @!p0 $0x2  }
0x57: {  	_ =	swait.ge @!p0 [sflag:s0], s1  }
0x58: {  	s1 =	ssub.s32 @!p0 $0x0, s1;
	[sflag:s0] =	ssyncset.done @!p0 $0x0  }
0x59: {  	[sflag:s0] =	ssyncadd.s32 @!p0 s1  }
0x5a: {  	[bflag:$0x3] =	sbarrier.arrive $0xFFFF  }
0x5b: {  	_ =	shalt  }

// kernel: kernel.13.cloned.1.call-start
scs
__scs_entry_jumppad:
0x0: {  	(pc) =	sbr.rel $0x88, $3  }
0x1: {  	(tag) =	ssettag $0x0;
	lr =	simm.s32 $0x1  }
0x2: {  	[smem:$0x3F8C] =	sst lr;
	_ =	strace $0xD0000000  }
0x3: {  	_ = 	snop  }
0x4: {  	_ = 	snop  }
0x5: {  	_ = 	snop  }
0x6: {  	_ = 	snop  }
0x7: {  	_ = 	snop  }
__scs_overlays_trampoline_lowered:
0x8: {  	[smem:$0x3F9B] =	sst s0  }
0x9: {  	[smem:$0x3F9C] =	sst s1  }
0xa: {  	[smem:$0x3F9D] =	sst s2  }
0xb: {  	[smem:$0x3F9E] =	sst s3  }
0xc: {  	[smem:$0x3F9F] =	sst s4  }
0xd: {  	[smem:$0x3FA0] =	sst s5  }
0xe: {  	[smem:$0x3FA1] =	sst s6  }
0xf: {  	[smem:$0x3FA2] =	sst s7  }
0x10: {  	[smem:$0x3FA3] =	sst s8  }
0x11: {  	[smem:$0x3FA4] =	sst s9;
	s0 =	simm.s32 @!p0 $0x0  }
0x12: {  	s1 =	sld [smem:$0x3F8A];
	s0 =	simm.s32 @p0 $0x1  }
0x13: {  	[smem:$0x3FA5] =	sst s0;
	s0 =	simm.s32 @!p1 $0x0  }
0x14: {  	s2 =	sld [smem:$0x3F89];
	s0 =	simm.s32 @p1 $0x1  }
0x15: {  	[smem:$0x3FA6] =	sst s0;
	s0 =	simm.s32 @!p2 $0x0  }
0x16: {  	s3 =	sld [smem:$0x3FDB];
	s0 =	simm.s32 @p2 $0x1  }
0x17: {  	s4 =	simm.s32 $0x1BF5;
	[smem:$0x3FA8] =	sst s0  }
0x18: {  	s0 =	sld [smem:$0x3F8B];
	_ =	swait.ge [sflag:s4], $0x0  }
0x19: {  	s7 =	sld [smem:$0x3F8C]  }
0x1a: {  	s8 =	sadd.s32 $0xFFFFE003, lr  }
0x1b: {  	s9 =	sadd.s32 $0xFFFFFEF7, lr;
	s5 =	simm.s32 $0xFFFFFFFF;
	p2 =	slt.u32 s8, $0xFFFFF086  }
0x1c: {  	p1 =	slt.u32 s9, $0xF7A;
	s5 =	simm.s32 @!p2 $0x0  }
0x1d: {  	s5 =	simm.s32 @p1 $0x1;
	p0 =	seq.s32 s7, s2  }
0x1e: {  	s7 =	smul.u32 @!p0 $0xF7A, s2;
	p2 =	seq.s32 @!p0 s5, $0x0  }
0x1f: {  	s9 =	smul.u32 $0xF7A, s1;
	s8 =	simm.s32 @!p0 $0x1BF5;
	p2 =	por !p2, p0  }
0x20: {  	[sflag:s8] =	ssyncset.s32 @!p0 $0xFFFFF086;
	s6 =	sadd.s32 @!p0 s3, s7;
	s7 =	simm.s32 @!p0 $0x108  }
0x21: {  	s3 =	sadd.s32 s3, s9;
	s6 =	sadd.s32 @!p0 $0x88, s6;
	s7 =	simm.s32 @p2 $0x1082  }
0x22: {  	[simem:s7], [sflag:s8] =	dma.local @!p0 [hbm:s6], $0xF7A  }
0x23: {  	s9 =	sor.u32 $0xD0000000, s2;
	s6 =	simm.s32 $0x108;
	_ =	swait.ge @!p0 [sflag:s8], $0x0  }
0x24: {  	s3 =	sadd.s32 $0x88, s3;
	s6 =	simm.s32 @!p1 $0x1082;
	[sflag:s4] =	ssyncset.s32 $0xFFFFF086  }
0x25: {  	[simem:s6], [sflag:s4] =	dma.local [hbm:s3], $0xF7A  }
0x26: {  	[smem:$0x3F8C] =	sst s1;
	(tag) =	ssettag s2;
	_ =	strace s9  }
0x27: {  	s1 =	sld [smem:$0x3F9C]  }
0x28: {  	s2 =	sld [smem:$0x3F9D]  }
0x29: {  	s4 =	sld [smem:$0x3F9F]  }
0x2a: {  	p0 =	seq.s32 s5, $0x0;
	s5 =	sld [smem:$0x3FA0]  }
0x2b: {  	s6 =	sld [smem:$0x3FA1]  }
0x2c: {  	s7 =	sld [smem:$0x3FA2]  }
0x2d: {  	s3 =	simm.s32 $0x108;
	s8 =	sld [smem:$0x3FA3]  }
0x2e: {  	s3 =	simm.s32 @!p0 $0x1082;
	s9 =	sld [smem:$0x3FA4]  }
0x2f: {  	lr =	sadd.s32 s0, s3;
	s0 =	sld [smem:$0x3F9B]  }
0x30: {  	s3 =	sld [smem:$0x3F9E]  }
0x31: {  	[smem:$0x3FA7] =	sst s10  }
0x32: {  	s10 =	sld [smem:$0x3FA5];
	_ =	sdelay $0x3  }
0x33: {  	p0 =	seq.s32 s10, $0x1;
	s10 =	sld [smem:$0x3FA7];
	_ =	sdelay $0x3  }
0x34: {  	[smem:$0x3FA7] =	sst s10  }
0x35: {  	s10 =	sld [smem:$0x3FA6];
	_ =	sdelay $0x3  }
0x36: {  	p1 =	seq.s32 s10, $0x1;
	s10 =	sld [smem:$0x3FA7];
	_ =	sdelay $0x3  }
0x37: {  	[smem:$0x3FA7] =	sst s10  }
0x38: {  	s10 =	sld [smem:$0x3FA8]  }
0x39: {  	_ = 	snop;
	(pc) =	sbr.ind lr, $3  }
0x3a: {  	_ = 	snop  }
0x3b: {  	_ = 	snop  }
0x3c: {  	p2 =	seq.s32 s10, $0x1;
	s10 =	sld [smem:$0x3FA7]  }
0x3d: {  	_ =	shalt  }
0x3e: {  	_ =	shalt  }
0x3f: {  	_ =	shalt  }
0x40: {  	_ =	shalt  }
0x41: {  	_ =	shalt  }
0x42: {  	_ =	shalt  }
0x43: {  	_ =	shalt  }
0x44: {  	_ =	shalt  }
0x45: {  	_ =	shalt  }
0x46: {  	_ =	shalt  }
0x47: {  	_ =	shalt  }
0x48: {  	_ =	shalt  }
0x49: {  	_ =	shalt  }
0x4a: {  	_ =	shalt  }
0x4b: {  	_ =	shalt  }
0x4c: {  	_ =	shalt  }
0x4d: {  	_ =	shalt  }
0x4e: {  	_ =	shalt  }
0x4f: {  	_ =	shalt  }
0x50: {  	_ =	shalt  }
0x51: {  	_ =	shalt  }
0x52: {  	_ =	shalt  }
0x53: {  	_ =	shalt  }
0x54: {  	_ =	shalt  }
0x55: {  	_ =	shalt  }
0x56: {  	_ =	shalt  }
0x57: {  	_ =	shalt  }
0x58: {  	_ =	shalt  }
0x59: {  	_ =	shalt  }
0x5a: {  	_ =	shalt  }
0x5b: {  	_ =	shalt  }
0x5c: {  	_ =	shalt  }
0x5d: {  	_ =	shalt  }
0x5e: {  	_ =	shalt  }
0x5f: {  	_ =	shalt  }
0x60: {  	_ =	shalt  }
0x61: {  	_ =	shalt  }
0x62: {  	_ =	shalt  }
0x63: {  	_ =	shalt  }
0x64: {  	_ =	shalt  }
0x65: {  	_ =	shalt  }
0x66: {  	_ =	shalt  }
0x67: {  	_ =	shalt  }
0x68: {  	_ =	shalt  }
0x69: {  	_ =	shalt  }
0x6a: {  	_ =	shalt  }
0x6b: {  	_ =	shalt  }
0x6c: {  	_ =	shalt  }
0x6d: {  	_ =	shalt  }
0x6e: {  	_ =	shalt  }
0x6f: {  	_ =	shalt  }
0x70: {  	_ =	shalt  }
0x71: {  	_ =	shalt  }
0x72: {  	_ =	shalt  }
0x73: {  	_ =	shalt  }
0x74: {  	_ =	shalt  }
0x75: {  	_ =	shalt  }
0x76: {  	_ =	shalt  }
0x77: {  	_ =	shalt  }
0x78: {  	_ =	shalt  }
0x79: {  	_ =	shalt  }
0x7a: {  	_ =	shalt  }
0x7b: {  	_ =	shalt  }
0x7c: {  	_ =	shalt  }
0x7d: {  	_ =	shalt  }
0x7e: {  	_ =	shalt  }
0x7f: {  	_ =	shalt  }
0x80: {  	_ =	shalt  }
0x81: {  	_ =	shalt  }
0x82: {  	_ =	shalt  }
0x83: {  	_ =	shalt  }
0x84: {  	_ =	shalt  }
0x85: {  	_ =	shalt  }
0x86: {  	_ =	shalt  }
0x87: {  	_ =	shalt  }
.Lfunc_end0:
.L_simem_size_0:
called_computation.4_lowered:
.L_overlay_start_0:
0x88: {  	s2 =	sld [smem:$0x3FD9]  }
0x89: {  	s3 =	sld [smem:$0x3FFE];
	_ =	sdelay $0x1  }
0x8a: {  	s1 =	srdreg.scid  }
0x8b: {  	s0 =	sand.u32 $0x1, s1  }
0x8c: {  	s14 =	sshll.u32 s0, $0xA;
	s2 =	sadd.s32 s3, s2  }
0x8d: {  	s2 =	sadd.s32 s2, s14  }
0x8e: {  	[smem:$0x3FB3] =	sst s2  }
0x8f: {  	_ = 	snop  }
0x90: {  	s2 =	sld [smem:$0x3FD0];
	_ =	sdelay $0x2  }
0x91: {  	s15 =	simm.s32 $0xE;
	s4 =	simm.s32 $0x10  }
0x92: {  	[smem:s4], [sflag:s15] =	dma.local [hbm:s2], $0x1  }
0x93: {  	_ =	swait.eq [sflag:s15], $0x1  }
0x94: {  	[sflag:s15] =	ssyncset.done $0x0  }
0x95: {  	[sflag:s15] =	ssyncadd.s32 $0xFFFFFFFF  }
0x96: {  	s16 =	sld [smem:$0x12];
	(tm) =	ssettm $0x1  }
0x97: {  	s17 =	sld [smem:$0x3FFB];
	_ =	sdelay $0x3  }
0x98: {  	_ =	strace s17  }
0x99: {  	s3 =	sld [smem:$0x3FFC];
	_ =	sdelay $0x3  }
0x9a: {  	_ =	strace s3  }
0x9b: {  	s3 =	sld [smem:$0x3FFD];
	_ =	sdelay $0x3  }
0x9c: {  	_ =	strace s3  }
0x9d: {  	_ =	strace $0x8FFFFFFF  }
0x9e: {  	s18 =	sld [smem:$0x3FDB];
	_ =	sdelay $0x1  }
0x9f: {  	s19 =	simm.s32 $_scs_section_size  }
0xa0: {  	s5 =	simm.s32 $_size__tile_overlayer_lowered;
	s6 =	simm.s32 $_tile_overlayer_lowered  }
0xa1: {  	s22 =	simm.s32 $0x1BFF;
	s21 =	sshll.u32 s6, $0x1;
	s3 =	sadd.s32 s19, s18  }
0xa2: {  	s7 =	simm.s32 $0x0;
	s20 =	sshll.u32 s5, $0x1;
	s5 =	sadd.s32 s21, s3  }
0xa3: {  	[timem:s7], [sflag:s22] =	dma.local [hbm:s5], s20  }
0xa4: {  	_ =	swait.ge [sflag:s22], s20  }
0xa5: {  	s4 =	ssub.s32 $0x0, s20;
	[sflag:s22] =	ssyncset.done $0x0  }
0xa6: {  	[sflag:s22] =	ssyncadd.s32 s4;
	_ =	sdelay $0x1  }
0xa7: {  	s23 =	simm.s32 $0x1B8B  }
0xa8: {  	_ =	swait.ge [sflag:s23], $0x1  }
0xa9: {  	[sflag:s23] =	ssyncset.done $0x0  }
0xaa: {  	s25 =	simm.s32 $0x1B8E;
	s24 =	sld [smem:$0x3FFE];
	[sflag:s23] =	ssyncadd.s32 $0xFFFFFFFF  }
0xab: {  	s26 =	simm.s32 $execute0_lowered;
	[smem:$0x3FD2] =	sst s25  }
0xac: {  	s5 =	sshll.u32 s26, $0x1;
	_ =	strace $0x80000058;
	[dreg:$0x1] =	wrdreg $0xFFFFFFFF  }
0xad: {  	s28 =	simm.s32 $_size_execute0_lowered;
	s3 =	sadd.s32 s3, s5;
	[dreg:$0x0] =	wrdreg $0x0  }
0xae: {  	s5 =	sshll.u32 s28, $0x1;
	[dreg:$0x2] =	wrdreg s3  }
0xaf: {  	[dreg:$0x3] =	wrdreg s5  }
0xb0: {  	[dreg:$0x4] =	wrdreg $0xC0  }
0xb1: {  	_ =	task [dreg:s7], $0x5FFFF  }
0xb2: {  	[dreg:$0x1] =	wrdreg $0xFFFFFFFF  }
0xb3: {  	[dreg:$0x0] =	wrdreg $0x60  }
0xb4: {  	[dreg:$0x2] =	wrdreg s24  }
0xb5: {  	[dreg:$0x3] =	wrdreg s16  }
0xb6: {  	[dreg:$0x4] =	wrdreg $0x6A000  }
0xb7: {  	[dreg:$0x5] =	wrdreg $0x9  }
0xb8: {  	_ =	task.clear_ibuf [dreg:s7], $0x6FFFF;
	_ =	strace $0x90000058  }
0xb9: {  	s29 =	simm.s32 $0x9;
	_ =	strace $0x8000005A  }
0xba: {  	_ =	swait.ge [sflag:s29], $0x1  }
0xbb: {  	[sflag:s29] =	ssyncadd.s32 $0xFFFFFFFF  }
0xbc: {  	_ =	strace $0x9000005A  }
0xbd: {  	_ =	sfence  }
0xbe: {  	s30 =	sld [smem:$0x0];
	_ =	sdelay $0x2  }
0xbf: {  	s31 =	sshll.u32 s1, $0xD;
	s1 =	sshrl.u32 s1, $0x2  }
0xc0: {  	s3 =	sand.u32 $0x4000, s31;
	s1 =	sadd.s32 s1, s30  }
0xc1: {  	s0 =	sor.u32 s3, s0;
	s1 =	sshll.u32 s1, $0x11  }
0xc2: {  	s0 =	sor.u32 s1, s0  }
0xc3: {  	s0 =	sadd.s32 $0x8F2B, s0  }
0xc4: {  	[sflag:s0] =	ssyncadd.remote.s32 $0x1  }
0xc5: {  	_ =	sfence.sel $0xFFFF  }
0xc6: {  	[dreg:$0x0] =	wrdreg $0xFFFFFFFF;
	(pc) =	sbr.abs _section_cstart, $3  }
0xc7: {  	[dreg:$0x1] =	wrdreg $0xFFFFFFFF  }
0xc8: {  	_ =	task.clear_ibuf [dreg:s7], $0x2FFFF;
	_ =	strace $0x9FFFFFFF  }
0xc9: {  	(tm) =	ssettm $0x7FFFFFFF  }
tec
execute0_lowered:
.L_overlay_start_1:
0x0: {  	(tag) =	ssettag $0x1  }
0x1: {  	s0 =	rddreg [dreg:$0x0]  }
0x2: {  	s2 =	rddreg [dreg:$0x2]  }
0x3: {  	s3 =	simm.s32 $0x0;
	s1 =	srdreg.scid;
	s15 =	stileid.u32  }
0x4: {  	s29 =	simm.s32 $0x2;
	s30 =	simm.s32 $0x5200;
	s31 =	simm.s32 $0x80  }
0x5: {  	s28 =	simm.s32 $0x1;
	[smem:$0x7FF] =	sst s3;
	s4 =	sadd.s32 $0x18600, s0  }
0x6: {  	s5 =	sadd.s32 $0xEE5800, s0;
	s6 =	sadd.s32 $0xE800, s0;
	s8 =	sadd.s32 $0x4A00, s0  }
0x7: {  	s0 =	sadd.s32 $0x40200, s0;
	s1 =	sand.u32 $0x1, s1;
	s10 =	smul.u32 $0x4E000, s15  }
0x8: {  	s22 =	smul.u32 $0x13800, s15;
	p0 =	sne.s32 s15, $0xF;
	_ =	strace $0x80000059  }
0x9: {  	s7 =	ssub.s32 $0x2, s1;
	s11 =	smul.u32 $0x138800, s1;
	s1 =	sshll.u32 s1, $0x4  }
0xa: {  	s9 =	sshrl.u32 s7, $0x1;
	s1 =	sor.u32 s15, s1;
	s13 =	sshrl.u32 s10, $0x2  }
0xb: {  	s7 =	ssub.s32 s7, s9;
	s12 =	sshrl.u32 s11, $0x3;
	s9 =	sadd.s32 $0x138000, s2  }
0xc: {  	s10 =	smul.u32 $0x2710, s1;
	s1 =	sadd.s32 s22, s11;
	s11 =	simm.s32 $0x0  }
0xd: {  	s12 =	sadd.s32 s0, s12;
	s21 =	smax.u32 s7, $0x1;
	s1 =	sshrl.u32 s1, $0x3  }
0xe: {  	s20 =	sadd.s32 $0x27000, s12;
	s12 =	sadd.s32 s13, s2;
	[dreg:$0x5] =	wrdreg s21  }
0xf: {  	s7 =	simm.s32 $0x2900;
	[dreg:$0x4] =	wrdreg s20;
	s23 =	sadd.s32 $0x3000, s12  }
0x10: {  	s14 =	sadd.s32 $0x1800, s12;
	s24 =	sadd.s32 $0x4800, s12;
	[dreg:$0x6] =	wrdreg s23  }
0x11: {  	s25 =	sadd.s32 $0x6000, s12;
	s26 =	sadd.s32 $0x7800, s12;
	[dreg:$0x7] =	wrdreg s24  }
0x12: {  	s19 =	sadd.s32 $0x9000, s12;
	s20 =	sadd.s32 $0xA800, s12;
	[dreg:$0x8] =	wrdreg s25  }
0x13: {  	s21 =	sadd.s32 $0xC000, s12;
	s22 =	sadd.s32 $0xD800, s12;
	[dreg:$0x9] =	wrdreg s26  }
0x14: {  	s23 =	sadd.s32 $0xF000, s12;
	s24 =	sadd.s32 s1, s0;
	s25 =	sadd.s32 $0x10800, s12  }
0x15: {  	v0 =	vimm.f32 $0.0e+00;
	s26 =	sadd.s32 $0x12000, s12;
	s0 =	simm.s32 $0x50;
	s1 =	simm.s32 $0x100  }
.LBB2_1:
0x16: {  	s13 =	rddreg [dreg:$0x1];
	s15 =	simm.s32 $0x5100  }
0x17: {  	[tilespmem:s15], [sflag:$0x2] =	stream.linear.gather [hbm4b:s13+s3], $0x100, $0x38;
	[tilespmem:$0x1A280] =	vst v63  }
0x18: {  	_ =	swait.ge [sflag:s29], $0x100  }
0x19: {  	[sflag:s29] =	ssyncset.done $0x0  }
0x1a: {  	s13 =	simm.s32 $0x0;
	s15 =	simm.s32 $0x200;
	[sflag:s29] =	ssyncadd.s32 $0xFFFFFF00  }
.LBB2_2:
0x1b: {  	p1 =	sne.s32 s15, $0x5E00;
	[tilespmem:s13+$0x5270] =	vst v0  }
0x1c: {  	[tilespmem:s13+$0x5200] =	vst v0  }
0x1d: {  	[tilespmem:s13+$0x5210] =	vst v0  }
.Ltmp0:
0x1e: {  	[tilespmem:s13+$0x5220] =	vst v0;
	(pc) =	sbr.rel @p1 .LBB2_2-.Ltmp0, $4  }
0x1f: {  	[tilespmem:s13+$0x5230] =	vst v0  }
0x20: {  	[tilespmem:s13+$0x5240] =	vst v0  }
0x21: {  	[tilespmem:s13+$0x5250] =	vst v0  }
0x22: {  	[tilespmem:s13+$0x5260] =	vst v0;
	s13 =	sshra.s32 s15, $0x2;
	s15 =	sadd.s32 $0x200, s15  }
0x23: {  	[tilespmem:s13+$0x5270] =	vst v0  }
0x24: {  	[tilespmem:s13+$0x5200] =	vst v0  }
0x25: {  	[tilespmem:s13+$0x5210] =	vst v0  }
0x26: {  	[tilespmem:s13+$0x5220] =	vst v0  }
0x27: {  	[tilespmem:s13+$0x5230] =	vst v0  }
0x28: {  	[tilespmem:s13+$0x5240] =	vst v0  }
0x29: {  	[tilespmem:s13+$0x5250] =	vst v0  }
0x2a: {  	[tilespmem:s13+$0x5260] =	vst v0  }
0x2b: {  	[spmem:s12] =	stream.linear.scatter [tilespmem:s30], [sflag:$0x2], $0x1800, $0x38;
	[tilespmem:$0x1A280] =	vst v63  }
0x2c: {  	_ =	swait.ge [sflag:s29], $0x1800  }
0x2d: {  	[sflag:s29] =	ssyncset.done $0x0  }
0x2e: {  	[sflag:s29] =	ssyncadd.s32 $0xFFFFE800  }
0x2f: {  	[spmem:s14] =	stream.linear.scatter [tilespmem:s30], [sflag:$0x2], $0x1800, $0x38;
	[tilespmem:$0x1A280] =	vst v63  }
0x30: {  	_ =	swait.ge [sflag:s29], $0x1800  }
0x31: {  	[sflag:s29] =	ssyncset.done $0x0  }
0x32: {  	s15 =	rddreg [dreg:$0x6];
	[sflag:s29] =	ssyncadd.s32 $0xFFFFE800  }
0x33: {  	[spmem:s15] =	stream.linear.scatter [tilespmem:s30], [sflag:$0x2], $0x1800, $0x38;
	[tilespmem:$0x1A280] =	vst v63  }
0x34: {  	_ =	swait.ge [sflag:s29], $0x1800  }
0x35: {  	[sflag:s29] =	ssyncset.done $0x0  }
0x36: {  	s16 =	rddreg [dreg:$0x7];
	[sflag:s29] =	ssyncadd.s32 $0xFFFFE800  }
0x37: {  	[spmem:s16] =	stream.linear.scatter [tilespmem:s30], [sflag:$0x2], $0x1800, $0x38;
	[tilespmem:$0x1A280] =	vst v63  }
0x38: {  	_ =	swait.ge [sflag:s29], $0x1800  }
0x39: {  	[sflag:s29] =	ssyncset.done $0x0  }
0x3a: {  	s17 =	rddreg [dreg:$0x8];
	[sflag:s29] =	ssyncadd.s32 $0xFFFFE800  }
0x3b: {  	[spmem:s17] =	stream.linear.scatter [tilespmem:s30], [sflag:$0x2], $0x1800, $0x38;
	[tilespmem:$0x1A280] =	vst v63  }
0x3c: {  	_ =	swait.ge [sflag:s29], $0x1800  }
0x3d: {  	[sflag:s29] =	ssyncset.done $0x0  }
0x3e: {  	s18 =	rddreg [dreg:$0x9];
	[sflag:s29] =	ssyncadd.s32 $0xFFFFE800  }
0x3f: {  	[spmem:s18] =	stream.linear.scatter [tilespmem:s30], [sflag:$0x2], $0x1800, $0x38;
	[tilespmem:$0x1A280] =	vst v63  }
0x40: {  	_ =	swait.ge [sflag:s29], $0x1800  }
0x41: {  	[sflag:s29] =	ssyncset.done $0x0  }
0x42: {  	[sflag:s29] =	ssyncadd.s32 $0xFFFFE800  }
0x43: {  	[spmem:s19] =	stream.linear.scatter [tilespmem:s30], [sflag:$0x2], $0x1800, $0x38;
	[tilespmem:$0x1A280] =	vst v63  }
0x44: {  	_ =	swait.ge [sflag:s29], $0x1800  }
0x45: {  	[sflag:s29] =	ssyncset.done $0x0  }
0x46: {  	[sflag:s29] =	ssyncadd.s32 $0xFFFFE800  }
0x47: {  	[spmem:s20] =	stream.linear.scatter [tilespmem:s30], [sflag:$0x2], $0x1800, $0x38;
	[tilespmem:$0x1A280] =	vst v63  }
0x48: {  	_ =	swait.ge [sflag:s29], $0x1800  }
0x49: {  	[sflag:s29] =	ssyncset.done $0x0  }
0x4a: {  	[sflag:s29] =	ssyncadd.s32 $0xFFFFE800  }
0x4b: {  	[spmem:s21] =	stream.linear.scatter [tilespmem:s30], [sflag:$0x2], $0x1800, $0x38;
	[tilespmem:$0x1A280] =	vst v63  }
0x4c: {  	_ =	swait.ge [sflag:s29], $0x1800  }
0x4d: {  	[sflag:s29] =	ssyncset.done $0x0  }
0x4e: {  	[sflag:s29] =	ssyncadd.s32 $0xFFFFE800  }
0x4f: {  	[spmem:s22] =	stream.linear.scatter [tilespmem:s30], [sflag:$0x2], $0x1800, $0x38;
	[tilespmem:$0x1A280] =	vst v63  }
0x50: {  	_ =	swait.ge [sflag:s29], $0x1800  }
0x51: {  	[sflag:s29] =	ssyncset.done $0x0  }
0x52: {  	[sflag:s29] =	ssyncadd.s32 $0xFFFFE800  }
0x53: {  	[spmem:s23] =	stream.linear.scatter [tilespmem:s30], [sflag:$0x2], $0x1800, $0x38;
	[tilespmem:$0x1A280] =	vst v63  }
0x54: {  	_ =	swait.ge [sflag:s29], $0x1800  }
0x55: {  	[sflag:s29] =	ssyncset.done $0x0  }
0x56: {  	[sflag:s29] =	ssyncadd.s32 $0xFFFFE800  }
0x57: {  	[spmem:s25] =	stream.linear.scatter [tilespmem:s30], [sflag:$0x2], $0x1800, $0x38;
	[tilespmem:$0x1A280] =	vst v63  }
0x58: {  	_ =	swait.ge [sflag:s29], $0x1800  }
0x59: {  	[sflag:s29] =	ssyncset.done $0x0  }
0x5a: {  	[sflag:s29] =	ssyncadd.s32 $0xFFFFE800  }
0x5b: {  	[spmem:s26] =	stream.linear.scatter [tilespmem:s30], [sflag:$0x2], $0x1800, $0x38;
	[tilespmem:$0x1A280] =	vst v63  }
0x5c: {  	_ =	swait.ge [sflag:s29], $0x1800  }
0x5d: {  	[sflag:s29] =	ssyncset.done $0x0  }
0x5e: {  	s13 =	simm.s32 @!p0 $0x5200;
	[sflag:s29] =	ssyncadd.s32 $0xFFFFE800  }
0x5f: {  	[spmem:s9] =	stream.linear.scatter @!p0 [tilespmem:s13], [sflag:$0x2], $0x800, $0x38;
	[tilespmem:$0x1A280] =	vst v63  }
0x60: {  	s13 =	simm.s32 @!p0 $0x2  }
0x61: {  	_ =	swait.ge @!p0 [sflag:s13], $0x800  }
0x62: {  	[sflag:s13] =	ssyncset.done @!p0 $0x0  }
0x63: {  	[sflag:s13] =	ssyncadd.s32 @!p0 $0xFFFFF800  }
0x64: {  	[bflag:$0x0] =	sbarrier.arrive $0xFFFF  }
0x65: {  	v2 =	vld [tilespmem:$0x5180];
	_ =	sdelay $0x1  }
0x66: {  	v1 =	vld [tilespmem:$0x5100]  }
0x67: {  	s15 =	simm.s32 $0x0;
	s13 =	simm.s32 $0x0  }
.LBB2_4:
0x68: {  	s16 =	smul.u32 $0x50, s15;
	_ =	sdelay $0x1  }
0x69: {  	s16 =	sadd.s32 s10, s16  }
0x6a: {  	s17 =	sshrl.u32 s16, $0x3  }
0x6b: {  	s18 =	sadd.s32 s6, s17  }
0x6c: {  	[tilespmem:s13], [sflag:$0x2] =	stream.linear.gather [hbm4b:s18+s13], $0x50, $0x38;
	[tilespmem:$0x1A280] =	vst v63  }
0x6d: {  	_ =	swait.ge [sflag:s29], $0x50  }
0x6e: {  	[sflag:s29] =	ssyncset.done $0x0  }
0x6f: {  	s17 =	sadd.s32 s8, s17;
	[sflag:s29] =	ssyncadd.s32 $0xFFFFFFB0  }
0x70: {  	[tilespmem:s31], [sflag:$0x2] =	stream.linear.gather [hbm4b:s17+s13], $0x50, $0x38;
	[tilespmem:$0x1A280] =	vst v63  }
0x71: {  	_ =	swait.ge [sflag:s29], $0x50  }
0x72: {  	[sflag:s29] =	ssyncset.done $0x0  }
0x73: {  	[sflag:s29] =	ssyncadd.s32 $0xFFFFFFB0  }
0x74: {  	[tilespmem:s1], [sflag:$0x1] =	stream.indirect.gather [hbm4b:s4+s0], $0x80, s31, s0, $0xb8;
	[tilespmem:$0x1A280] =	vst v63  }
0x75: {  	_ =	swait.ge [sflag:s28], $0x2800  }
0x76: {  	s16 =	sshll.u32 s16, $0x4;
	[sflag:s28] =	ssyncset.done $0x0  }
0x77: {  	s16 =	sadd.s32 s5, s16;
	[sflag:s28] =	ssyncadd.s32 $0xFFFFD800  }
0x78: {  	[tilespmem:s7], [sflag:$0x2] =	stream.linear.gather [hbm4b:s16+s13], $0x2800, $0x38;
	[tilespmem:$0x1A280] =	vst v63  }
0x79: {  	_ =	swait.ge [sflag:s29], $0x2800  }
0x7a: {  	[sflag:s29] =	ssyncset.done $0x0  }
0x7b: {  	s16 =	simm.s32 $0x0;
	[sflag:s29] =	ssyncadd.s32 $0xFFFFD800  }
0x7c: {  	v5 =	vld [tilespmem:s16+$0x170]  }
0x7d: {  	v6 =	vld [tilespmem:s16+$0x2960]  }
0x7e: {  	v7 =	vld [tilespmem:s16+$0x160]  }
0x7f: {  	v8 =	vld [tilespmem:s16+$0x130]  }
0x80: {  	v9 =	vld [tilespmem:s16+$0x2970]  }
0x81: {  	v10 =	vld [tilespmem:s16+$0x2930]  }
0x82: {  	v13 =	vld [tilespmem:s16+$0x100]  }
0x83: {  	v15 =	vld [tilespmem:s16+$0x2900]  }
0x84: {  	v3 =	vld [tilespmem:s16+$0x140];
	v7 =	vadd.f32 v6, v7  }
0x85: {  	v4 =	vld [tilespmem:s16+$0x110]  }
0x86: {  	v6 =	vld [tilespmem:s16+$0x150];
	v14 =	vmul.f32 v7, v1;
	v7 =	vand.u32 $0x7FFFFFFF, v7  }
0x87: {  	v5 =	vadd.f32 v9, v5;
	v16 =	vadd.f32 v10, v8;
	v8 =	vld [tilespmem:s16+$0x2950];
	v17 =	vmul.f32 v7, v2  }
0x88: {  	v9 =	vld [tilespmem:s16+$0x2910];
	v13 =	vadd.f32 v15, v13  }
0x89: {  	v10 =	vld [tilespmem:s16+$0x2940];
	v11 =	vmul.f32 v5, v1;
	v7 =	vand.u32 $0x7FFFFFFF, v5;
	v14 =	vadd.f32 v17, v14  }
0x8a: {  	s17 =	simm.s32 $0x200;
	v15 =	vand.u32 $0x7FFFFFFF, v16;
	v5 =	vld [tilespmem:s16+$0x120];
	v12 =	vmul.f32 v7, v2;
	v7 =	vmul.f32 v16, v1  }
.LBB2_5:
0x8b: {  	s18 =	sshra.s32 s17, $0x2;
	p1 =	sne.s32 s17, $0x9E00;
	s17 =	sadd.s32 $0x200, s17;
	v16 =	vld [tilespmem:s16+$0x2920];
	[tilespmem:s16+$0x2960] =	vst v14  }
0x8c: {  	v15 =	vmul.f32 v15, v2;
	v14 =	vld [tilespmem:s18+$0x170];
	v6 =	vadd.f32 v8, v6;
	v8 =	vadd.f32 v12, v11  }
0x8d: {  	v12 =	vand.u32 $0x7FFFFFFF, v13;
	v11 =	vld [tilespmem:s18+$0x2960];
	v4 =	vadd.f32 v9, v4  }
0x8e: {  	v13 =	vmul.f32 v13, v1;
	v9 =	vld [tilespmem:s18+$0x160];
	v10 =	vadd.f32 v10, v3;
	v17 =	vand.u32 $0x7FFFFFFF, v6;
	[tilespmem:s16+$0x2970] =	vst v8  }
0x8f: {  	v7 =	vadd.f32 v15, v7;
	v6 =	vmul.f32 v6, v1;
	v8 =	vld [tilespmem:s18+$0x130];
	v18 =	vand.u32 $0x7FFFFFFF, v4  }
0x90: {  	v12 =	vmul.f32 v12, v2;
	v4 =	vmul.f32 v4, v1;
	v15 =	vld [tilespmem:s18+$0x2970];
	v19 =	vand.u32 $0x7FFFFFFF, v10  }
0x91: {  	v18 =	vmul.f32 v18, v2;
	v5 =	vadd.f32 v16, v5;
	v3 =	vld [tilespmem:s18+$0x140];
	[tilespmem:s16+$0x2930] =	vst v7;
	v7 =	vmul.f32 v17, v2  }
0x92: {  	v12 =	vadd.f32 v12, v13;
	v10 =	vmul.f32 v10, v1;
	v16 =	vld [tilespmem:s18+$0x2930]  }
0x93: {  	v17 =	vadd.f32 v18, v4;
	v18 =	vmul.f32 v19, v2;
	v13 =	vld [tilespmem:s18+$0x100];
	v7 =	vadd.f32 v7, v6  }
0x94: {  	v19 =	vmul.f32 v5, v1;
	v5 =	vand.u32 $0x7FFFFFFF, v5;
	v9 =	vadd.f32 v11, v9;
	v4 =	vld [tilespmem:s18+$0x110];
	[tilespmem:s16+$0x2900] =	vst v12  }
0x95: {  	v5 =	vmul.f32 v5, v2;
	v10 =	vadd.f32 v18, v10;
	v20 =	vld [tilespmem:s18+$0x2900];
	v11 =	vadd.f32 v15, v14;
	[tilespmem:s16+$0x2910] =	vst v17  }
.Ltmp1:
0x96: {  	v14 =	vmul.f32 v9, v1;
	v9 =	vand.u32 $0x7FFFFFFF, v9;
	v6 =	vld [tilespmem:s18+$0x150];
	[tilespmem:s16+$0x2950] =	vst v7;
	(pc) =	sbr.rel @p1 .LBB2_5-.Ltmp1, $4  }
0x97: {  	v15 =	vadd.f32 v16, v8;
	v8 =	vld [tilespmem:s18+$0x2950];
	v16 =	vmul.f32 v9, v2;
	v7 =	vand.u32 $0x7FFFFFFF, v11;
	[tilespmem:s16+$0x2940] =	vst v10  }
0x98: {  	v17 =	vadd.f32 v5, v19;
	v11 =	vmul.f32 v11, v1;
	v9 =	vld [tilespmem:s18+$0x2910];
	v12 =	vmul.f32 v7, v2  }
0x99: {  	v7 =	vmul.f32 v15, v1;
	v10 =	vld [tilespmem:s18+$0x2940];
	v14 =	vadd.f32 v16, v14  }
0x9a: {  	v15 =	vand.u32 $0x7FFFFFFF, v15;
	v13 =	vadd.f32 v20, v13;
	v5 =	vld [tilespmem:s18+$0x120];
	[tilespmem:s16+$0x2920] =	vst v17;
	s16 =	smov.u32 s18  }
0x9b: {  	v16 =	vld [tilespmem:s16+$0x2920];
	v53 =	vmul.f32 v15, v2  }
0x9c: {  	v11 =	vadd.f32 v12, v11;
	v6 =	vadd.f32 v8, v6;
	v54 =	vand.u32 $0x7FFFFFFF, v13  }
0x9d: {  	v55 =	vmul.f32 v13, v1;
	v4 =	vadd.f32 v9, v4;
	v7 =	vadd.f32 v53, v7  }
0x9e: {  	v58 =	vmul.f32 v54, v2;
	v3 =	vadd.f32 v10, v3;
	v56 =	vand.u32 $0x7FFFFFFF, v6  }
0x9f: {  	v6 =	vmul.f32 v6, v1;
	v57 =	vand.u32 $0x7FFFFFFF, v4;
	v4 =	vmul.f32 v4, v1  }
0xa0: {  	[tilespmem:s16+$0x2960] =	vst v14;
	v10 =	vmul.f32 v56, v2;
	v8 =	vadd.f32 v58, v55;
	v5 =	vadd.f32 v16, v5  }
0xa1: {  	[tilespmem:s16+$0x2970] =	vst v11;
	v59 =	vand.u32 $0x7FFFFFFF, v3;
	v13 =	vmul.f32 v57, v2;
	v3 =	vmul.f32 v3, v1  }
0xa2: {  	[tilespmem:s16+$0x2930] =	vst v7;
	v60 =	vmul.f32 v59, v2;
	v6 =	vadd.f32 v10, v6;
	v61 =	vand.u32 $0x7FFFFFFF, v5  }
0xa3: {  	[tilespmem:s16+$0x2900] =	vst v8;
	v4 =	vadd.f32 v13, v4;
	v5 =	vmul.f32 v5, v1;
	v62 =	vmul.f32 v61, v2  }
0xa4: {  	v3 =	vadd.f32 v60, v3;
	[tilespmem:s16+$0x2950] =	vst v6  }
0xa5: {  	s15 =	sadd.s32 $0x1, s15;
	[tilespmem:s16+$0x2910] =	vst v4;
	v63 =	vadd.f32 v62, v5  }
0xa6: {  	p1 =	sne.s32 s15, $0x7D;
	[tilespmem:s16+$0x2940] =	vst v3  }
.Ltmp2:
0xa7: {  	[tilespmem:s16+$0x2920] =	vst v63;
	(pc) =	sbr.rel @p1 .LBB2_4-.Ltmp2, $4  }
0xa8: {  	[spmem:s2] =	stream.indirect.scatter.add.f32 [tilespmem:s7], [sflag:$0x2], $0x80, s3, s0, $0xb8;
	[tilespmem:$0x1A280] =	vst v63  }
0xa9: {  	_ =	swait.ge [sflag:s29], $0x2800  }
0xaa: {  	[sflag:s29] =	ssyncset.done $0x0  }
0xab: {  	[sflag:s29] =	ssyncadd.s32 $0xFFFFD800  }
0xac: {  	s13 =	stileid.u32  }
0xad: {  	[bflag:$0x0] =	sbarrier.arrive $0xFFFF;
	s13 =	sshll.u32 s13, $0x6  }
0xae: {  	s15 =	sadd.s32 $0x0, s24;
	s16 =	sshrl.u32 s12, $0x3;
	s13 =	sor.u32 $0x1C02, s13  }
0xaf: {  	[hbm:s15], [sflag:s13] =	dma.local [spmem:s16], $0x300  }
0xb0: {  	s15 =	simm.s32 $0x300;
	s16 =	smov.u32 s14;
	_ =	swait.ge [sflag:s29], $0x300  }
.LBB2_8:
0xb1: {  	s17 =	sadd.s32 s15, s24;
	[sflag:s29] =	ssyncset.done $0x0;
	p1 =	sne.s32 s15, $0x2400  }
.Ltmp3:
0xb2: {  	s18 =	sshrl.u32 s16, $0x3;
	[sflag:s29] =	ssyncadd.s32 $0xFFFFFD00;
	(pc) =	sbr.rel @p1 .LBB2_8-.Ltmp3, $3  }
0xb3: {  	[hbm:s17], [sflag:s13] =	dma.local [spmem:s18], $0x300  }
0xb4: {  	s15 =	sadd.s32 $0x300, s15;
	_ =	sdelay $0x1  }
0xb5: {  	s16 =	sadd.s32 $0x1800, s16;
	_ =	swait.ge [sflag:s29], $0x300  }
0xb6: {  	[sflag:s29] =	ssyncset.done $0x0;
	s13 =	sshrl.u32 @!p0 s9, $0x3  }
0xb7: {  	s15 =	simm.s32 @!p0 $0x1FC2;
	s16 =	rddreg [dreg:$0x4];
	[sflag:s29] =	ssyncadd.s32 $0xFFFFFD00  }
0xb8: {  	[hbm:s16], [sflag:s15] =	dma.local @!p0 [spmem:s13], $0x100  }
0xb9: {  	s13 =	simm.s32 @!p0 $0x2  }
0xba: {  	_ =	swait.ge @!p0 [sflag:s13], $0x100  }
0xbb: {  	s11 =	sadd.s32 $0x1, s11;
	s18 =	rddreg [dreg:$0x5]  }
0xbc: {  	p1 =	sne.s32 s11, s18  }
.Ltmp4:
0xbd: {  	_ = 	snop;
	(pc) =	sbr.rel @p1 .LBB2_1-.Ltmp4, $3  }
0xbe: {  	_ =	sdelay $0x1  }
0xbf: {  	[sflag:s13] =	ssyncset.done @!p0 $0x0  }
0xc0: {  	[sflag:s13] =	ssyncadd.s32 @!p0 $0xFFFFFF00  }
0xc1: {  	_ =	sfence.sel $0x180000  }
0xc2: {  	[bflag:$0x0] =	sbarrier.arrive $0xFFFF  }
0xc3: {  	_ =	strace $0x90000059  }
0xc4: {  	s0 =	stileid.u32;
	[bflag:$0x2] =	sbarrier.arrive $0xFFFF  }
0xc5: {  	p0 =	sne.s32 s0, $0x0;
	s0 =	rddreg [dreg:$0x3]  }
0xc6: {  	s0 =	sadd.s32 @!p0 $0x100000, s0  }
0xc7: {  	[sflag:s0] =	ssyncadd.tile.s32 @!p0 $0x1;
	_ =	shalt  }
.Lfunc_end2:
_tile_overlayer_lowered:
.L_overlay_start_2:
0xc8: {  	(tag) =	ssettag $0x2  }
0xc9: {  	s0 =	rddreg [dreg:$0x0];
	s2 =	stileid.u32  }
0xca: {  	s1 =	rddreg [dreg:$0x1];
	p0 =	sne.s32 s2, $0x0  }
0xcb: {  	s3 =	rddreg [dreg:$0x2];
	[bflag:$0x3] =	sbarrier.arrive $0xFFFF;
	s2 =	simm.s32 @!p0 $0x1C02  }
0xcc: {  	[timem:s3], [sflag:s2] =	dma.local @!p0 [hbm:s0], s1  }
0xcd: {  	s0 =	simm.s32 @!p0 $0x2  }
0xce: {  	_ =	swait.ge @!p0 [sflag:s0], s1  }
0xcf: {  	s1 =	ssub.s32 @!p0 $0x0, s1;
	[sflag:s0] =	ssyncset.done @!p0 $0x0  }
0xd0: {  	[sflag:s0] =	ssyncadd.s32 @!p0 s1  }
0xd1: {  	[bflag:$0x3] =	sbarrier.arrive $0xFFFF  }
0xd2: {  	_ =	shalt  }

// kernel: scatter_offload_async_start.1
scs
__scs_entry_jumppad:
0x0: {  	(pc) =	sbr.rel $0x88, $3  }
0x1: {  	(tag) =	ssettag $0x0;
	lr =	simm.s32 $0x1  }
0x2: {  	[smem:$0x3F8C] =	sst lr;
	_ =	strace $0xD0000000  }
0x3: {  	_ = 	snop  }
0x4: {  	_ = 	snop  }
0x5: {  	_ = 	snop  }
0x6: {  	_ = 	snop  }
0x7: {  	_ = 	snop  }
__scs_overlays_trampoline_lowered:
0x8: {  	[smem:$0x3F9B] =	sst s0  }
0x9: {  	[smem:$0x3F9C] =	sst s1  }
0xa: {  	[smem:$0x3F9D] =	sst s2  }
0xb: {  	[smem:$0x3F9E] =	sst s3  }
0xc: {  	[smem:$0x3F9F] =	sst s4  }
0xd: {  	[smem:$0x3FA0] =	sst s5  }
0xe: {  	[smem:$0x3FA1] =	sst s6  }
0xf: {  	[smem:$0x3FA2] =	sst s7  }
0x10: {  	[smem:$0x3FA3] =	sst s8  }
0x11: {  	[smem:$0x3FA4] =	sst s9;
	s0 =	simm.s32 @!p0 $0x0  }
0x12: {  	s1 =	sld [smem:$0x3F8A];
	s0 =	simm.s32 @p0 $0x1  }
0x13: {  	[smem:$0x3FA5] =	sst s0;
	s0 =	simm.s32 @!p1 $0x0  }
0x14: {  	s2 =	sld [smem:$0x3F89];
	s0 =	simm.s32 @p1 $0x1  }
0x15: {  	[smem:$0x3FA6] =	sst s0;
	s0 =	simm.s32 @!p2 $0x0  }
0x16: {  	s3 =	sld [smem:$0x3FDB];
	s0 =	simm.s32 @p2 $0x1  }
0x17: {  	s4 =	simm.s32 $0x1BF5;
	[smem:$0x3FA8] =	sst s0  }
0x18: {  	s0 =	sld [smem:$0x3F8B];
	_ =	swait.ge [sflag:s4], $0x0  }
0x19: {  	s7 =	sld [smem:$0x3F8C]  }
0x1a: {  	s8 =	sadd.s32 $0xFFFFE003, lr  }
0x1b: {  	s9 =	sadd.s32 $0xFFFFFEF7, lr;
	s5 =	simm.s32 $0xFFFFFFFF;
	p2 =	slt.u32 s8, $0xFFFFF086  }
0x1c: {  	p1 =	slt.u32 s9, $0xF7A;
	s5 =	simm.s32 @!p2 $0x0  }
0x1d: {  	s5 =	simm.s32 @p1 $0x1;
	p0 =	seq.s32 s7, s2  }
0x1e: {  	s7 =	smul.u32 @!p0 $0xF7A, s2;
	p2 =	seq.s32 @!p0 s5, $0x0  }
0x1f: {  	s9 =	smul.u32 $0xF7A, s1;
	s8 =	simm.s32 @!p0 $0x1BF5;
	p2 =	por !p2, p0  }
0x20: {  	[sflag:s8] =	ssyncset.s32 @!p0 $0xFFFFF086;
	s6 =	sadd.s32 @!p0 s3, s7;
	s7 =	simm.s32 @!p0 $0x108  }
0x21: {  	s3 =	sadd.s32 s3, s9;
	s6 =	sadd.s32 @!p0 $0x88, s6;
	s7 =	simm.s32 @p2 $0x1082  }
0x22: {  	[simem:s7], [sflag:s8] =	dma.local @!p0 [hbm:s6], $0xF7A  }
0x23: {  	s9 =	sor.u32 $0xD0000000, s2;
	s6 =	simm.s32 $0x108;
	_ =	swait.ge @!p0 [sflag:s8], $0x0  }
0x24: {  	s3 =	sadd.s32 $0x88, s3;
	s6 =	simm.s32 @!p1 $0x1082;
	[sflag:s4] =	ssyncset.s32 $0xFFFFF086  }
0x25: {  	[simem:s6], [sflag:s4] =	dma.local [hbm:s3], $0xF7A  }
0x26: {  	[smem:$0x3F8C] =	sst s1;
	(tag) =	ssettag s2;
	_ =	strace s9  }
0x27: {  	s1 =	sld [smem:$0x3F9C]  }
0x28: {  	s2 =	sld [smem:$0x3F9D]  }
0x29: {  	s4 =	sld [smem:$0x3F9F]  }
0x2a: {  	p0 =	seq.s32 s5, $0x0;
	s5 =	sld [smem:$0x3FA0]  }
0x2b: {  	s6 =	sld [smem:$0x3FA1]  }
0x2c: {  	s7 =	sld [smem:$0x3FA2]  }
0x2d: {  	s3 =	simm.s32 $0x108;
	s8 =	sld [smem:$0x3FA3]  }
0x2e: {  	s3 =	simm.s32 @!p0 $0x1082;
	s9 =	sld [smem:$0x3FA4]  }
0x2f: {  	lr =	sadd.s32 s0, s3;
	s0 =	sld [smem:$0x3F9B]  }
0x30: {  	s3 =	sld [smem:$0x3F9E]  }
0x31: {  	[smem:$0x3FA7] =	sst s10  }
0x32: {  	s10 =	sld [smem:$0x3FA5];
	_ =	sdelay $0x3  }
0x33: {  	p0 =	seq.s32 s10, $0x1;
	s10 =	sld [smem:$0x3FA7];
	_ =	sdelay $0x3  }
0x34: {  	[smem:$0x3FA7] =	sst s10  }
0x35: {  	s10 =	sld [smem:$0x3FA6];
	_ =	sdelay $0x3  }
0x36: {  	p1 =	seq.s32 s10, $0x1;
	s10 =	sld [smem:$0x3FA7];
	_ =	sdelay $0x3  }
0x37: {  	[smem:$0x3FA7] =	sst s10  }
0x38: {  	s10 =	sld [smem:$0x3FA8]  }
0x39: {  	_ = 	snop;
	(pc) =	sbr.ind lr, $3  }
0x3a: {  	_ = 	snop  }
0x3b: {  	_ = 	snop  }
0x3c: {  	p2 =	seq.s32 s10, $0x1;
	s10 =	sld [smem:$0x3FA7]  }
0x3d: {  	_ =	shalt  }
0x3e: {  	_ =	shalt  }
0x3f: {  	_ =	shalt  }
0x40: {  	_ =	shalt  }
0x41: {  	_ =	shalt  }
0x42: {  	_ =	shalt  }
0x43: {  	_ =	shalt  }
0x44: {  	_ =	shalt  }
0x45: {  	_ =	shalt  }
0x46: {  	_ =	shalt  }
0x47: {  	_ =	shalt  }
0x48: {  	_ =	shalt  }
0x49: {  	_ =	shalt  }
0x4a: {  	_ =	shalt  }
0x4b: {  	_ =	shalt  }
0x4c: {  	_ =	shalt  }
0x4d: {  	_ =	shalt  }
0x4e: {  	_ =	shalt  }
0x4f: {  	_ =	shalt  }
0x50: {  	_ =	shalt  }
0x51: {  	_ =	shalt  }
0x52: {  	_ =	shalt  }
0x53: {  	_ =	shalt  }
0x54: {  	_ =	shalt  }
0x55: {  	_ =	shalt  }
0x56: {  	_ =	shalt  }
0x57: {  	_ =	shalt  }
0x58: {  	_ =	shalt  }
0x59: {  	_ =	shalt  }
0x5a: {  	_ =	shalt  }
0x5b: {  	_ =	shalt  }
0x5c: {  	_ =	shalt  }
0x5d: {  	_ =	shalt  }
0x5e: {  	_ =	shalt  }
0x5f: {  	_ =	shalt  }
0x60: {  	_ =	shalt  }
0x61: {  	_ =	shalt  }
0x62: {  	_ =	shalt  }
0x63: {  	_ =	shalt  }
0x64: {  	_ =	shalt  }
0x65: {  	_ =	shalt  }
0x66: {  	_ =	shalt  }
0x67: {  	_ =	shalt  }
0x68: {  	_ =	shalt  }
0x69: {  	_ =	shalt  }
0x6a: {  	_ =	shalt  }
0x6b: {  	_ =	shalt  }
0x6c: {  	_ =	shalt  }
0x6d: {  	_ =	shalt  }
0x6e: {  	_ =	shalt  }
0x6f: {  	_ =	shalt  }
0x70: {  	_ =	shalt  }
0x71: {  	_ =	shalt  }
0x72: {  	_ =	shalt  }
0x73: {  	_ =	shalt  }
0x74: {  	_ =	shalt  }
0x75: {  	_ =	shalt  }
0x76: {  	_ =	shalt  }
0x77: {  	_ =	shalt  }
0x78: {  	_ =	shalt  }
0x79: {  	_ =	shalt  }
0x7a: {  	_ =	shalt  }
0x7b: {  	_ =	shalt  }
0x7c: {  	_ =	shalt  }
0x7d: {  	_ =	shalt  }
0x7e: {  	_ =	shalt  }
0x7f: {  	_ =	shalt  }
0x80: {  	_ =	shalt  }
0x81: {  	_ =	shalt  }
0x82: {  	_ =	shalt  }
0x83: {  	_ =	shalt  }
0x84: {  	_ =	shalt  }
0x85: {  	_ =	shalt  }
0x86: {  	_ =	shalt  }
0x87: {  	_ =	shalt  }
.Lfunc_end0:
.L_simem_size_0:
called_computation.1_lowered:
.L_overlay_start_0:
0x88: {  	s0 =	sld [smem:$0x3FD9]  }
0x89: {  	s1 =	sld [smem:$0x3FFE];
	_ =	sdelay $0x3  }
0x8a: {  	s0 =	sadd.s32 s1, s0  }
0x8b: {  	[smem:$0x3FB3] =	sst s0  }
0x8c: {  	_ = 	snop  }
0x8d: {  	(tm) =	ssettm $0x1  }
0x8e: {  	s14 =	sld [smem:$0x3FFB];
	_ =	sdelay $0x3  }
0x8f: {  	_ =	strace s14  }
0x90: {  	s0 =	sld [smem:$0x3FFC];
	_ =	sdelay $0x3  }
0x91: {  	_ =	strace s0  }
0x92: {  	s0 =	sld [smem:$0x3FFD];
	_ =	sdelay $0x3  }
0x93: {  	_ =	strace s0  }
0x94: {  	_ =	strace $0x8FFFFFFF  }
0x95: {  	s15 =	sld [smem:$0x3FDB];
	_ =	sdelay $0x1  }
0x96: {  	s16 =	simm.s32 $_scs_section_size  }
0x97: {  	s2 =	simm.s32 $_size__tile_overlayer_lowered;
	s3 =	simm.s32 $_tile_overlayer_lowered  }
0x98: {  	s4 =	simm.s32 $0x1BFF;
	s17 =	sshll.u32 s3, $0x1;
	s1 =	sadd.s32 s16, s15  }
0x99: {  	s18 =	simm.s32 $0x0;
	s2 =	sshll.u32 s2, $0x1;
	s3 =	sadd.s32 s17, s1  }
0x9a: {  	[timem:s18], [sflag:s4] =	dma.local [hbm:s3], s2  }
0x9b: {  	_ =	swait.ge [sflag:s4], s2  }
0x9c: {  	s2 =	ssub.s32 $0x0, s2;
	[sflag:s4] =	ssyncset.done $0x0  }
0x9d: {  	[sflag:s4] =	ssyncadd.s32 s2;
	_ =	sdelay $0x1  }
0x9e: {  	s19 =	simm.s32 $0x1B8B  }
0x9f: {  	_ =	swait.ge [sflag:s19], $0x1  }
0xa0: {  	[sflag:s19] =	ssyncset.done $0x0  }
0xa1: {  	s21 =	simm.s32 $0x1B8E;
	s20 =	sld [smem:$0x3FFE];
	[sflag:s19] =	ssyncadd.s32 $0xFFFFFFFF  }
0xa2: {  	s22 =	simm.s32 $execute0_lowered;
	[smem:$0x3FD2] =	sst s21  }
0xa3: {  	s3 =	sshll.u32 s22, $0x1;
	_ =	strace $0x8000004F;
	[dreg:$0x1] =	wrdreg $0xFFFFFFFF  }
0xa4: {  	s23 =	simm.s32 $_size_execute0_lowered;
	s3 =	sadd.s32 s1, s3;
	[dreg:$0x0] =	wrdreg $0x0  }
0xa5: {  	s4 =	sshll.u32 s23, $0x1;
	[dreg:$0x2] =	wrdreg s3  }
0xa6: {  	[dreg:$0x3] =	wrdreg s4  }
0xa7: {  	[dreg:$0x4] =	wrdreg $0xC0  }
0xa8: {  	s24 =	simm.s32 $execute1_lowered;
	_ =	task [dreg:s18], $0x5FFFF  }
0xa9: {  	s3 =	sshll.u32 s24, $0x1;
	[dreg:$0x1] =	wrdreg $0xFFFFFFFF  }
0xaa: {  	s1 =	sadd.s32 s1, s3;
	[dreg:$0x0] =	wrdreg $0x60  }
0xab: {  	[dreg:$0x2] =	wrdreg s1  }
0xac: {  	[dreg:$0x3] =	wrdreg s20  }
0xad: {  	[dreg:$0x4] =	wrdreg $0xB  }
0xae: {  	_ =	task.clear_ibuf [dreg:s18], $0x5FFFF;
	_ =	strace $0x9000004F  }
0xaf: {  	s25 =	simm.s32 $0xB;
	_ =	strace $0x80000051  }
0xb0: {  	_ =	swait.ge [sflag:s25], $0x1  }
0xb1: {  	[sflag:s25] =	ssyncadd.s32 $0xFFFFFFFF  }
0xb2: {  	_ =	strace $0x90000051  }
0xb3: {  	_ =	strace $0x80000052;
	[dreg:$0x1] =	wrdreg $0xFFFFFFFF  }
0xb4: {  	[dreg:$0x0] =	wrdreg $0x2030  }
0xb5: {  	[dreg:$0x2] =	wrdreg s20  }
0xb6: {  	[dreg:$0x3] =	wrdreg $0xC  }
0xb7: {  	_ =	task.clear_ibuf [dreg:s18], $0x4FFFF;
	_ =	strace $0x90000052  }
0xb8: {  	s26 =	simm.s32 $0xC;
	_ =	strace $0x80000054  }
0xb9: {  	_ =	swait.ge [sflag:s26], $0x1  }
0xba: {  	[sflag:s26] =	ssyncadd.s32 $0xFFFFFFFF  }
0xbb: {  	_ =	strace $0x90000054  }
0xbc: {  	_ =	sfence  }
0xbd: {  	s28 =	sld [smem:$0x0];
	_ =	sdelay $0x1  }
0xbe: {  	s29 =	srdreg.scid  }
0xbf: {  	s30 =	sshll.u32 s29, $0xD;
	s31 =	sshrl.u32 s29, $0x2  }
0xc0: {  	s2 =	sand.u32 $0x1, s29;
	s3 =	sand.u32 $0x4000, s30;
	s1 =	sadd.s32 s31, s28  }
0xc1: {  	s2 =	sor.u32 s3, s2;
	s1 =	sshll.u32 s1, $0x11  }
0xc2: {  	s1 =	sor.u32 s1, s2  }
0xc3: {  	s1 =	sadd.s32 $0x8F2B, s1  }
0xc4: {  	[sflag:s1] =	ssyncadd.remote.s32 $0x1  }
0xc5: {  	_ =	sfence.sel $0xFFFF  }
0xc6: {  	[dreg:$0x0] =	wrdreg $0xFFFFFFFF;
	(pc) =	sbr.abs _section_cstart, $3  }
0xc7: {  	[dreg:$0x1] =	wrdreg $0xFFFFFFFF  }
0xc8: {  	_ =	task.clear_ibuf [dreg:s18], $0x2FFFF;
	_ =	strace $0x9FFFFFFF  }
0xc9: {  	(tm) =	ssettm $0x7FFFFFFF  }
tec
execute0_lowered:
.L_overlay_start_1:
0x0: {  	(tag) =	ssettag $0x1  }
0x1: {  	s2 =	rddreg [dreg:$0x0]  }
0x2: {  	s4 =	rddreg [dreg:$0x1]  }
0x3: {  	s0 =	rddreg [dreg:$0x2];
	s3 =	stileid.u32  }
0x4: {  	[bflag:$0x3] =	sbarrier.arrive $0xFFFF;
	s1 =	simm.s32 $_size_execute1_lowered;
	p0 =	sne.s32 s3, $0x0  }
0x5: {  	s1 =	sshll.u32 s1, $0x1;
	s5 =	simm.s32 @!p0 $0x1C3F;
	s6 =	simm.s32 @!p0 $0x4060  }
0x6: {  	[timem:s6], [sflag:s5] =	dma.local @!p0 [hbm:s2], s1  }
0x7: {  	s2 =	smul.u32 $0x280, s3  }
.Ltmp0:
0x8: {  	s31 =	simm.s32 $0x2;
	s7 =	simm.s32 $0x280;
	(pc) =	sbr.rel .LBB2_1-.Ltmp0, $4  }
0x9: {  	s8 =	simm.s32 $0x780;
	s10 =	simm.s32 $0x0;
	s9 =	simm.s32 $0x0  }
0xa: {  	s3 =	simm.s32 $0x1;
	_ =	strace $0x80000050;
	s30 =	sshrl.u32 s2, $0x3  }
0xb: {  	s6 =	simm.s32 $0x0;
	[sflag:s3] =	ssyncpa.u1 $0x0;
	s5 =	sadd.s32 s30, s4  }
0xc: {  	s4 =	sadd.s32 $0x18800, s4;
	[sflag:s31] =	ssyncpa.u1 $0x0;
	s5 =	sadd.s32 $0x4400, s5  }
.LBB2_8:
0xd: {  	p1 =	seq.s32 s9, $0x2  }
.Ltmp1:
0xe: {  	_ = 	snop;
	(pc) =	sbr.rel @p1 .LBB2_10-.Ltmp1, $1  }
0xf: {  	_ =	sdelay $0x3  }
.LBB2_9:
0x10: {  	s9 =	sadd.s32 $0x1, s9;
	s10 =	smov.u32 s2  }
.LBB2_1:
0x11: {  	p1 =	sne.s32 s9, $0x0  }
.Ltmp2:
0x12: {  	_ = 	snop;
	(pc) =	sbr.rel @!p1 .LBB2_2-.Ltmp2, $1  }
0x13: {  	_ =	sdelay $0x3  }
0x14: {  	s11 =	sand.u32 $0x1, s9  }
0x15: {  	p1 =	seq.s32 s11, $0x0  }
.Ltmp3:
0x16: {  	_ = 	snop;
	(pc) =	sbr.rel @p1 .LBB2_8-.Ltmp3, $1  }
0x17: {  	_ =	sdelay $0x3  }
0x18: {  	_ =	swait.ge [sflag:s3], $0x280  }
0x19: {  	[sflag:s3] =	ssyncset.done $0x0  }
0x1a: {  	s11 =	simm.s32 $0x0;
	p1 =	por $0x1, $0x1;
	[sflag:s3] =	ssyncadd.s32 $0xFFFFFD80  }
.LBB2_5:
0x1b: {  	v0 =	vld [tilespmem:s11+$0x280]  }
0x1c: {  	v1 =	vld [tilespmem:s11+$0x290]  }
0x1d: {  	v2 =	vld [tilespmem:s11+$0x2A0]  }
0x1e: {  	v3 =	vld [tilespmem:s11+$0x2B0]  }
0x1f: {  	v4 =	vld [tilespmem:s11+$0x2C0]  }
0x20: {  	v53 =	vld [tilespmem:s11+$0x2D0];
	[tilespmem:s11+$0x780] =	vst v0  }
0x21: {  	v54 =	vld [tilespmem:s11+$0x2E0];
	[tilespmem:s11+$0x790] =	vst v1  }
0x22: {  	v55 =	vld [tilespmem:s11+$0x2F0];
	[tilespmem:s11+$0x7A0] =	vst v2  }
0x23: {  	v56 =	vld [tilespmem:s11+$0x300];
	[tilespmem:s11+$0x7B0] =	vst v3  }
0x24: {  	v57 =	vld [tilespmem:s11+$0x310];
	[tilespmem:s11+$0x7C0] =	vst v4  }
0x25: {  	v58 =	vld [tilespmem:s11+$0x320];
	[tilespmem:s11+$0x7D0] =	vst v53  }
0x26: {  	v59 =	vld [tilespmem:s11+$0x330];
	[tilespmem:s11+$0x7E0] =	vst v54  }
0x27: {  	v60 =	vld [tilespmem:s11+$0x340];
	[tilespmem:s11+$0x7F0] =	vst v55  }
0x28: {  	v61 =	vld [tilespmem:s11+$0x350];
	[tilespmem:s11+$0x800] =	vst v56  }
0x29: {  	v62 =	vld [tilespmem:s11+$0x360];
	[tilespmem:s11+$0x810] =	vst v57  }
0x2a: {  	v63 =	vld [tilespmem:s11+$0x370];
	p2 =	por p1, p1;
	[tilespmem:s11+$0x820] =	vst v58  }
.Ltmp4:
0x2b: {  	[tilespmem:s11+$0x830] =	vst v59;
	(pc) =	sbr.rel @p2 .LBB2_5-.Ltmp4, $4  }
0x2c: {  	[tilespmem:s11+$0x840] =	vst v60  }
0x2d: {  	[tilespmem:s11+$0x850] =	vst v61  }
0x2e: {  	s12 =	simm.s32 $0x1F0;
	s13 =	simm.s32 $0x980;
	[tilespmem:s11+$0x860] =	vst v62  }
0x2f: {  	s14 =	simm.s32 $0x480;
	p1 =	por $0x0, $0x0;
	[tilespmem:s11+$0x870] =	vst v63;
	s11 =	simm.s32 $0x100  }
.LBB2_6:
0x30: {  	s12 =	sadd.s32 $0x10, s12  }
0x31: {  	v0 =	vld [tilespmem:s14+$0x0];
	p1 =	slt.u32 s12, $0x270  }
.Ltmp5:
0x32: {  	_ = 	snop;
	(pc) =	sbr.rel @p1 .LBB2_6-.Ltmp5, $2  }
0x33: {  	_ =	sdelay $0x2  }
0x34: {  	s14 =	sadd.s32 $0x10, s14;
	[tilespmem:s13+$0x0] =	vst v0;
	s13 =	sadd.s32 $0x10, s13  }
.Ltmp6:
0x35: {  	(pc) =	sbr.rel .LBB2_8-.Ltmp6, $4  }
0x36: {  	_ = 	snop  }
0x37: {  	s10 =	sshrl.u32 s10, $0x3  }
0x38: {  	s10 =	sadd.s32 s4, s10  }
0x39: {  	[hbm4b:s10+s6] =	stream.linear.scatter [tilespmem:s8], [sflag:$0x2], $0x280, $0x38;
	[tilespmem:$0xA00] =	vst v63  }
.LBB2_2:
.Ltmp7:
0x3a: {  	(pc) =	sbr.rel .LBB2_9-.Ltmp7, $2  }
0x3b: {  	_ =	sdelay $0x2  }
0x3c: {  	[tilespmem:s7], [sflag:$0x1] =	stream.linear.gather [hbm4b:s5+s6], $0x280, $0x38;
	[tilespmem:$0xA00] =	vst v63  }
.LBB2_10:
0x3d: {  	s2 =	simm.s32 $0x2  }
0x3e: {  	_ =	swait.ge [sflag:s2], $0x280  }
0x3f: {  	[sflag:s2] =	ssyncset.done $0x0  }
0x40: {  	[sflag:s2] =	ssyncadd.s32 $0xFFFFFD80  }
0x41: {  	_ =	sfence.sel $0x180000  }
0x42: {  	s3 =	simm.s32 $0x1;
	[bflag:$0x0] =	sbarrier.arrive $0xFFFF  }
0x43: {  	[sflag:s3] =	ssyncpa.u1 $0x1  }
0x44: {  	[sflag:s2] =	ssyncpa.u1 $0x1  }
0x45: {  	_ =	strace $0x90000050  }
0x46: {  	s0 =	sadd.s32 @!p0 $0x100000, s0;
	[bflag:$0x2] =	sbarrier.arrive $0xFFFF  }
0x47: {  	[sflag:s0] =	ssyncadd.tile.s32 @!p0 $0x1;
	s0 =	simm.s32 @!p0 $0x3F  }
0x48: {  	_ =	swait.ge @!p0 [sflag:s0], s1  }
0x49: {  	s1 =	ssub.s32 @!p0 $0x0, s1;
	[sflag:s0] =	ssyncset.done @!p0 $0x0  }
0x4a: {  	[sflag:s0] =	ssyncadd.s32 @!p0 s1  }
0x4b: {  	[bflag:$0x3] =	sbarrier.arrive $0xFFFF  }
0x4c: {  	_ =	shalt  }
.Lfunc_end2:
execute1_lowered:
.L_overlay_start_2:
0x4d: {  	(tag) =	ssettag $0x2  }
0x4e: {  	s0 =	rddreg [dreg:$0x0];
	_ =	strace $0x80000053;
	s15 =	stileid.u32  }
0x4f: {  	s2 =	simm.s32 $0x1;
	s1 =	smin.u32 s15, $0x8;
	s3 =	sshll.u32 s15, $0x1  }
0x50: {  	v1 =	vimm.s32 $0xFFFFFFFF;
	[sflag:s2] =	ssyncpa.u1 $0x0;
	s1 =	sadd.s32 s1, s3  }
0x51: {  	p0 =	slt.u32 s15, $0x8;
	[tilespmem:$0x10] =	vst v1;
	s4 =	smul.u32 $0x1F40, s1;
	s1 =	simm.s32 $0x5DC0  }
0x52: {  	v0 =	vimm.f32 $0.0e+00;
	[tilespmem:$0x20] =	vst v1;
	s1 =	simm.s32 @!p0 $0x3E80  }
0x53: {  	[tilespmem:$0x30] =	vst v0;
	s1 =	sadd.s32 s1, s4  }
0x54: {  	[tilespmem:$0x40] =	vst v0;
	s5 =	smin.u32 s1, $0x4E200  }
0x55: {  	s7 =	simm.s32 $0x2;
	s8 =	simm.s32 $0x8;
	[tilespmem:$0x50] =	vst v0;
	s9 =	ssub.s32 s5, s4  }
0x56: {  	s31 =	simm.s32 $0x9;
	s16 =	simm.s32 $0x0;
	[tilespmem:$0x60] =	vst v1;
	p0 =	sgt.s32 s9, $0x0  }
0x57: {  	s17 =	simm.s32 $0xF0;
	s18 =	simm.s32 $0xFFFFFFFF;
	[tilespmem:$0x70] =	vst v1;
	s9 =	simm.s32 @!p0 $0x0  }
0x58: {  	s19 =	simm.s32 $0xFFFFC280;
	s20 =	simm.s32 $0xFFFFFFFE;
	[tilespmem:$0x80] =	vst v1;
	s30 =	smulhi.u32 $0x10624DD3, s9  }
0x59: {  	s21 =	simm.s32 $0xF;
	s25 =	simm.s32 $0x0;
	s24 =	simm.s32 $0x0;
	v1 =	vimm.s32 $0x0;
	[tilespmem:$0xB0] =	vst v0  }
0x5a: {  	s6 =	sadd.s32 $0xA17400, s0;
	s15 =	sshllo.u32 s15, $0x1;
	[tilespmem:$0x90] =	vst v1;
	s10 =	sshrl.u32 s30, $0x9  }
0x5b: {  	[tilespmem:$0xA0] =	vst v1;
	[sflag:s7] =	ssyncpa.u1 $0x0;
	s7 =	simm.s32 $0x7;
	s11 =	smul.u32 $0x1F40, s10  }
.Ltmp8:
0x5c: {  	s13 =	sor.u32 $0x80, s3;
	[sflag:s7] =	ssyncpa.u1 $0x0;
	(pc) =	sbr.rel .LBB3_1-.Ltmp8, $4  }
0x5d: {  	s14 =	sor.u32 $0x81, s3;
	[sflag:s8] =	ssyncpa.u1 $0x0;
	p0 =	sne.s32 s9, s11  }
0x5e: {  	s23 =	smov.u32 s4;
	s1 =	sadd.s32 $0x18800, s0;
	s2 =	simm.s32 @!p0 $0x0  }
0x5f: {  	vm0 =	vmmov $0xffff;
	v2 =	vlaneseq.u32;
	[sflag:s31] =	ssyncpa.u1 $0x0;
	s9 =	sadd.s32 $0xA21200, s0;
	s10 =	sadd.s32 s2, s10  }
0x60: {  	vm1 =	vmxor vm1, vm1;
	vm2 =	vmmov $0x1;
	vm3 =	vcmask $0x3F3C;
	p0 =	por $0x0, $0x0;
	s11 =	sadd.s32 $0x1, s10;
	s12 =	sadd.s32 $0x2, s10  }
.LBB3_9:
0x61: {  	p1 =	slt.u32 s24, $0x3  }
0x62: {  	s0 =	simm.s32 @!p1 $0x2  }
0x63: {  	_ =	swait.ge @!p1 [sflag:s0], $0x1F40  }
0x64: {  	[sflag:s0] =	ssyncset.done @!p1 $0x0  }
0x65: {  	[sflag:s0] =	ssyncadd.s32 @!p1 $0xFFFFE0C0;
	s0 =	simm.s32 @!p1 $0x9  }
0x66: {  	_ =	swait.ge @!p1 [sflag:s0], $0x10  }
0x67: {  	[sflag:s0] =	ssyncset.done @!p1 $0x0  }
0x68: {  	[sflag:s0] =	ssyncadd.s32 @!p1 $0xFFFFFFF0;
	p1 =	sne.s32 s24, s12  }
.Ltmp9:
0x69: {  	s2 =	sadd.s32 $0x1F40, s23;
	(pc) =	sbr.rel @!p1 .LBB3_10-.Ltmp9, $4  }
0x6a: {  	s22 =	smov.u32 s4;
	s31 =	sadd.s32 $0x1, s24;
	s17 =	sadd.s32 $0x1F40, s17  }
0x6b: {  	s18 =	sadd.s32 $0x1, s18;
	s25 =	smov.u32 s23;
	p2 =	slt.s32 s2, s5  }
0x6c: {  	p0 =	por !p0, !p0;
	s19 =	sadd.s32 $0x1F40, s19;
	s22 =	smov.u32 @p2 s2  }
0x6d: {  	s20 =	sadd.s32 $0x1, s20;
	s23 =	smov.u32 s22;
	s24 =	smov.u32 s31  }
.LBB3_1:
0x6e: {  	p1 =	sge.u32 s24, s10  }
0x6f: {  	s0 =	smulhi.u32 @!p1 $0xAAAAAAAB, s24;
	_ =	sdelay $0x1  }
0x70: {  	s0 =	sshrl.u32 @!p1 s0, $0x1  }
0x71: {  	s0 =	smul.u32 @!p1 $0x3, s0;
	_ =	sdelay $0x1  }
0x72: {  	s0 =	ssub.s32 @!p1 s24, s0  }
0x73: {  	s0 =	smul.u32 @!p1 $0x7D00, s0;
	_ =	sdelay $0x1  }
0x74: {  	s2 =	sshrl.u32 @!p1 s23, $0x3;
	s0 =	sshrl.u32 @!p1 s0, $0x2  }
0x75: {  	s22 =	sand.u32 @!p1 $0x7, s23;
	s2 =	sadd.s32 @!p1 s6, s2;
	s0 =	sadd.s32 @!p1 $0x100, s0  }
0x76: {  	[tilespmem:s0], [sflag:$0x7] =	stream.linear.gather @!p1 [hbm4b:s2+s22], $0x1F40, $0x38;
	[tilespmem:$0x11A60] =	vst v63  }
0x77: {  	s0 =	sadd.s32 $0xFFFFFFFF, s24  }
0x78: {  	p1 =	sge.u32 s0, s10  }
.Ltmp10:
0x79: {  	_ = 	snop;
	(pc) =	sbr.rel @p1 .LBB3_5-.Ltmp10, $1  }
0x7a: {  	_ =	sdelay $0x3  }
0x7b: {  	s2 =	smulhi.u32 $0xAAAAAAAB, s0;
	_ =	sdelay $0x1  }
0x7c: {  	s2 =	sshrl.u32 s2, $0x1  }
0x7d: {  	s2 =	smul.u32 $0x3, s2;
	_ =	sdelay $0x1  }
0x7e: {  	s2 =	ssub.s32 s0, s2  }
0x7f: {  	s2 =	smul.u32 $0x7D00, s2  }
0x80: {  	_ =	swait.ge [sflag:s7], $0x1F40  }
0x81: {  	[sflag:s7] =	ssyncset.done $0x0;
	s2 =	sshrl.u32 s2, $0x2  }
0x82: {  	[sflag:s7] =	ssyncadd.s32 $0xFFFFE0C0;
	(ifvalue) =	ssetifvalue $0xFFFFFFFF;
	v3 =	vld.msk [tilespmem:s2+$0x100 ss:$0x1], $0xffff;
	_ =	sdelay $0x2  }
0x83: {  	s30 =	smulhi.u32 $0xAAAAAAAB, s18;
	p1 =	sne.s32 s24, $0x1  }
0x84: {  	v4 =	vimm.s32 @!p1 $0x0  }
0x85: {  	s2 =	sshrl.u32 s30, $0x1;
	v4 =	vperm.xlane @!p1 v3, v4  }
0x86: {  	s22 =	sshll.u32 s24, $0x4;
	s2 =	smul.u32 $0xFFFE8900, s2;
	vm4 =	vlt.u32 v3, $0x2800  }
0x87: {  	s22 =	sand.u32 $0x10, s22;
	v3 =	vnsel vm4, $0xFFFFFFFE, v3;
	vm4 =	vlt.u32 @!p1 v4, $0x2800  }
0x88: {  	s2 =	sshra.s32 s2, $0x2;
	[tilespmem:s22+$0x60] =	vst v3;
	v3 =	vnsel @!p1 vm4, $0xFFFFFFFE, v4  }
0x89: {  	s28 =	sadd.s32 s2, s17;
	[tilespmem:$0x80] =	vst @!p1 v3  }
0x8a: {  	v3 =	vld.msk [tilespmem:s28+$0x0 ss:$0x1], $0xffff;
	_ =	sdelay $0x4  }
0x8b: {  	(xrf1) =	vunique.msk.u32 $0xffff, v3;
	_ =	sdelay $0xd  }
0x8c: {  	v4 =	vimm.s32 $0xFFFFFFFF;
	v5, _, _ =	vpop (xrf1)  }
0x8d: {  	vm5 =	vne.s32 v3, v4;
	vm4 =	veq.s32 v5, v2  }
0x8e: {  	vm6 =	vlt.u32 v3, $0x2800;
	vm4 =	vmand vm5, vm4  }
0x8f: {  	vm4 =	vmand vm6, vm4  }
0x90: {  	v4 =	vnsel vm4, $0xFFFFFFFF, v3  }
0x91: {  	s31 =	sand.u32 $0x1, s0  }
0x92: {  	s0 =	simm.s32 $0x1F40;
	p1 =	seq.s32 s31, $0x1  }
0x93: {  	s0 =	simm.s32 @!p1 $0x0  }
0x94: {  	s26 =	sadd.s32 $0x7DF0, s0;
	(ifvalue) =	ssetifvalue $0xFFFFFFFF  }
0x95: {  	v3 =	vperm.xlane v3, v1;
	[tilespmem:s26], [sflag:$0x8] =	stream.indirect_vreg.gather [hbm4b:s1+s16], $0x1, v4, vm0, $0x4038;
	v4 =	vnsel vm6, $0xFFFFFFFE, v4;
	[tilespmem:$0x11A60] =	vst v63  }
0x96: {  	s2 =	simm.s32 $0x0;
	s22 =	sadd.s32 $0xFFFFFFF0, s28;
	[tilespmem:s28+$0x0] =	vst v4  }
.LBB3_3:
0x97: {  	v4 =	vld.msk [tilespmem:s22+$0x0 ss:$0x1], $0xffff;
	s2 =	sadd.s32 $0x10, s2;
	v5 =	vmov v3;
	s28 =	smov.u32 s22  }
0x98: {  	p1 =	slt.u32 s2, $0x1F30;
	_ =	sdelay $0x4  }
0x99: {  	v3 =	vperm.xlane v4, v1;
	(xrf1) =	vunique.msk.u32 $0xffff, v4;
	_ =	sdelay $0xd  }
0x9a: {  	v6, _, _ =	vpop (xrf1)  }
0x9b: {  	vm5 =	vne.s32 v4, v5;
	vm4 =	veq.s32 v6, v2  }
0x9c: {  	vm6 =	vlt.u32 v4, $0x2800;
	vm4 =	vmand vm5, vm4  }
0x9d: {  	vm4 =	vmand vm6, vm4  }
0x9e: {  	v4 =	vnsel vm4, $0xFFFFFFFF, v4  }
.Ltmp11:
0x9f: {  	v5 =	vnsel vm6, $0xFFFFFFFE, v4;
	(pc) =	sbr.rel @p1 .LBB3_3-.Ltmp11, $3  }
0xa0: {  	_ =	sdelay $0x1  }
0xa1: {  	s22 =	sadd.s32 $0xFFFFFFF0, s22;
	s26 =	sadd.s32 $0xFFFFFFF0, s26;
	(ifvalue) =	ssetifvalue $0xFFFFFFFF  }
0xa2: {  	[tilespmem:s26], [sflag:$0x8] =	stream.indirect_vreg.gather [hbm4b:s1+s16], $0x1, v4, vm0, $0x4038;
	[tilespmem:s28+$0x0] =	vst v5  }
0xa3: {  	s2 =	sshrl.u32 s25, $0x3  }
0xa4: {  	s0 =	sadd.s32 $0x9D40, s0;
	s2 =	sadd.s32 s9, s2  }
0xa5: {  	[tilespmem:s0], [sflag:$0x8] =	stream.linear.gather [hbm:s2], $0x1F40, $0x38;
	[tilespmem:$0x11A60] =	vst v63  }
.LBB3_5:
0xa6: {  	p1 =	slt.u32 s24, $0x2  }
0xa7: {  	p2 =	sge.u32 @!p1 s24, s12  }
0xa8: {  	p1 =	por p1, p2  }
.Ltmp12:
0xa9: {  	_ = 	snop;
	(pc) =	sbr.rel @p1 .LBB3_9-.Ltmp12, $1  }
0xaa: {  	_ =	sdelay $0x3  }
0xab: {  	s0 =	sadd.s32 $0xFFFFFFFE, s24  }
0xac: {  	s2 =	smulhi.u32 $0xAAAAAAAB, s0;
	_ =	sdelay $0x1  }
0xad: {  	s2 =	sshrl.u32 s2, $0x1  }
0xae: {  	s2 =	smul.u32 $0x3, s2;
	_ =	sdelay $0x1  }
0xaf: {  	s0 =	ssub.s32 s0, s2  }
0xb0: {  	_ =	swait.ge [sflag:s8], $0x3E80;
	s0 =	smul.u32 $0x1F40, s0  }
0xb1: {  	p1 =	sne.s32 s24, s11;
	[sflag:s8] =	ssyncset.done $0x0  }
0xb2: {  	[sflag:s8] =	ssyncadd.s32 $0xFFFFC180;
	s2 =	sadd.s32 @!p1 $0x203F, s0  }
0xb3: {  	[spmem:s14] =	stream.linear.scatter @!p1 [tilespmem:s2], [sflag:$0x1], $0x1, $0x38;
	[tilespmem:$0x11A60] =	vst v63  }
0xb4: {  	s2 =	simm.s32 @!p1 $0x1  }
0xb5: {  	_ =	swait.ge @!p1 [sflag:s2], $0x1  }
0xb6: {  	s22 =	sshll.u32 s24, $0x4;
	[sflag:s2] =	ssyncset.done @!p1 $0x0  }
0xb7: {  	s25 =	sand.u32 $0x10, s22;
	[sflag:s2] =	ssyncadd.s32 @!p1 $0xFFFFFFFF  }
0xb8: {  	s2 =	sxor.u32 $0x10, s25;
	v4 =	vld [tilespmem:s25+$0x10]  }
0xb9: {  	v5 =	vld [tilespmem:s2+$0x60]  }
0xba: {  	v3 =	vld [tilespmem:$0x80];
	_ =	sdelay $0x2  }
0xbb: {  	(v2sf) =	vpush v4, $0x0  }
0xbc: {  	(v2sf) =	vpush v5, $0x0  }
0xbd: {  	(v2sf) =	vpush v3, $0x0;
	_ =	sdelay $0xc  }
0xbe: {  	s22 =	spop (v2sf)  }
0xbf: {  	s26 =	spop (v2sf)  }
0xc0: {  	s28 =	spop (v2sf)  }
0xc1: {  	p2 =	seq.s32 s22, s26;
	p3 =	seq.s32 s28, s22  }
0xc2: {  	p3 =	por p2, p3  }
0xc3: {  	s26 =	sand.u32 $0x1, s24;
	v4 =	vpsel p3, $0xFFFFFFFF, v4  }
0xc4: {  	s29 =	smul.u32 $0x1F40, s26;
	[tilespmem:s25+$0x10] =	vst.msk $0x1, v4  }
0xc5: {  	v4 =	vld [tilespmem:$0x30]  }
0xc6: {  	v5 =	vld [tilespmem:s29+$0x9D40]  }
0xc7: {  	v6 =	vld [tilespmem:s25+$0x40];
	_ =	sdelay $0x3  }
0xc8: {  	vm4 =	vmmov vm1;
	v5 =	vadd.f32 v5, v4  }
0xc9: {  	vm5 =	vmmov vm2;
	vm4 =	vmmov @p2 vm2;
	s22 =	sshll.u32 s26, $0x4;
	v4 =	vadd.f32 v6, v4  }
0xca: {  	s26 =	sor.u32 $0x11A40, s22;
	vm5 =	vmmov @p3 vm1;
	[tilespmem:s29+$0x9D40] =	vst.msk vm4, v5  }
0xcb: {  	[tilespmem:s26+$0x0] =	vst.msk vm5, v4  }
0xcc: {  	v4 =	vld [tilespmem:s29+$0x7DF0];
	_ =	sdelay $0x3  }
0xcd: {  	v5 =	vimm.f32 $0.0e+00  }
0xce: {  	v4 =	vshift.insert v4, v5, s21  }
0xcf: {  	s22 =	sor.u32 $0x40, s2  }
0xd0: {  	[tilespmem:s22+$0x0] =	vst.msk $0x1, v4  }
0xd1: {  	[tilespmem:s29+$0x7DFF] =	vst.msk $0x1, v5  }
0xd2: {  	v4 =	vld [tilespmem:s0+$0x2030];
	_ =	sdelay $0x1  }
0xd3: {  	s22 =	smulhi.u32 $0xAAAAAAAB, s20;
	s0 =	simm.s32 $0x1  }
0xd4: {  	s0 =	simm.s32 @!p0 $0x0  }
0xd5: {  	s22 =	sshrl.u32 s22, $0x1;
	s0 =	smul.u32 $0x7D00, s0  }
0xd6: {  	s22 =	smul.u32 $0xFFFE8900, s22;
	v4 =	vshift.insert v4, v1, s21  }
0xd7: {  	s0 =	sshrl.u32 s0, $0x2  }
0xd8: {  	s22 =	sshra.s32 s22, $0x2;
	s30 =	sadd.s32 $0x9D40, s0;
	[tilespmem:s2+$0x10] =	vst.msk $0x1, v4  }
0xd9: {  	s22 =	sadd.s32 s22, s19;
	v6 =	vld [tilespmem:s30+$0x0]  }
0xda: {  	v7 =	vld [tilespmem:s22+$0x0];
	_ =	sdelay $0x3  }
0xdb: {  	v5 =	vadd.f32 v6, v5  }
0xdc: {  	vm4 =	vne.s32 v7, $0xFFFFFFFF  }
0xdd: {  	(xrf2) =	vadd.seg.scan.f32 vm4, v5;
	_ =	sdelay $0x3  }
0xde: {  	s31 =	sadd.s32 $0x5EC0, s0;
	v5 =	vperm.xlane v4, v1  }
0xdf: {  	v6 =	vld [tilespmem:s31+$0x0]  }
0xe0: {  	vm5 =	veq.s32 v7, v3;
	vm6 =	veq.s32 v7, v5  }
0xe1: {  	vm7 =	vgt.u32 v7, $0xFFFFFFFD;
	vm6 =	vmor vm6, vm5  }
0xe2: {  	vm6 =	vmor vm6, vm7  }
0xe3: {  	v9 =	vld [tilespmem:$0xA0];
	v7 =	vsel vm6, $0xFFFFFFFF, v7  }
0xe4: {  	v10 =	vld [tilespmem:$0x90];
	v6 =	vsel vm5, $0x0, v6;
	v8, _, _ =	vpop (xrf2)  }
0xe5: {  	v6 =	vadd.f32 v8, v6  }
0xe6: {  	s0 =	sadd.s32 $0xDBC0, s0  }
0xe7: {  	vm4 =	vmand vm4, vm3;
	[tilespmem:s0+$0x0] =	vst v6;
	(ifvalue) =	ssetifvalue $0xFFFFFFFF  }
0xe8: {  	vm6 =	veq.s32 v9, $0x1;
	[hbm4b:s1+s16] =	stream.indirect_vreg.scatter [tilespmem:s0], [sflag:$0x2], $0x1, v7, vm0, $0x4038;
	v7 =	vsel vm4, $0x0, v8;
	[tilespmem:$0x11A60] =	vst v63  }
0xe9: {  	s2 =	simm.s32 $0x0;
	s22 =	sadd.s32 $0x10, s22;
	vm4 =	vmor vm6, vm5;
	v6 =	vsel vm5, v8, v10;
	v7 =	vshift.insert v7, v0, s21  }
.LBB3_7:
0xea: {  	v8 =	vld [tilespmem:s22+$0x0];
	s30 =	sadd.s32 $0x10, s30  }
0xeb: {  	s31 =	sadd.s32 $0x10, s31;
	v9 =	vld [tilespmem:s30+$0x0]  }
0xec: {  	s2 =	sadd.s32 $0x10, s2;
	v10 =	vld [tilespmem:s31+$0x0]  }
0xed: {  	p2 =	slt.u32 s2, $0x1F30;
	_ =	sdelay $0x2  }
0xee: {  	v7 =	vadd.f32 v9, v7  }
0xef: {  	vm5 =	vne.s32 v8, $0xFFFFFFFF  }
0xf0: {  	vm6 =	vmand vm5, vm3;
	(xrf2) =	vadd.seg.scan.f32 vm5, v7;
	_ =	sdelay $0x5  }
0xf1: {  	vm7 =	veq.s32 v8, v5;
	vm5 =	veq.s32 v8, v3  }
0xf2: {  	vm8 =	vgt.u32 v8, $0xFFFFFFFD;
	vm4 =	vmor vm4, vm5;
	vm7 =	vmor vm7, vm5  }
0xf3: {  	vm7 =	vmor vm7, vm8  }
0xf4: {  	v8 =	vsel vm7, $0xFFFFFFFF, v8  }
.Ltmp13:
0xf5: {  	v7 =	vsel vm5, $0x0, v10;
	v9, _, _ =	vpop (xrf2);
	(pc) =	sbr.rel @p2 .LBB3_7-.Ltmp13, $4  }
0xf6: {  	v6 =	vsel vm5, v9, v6;
	v10 =	vadd.f32 v9, v7;
	v7 =	vsel vm6, $0x0, v9  }
0xf7: {  	s0 =	sadd.s32 $0x10, s0;
	v7 =	vshift.insert v7, v0, s21  }
0xf8: {  	s22 =	sadd.s32 $0x10, s22;
	[tilespmem:s0+$0x0] =	vst v10;
	(ifvalue) =	ssetifvalue $0xFFFFFFFF  }
0xf9: {  	[hbm4b:s1+s16] =	stream.indirect_vreg.scatter [tilespmem:s0], [sflag:$0x2], $0x1, v8, vm0, $0x4038;
	[tilespmem:$0x11A60] =	vst v63  }
0xfa: {  	v3 =	vld [tilespmem:s29+$0xFAF0];
	_ =	sdelay $0x4  }
0xfb: {  	v3 =	vshift.insert v3, v0, s21  }
0xfc: {  	s0 =	simm.s32 $0x30  }
0xfd: {  	[tilespmem:s0+$0x0] =	vst.msk $0x1, v3  }
0xfe: {  	v3 =	vsel vm4, $0x1, v1;
	[tilespmem:$0x90] =	vst v6  }
0xff: {  	s0 =	sadd.s32 @!p1 $0xFAFF, s29;
	[tilespmem:$0xA0] =	vst v3  }
0x100: {  	[spmem:s15] =	stream.linear.scatter @!p1 [tilespmem:s0], [sflag:$0x1], $0x1, $0x38;
	[tilespmem:$0x11A60] =	vst v63  }
0x101: {  	s0 =	simm.s32 @!p1 $0x1  }
0x102: {  	v3 =	vmctz.xlane @!p1 vm4;
	_ =	swait.ge @!p1 [sflag:s0], $0x1  }
0x103: {  	(v2sf) =	vpush @!p1 v4, $0x0  }
0x104: {  	(v2sf) =	vpush @!p1 v3, $0x0;
	_ =	sdelay $0xd  }
0x105: {  	s2 =	spop @!p1 (v2sf)  }
0x106: {  	s22 =	spop @!p1 (v2sf)  }
0x107: {  	p2 =	sne.s32 @!p1 s28, s2;
	p3 =	slt.s32 @!p1 s22, $0xF  }
0x108: {  	[sflag:s0] =	ssyncset.done @!p1 $0x0;
	p2 =	por p2, p1;
	p3 =	por !p3, p1  }
0x109: {  	[sflag:s0] =	ssyncadd.s32 @!p1 $0xFFFFFFFF;
	v3 =	vimm.s32 @!p2 $0xFFFFFFFF;
	s22 =	simm.s32 @p3 $0xF  }
0x10a: {  	[tilespmem:$0x80] =	vst @!p2 v3;
	s2 =	sadd.s32 @!p1 $0x90, s22  }
0x10b: {  	[spmem:s3] =	stream.linear.scatter @!p1 [tilespmem:s2], [sflag:$0x1], $0x1, $0x38;
	[tilespmem:$0x11A60] =	vst v63  }
0x10c: {  	_ =	swait.ge @!p1 [sflag:s0], $0x1  }
0x10d: {  	[sflag:s0] =	ssyncset.done @!p1 $0x0  }
0x10e: {  	s2 =	simm.s32 @!p1 $0x80;
	[sflag:s0] =	ssyncadd.s32 @!p1 $0xFFFFFFFF  }
0x10f: {  	[spmem:s13] =	stream.linear.scatter @!p1 [tilespmem:s2], [sflag:$0x1], $0x1, $0x38;
	[tilespmem:$0x11A60] =	vst v63  }
0x110: {  	_ =	swait.ge @!p1 [sflag:s0], $0x1  }
0x111: {  	[sflag:s0] =	ssyncset.done @!p1 $0x0  }
0x112: {  	[sflag:s0] =	ssyncadd.s32 @!p1 $0xFFFFFFFF;
	(ifvalue) =	ssetifvalue $0xFFFFFFFF;
	v3 =	vld [tilespmem:s25+$0x10];
	_ =	sdelay $0x3  }
.Ltmp14:
0x113: {  	_ = 	snop;
	(pc) =	sbr.rel .LBB3_9-.Ltmp14, $3  }
0x114: {  	_ =	sdelay $0x1  }
0x115: {  	(ifvalue) =	ssetifvalue $0xFFFFFFFF  }
0x116: {  	[hbm4b:s1+s16] =	stream.indirect_vreg.scatter [tilespmem:s26], [sflag:$0x9], $0x1, v3, vm0, $0x4038;
	[tilespmem:$0x11A60] =	vst v63  }
.LBB3_10:
0x117: {  	_ =	sfence.sel $0x180000  }
0x118: {  	s0 =	simm.s32 $0x7;
	[bflag:$0x0] =	sbarrier.arrive $0xFFFF  }
0x119: {  	s26 =	simm.s32 $0x8;
	[sflag:s0] =	ssyncpa.u1 $0x1  }
0x11a: {  	s28 =	simm.s32 $0x9;
	[sflag:s26] =	ssyncpa.u1 $0x1  }
0x11b: {  	[sflag:s28] =	ssyncpa.u1 $0x1  }
0x11c: {  	_ =	sfence.stream.spmem  }
0x11d: {  	s29 =	simm.s32 $0x3;
	[bflag:$0x0] =	sbarrier.arrive $0xFFFF  }
0x11e: {  	s30 =	simm.s32 $0x4;
	[sflag:s29] =	ssyncpa.u1 $0x1  }
0x11f: {  	s31 =	simm.s32 $0x3C;
	s2 =	stileid.u32;
	[sflag:s30] =	ssyncpa.u1 $0x1  }
0x120: {  	p0 =	sne.s32 s2, $0x0;
	[sflag:s31] =	ssyncpa.u1 $0x1  }
0x121: {  	s0 =	simm.s32 @p0 $0x1;
	_ =	sfence @p0  }
0x122: {  	[sflag:s0] =	ssyncpa.u1 @p0 $0x1;
	s0 =	simm.s32 @p0 $0x2  }
0x123: {  	[sflag:s0] =	ssyncpa.u1 @p0 $0x1  }
0x124: {  	_ =	strace @p0 $0x90000053  }
0x125: {  	[bflag:$0x2] =	sbarrier.arrive @p0 $0xFFFF  }
0x126: {  	_ =	shalt @p0  }
.LBB3_11:
0x127: {  	_ =	sfence.stream.spmem;
	s0 =	simm.s32 $0x5  }
0x128: {  	s2 =	simm.s32 $0x80;
	s3 =	simm.s32 $0xC0;
	[sflag:s0] =	ssyncpa.u1 $0x0  }
0x129: {  	[tilespmem:s3], [sflag:$0x5] =	stream.linear.gather [spmem:s2], $0x20, $0x38;
	[tilespmem:$0x11A60] =	vst v63  }
0x12a: {  	s2 =	simm.s32 $0x0;
	s3 =	simm.s32 $0xE0  }
0x12b: {  	[tilespmem:s3], [sflag:$0x5] =	stream.linear.gather [spmem:s2], $0x20, $0x38;
	[tilespmem:$0x11A60] =	vst v63  }
.Ltmp15:
0x12c: {  	_ = 	snop;
	(pc) =	sbr.rel .LBB3_12-.Ltmp15, $4  }
0x12d: {  	_ =	swait.ge [sflag:s0], $0x40  }
0x12e: {  	[sflag:s0] =	ssyncset.done $0x0  }
0x12f: {  	s31 =	simm.s32 $0x6;
	[sflag:s0] =	ssyncadd.s32 $0xFFFFFFC0  }
0x130: {  	s4 =	simm.s32 $0x0;
	[sflag:s31] =	ssyncpa.u1 $0x0  }
.LBB3_17:
0x131: {  	p0 =	sgt.u32 s5, $0x27FF  }
0x132: {  	s0 =	sshrl.u32 @!p0 s5, $0x3  }
0x133: {  	s5 =	sand.u32 @!p0 $0x7, s5;
	s6 =	simm.s32 @!p0 $0xB0;
	s0 =	sadd.s32 @!p0 s1, s0  }
0x134: {  	[tilespmem:s6], [sflag:$0x6] =	stream.linear.gather @!p0 [hbm4b:s0+s5], $0x1, $0x38;
	[tilespmem:$0x11A60] =	vst v63  }
0x135: {  	s0 =	simm.s32 @!p0 $0x6  }
0x136: {  	_ =	swait.ge @!p0 [sflag:s0], $0x1  }
0x137: {  	[sflag:s0] =	ssyncset.done @!p0 $0x0  }
0x138: {  	[sflag:s0] =	ssyncadd.s32 @!p0 $0xFFFFFFFF  }
0x139: {  	v2 =	vmov @!p0 s4;
	v1 =	vld.msk @!p0 [tilespmem:$0xB0], $0x1;
	_ =	sdelay $0x3  }
0x13a: {  	s0 =	simm.s32 @!p0 $0xE0  }
0x13b: {  	[tilespmem:v2+s0+$0x0], v1 =	vst.idx.ret.add.f32.msk @!p0 $0x1, v1  }
0x13c: {  	[tilespmem:s2+$0xC0] =	vst.msk $0x1, v0  }
0x13d: {  	v0 =	vld.msk [tilespmem:s4+$0xE0], $0x1;
	_ =	sdelay $0x4  }
0x13e: {  	[tilespmem:s2+$0xE0] =	vst.msk $0x1, v0;
	s2 =	sadd.s32 $0x1, s2  }
.LBB3_19:
0x13f: {  	s4 =	sadd.s32 $0x1, s4  }
0x140: {  	p0 =	sne.s32 s4, $0x20  }
.Ltmp16:
0x141: {  	_ = 	snop;
	(pc) =	sbr.rel @!p0 .LBB3_20-.Ltmp16, $1  }
0x142: {  	_ =	sdelay $0x3  }
.LBB3_12:
0x143: {  	v0 =	vld.msk [tilespmem:s4+$0xC0], $0x1;
	_ =	sdelay $0x4  }
0x144: {  	(v2sf) =	vpush v0, $0x0;
	_ =	sdelay $0xe  }
0x145: {  	s5 =	spop (v2sf)  }
0x146: {  	p0 =	seq.s32 s5, $0xFFFFFFFF  }
.Ltmp17:
0x147: {  	_ = 	snop;
	(pc) =	sbr.rel @p0 .LBB3_19-.Ltmp17, $1  }
0x148: {  	_ =	sdelay $0x3  }
0x149: {  	p0 =	slt.s32 s2, $0x1  }
.Ltmp18:
0x14a: {  	_ = 	snop;
	(pc) =	sbr.rel @p0 .LBB3_17-.Ltmp18, $1  }
0x14b: {  	_ =	sdelay $0x3  }
0x14c: {  	s0 =	simm.s32 $0xC0;
	p0 =	por $0x0, $0x0  }
0x14d: {  	v1 =	vld.msk @!p0 [tilespmem:s0+$0x0], $0x1;
	_ =	sdelay $0x4  }
0x14e: {  	(v2sf) =	vpush @!p0 v1, $0x0;
	_ =	sdelay $0xd  }
0x14f: {  	p2 =	sne.s32 s2, $0x1  }
.Ltmp19:
0x150: {  	s6 =	spop @!p0 (v2sf);
	(pc) =	sbr.rel @!p2 .LBB3_16-.Ltmp19, $4  }
0x151: {  	p1 =	seq.s32 @!p0 s5, s6  }
0x152: {  	s6 =	simm.s32 $0x0;
	p1 =	por !p1, p0  }
0x153: {  	s8 =	simm.s32 $0xFFFFFFFF;
	s6 =	simm.s32 @p1 $0xFFFFFFFF  }
0x154: {  	s7 =	simm.s32 $0x1;
	s6 =	smov.u32 @p0 s8  }
.LBB3_15:
0x155: {  	s8 =	smov.u32 s6;
	p0 =	sne.s32 s6, $0xFFFFFFFF  }
0x156: {  	s0 =	sadd.s32 $0x1, s0;
	s6 =	smov.u32 s7;
	s7 =	sadd.s32 $0x1, s7  }
0x157: {  	p1 =	sne.s32 s2, s7;
	v1 =	vld.msk @!p0 [tilespmem:s0+$0x0], $0x1;
	_ =	sdelay $0x4  }
0x158: {  	(v2sf) =	vpush @!p0 v1, $0x0;
	_ =	sdelay $0xe  }
.Ltmp20:
0x159: {  	s9 =	spop @!p0 (v2sf);
	(pc) =	sbr.rel @p1 .LBB3_15-.Ltmp20, $4  }
0x15a: {  	p2 =	seq.s32 @!p0 s5, s9  }
0x15b: {  	p2 =	por !p2, p0  }
0x15c: {  	s6 =	simm.s32 @p2 $0xFFFFFFFF  }
0x15d: {  	s6 =	smov.u32 @p0 s8  }
.LBB3_16:
0x15e: {  	p0 =	sne.s32 s6, $0xFFFFFFFF  }
.Ltmp21:
0x15f: {  	_ = 	snop;
	(pc) =	sbr.rel @!p0 .LBB3_17-.Ltmp21, $1  }
0x160: {  	_ =	sdelay $0x3  }
0x161: {  	v0 =	vld.msk [tilespmem:s4+$0xE0], $0x1;
	v1 =	vmov s6  }
.Ltmp22:
0x162: {  	_ = 	snop;
	(pc) =	sbr.rel .LBB3_19-.Ltmp22, $2  }
0x163: {  	_ =	sdelay $0x2  }
0x164: {  	[tilespmem:v1+s3+$0x0], v0 =	vst.idx.ret.add.f32.msk $0x1, v0  }
.LBB3_20:
0x165: {  	p0 =	slt.s32 s2, $0x1  }
.Ltmp23:
0x166: {  	_ = 	snop;
	(pc) =	sbr.rel @p0 .LBB3_24-.Ltmp23, $3  }
0x167: {  	_ =	sdelay $0x1  }
0x168: {  	s0 =	simm.s32 $0x6  }
0x169: {  	s3 =	simm.s32 $0x0;
	[sflag:s0] =	ssyncpa.u1 $0x1  }
0x16a: {  	s0 =	simm.s32 $0xC0  }
0x16b: {  	v0 =	vld.msk [tilespmem:s0+$0x0], $0x1;
	_ =	sdelay $0x4  }
0x16c: {  	(v2sf) =	vpush v0, $0x0;
	_ =	sdelay $0xe  }
0x16d: {  	s2 =	sadd.s32 $0xFFFFFFFF, s2;
	s4 =	spop (v2sf)  }
0x16e: {  	p1 =	sne.s32 s2, $0x0;
	p0 =	sgt.u32 s4, $0x27FF  }
.Ltmp24:
0x16f: {  	s5 =	sshrl.u32 @!p0 s4, $0x3;
	(pc) =	sbr.rel @!p1 .LBB3_23-.Ltmp24, $4  }
0x170: {  	s0 =	simm.s32 $0xE0;
	s4 =	sand.u32 @!p0 $0x7, s4;
	s5 =	sadd.s32 @!p0 s1, s5  }
0x171: {  	[hbm4b:s5+s4] =	stream.linear.scatter @!p0 [tilespmem:s0], [sflag:$0x5], $0x1, $0x38;
	[tilespmem:$0x11A60] =	vst v63  }
0x172: {  	s5 =	simm.s32 $0x0  }
0x173: {  	s4 =	simm.s32 $0xC1;
	s5 =	simm.s32 @!p0 $0x4  }
.LBB3_22:
0x174: {  	v0 =	vld.msk [tilespmem:s4+$0x0], $0x1;
	s2 =	sadd.s32 $0xFFFFFFFF, s2;
	s3 =	sadd.s32 s3, s5  }
0x175: {  	p0 =	sne.s32 s2, $0x0;
	_ =	sdelay $0x3  }
0x176: {  	(v2sf) =	vpush v0, $0x0;
	_ =	sdelay $0xe  }
.Ltmp25:
0x177: {  	s6 =	spop (v2sf);
	(pc) =	sbr.rel @p0 .LBB3_22-.Ltmp25, $4  }
0x178: {  	s5 =	simm.s32 $0x0;
	p1 =	sgt.u32 s6, $0x27FF  }
0x179: {  	s0 =	sadd.s32 $0x1, s0;
	s5 =	simm.s32 @!p1 $0x4;
	s7 =	sshrl.u32 @!p1 s6, $0x3  }
0x17a: {  	s4 =	sadd.s32 $0x1, s4;
	s6 =	sand.u32 @!p1 $0x7, s6;
	s7 =	sadd.s32 @!p1 s1, s7  }
0x17b: {  	[hbm4b:s7+s6] =	stream.linear.scatter @!p1 [tilespmem:s0], [sflag:$0x5], $0x1, $0x38;
	[tilespmem:$0x11A60] =	vst v63  }
.LBB3_23:
0x17c: {  	s0 =	sadd.s32 s3, s5  }
0x17d: {  	s3 =	sshrl.u32 s0, $0x2  }
.LBB3_24:
0x17e: {  	s0 =	simm.s32 $0x5  }
0x17f: {  	_ =	swait.ge [sflag:s0], s3  }
0x180: {  	s1 =	ssub.s32 $0x0, s3;
	[sflag:s0] =	ssyncset.done $0x0  }
0x181: {  	[sflag:s0] =	ssyncadd.s32 s1  }
0x182: {  	[sflag:s0] =	ssyncpa.u1 $0x1  }
0x183: {  	s29 =	simm.s32 $0x1;
	_ =	sfence  }
0x184: {  	s30 =	simm.s32 $0x2;
	[sflag:s29] =	ssyncpa.u1 $0x1  }
0x185: {  	[sflag:s30] =	ssyncpa.u1 $0x1  }
0x186: {  	_ =	strace $0x90000053  }
0x187: {  	[bflag:$0x2] =	sbarrier.arrive $0xFFFF  }
0x188: {  	s31 =	rddreg [dreg:$0x1]  }
0x189: {  	s0 =	sadd.s32 $0x100000, s31  }
0x18a: {  	[sflag:s0] =	ssyncadd.tile.s32 $0x1;
	_ =	shalt  }
.Lfunc_end3:
_tile_overlayer_lowered:
.L_overlay_start_3:
0x18b: {  	(tag) =	ssettag $0x3  }
0x18c: {  	s0 =	rddreg [dreg:$0x0];
	s2 =	stileid.u32  }
0x18d: {  	s1 =	rddreg [dreg:$0x1];
	p0 =	sne.s32 s2, $0x0  }
0x18e: {  	s3 =	rddreg [dreg:$0x2];
	[bflag:$0x3] =	sbarrier.arrive $0xFFFF;
	s2 =	simm.s32 @!p0 $0x1C01  }
0x18f: {  	[timem:s3], [sflag:s2] =	dma.local @!p0 [hbm:s0], s1  }
0x190: {  	s0 =	simm.s32 @!p0 $0x1  }
0x191: {  	_ =	swait.ge @!p0 [sflag:s0], s1  }
0x192: {  	s1 =	ssub.s32 @!p0 $0x0, s1;
	[sflag:s0] =	ssyncset.done @!p0 $0x0  }
0x193: {  	[sflag:s0] =	ssyncadd.s32 @!p0 s1  }
0x194: {  	[bflag:$0x3] =	sbarrier.arrive $0xFFFF  }
0x195: {  	_ =	shalt  }

// kernel: scatter_offload_async_start.2
scs
__scs_entry_jumppad:
0x0: {  	(pc) =	sbr.rel $0x88, $3  }
0x1: {  	(tag) =	ssettag $0x0;
	lr =	simm.s32 $0x1  }
0x2: {  	[smem:$0x3F8C] =	sst lr;
	_ =	strace $0xD0000000  }
0x3: {  	_ = 	snop  }
0x4: {  	_ = 	snop  }
0x5: {  	_ = 	snop  }
0x6: {  	_ = 	snop  }
0x7: {  	_ = 	snop  }
__scs_overlays_trampoline_lowered:
0x8: {  	[smem:$0x3F9B] =	sst s0  }
0x9: {  	[smem:$0x3F9C] =	sst s1  }
0xa: {  	[smem:$0x3F9D] =	sst s2  }
0xb: {  	[smem:$0x3F9E] =	sst s3  }
0xc: {  	[smem:$0x3F9F] =	sst s4  }
0xd: {  	[smem:$0x3FA0] =	sst s5  }
0xe: {  	[smem:$0x3FA1] =	sst s6  }
0xf: {  	[smem:$0x3FA2] =	sst s7  }
0x10: {  	[smem:$0x3FA3] =	sst s8  }
0x11: {  	[smem:$0x3FA4] =	sst s9;
	s0 =	simm.s32 @!p0 $0x0  }
0x12: {  	s1 =	sld [smem:$0x3F8A];
	s0 =	simm.s32 @p0 $0x1  }
0x13: {  	[smem:$0x3FA5] =	sst s0;
	s0 =	simm.s32 @!p1 $0x0  }
0x14: {  	s2 =	sld [smem:$0x3F89];
	s0 =	simm.s32 @p1 $0x1  }
0x15: {  	[smem:$0x3FA6] =	sst s0;
	s0 =	simm.s32 @!p2 $0x0  }
0x16: {  	s3 =	sld [smem:$0x3FDB];
	s0 =	simm.s32 @p2 $0x1  }
0x17: {  	s4 =	simm.s32 $0x1BF5;
	[smem:$0x3FA8] =	sst s0  }
0x18: {  	s0 =	sld [smem:$0x3F8B];
	_ =	swait.ge [sflag:s4], $0x0  }
0x19: {  	s7 =	sld [smem:$0x3F8C]  }
0x1a: {  	s8 =	sadd.s32 $0xFFFFE003, lr  }
0x1b: {  	s9 =	sadd.s32 $0xFFFFFEF7, lr;
	s5 =	simm.s32 $0xFFFFFFFF;
	p2 =	slt.u32 s8, $0xFFFFF086  }
0x1c: {  	p1 =	slt.u32 s9, $0xF7A;
	s5 =	simm.s32 @!p2 $0x0  }
0x1d: {  	s5 =	simm.s32 @p1 $0x1;
	p0 =	seq.s32 s7, s2  }
0x1e: {  	s7 =	smul.u32 @!p0 $0xF7A, s2;
	p2 =	seq.s32 @!p0 s5, $0x0  }
0x1f: {  	s9 =	smul.u32 $0xF7A, s1;
	s8 =	simm.s32 @!p0 $0x1BF5;
	p2 =	por !p2, p0  }
0x20: {  	[sflag:s8] =	ssyncset.s32 @!p0 $0xFFFFF086;
	s6 =	sadd.s32 @!p0 s3, s7;
	s7 =	simm.s32 @!p0 $0x108  }
0x21: {  	s3 =	sadd.s32 s3, s9;
	s6 =	sadd.s32 @!p0 $0x88, s6;
	s7 =	simm.s32 @p2 $0x1082  }
0x22: {  	[simem:s7], [sflag:s8] =	dma.local @!p0 [hbm:s6], $0xF7A  }
0x23: {  	s9 =	sor.u32 $0xD0000000, s2;
	s6 =	simm.s32 $0x108;
	_ =	swait.ge @!p0 [sflag:s8], $0x0  }
0x24: {  	s3 =	sadd.s32 $0x88, s3;
	s6 =	simm.s32 @!p1 $0x1082;
	[sflag:s4] =	ssyncset.s32 $0xFFFFF086  }
0x25: {  	[simem:s6], [sflag:s4] =	dma.local [hbm:s3], $0xF7A  }
0x26: {  	[smem:$0x3F8C] =	sst s1;
	(tag) =	ssettag s2;
	_ =	strace s9  }
0x27: {  	s1 =	sld [smem:$0x3F9C]  }
0x28: {  	s2 =	sld [smem:$0x3F9D]  }
0x29: {  	s4 =	sld [smem:$0x3F9F]  }
0x2a: {  	p0 =	seq.s32 s5, $0x0;
	s5 =	sld [smem:$0x3FA0]  }
0x2b: {  	s6 =	sld [smem:$0x3FA1]  }
0x2c: {  	s7 =	sld [smem:$0x3FA2]  }
0x2d: {  	s3 =	simm.s32 $0x108;
	s8 =	sld [smem:$0x3FA3]  }
0x2e: {  	s3 =	simm.s32 @!p0 $0x1082;
	s9 =	sld [smem:$0x3FA4]  }
0x2f: {  	lr =	sadd.s32 s0, s3;
	s0 =	sld [smem:$0x3F9B]  }
0x30: {  	s3 =	sld [smem:$0x3F9E]  }
0x31: {  	[smem:$0x3FA7] =	sst s10  }
0x32: {  	s10 =	sld [smem:$0x3FA5];
	_ =	sdelay $0x3  }
0x33: {  	p0 =	seq.s32 s10, $0x1;
	s10 =	sld [smem:$0x3FA7];
	_ =	sdelay $0x3  }
0x34: {  	[smem:$0x3FA7] =	sst s10  }
0x35: {  	s10 =	sld [smem:$0x3FA6];
	_ =	sdelay $0x3  }
0x36: {  	p1 =	seq.s32 s10, $0x1;
	s10 =	sld [smem:$0x3FA7];
	_ =	sdelay $0x3  }
0x37: {  	[smem:$0x3FA7] =	sst s10  }
0x38: {  	s10 =	sld [smem:$0x3FA8]  }
0x39: {  	_ = 	snop;
	(pc) =	sbr.ind lr, $3  }
0x3a: {  	_ = 	snop  }
0x3b: {  	_ = 	snop  }
0x3c: {  	p2 =	seq.s32 s10, $0x1;
	s10 =	sld [smem:$0x3FA7]  }
0x3d: {  	_ =	shalt  }
0x3e: {  	_ =	shalt  }
0x3f: {  	_ =	shalt  }
0x40: {  	_ =	shalt  }
0x41: {  	_ =	shalt  }
0x42: {  	_ =	shalt  }
0x43: {  	_ =	shalt  }
0x44: {  	_ =	shalt  }
0x45: {  	_ =	shalt  }
0x46: {  	_ =	shalt  }
0x47: {  	_ =	shalt  }
0x48: {  	_ =	shalt  }
0x49: {  	_ =	shalt  }
0x4a: {  	_ =	shalt  }
0x4b: {  	_ =	shalt  }
0x4c: {  	_ =	shalt  }
0x4d: {  	_ =	shalt  }
0x4e: {  	_ =	shalt  }
0x4f: {  	_ =	shalt  }
0x50: {  	_ =	shalt  }
0x51: {  	_ =	shalt  }
0x52: {  	_ =	shalt  }
0x53: {  	_ =	shalt  }
0x54: {  	_ =	shalt  }
0x55: {  	_ =	shalt  }
0x56: {  	_ =	shalt  }
0x57: {  	_ =	shalt  }
0x58: {  	_ =	shalt  }
0x59: {  	_ =	shalt  }
0x5a: {  	_ =	shalt  }
0x5b: {  	_ =	shalt  }
0x5c: {  	_ =	shalt  }
0x5d: {  	_ =	shalt  }
0x5e: {  	_ =	shalt  }
0x5f: {  	_ =	shalt  }
0x60: {  	_ =	shalt  }
0x61: {  	_ =	shalt  }
0x62: {  	_ =	shalt  }
0x63: {  	_ =	shalt  }
0x64: {  	_ =	shalt  }
0x65: {  	_ =	shalt  }
0x66: {  	_ =	shalt  }
0x67: {  	_ =	shalt  }
0x68: {  	_ =	shalt  }
0x69: {  	_ =	shalt  }
0x6a: {  	_ =	shalt  }
0x6b: {  	_ =	shalt  }
0x6c: {  	_ =	shalt  }
0x6d: {  	_ =	shalt  }
0x6e: {  	_ =	shalt  }
0x6f: {  	_ =	shalt  }
0x70: {  	_ =	shalt  }
0x71: {  	_ =	shalt  }
0x72: {  	_ =	shalt  }
0x73: {  	_ =	shalt  }
0x74: {  	_ =	shalt  }
0x75: {  	_ =	shalt  }
0x76: {  	_ =	shalt  }
0x77: {  	_ =	shalt  }
0x78: {  	_ =	shalt  }
0x79: {  	_ =	shalt  }
0x7a: {  	_ =	shalt  }
0x7b: {  	_ =	shalt  }
0x7c: {  	_ =	shalt  }
0x7d: {  	_ =	shalt  }
0x7e: {  	_ =	shalt  }
0x7f: {  	_ =	shalt  }
0x80: {  	_ =	shalt  }
0x81: {  	_ =	shalt  }
0x82: {  	_ =	shalt  }
0x83: {  	_ =	shalt  }
0x84: {  	_ =	shalt  }
0x85: {  	_ =	shalt  }
0x86: {  	_ =	shalt  }
0x87: {  	_ =	shalt  }
.Lfunc_end0:
.L_simem_size_0:
called_computation.2_lowered:
.L_overlay_start_0:
0x88: {  	s2 =	sld [smem:$0x3FD9]  }
0x89: {  	s3 =	sld [smem:$0x3FFE];
	_ =	sdelay $0x1  }
0x8a: {  	s1 =	srdreg.scid  }
0x8b: {  	s0 =	sand.u32 $0x1, s1  }
0x8c: {  	s17 =	sshll.u32 s0, $0xA;
	s2 =	sadd.s32 s3, s2  }
0x8d: {  	s2 =	sadd.s32 s2, s17  }
0x8e: {  	[smem:$0x3FB3] =	sst s2  }
0x8f: {  	_ = 	snop  }
0x90: {  	(tm) =	ssettm $0x1  }
0x91: {  	s18 =	sld [smem:$0x3FFB];
	_ =	sdelay $0x3  }
0x92: {  	_ =	strace s18  }
0x93: {  	s2 =	sld [smem:$0x3FFC];
	_ =	sdelay $0x3  }
0x94: {  	_ =	strace s2  }
0x95: {  	s2 =	sld [smem:$0x3FFD];
	_ =	sdelay $0x3  }
0x96: {  	_ =	strace s2  }
0x97: {  	_ =	strace $0x8FFFFFFF  }
0x98: {  	s19 =	sld [smem:$0x3FDB];
	_ =	sdelay $0x1  }
0x99: {  	s20 =	simm.s32 $_scs_section_size  }
0x9a: {  	s4 =	simm.s32 $_size__tile_overlayer_lowered;
	s5 =	simm.s32 $_tile_overlayer_lowered  }
0x9b: {  	s6 =	simm.s32 $0x1BFF;
	s21 =	sshll.u32 s5, $0x1;
	s3 =	sadd.s32 s20, s19  }
0x9c: {  	s22 =	simm.s32 $0x0;
	s4 =	sshll.u32 s4, $0x1;
	s5 =	sadd.s32 s21, s3  }
0x9d: {  	[timem:s22], [sflag:s6] =	dma.local [hbm:s5], s4  }
0x9e: {  	_ =	swait.ge [sflag:s6], s4  }
0x9f: {  	s4 =	ssub.s32 $0x0, s4;
	[sflag:s6] =	ssyncset.done $0x0  }
0xa0: {  	[sflag:s6] =	ssyncadd.s32 s4;
	_ =	sdelay $0x1  }
0xa1: {  	s23 =	simm.s32 $0x1B8B  }
0xa2: {  	_ =	swait.ge [sflag:s23], $0x1  }
0xa3: {  	[sflag:s23] =	ssyncset.done $0x0  }
0xa4: {  	[sflag:s23] =	ssyncadd.s32 $0xFFFFFFFF  }
0xa5: {  	s4 =	sld [smem:$0x0]  }
0xa6: {  	s5 =	sand.u32 $0xFFFFFFFE, s1  }
0xa7: {  	p0 =	sne.s32 s1, s5  }
0xa8: {  	s5 =	sshll.u32 @p0 s5, $0xE  }
0xa9: {  	s5 =	sadd.s32 @p0 $0x11B8D, s5;
	s6 =	sshll.u32 @p0 s4, $0x11  }
0xaa: {  	s5 =	sor.u32 @p0 s6, s5  }
0xab: {  	[sflag:s5] =	ssyncadd.remote.s32 @p0 $0x1;
	_ =	sdelay $0x1  }
0xac: {  	s5 =	simm.s32 @p0 $0x1B8D  }
0xad: {  	_ =	swait.eq @p0 [sflag:s5], $0x1  }
0xae: {  	[sflag:s5] =	ssyncadd.s32 @p0 $0xFFFFFFFF  }
0xaf: {  	s6 =	sshll.u32 @!p0 s1, $0xE  }
0xb0: {  	s6 =	sor.u32 @!p0 $0x4000, s6;
	s5 =	simm.s32 @!p0 $0x1B8D  }
0xb1: {  	s7 =	sshll.u32 @!p0 s4, $0x11;
	s6 =	sadd.s32 @!p0 $0x11B8D, s6;
	_ =	swait.eq @!p0 [sflag:s5], $0x1  }
0xb2: {  	[sflag:s5] =	ssyncadd.s32 @!p0 $0xFFFFFFFF;
	s5 =	sor.u32 @!p0 s7, s6  }
0xb3: {  	s25 =	simm.s32 $0x1B8E;
	s24 =	sld [smem:$0x3FFE];
	[sflag:s5] =	ssyncadd.remote.s32 @!p0 $0x1  }
0xb4: {  	s26 =	simm.s32 $execute0_lowered;
	[smem:$0x3FD2] =	sst s25  }
0xb5: {  	s6 =	sshll.u32 s26, $0x1;
	_ =	strace $0x80000055;
	[dreg:$0x1] =	wrdreg $0xFFFFFFFF  }
0xb6: {  	s28 =	simm.s32 $_size_execute0_lowered;
	s3 =	sadd.s32 s3, s6;
	[dreg:$0x0] =	wrdreg $0x0  }
0xb7: {  	s6 =	sshll.u32 s28, $0x1;
	[dreg:$0x2] =	wrdreg s3  }
0xb8: {  	[dreg:$0x3] =	wrdreg s6  }
0xb9: {  	[dreg:$0x4] =	wrdreg $0xC0  }
0xba: {  	_ =	task [dreg:s22], $0x5FFFF  }
0xbb: {  	[dreg:$0x1] =	wrdreg $0xFFFFFFFF  }
0xbc: {  	[dreg:$0x0] =	wrdreg $0x60  }
0xbd: {  	[dreg:$0x2] =	wrdreg s24  }
0xbe: {  	[dreg:$0x3] =	wrdreg s1  }
0xbf: {  	[dreg:$0x4] =	wrdreg s4  }
0xc0: {  	[dreg:$0x5] =	wrdreg $0xD  }
0xc1: {  	_ =	task.clear_ibuf [dreg:s22], $0x6FFFF;
	_ =	strace $0x90000055  }
0xc2: {  	s29 =	simm.s32 $0xD;
	_ =	strace $0x80000057  }
0xc3: {  	_ =	swait.ge [sflag:s29], $0x1  }
0xc4: {  	[sflag:s29] =	ssyncadd.s32 $0xFFFFFFFF  }
0xc5: {  	_ =	strace $0x90000057  }
0xc6: {  	_ =	sfence  }
0xc7: {  	s30 =	sld [smem:$0x0];
	_ =	sdelay $0x2  }
0xc8: {  	s31 =	sshll.u32 s1, $0xD;
	s1 =	sshrl.u32 s1, $0x2  }
0xc9: {  	s4 =	sand.u32 $0x4000, s31;
	s1 =	sadd.s32 s1, s30  }
0xca: {  	s0 =	sor.u32 s4, s0;
	s1 =	sshll.u32 s1, $0x11  }
0xcb: {  	s0 =	sor.u32 s1, s0  }
0xcc: {  	s0 =	sadd.s32 $0x8F2B, s0  }
0xcd: {  	[sflag:s0] =	ssyncadd.remote.s32 $0x1  }
0xce: {  	_ =	sfence.sel $0xFFFF  }
0xcf: {  	[dreg:$0x0] =	wrdreg $0xFFFFFFFF;
	(pc) =	sbr.abs _section_cstart, $3  }
0xd0: {  	[dreg:$0x1] =	wrdreg $0xFFFFFFFF  }
0xd1: {  	_ =	task.clear_ibuf [dreg:s22], $0x2FFFF;
	_ =	strace $0x9FFFFFFF  }
0xd2: {  	(tm) =	ssettm $0x7FFFFFFF  }
0xd3: {  	_ =	shalt  }
tec
execute0_lowered:
.L_overlay_start_1:
0x0: {  	(tag) =	ssettag $0x1  }
0x1: {  	s11 =	rddreg [dreg:$0x0]  }
0x2: {  	s2 =	rddreg [dreg:$0x1];
	_ =	strace $0x80000056;
	s12 =	simm.s32 $0x1  }
0x3: {  	v0 =	vimm.s32 $0x0;
	[sflag:s12] =	ssyncpa.u1 $0x0  }
0x4: {  	[tilespmem:$0x28] =	vst v0  }
0x5: {  	[tilespmem:$0x38] =	vst v0  }
0x6: {  	[tilespmem:$0x48] =	vst v0  }
0x7: {  	[tilespmem:$0x58] =	vst v0  }
0x8: {  	[tilespmem:$0x68] =	vst v0  }
0x9: {  	[tilespmem:$0x78] =	vst v0  }
0xa: {  	[tilespmem:$0x88] =	vst v0  }
0xb: {  	[tilespmem:$0x98] =	vst v0  }
0xc: {  	[tilespmem:$0xA8] =	vst v0  }
0xd: {  	[tilespmem:$0xB8] =	vst v0  }
0xe: {  	[tilespmem:$0xC8] =	vst v0  }
0xf: {  	[tilespmem:$0xD8] =	vst v0  }
0x10: {  	[tilespmem:$0xE8] =	vst v0  }
0x11: {  	[tilespmem:$0xF8] =	vst v0  }
0x12: {  	[tilespmem:$0x108] =	vst v0  }
0x13: {  	[tilespmem:$0x118] =	vst v0  }
0x14: {  	[tilespmem:$0x128] =	vst v0  }
0x15: {  	[tilespmem:$0x138] =	vst v0  }
0x16: {  	[tilespmem:$0x148] =	vst v0  }
0x17: {  	[tilespmem:$0x158] =	vst v0  }
0x18: {  	[tilespmem:$0x168] =	vst v0  }
0x19: {  	[tilespmem:$0x178] =	vst v0  }
0x1a: {  	[tilespmem:$0x188] =	vst v0  }
0x1b: {  	[tilespmem:$0x198] =	vst v0  }
0x1c: {  	[tilespmem:$0x1A8] =	vst v0  }
0x1d: {  	[tilespmem:$0x1B8] =	vst v0  }
0x1e: {  	[tilespmem:$0x1C8] =	vst v0  }
0x1f: {  	[tilespmem:$0x1D8] =	vst v0  }
0x20: {  	[tilespmem:$0x1E8] =	vst v0  }
0x21: {  	[tilespmem:$0x1F8] =	vst v0  }
0x22: {  	[tilespmem:$0x208] =	vst v0  }
0x23: {  	[tilespmem:$0x218] =	vst v0  }
0x24: {  	[tilespmem:$0x228] =	vst v0  }
0x25: {  	[tilespmem:$0x238] =	vst v0  }
0x26: {  	[tilespmem:$0x248] =	vst v0  }
0x27: {  	[tilespmem:$0x258] =	vst v0  }
0x28: {  	[tilespmem:$0x268] =	vst v0  }
0x29: {  	[tilespmem:$0x278] =	vst v0  }
0x2a: {  	[tilespmem:$0x288] =	vst v0  }
0x2b: {  	[tilespmem:$0x298] =	vst v0  }
0x2c: {  	[tilespmem:$0x2A8] =	vst v0  }
0x2d: {  	[tilespmem:$0x2B8] =	vst v0  }
0x2e: {  	[tilespmem:$0x2C8] =	vst v0  }
0x2f: {  	[tilespmem:$0x2D8] =	vst v0  }
0x30: {  	[tilespmem:$0x2E8] =	vst v0  }
0x31: {  	[tilespmem:$0x2F8] =	vst v0  }
0x32: {  	[tilespmem:$0x308] =	vst v0  }
0x33: {  	[tilespmem:$0x318] =	vst v0  }
0x34: {  	[tilespmem:$0x328] =	vst v0  }
0x35: {  	[tilespmem:$0x338] =	vst v0  }
0x36: {  	[tilespmem:$0x348] =	vst v0  }
0x37: {  	[tilespmem:$0x358] =	vst v0  }
0x38: {  	[tilespmem:$0x368] =	vst v0  }
0x39: {  	[tilespmem:$0x378] =	vst v0  }
0x3a: {  	[tilespmem:$0x388] =	vst v0  }
0x3b: {  	[tilespmem:$0x398] =	vst v0  }
0x3c: {  	[tilespmem:$0x3A8] =	vst v0  }
0x3d: {  	[tilespmem:$0x3B8] =	vst v0  }
0x3e: {  	[tilespmem:$0x3C8] =	vst v0  }
0x3f: {  	[tilespmem:$0x3D8] =	vst v0  }
0x40: {  	[tilespmem:$0x3E8] =	vst v0  }
0x41: {  	[tilespmem:$0x3F8] =	vst v0  }
0x42: {  	[tilespmem:$0x408] =	vst v0  }
0x43: {  	[tilespmem:$0x418] =	vst v0  }
0x44: {  	[tilespmem:$0x428] =	vst v0  }
0x45: {  	[tilespmem:$0x438] =	vst v0  }
0x46: {  	[tilespmem:$0x448] =	vst v0  }
0x47: {  	[tilespmem:$0x458] =	vst v0  }
0x48: {  	[tilespmem:$0x468] =	vst v0  }
0x49: {  	[tilespmem:$0x478] =	vst v0  }
0x4a: {  	[tilespmem:$0x488] =	vst v0  }
0x4b: {  	[tilespmem:$0x498] =	vst v0  }
0x4c: {  	[tilespmem:$0x4A8] =	vst v0  }
0x4d: {  	[tilespmem:$0x4B8] =	vst v0  }
0x4e: {  	[tilespmem:$0x4C8] =	vst v0  }
0x4f: {  	[tilespmem:$0x4D8] =	vst v0  }
0x50: {  	[tilespmem:$0x4E8] =	vst v0  }
0x51: {  	[tilespmem:$0x4F8] =	vst v0  }
0x52: {  	[tilespmem:$0x508] =	vst v0  }
0x53: {  	[tilespmem:$0x518] =	vst v0  }
0x54: {  	[tilespmem:$0x528] =	vst v0  }
0x55: {  	[tilespmem:$0x538] =	vst v0  }
0x56: {  	[tilespmem:$0x548] =	vst v0  }
0x57: {  	[tilespmem:$0x558] =	vst v0  }
0x58: {  	[tilespmem:$0x568] =	vst v0  }
0x59: {  	[tilespmem:$0x578] =	vst v0  }
0x5a: {  	[tilespmem:$0x588] =	vst v0  }
0x5b: {  	[tilespmem:$0x598] =	vst v0  }
0x5c: {  	[tilespmem:$0x5A8] =	vst v0  }
0x5d: {  	[tilespmem:$0x5B8] =	vst v0  }
0x5e: {  	[tilespmem:$0x5C8] =	vst v0  }
0x5f: {  	[tilespmem:$0x5D8] =	vst v0  }
0x60: {  	[tilespmem:$0x5E8] =	vst v0  }
0x61: {  	[tilespmem:$0x5F8] =	vst v0  }
0x62: {  	[tilespmem:$0x608] =	vst v0  }
0x63: {  	[tilespmem:$0x618] =	vst v0  }
0x64: {  	[tilespmem:$0x628] =	vst v0  }
0x65: {  	[tilespmem:$0x638] =	vst v0  }
0x66: {  	[tilespmem:$0x648] =	vst v0  }
0x67: {  	[tilespmem:$0x658] =	vst v0  }
0x68: {  	[tilespmem:$0x668] =	vst v0  }
0x69: {  	[tilespmem:$0x678] =	vst v0  }
0x6a: {  	[tilespmem:$0x688] =	vst v0  }
0x6b: {  	[tilespmem:$0x698] =	vst v0  }
0x6c: {  	[tilespmem:$0x6A8] =	vst v0  }
0x6d: {  	[tilespmem:$0x6B8] =	vst v0  }
0x6e: {  	[tilespmem:$0x6C8] =	vst v0  }
0x6f: {  	[tilespmem:$0x6D8] =	vst v0  }
0x70: {  	[tilespmem:$0x6E8] =	vst v0  }
0x71: {  	[tilespmem:$0x6F8] =	vst v0  }
0x72: {  	[tilespmem:$0x708] =	vst v0  }
0x73: {  	[tilespmem:$0x718] =	vst v0  }
0x74: {  	[tilespmem:$0x728] =	vst v0  }
0x75: {  	[tilespmem:$0x738] =	vst v0  }
0x76: {  	[tilespmem:$0x748] =	vst v0  }
0x77: {  	[tilespmem:$0x758] =	vst v0  }
0x78: {  	[tilespmem:$0x768] =	vst v0  }
0x79: {  	[tilespmem:$0x778] =	vst v0  }
0x7a: {  	[tilespmem:$0x788] =	vst v0  }
0x7b: {  	[tilespmem:$0x798] =	vst v0  }
0x7c: {  	[tilespmem:$0x7A8] =	vst v0  }
0x7d: {  	[tilespmem:$0x7B8] =	vst v0  }
0x7e: {  	[tilespmem:$0x7C8] =	vst v0  }
0x7f: {  	[tilespmem:$0x7D8] =	vst v0  }
0x80: {  	[tilespmem:$0x7E8] =	vst v0  }
0x81: {  	[tilespmem:$0x7F8] =	vst v0  }
0x82: {  	[tilespmem:$0x808] =	vst v0  }
0x83: {  	[tilespmem:$0x818] =	vst v0  }
0x84: {  	[tilespmem:$0x828] =	vst v0  }
0x85: {  	[tilespmem:$0x838] =	vst v0  }
0x86: {  	[tilespmem:$0x848] =	vst v0  }
0x87: {  	[tilespmem:$0x858] =	vst v0  }
0x88: {  	[tilespmem:$0x868] =	vst v0  }
0x89: {  	[tilespmem:$0x878] =	vst v0  }
0x8a: {  	[tilespmem:$0x888] =	vst v0  }
0x8b: {  	[tilespmem:$0x898] =	vst v0  }
0x8c: {  	[tilespmem:$0x8A8] =	vst v0  }
0x8d: {  	[tilespmem:$0x8B8] =	vst v0  }
0x8e: {  	[tilespmem:$0x8C8] =	vst v0  }
0x8f: {  	[tilespmem:$0x8D8] =	vst v0  }
0x90: {  	[tilespmem:$0x8E8] =	vst v0  }
0x91: {  	[tilespmem:$0x8F8] =	vst v0  }
0x92: {  	[tilespmem:$0x908] =	vst v0  }
0x93: {  	[tilespmem:$0x918] =	vst v0  }
0x94: {  	[tilespmem:$0x928] =	vst v0  }
0x95: {  	[tilespmem:$0x938] =	vst v0  }
0x96: {  	[tilespmem:$0x948] =	vst v0  }
0x97: {  	[tilespmem:$0x958] =	vst v0  }
0x98: {  	[tilespmem:$0x968] =	vst v0  }
0x99: {  	[tilespmem:$0x978] =	vst v0  }
0x9a: {  	[tilespmem:$0x988] =	vst v0  }
0x9b: {  	[tilespmem:$0x998] =	vst v0  }
0x9c: {  	[tilespmem:$0x9A8] =	vst v0  }
0x9d: {  	[tilespmem:$0x9B8] =	vst v0  }
0x9e: {  	[tilespmem:$0x9C8] =	vst v0  }
0x9f: {  	[tilespmem:$0x9D8] =	vst v0  }
0xa0: {  	[tilespmem:$0x9E8] =	vst v0  }
0xa1: {  	[tilespmem:$0x9F8] =	vst v0  }
0xa2: {  	[tilespmem:$0xA08] =	vst v0  }
0xa3: {  	[tilespmem:$0xA18] =	vst v0  }
0xa4: {  	[tilespmem:$0xA28] =	vst v0  }
0xa5: {  	[tilespmem:$0xA38] =	vst v0  }
0xa6: {  	[tilespmem:$0xA48] =	vst v0  }
0xa7: {  	[tilespmem:$0xA58] =	vst v0  }
0xa8: {  	[tilespmem:$0xA68] =	vst v0  }
0xa9: {  	[tilespmem:$0xA78] =	vst v0  }
0xaa: {  	[tilespmem:$0xA88] =	vst v0  }
0xab: {  	[tilespmem:$0xA98] =	vst v0  }
0xac: {  	[tilespmem:$0xAA8] =	vst v0  }
0xad: {  	[tilespmem:$0xAB8] =	vst v0  }
0xae: {  	[tilespmem:$0xAC8] =	vst v0  }
0xaf: {  	[tilespmem:$0xAD8] =	vst v0  }
0xb0: {  	[tilespmem:$0xAE8] =	vst v0  }
0xb1: {  	[tilespmem:$0xAF8] =	vst v0  }
0xb2: {  	[tilespmem:$0xB08] =	vst v0  }
0xb3: {  	[tilespmem:$0xB18] =	vst v0  }
0xb4: {  	[tilespmem:$0xB28] =	vst v0  }
0xb5: {  	[tilespmem:$0xB38] =	vst v0  }
0xb6: {  	[tilespmem:$0xB48] =	vst v0  }
0xb7: {  	[tilespmem:$0xB58] =	vst v0  }
0xb8: {  	[tilespmem:$0xB68] =	vst v0  }
0xb9: {  	[tilespmem:$0xB78] =	vst v0  }
0xba: {  	[tilespmem:$0xB88] =	vst v0  }
0xbb: {  	[tilespmem:$0xB98] =	vst v0  }
0xbc: {  	[tilespmem:$0xBA8] =	vst v0  }
0xbd: {  	[tilespmem:$0xBB8] =	vst v0  }
0xbe: {  	[tilespmem:$0xBC8] =	vst v0  }
0xbf: {  	[tilespmem:$0xBD8] =	vst v0  }
0xc0: {  	[tilespmem:$0xBE8] =	vst v0  }
0xc1: {  	[tilespmem:$0xBF8] =	vst v0  }
0xc2: {  	[tilespmem:$0xC08] =	vst v0  }
0xc3: {  	[tilespmem:$0xC18] =	vst v0  }
0xc4: {  	[tilespmem:$0xC28] =	vst v0  }
0xc5: {  	[tilespmem:$0xC38] =	vst v0  }
0xc6: {  	[tilespmem:$0xC48] =	vst v0  }
0xc7: {  	[tilespmem:$0xC58] =	vst v0  }
0xc8: {  	[tilespmem:$0xC68] =	vst v0  }
0xc9: {  	[tilespmem:$0xC78] =	vst v0  }
0xca: {  	[tilespmem:$0xC88] =	vst v0  }
0xcb: {  	[tilespmem:$0xC98] =	vst v0  }
0xcc: {  	[tilespmem:$0xCA8] =	vst v0  }
0xcd: {  	[tilespmem:$0xCB8] =	vst v0  }
0xce: {  	[tilespmem:$0xCC8] =	vst v0  }
0xcf: {  	[tilespmem:$0xCD8] =	vst v0  }
0xd0: {  	[tilespmem:$0xCE8] =	vst v0  }
0xd1: {  	[tilespmem:$0xCF8] =	vst v0  }
0xd2: {  	[tilespmem:$0xD08] =	vst v0  }
0xd3: {  	[tilespmem:$0xD18] =	vst v0  }
0xd4: {  	[tilespmem:$0xD28] =	vst v0  }
0xd5: {  	[tilespmem:$0xD38] =	vst v0  }
0xd6: {  	[tilespmem:$0xD48] =	vst v0  }
0xd7: {  	[tilespmem:$0xD58] =	vst v0  }
0xd8: {  	[tilespmem:$0xD68] =	vst v0  }
0xd9: {  	[tilespmem:$0xD78] =	vst v0  }
0xda: {  	[tilespmem:$0xD88] =	vst v0  }
0xdb: {  	[tilespmem:$0xD98] =	vst v0  }
0xdc: {  	[tilespmem:$0xDA8] =	vst v0  }
0xdd: {  	[tilespmem:$0xDB8] =	vst v0  }
0xde: {  	[tilespmem:$0xDC8] =	vst v0  }
0xdf: {  	[tilespmem:$0xDD8] =	vst v0  }
0xe0: {  	[tilespmem:$0xDE8] =	vst v0  }
0xe1: {  	[tilespmem:$0xDF8] =	vst v0  }
0xe2: {  	[tilespmem:$0xE08] =	vst v0  }
0xe3: {  	[tilespmem:$0xE18] =	vst v0  }
0xe4: {  	[tilespmem:$0xE28] =	vst v0  }
0xe5: {  	[tilespmem:$0xE38] =	vst v0  }
0xe6: {  	[tilespmem:$0xE48] =	vst v0  }
0xe7: {  	[tilespmem:$0xE58] =	vst v0  }
0xe8: {  	[tilespmem:$0xE68] =	vst v0  }
0xe9: {  	[tilespmem:$0xE78] =	vst v0  }
0xea: {  	[tilespmem:$0xE88] =	vst v0  }
0xeb: {  	[tilespmem:$0xE98] =	vst v0  }
0xec: {  	[tilespmem:$0xEA8] =	vst v0  }
0xed: {  	[tilespmem:$0xEB8] =	vst v0  }
0xee: {  	[tilespmem:$0xEC8] =	vst v0  }
0xef: {  	[tilespmem:$0xED8] =	vst v0  }
0xf0: {  	[tilespmem:$0xEE8] =	vst v0  }
0xf1: {  	[tilespmem:$0xEF8] =	vst v0  }
0xf2: {  	[tilespmem:$0xF08] =	vst v0  }
0xf3: {  	[tilespmem:$0xF18] =	vst v0  }
0xf4: {  	[tilespmem:$0xF28] =	vst v0  }
0xf5: {  	[tilespmem:$0xF38] =	vst v0  }
0xf6: {  	[tilespmem:$0xF48] =	vst v0  }
0xf7: {  	[tilespmem:$0xF58] =	vst v0  }
0xf8: {  	[tilespmem:$0xF68] =	vst v0  }
0xf9: {  	[tilespmem:$0xF78] =	vst v0  }
0xfa: {  	[tilespmem:$0xF88] =	vst v0  }
0xfb: {  	[tilespmem:$0xF98] =	vst v0  }
0xfc: {  	[tilespmem:$0xFA8] =	vst v0  }
0xfd: {  	[tilespmem:$0xFB8] =	vst v0  }
0xfe: {  	[tilespmem:$0xFC8] =	vst v0  }
0xff: {  	[tilespmem:$0xFD8] =	vst v0  }
0x100: {  	[tilespmem:$0xFE8] =	vst v0  }
0x101: {  	[tilespmem:$0xFF8] =	vst v0  }
0x102: {  	[tilespmem:$0x1028] =	vst v0  }
0x103: {  	[tilespmem:$0x10E8] =	vst v0  }
0x104: {  	[tilespmem:$0x1068] =	vst v0  }
0x105: {  	[tilespmem:$0x1B28] =	vst v0  }
0x106: {  	[tilespmem:$0x1B18] =	vst v0  }
0x107: {  	[tilespmem:$0x1B08] =	vst v0  }
0x108: {  	[tilespmem:$0x1AF8] =	vst v0  }
0x109: {  	[tilespmem:$0x1AE8] =	vst v0  }
0x10a: {  	[tilespmem:$0x1AD8] =	vst v0  }
0x10b: {  	[tilespmem:$0x1AC8] =	vst v0  }
0x10c: {  	[tilespmem:$0x1AB8] =	vst v0  }
0x10d: {  	[tilespmem:$0x1AA8] =	vst v0  }
0x10e: {  	[tilespmem:$0x1A98] =	vst v0  }
0x10f: {  	[tilespmem:$0x1A88] =	vst v0  }
0x110: {  	[tilespmem:$0x1A78] =	vst v0  }
0x111: {  	[tilespmem:$0x1A68] =	vst v0  }
0x112: {  	[tilespmem:$0x1A58] =	vst v0  }
0x113: {  	[tilespmem:$0x1A48] =	vst v0  }
0x114: {  	[tilespmem:$0x1A38] =	vst v0  }
0x115: {  	[tilespmem:$0x1A28] =	vst v0  }
0x116: {  	[tilespmem:$0x1A18] =	vst v0  }
0x117: {  	[tilespmem:$0x1A08] =	vst v0  }
0x118: {  	[tilespmem:$0x19F8] =	vst v0  }
0x119: {  	[tilespmem:$0x19E8] =	vst v0  }
0x11a: {  	[tilespmem:$0x19D8] =	vst v0  }
0x11b: {  	[tilespmem:$0x19C8] =	vst v0  }
0x11c: {  	[tilespmem:$0x19B8] =	vst v0  }
0x11d: {  	[tilespmem:$0x19A8] =	vst v0  }
0x11e: {  	[tilespmem:$0x1998] =	vst v0  }
0x11f: {  	[tilespmem:$0x1988] =	vst v0  }
0x120: {  	[tilespmem:$0x1978] =	vst v0  }
0x121: {  	[tilespmem:$0x1968] =	vst v0  }
0x122: {  	[tilespmem:$0x1958] =	vst v0  }
0x123: {  	[tilespmem:$0x1948] =	vst v0  }
0x124: {  	[tilespmem:$0x1938] =	vst v0  }
0x125: {  	[tilespmem:$0x1928] =	vst v0  }
0x126: {  	[tilespmem:$0x1918] =	vst v0  }
0x127: {  	[tilespmem:$0x1908] =	vst v0  }
0x128: {  	[tilespmem:$0x18F8] =	vst v0  }
0x129: {  	[tilespmem:$0x18E8] =	vst v0  }
0x12a: {  	[tilespmem:$0x18D8] =	vst v0  }
0x12b: {  	[tilespmem:$0x18C8] =	vst v0  }
0x12c: {  	[tilespmem:$0x18B8] =	vst v0  }
0x12d: {  	[tilespmem:$0x18A8] =	vst v0  }
0x12e: {  	[tilespmem:$0x1898] =	vst v0  }
0x12f: {  	[tilespmem:$0x1888] =	vst v0  }
0x130: {  	[tilespmem:$0x1878] =	vst v0  }
0x131: {  	[tilespmem:$0x1868] =	vst v0  }
0x132: {  	[tilespmem:$0x1858] =	vst v0  }
0x133: {  	[tilespmem:$0x1848] =	vst v0  }
0x134: {  	[tilespmem:$0x1838] =	vst v0  }
0x135: {  	[tilespmem:$0x1828] =	vst v0  }
0x136: {  	[tilespmem:$0x1818] =	vst v0  }
0x137: {  	[tilespmem:$0x1808] =	vst v0  }
0x138: {  	[tilespmem:$0x17F8] =	vst v0  }
0x139: {  	[tilespmem:$0x17E8] =	vst v0  }
0x13a: {  	[tilespmem:$0x17D8] =	vst v0  }
0x13b: {  	[tilespmem:$0x17C8] =	vst v0  }
0x13c: {  	[tilespmem:$0x17B8] =	vst v0  }
0x13d: {  	[tilespmem:$0x17A8] =	vst v0  }
0x13e: {  	[tilespmem:$0x1798] =	vst v0  }
0x13f: {  	[tilespmem:$0x1788] =	vst v0  }
0x140: {  	[tilespmem:$0x1778] =	vst v0  }
0x141: {  	[tilespmem:$0x1768] =	vst v0  }
0x142: {  	[tilespmem:$0x1758] =	vst v0  }
0x143: {  	[tilespmem:$0x1748] =	vst v0  }
0x144: {  	[tilespmem:$0x1738] =	vst v0  }
0x145: {  	[tilespmem:$0x1728] =	vst v0  }
0x146: {  	[tilespmem:$0x1718] =	vst v0  }
0x147: {  	[tilespmem:$0x1708] =	vst v0  }
0x148: {  	[tilespmem:$0x16F8] =	vst v0  }
0x149: {  	[tilespmem:$0x16E8] =	vst v0  }
0x14a: {  	[tilespmem:$0x16D8] =	vst v0  }
0x14b: {  	[tilespmem:$0x16C8] =	vst v0  }
0x14c: {  	[tilespmem:$0x16B8] =	vst v0  }
0x14d: {  	[tilespmem:$0x16A8] =	vst v0  }
0x14e: {  	[tilespmem:$0x1698] =	vst v0  }
0x14f: {  	[tilespmem:$0x1688] =	vst v0  }
0x150: {  	[tilespmem:$0x1678] =	vst v0  }
0x151: {  	[tilespmem:$0x1668] =	vst v0  }
0x152: {  	[tilespmem:$0x1658] =	vst v0  }
0x153: {  	[tilespmem:$0x1648] =	vst v0  }
0x154: {  	[tilespmem:$0x1638] =	vst v0  }
0x155: {  	[tilespmem:$0x1628] =	vst v0  }
0x156: {  	[tilespmem:$0x1618] =	vst v0  }
0x157: {  	[tilespmem:$0x1608] =	vst v0  }
0x158: {  	[tilespmem:$0x15F8] =	vst v0  }
0x159: {  	[tilespmem:$0x15E8] =	vst v0  }
0x15a: {  	[tilespmem:$0x15D8] =	vst v0  }
0x15b: {  	[tilespmem:$0x15C8] =	vst v0  }
0x15c: {  	[tilespmem:$0x15B8] =	vst v0  }
0x15d: {  	[tilespmem:$0x15A8] =	vst v0  }
0x15e: {  	[tilespmem:$0x1598] =	vst v0  }
0x15f: {  	[tilespmem:$0x1588] =	vst v0  }
0x160: {  	[tilespmem:$0x1578] =	vst v0  }
0x161: {  	[tilespmem:$0x1568] =	vst v0  }
0x162: {  	[tilespmem:$0x1558] =	vst v0  }
0x163: {  	[tilespmem:$0x1548] =	vst v0  }
0x164: {  	[tilespmem:$0x1538] =	vst v0  }
0x165: {  	[tilespmem:$0x1528] =	vst v0  }
0x166: {  	[tilespmem:$0x1518] =	vst v0  }
0x167: {  	[tilespmem:$0x1508] =	vst v0  }
0x168: {  	[tilespmem:$0x14F8] =	vst v0  }
0x169: {  	[tilespmem:$0x14E8] =	vst v0  }
0x16a: {  	[tilespmem:$0x14D8] =	vst v0  }
0x16b: {  	[tilespmem:$0x14C8] =	vst v0  }
0x16c: {  	[tilespmem:$0x14B8] =	vst v0  }
0x16d: {  	[tilespmem:$0x14A8] =	vst v0  }
0x16e: {  	[tilespmem:$0x1498] =	vst v0  }
0x16f: {  	[tilespmem:$0x1488] =	vst v0  }
0x170: {  	[tilespmem:$0x1478] =	vst v0  }
0x171: {  	[tilespmem:$0x1468] =	vst v0  }
0x172: {  	[tilespmem:$0x1458] =	vst v0  }
0x173: {  	[tilespmem:$0x1448] =	vst v0  }
0x174: {  	[tilespmem:$0x1438] =	vst v0  }
0x175: {  	[tilespmem:$0x1428] =	vst v0  }
0x176: {  	[tilespmem:$0x1418] =	vst v0  }
0x177: {  	[tilespmem:$0x1408] =	vst v0  }
0x178: {  	[tilespmem:$0x13F8] =	vst v0  }
0x179: {  	[tilespmem:$0x13E8] =	vst v0  }
0x17a: {  	[tilespmem:$0x13D8] =	vst v0  }
0x17b: {  	[tilespmem:$0x13C8] =	vst v0  }
0x17c: {  	[tilespmem:$0x13B8] =	vst v0  }
0x17d: {  	[tilespmem:$0x13A8] =	vst v0  }
0x17e: {  	[tilespmem:$0x1398] =	vst v0  }
0x17f: {  	[tilespmem:$0x1388] =	vst v0  }
0x180: {  	[tilespmem:$0x1378] =	vst v0  }
0x181: {  	[tilespmem:$0x1368] =	vst v0  }
0x182: {  	[tilespmem:$0x1358] =	vst v0  }
0x183: {  	[tilespmem:$0x1348] =	vst v0  }
0x184: {  	[tilespmem:$0x1338] =	vst v0  }
0x185: {  	[tilespmem:$0x1328] =	vst v0  }
0x186: {  	[tilespmem:$0x1318] =	vst v0  }
0x187: {  	[tilespmem:$0x1308] =	vst v0  }
0x188: {  	[tilespmem:$0x12F8] =	vst v0  }
0x189: {  	[tilespmem:$0x12E8] =	vst v0  }
0x18a: {  	[tilespmem:$0x12D8] =	vst v0  }
0x18b: {  	[tilespmem:$0x12C8] =	vst v0  }
0x18c: {  	[tilespmem:$0x12B8] =	vst v0  }
0x18d: {  	[tilespmem:$0x12A8] =	vst v0  }
0x18e: {  	[tilespmem:$0x1298] =	vst v0  }
0x18f: {  	[tilespmem:$0x1288] =	vst v0  }
0x190: {  	[tilespmem:$0x1278] =	vst v0  }
0x191: {  	[tilespmem:$0x1268] =	vst v0  }
0x192: {  	[tilespmem:$0x1258] =	vst v0  }
0x193: {  	[tilespmem:$0x1248] =	vst v0  }
0x194: {  	[tilespmem:$0x1238] =	vst v0  }
0x195: {  	[tilespmem:$0x1228] =	vst v0  }
0x196: {  	[tilespmem:$0x1218] =	vst v0  }
0x197: {  	[tilespmem:$0x1208] =	vst v0  }
0x198: {  	[tilespmem:$0x11F8] =	vst v0  }
0x199: {  	[tilespmem:$0x11E8] =	vst v0  }
0x19a: {  	[tilespmem:$0x11D8] =	vst v0  }
0x19b: {  	[tilespmem:$0x11C8] =	vst v0  }
0x19c: {  	[tilespmem:$0x11B8] =	vst v0  }
0x19d: {  	[tilespmem:$0x11A8] =	vst v0  }
0x19e: {  	[tilespmem:$0x1198] =	vst v0  }
0x19f: {  	[tilespmem:$0x1188] =	vst v0  }
0x1a0: {  	[tilespmem:$0x1178] =	vst v0  }
0x1a1: {  	[tilespmem:$0x1168] =	vst v0  }
0x1a2: {  	[tilespmem:$0x1158] =	vst v0  }
0x1a3: {  	[tilespmem:$0x1148] =	vst v0  }
0x1a4: {  	[tilespmem:$0x1138] =	vst v0  }
0x1a5: {  	[tilespmem:$0x1128] =	vst v0  }
0x1a6: {  	[tilespmem:$0x1118] =	vst v0  }
0x1a7: {  	s4 =	stileid.u32;
	[tilespmem:$0x1108] =	vst v0  }
0x1a8: {  	s0 =	smul.u32 $0x17, s4;
	[tilespmem:$0x10F8] =	vst v0  }
0x1a9: {  	s1 =	smin.u32 s4, $0x3;
	[tilespmem:$0x10C8] =	vst v0  }
0x1aa: {  	[tilespmem:$0x10D8] =	vst v0;
	s0 =	sadd.s32 s1, s0  }
0x1ab: {  	p0 =	slt.u32 s4, $0x3;
	[tilespmem:$0x10B8] =	vst v0;
	s1 =	simm.s32 $0x2880;
	s6 =	smul.u32 $0x1B0, s0  }
0x1ac: {  	s1 =	simm.s32 @!p0 $0x26D0;
	[tilespmem:$0x1038] =	vst v0  }
0x1ad: {  	[tilespmem:$0x10A8] =	vst v0;
	s0 =	sadd.s32 s1, s6  }
0x1ae: {  	s3 =	simm.s32 $0x2;
	s8 =	simm.s32 $0x9;
	[tilespmem:$0x1098] =	vst v0;
	s7 =	smin.u32 s0, $0x27100  }
0x1af: {  	s10 =	simm.s32 $0xA;
	s30 =	simm.s32 $0xB;
	[tilespmem:$0x1088] =	vst v0;
	s0 =	ssub.s32 s7, s6  }
0x1b0: {  	s16 =	simm.s32 $0x0;
	p4 =	por $0x0, $0x0;
	[tilespmem:$0x1078] =	vst v0;
	p0 =	sgt.s32 s0, $0x0  }
0x1b1: {  	s17 =	simm.s32 $0xC;
	s21 =	simm.s32 $0x0;
	[tilespmem:$0x1058] =	vst v0;
	s0 =	simm.s32 @!p0 $0x0  }
0x1b2: {  	s18 =	simm.s32 $0x0;
	s2 =	sand.u32 $0x1, s2;
	[tilespmem:$0x1048] =	vst v0;
	s29 =	smulhi.u32 $0x4BDA12F7, s0  }
0x1b3: {  	s20 =	simm.s32 $0x0;
	s31 =	sshll.u32 s4, $0x5;
	[tilespmem:$0x1018] =	vst v0;
	[dreg:$0x5] =	wrdreg s2  }
0x1b4: {  	s2 =	smul.u32 $0x4E20, s2;
	[tilespmem:$0x1008] =	vst v0;
	[sflag:s3] =	ssyncpa.u1 $0x0;
	s1 =	sshrl.u32 s29, $0x7  }
0x1b5: {  	v0 =	vimm.s32 $0xFFFFFFFF;
	s3 =	sadd.s32 $0x19600, s11;
	[dreg:$0x4] =	wrdreg s31;
	s5 =	smul.u32 $0x1B0, s1  }
.Ltmp0:
0x1b6: {  	[tilespmem:$0x3648] =	vst v0;
	[sflag:s8] =	ssyncpa.u1 $0x0;
	s2 =	sadd.s32 s2, s11;
	(pc) =	sbr.rel .LBB2_1-.Ltmp0, $4  }
0x1b7: {  	[sflag:s10] =	ssyncpa.u1 $0x0;
	s11 =	sadd.s32 $0x521800, s11;
	p0 =	sne.s32 s0, s5  }
0x1b8: {  	[sflag:s30] =	ssyncpa.u1 $0x0;
	s14 =	sadd.s32 $0xA34E00, s2;
	s12 =	simm.s32 @!p0 $0x0  }
0x1b9: {  	s15 =	sadd.s32 $0xA2B000, s2;
	s19 =	smov.u32 s6;
	s12 =	sadd.s32 s12, s1  }
0x1ba: {  	v0 =	vlaneseq.u32;
	[dreg:$0x6] =	wrdreg s6;
	p0 =	por $0x1, $0x1;
	s4 =	sadd.s32 $0x1, s12  }
.LBB2_18:
0x1bb: {  	s0 =	simm.s32 $0x2  }
0x1bc: {  	_ =	swait.ge [sflag:s0], $0x0  }
0x1bd: {  	[sflag:s0] =	ssyncset.done $0x0;
	s0 =	simm.s32 $0x0  }
.LBB2_19:
0x1be: {  	_ =	swait.ge [sflag:s17], s0  }
0x1bf: {  	s31 =	ssub.s32 $0x0, s0;
	v1 =	vmov s23;
	vm0 =	veq.s32 v0, $0x0;
	[sflag:s17] =	ssyncset.done $0x0  }
0x1c0: {  	vm15 =	veq.s32 v0, $0x2;
	v1 =	vsel vm0, s28, v1;
	[sflag:s17] =	ssyncadd.s32 s31  }
0x1c1: {  	v1 =	vsel vm15, s21, v1;
	[sflag:s17] =	ssyncpa.u1 $0x1  }
0x1c2: {  	[tilespmem:$0x3648] =	vst v1  }
.LBB2_20:
0x1c3: {  	s0 =	sadd.s32 $0x1B0, s19  }
0x1c4: {  	s1 =	smov.u32 s6;
	p1 =	slt.s32 s0, s7  }
0x1c5: {  	s1 =	smov.u32 @p1 s0;
	p1 =	sne.s32 s20, s4  }
.Ltmp1:
0x1c6: {  	_ = 	snop;
	(pc) =	sbr.rel @!p1 .LBB2_21-.Ltmp1, $4  }
0x1c7: {  	_ = 	snop  }
0x1c8: {  	s21 =	smov.u32 s18  }
0x1c9: {  	s31 =	sadd.s32 $0x1, s20;
	s18 =	smov.u32 s19;
	p0 =	por !p0, !p0  }
0x1ca: {  	p4 =	por !p4, !p4;
	s20 =	smov.u32 s31;
	s19 =	smov.u32 s1  }
.LBB2_1:
0x1cb: {  	p2 =	sge.u32 s20, s12  }
0x1cc: {  	s0 =	smulhi.u32 @!p2 $0xAAAAAAAB, s20  }
0x1cd: {  	s1 =	smov.u32 s19;
	p3 =	sgt.s32 @!p2 s19, $0x26F50  }
0x1ce: {  	s2 =	sshra.s32 @!p2 s19, $0x1F;
	p3 =	por !p3, p2;
	s0 =	sshrl.u32 @!p2 s0, $0x1  }
0x1cf: {  	s2 =	sand.u32 @!p2 s2, s19;
	s1 =	simm.s32 @p3 $0x26F50;
	s0 =	smul.u32 @!p2 $0x3, s0  }
0x1d0: {  	s1 =	ssub.s32 @!p2 s1, s2  }
0x1d1: {  	s23 =	sadd.s32 $0xFFFFFFFF, s20;
	s1 =	sadd.s32 @!p2 $0xFFFD90B0, s1;
	s0 =	ssub.s32 @!p2 s20, s0  }
0x1d2: {  	s2 =	sshll.u32 @!p2 s1, $0x2;
	p3 =	sgt.s32 @!p2 s1, $0x1AF;
	s0 =	smul.u32 @!p2 $0x6C0, s0  }
0x1d3: {  	s5 =	sand.u32 @!p2 $0x7, s19;
	s1 =	ssub.s32 @!p2 $0x6C0, s2;
	p3 =	por !p3, p2  }
0x1d4: {  	s2 =	sshrl.u32 @!p2 s19, $0x3;
	s1 =	sshrl.u32 @!p2 s1, $0x2;
	s0 =	sshrl.u32 @!p2 s0, $0x2  }
0x1d5: {  	s2 =	sadd.s32 @!p2 s2, s14;
	s1 =	simm.s32 @!p3 $0x0;
	s0 =	sadd.s32 @!p2 $0x3888, s0  }
0x1d6: {  	[tilespmem:s0], [sflag:$0xA] =	stream.linear.gather @!p2 [hbm4b:s2+s5], s1, $0x38;
	[tilespmem:$0x1F0F8] =	vst v63  }
0x1d7: {  	p2 =	sge.u32 s23, s12  }
0x1d8: {  	p3 =	sgt.s32 @!p2 s18, $0x26F50  }
0x1d9: {  	s0 =	smov.u32 s18;
	s1 =	sshra.s32 @!p2 s18, $0x1F;
	p3 =	por !p3, p2  }
0x1da: {  	s1 =	sand.u32 @!p2 s1, s18;
	s0 =	simm.s32 @p3 $0x26F50  }
0x1db: {  	s0 =	ssub.s32 @!p2 s0, s1  }
0x1dc: {  	s0 =	sadd.s32 @!p2 $0xFFFD90B0, s0  }
0x1dd: {  	s1 =	sshll.u32 @!p2 s0, $0x2  }
0x1de: {  	p3 =	sgt.s32 @!p2 s0, $0x1AF;
	s0 =	ssub.s32 @!p2 $0x6C0, s1  }
0x1df: {  	s22 =	ssub.s32 @!p2 $0x27100, s18;
	p3 =	por !p3, p2;
	s0 =	sshrl.u32 @!p2 s0, $0x2  }
0x1e0: {  	s1 =	sand.u32 @!p2 $0x1, s23;
	s0 =	simm.s32 @!p3 $0x0;
	p3 =	slt.s32 @!p2 s22, $0x1  }
0x1e1: {  	s2 =	simm.s32 @!p2 $0xA;
	s1 =	smul.u32 @!p2 $0x6C0, s1;
	p3 =	por p2, p3  }
.Ltmp2:
0x1e2: {  	_ =	swait.ge @!p2 [sflag:s2], s0;
	(pc) =	sbr.rel @p3 .LBB2_7-.Ltmp2, $4  }
0x1e3: {  	s5 =	ssub.s32 @!p2 $0x0, s0;
	[sflag:s2] =	ssyncset.done @!p2 $0x0  }
0x1e4: {  	s1 =	sshrl.u32 @!p2 s1, $0x2;
	[sflag:s2] =	ssyncadd.s32 @!p2 s5;
	s2 =	sshrl.u32 @!p2 s18, $0x3  }
0x1e5: {  	s1 =	sadd.s32 @!p2 $0x3D98, s1;
	s5 =	sand.u32 @!p2 $0x7, s18;
	s2 =	sadd.s32 @!p2 s2, s15  }
0x1e6: {  	[tilespmem:s1], [sflag:$0xB] =	stream.linear.gather @!p2 [hbm4b:s2+s5], s0, $0x38;
	[tilespmem:$0x1F0F8] =	vst v63  }
0x1e7: {  	s0 =	smulhi.u32 $0xAAAAAAAB, s23;
	_ =	sdelay $0x1  }
0x1e8: {  	s0 =	sshrl.u32 s0, $0x1  }
0x1e9: {  	s0 =	smul.u32 $0x3, s0;
	_ =	sdelay $0x1  }
0x1ea: {  	s0 =	ssub.s32 s23, s0  }
0x1eb: {  	s1 =	simm.s32 $0x1;
	s0 =	smul.u32 $0x6C0, s0  }
.Ltmp3:
0x1ec: {  	s1 =	simm.s32 @!p0 $0x0;
	(pc) =	sbr.rel .LBB2_4-.Ltmp3, $4  }
0x1ed: {  	s1 =	smul.u32 $0x36000, s1  }
0x1ee: {  	p3 =	slt.s32 @!p2 s22, $0x1B0;
	s0 =	sshrl.u32 s0, $0x2  }
0x1ef: {  	p2 =	por !p3, p2;
	s1 =	sshrl.u32 s1, $0x2;
	s0 =	sadd.s32 $0x3888, s0  }
0x1f0: {  	s24 =	simm.s32 $0x0;
	s22 =	simm.s32 @p2 $0x1B0;
	s23 =	sadd.s32 $0x40F8, s1;
	v1 =	vmov s0  }
.LBB2_3:
0x1f1: {  	p2 =	sge.s32 s24, s22  }
.Ltmp4:
0x1f2: {  	_ = 	snop;
	(pc) =	sbr.rel @p2 .LBB2_7-.Ltmp4, $2  }
0x1f3: {  	_ =	sdelay $0x2  }
0x1f4: {  	s23 =	sadd.s32 $0x800, s23  }
.LBB2_4:
0x1f5: {  	p2 =	sle.s32 s22, s24  }
.Ltmp5:
0x1f6: {  	_ = 	snop;
	(pc) =	sbr.rel @p2 .LBB2_3-.Ltmp5, $2  }
0x1f7: {  	_ =	sdelay $0x2  }
0x1f8: {  	s0 =	smov.u32 s24;
	s24 =	sadd.s32 $0x10, s24  }
0x1f9: {  	s1 =	ssub.s32 s22, s0  }
0x1fa: {  	p2 =	slt.s32 s1, $0x10  }
0x1fb: {  	s1 =	simm.s32 @!p2 $0x10  }
0x1fc: {  	v2 =	vmov s1  }
0x1fd: {  	vm0 =	vgt.s32 v2, v0;
	_ =	sdelay $0x5  }
0x1fe: {  	v2 =	vld.idx.msk [tilespmem:v1+s0+$0x0 ss:$0x1], vm0;
	_ =	sdelay $0x2  }
0x1ff: {  	p2 =	slt.s32 s24, s22;
	s1 =	smov.u32 s22  }
0x200: {  	s2 =	smov.u32 s23;
	s25 =	simm.s32 $0x0;
	s1 =	smov.u32 @p2 s24  }
.LBB2_6:
0x201: {  	(v2sf) =	vpush v2, s25;
	_ =	sdelay $0xc  }
0x202: {  	s25 =	sadd.s32 $0x1, s25  }
0x203: {  	s31 =	sadd.s32 s25, s0  }
0x204: {  	p2 =	slt.s32 s31, s1;
	s5 =	spop (v2sf)  }
.Ltmp6:
0x205: {  	s5 =	sshll.u32 s5, $0x4;
	(pc) =	sbr.rel @p2 .LBB2_6-.Ltmp6, $4  }
0x206: {  	s5 =	sand.u32 $0x1FFFFFF0, s5  }
0x207: {  	s5 =	sadd.s32 s11, s5  }
0x208: {  	[tilespmem:s2], [sflag:$0x9] =	stream.linear.gather [hbm4b:s5+s16], $0x10, $0x38;
	[tilespmem:$0x1F0F8] =	vst v63  }
0x209: {  	s2 =	sadd.s32 $0x80, s2  }
.Ltmp7:
0x20a: {  	_ = 	snop;
	(pc) =	sbr.rel .LBB2_3-.Ltmp7, $1  }
0x20b: {  	_ =	sdelay $0x3  }
.LBB2_7:
0x20c: {  	p2 =	slt.u32 s20, $0x2  }
.Ltmp8:
0x20d: {  	_ = 	snop;
	(pc) =	sbr.rel @p2 .LBB2_20-.Ltmp8, $1  }
0x20e: {  	_ =	sdelay $0x3  }
0x20f: {  	p2 =	sgt.s32 s21, $0x26F50  }
0x210: {  	s0 =	smov.u32 s21;
	s1 =	sshra.s32 s21, $0x1F;
	s2 =	ssub.s32 $0x27100, s21  }
0x211: {  	s0 =	simm.s32 @!p2 $0x26F50;
	s1 =	sand.u32 s1, s21;
	p2 =	slt.s32 s2, $0x1B0  }
0x212: {  	s0 =	ssub.s32 s0, s1;
	s2 =	simm.s32 @!p2 $0x1B0  }
0x213: {  	s0 =	sadd.s32 $0xFFFD90B0, s0;
	s24 =	sshll.u32 s2, $0x4  }
0x214: {  	s28 =	simm.s32 $0x9;
	s25 =	sshll.u32 s0, $0x2;
	s1 =	sand.u32 $0x3FFFFFF0, s24  }
0x215: {  	p2 =	sgt.s32 s0, $0x1AF;
	s26 =	ssub.s32 $0x6C0, s25;
	_ =	swait.ge [sflag:s28], s1  }
0x216: {  	s1 =	ssub.s32 $0x0, s1;
	[sflag:s28] =	ssyncset.done $0x0;
	s0 =	sshrl.u32 s26, $0x2  }
0x217: {  	s30 =	simm.s32 $0xB;
	[sflag:s28] =	ssyncadd.s32 s1;
	s0 =	simm.s32 @p2 $0x0  }
0x218: {  	_ =	swait.ge [sflag:s30], s0  }
0x219: {  	s0 =	ssub.s32 $0x0, s0;
	[sflag:s30] =	ssyncset.done $0x0  }
0x21a: {  	[sflag:s30] =	ssyncadd.s32 s0  }
0x21b: {  	v1 =	vld [tilespmem:$0x3648];
	_ =	sdelay $0x4  }
0x21c: {  	(v2sf) =	vpush v1, $0x0  }
0x21d: {  	(v2sf) =	vpush v1, $0x1  }
0x21e: {  	(v2sf) =	vpush v1, $0x2;
	_ =	sdelay $0x3  }
0x21f: {  	s0 =	sadd.s32 $0x1B0, s21  }
0x220: {  	s1 =	ssub.s32 $0x4E200, s21;
	p2 =	slt.s32 s7, s0  }
0x221: {  	s0 =	smov.u32 @p2 s7;
	p2 =	sgt.s32 s1, $0x0  }
0x222: {  	s25 =	ssub.s32 s0, s21;
	s1 =	simm.s32 @!p2 $0x0  }
0x223: {  	p2 =	slt.s32 s1, s25  }
0x224: {  	s25 =	smov.u32 @p2 s1  }
0x225: {  	s24 =	simm.s32 $0x1;
	p2 =	slt.s32 s25, $0x1  }
.Ltmp9:
0x226: {  	s24 =	simm.s32 @!p4 $0x0;
	(pc) =	sbr.rel @p2 .LBB2_12-.Ltmp9, $4  }
0x227: {  	s31 =	smul.u32 $0x6C0, s24  }
0x228: {  	s26 =	spop (v2sf)  }
0x229: {  	s0 =	sshrl.u32 s31, $0x2;
	s29 =	spop (v2sf)  }
0x22a: {  	s22 =	sadd.s32 $0x3D98, s0;
	s21 =	spop (v2sf)  }
0x22b: {  	s0 =	smin.u32 s25, $0x10  }
0x22c: {  	v1 =	vmov s0  }
0x22d: {  	p3 =	sgt.s32 s25, $0x10;
	vm1 =	vgt.u32 v1, v0  }
.Ltmp10:
0x22e: {  	_ = 	snop;
	(pc) =	sbr.rel @!p3 .LBB2_11-.Ltmp10, $2  }
0x22f: {  	_ =	sdelay $0x2  }
0x230: {  	s23 =	simm.s32 $0x10;
	s28 =	sadd.s32 $0xFFFFFFF0, s25;
	s0 =	smov.u32 s22;
	vm0 =	vmmov vm1  }
.LBB2_10:
0x231: {  	s1 =	smin.u32 s28, $0x10;
	s23 =	sadd.s32 $0x10, s23;
	v1 =	vld.msk [tilespmem:s0+$0x0 ss:$0x1], vm1  }
0x232: {  	v2 =	vmov s1;
	p3 =	slt.s32 s23, s25  }
0x233: {  	vm1 =	vgt.u32 v2, v0  }
.Ltmp11:
0x234: {  	(pc) =	sbr.rel @p3 .LBB2_10-.Ltmp11, $3  }
0x235: {  	_ =	sdelay $0x1  }
0x236: {  	v1 =	vshll.u32 v1, $0x4  }
0x237: {  	s28 =	sadd.s32 $0xFFFFFFF0, s28;
	[tilespmem:s0+$0x0] =	vst.msk vm0, v1;
	s0 =	sadd.s32 $0x10, s0;
	vm0 =	vmmov vm1  }
.LBB2_11:
0x238: {  	_ =	sdelay $0x4  }
0x239: {  	v1 =	vld.msk [tilespmem:s0+$0x0 ss:$0x1], vm1;
	_ =	sdelay $0x4  }
0x23a: {  	v1 =	vshll.u32 v1, $0x4  }
0x23b: {  	[tilespmem:s0+$0x0] =	vst.msk vm0, v1  }
.LBB2_12:
0x23c: {  	s0 =	sand.u32 $0x1, s20  }
0x23d: {  	s0 =	smul.u32 $0x1B0, s0  }
0x23e: {  	p3 =	sne.s32 s29, $0xFFFFFFFF  }
0x23f: {  	v1 =	vld.msk @!p3 [tilespmem:s0+$0x3D98], $0x1;
	_ =	sdelay $0x4  }
0x240: {  	(v2sf) =	vpush @!p3 v1, $0x0;
	_ =	sdelay $0xc  }
.Ltmp12:
0x241: {  	_ = 	snop;
	(pc) =	sbr.rel @p2 .LBB2_18-.Ltmp12, $4  }
0x242: {  	_ = 	snop  }
0x243: {  	s28 =	spop @!p3 (v2sf)  }
0x244: {  	s21 =	simm.s32 @!p3 $0x0;
	s23 =	smov.u32 s28  }
0x245: {  	[sflag:s17] =	ssyncpa.u1 $0x0;
	s28 =	smov.u32 @p3 s26;
	s23 =	smov.u32 @p3 s29  }
0x246: {  	v1 =	vld.msk [tilespmem:s22+$0x0], $0x1;
	_ =	sdelay $0x4  }
0x247: {  	(v2sf) =	vpush v1, $0x0;
	_ =	sdelay $0xe  }
0x248: {  	s0 =	simm.s32 @!p4 $0x0;
	s26 =	smul.u32 $0x36000, s24;
	s31 =	spop (v2sf)  }
0x249: {  	s29 =	ssub.s32 $0x0, s25;
	s0 =	simm.s32 @p4 $0x1;
	p2 =	seq.s32 s28, s31  }
0x24a: {  	s1 =	smov.u32 s28;
	[smem:$0x7FD] =	sst s0;
	p3 =	sgt.s32 @!p2 s28, $0x0  }
0x24b: {  	s0 =	sshrl.u32 s26, $0x2;
	s26 =	sadd.s32 $0x1, s29;
	p3 =	por !p3, p2  }
0x24c: {  	s1 =	simm.s32 @p3 $0x0;
	p3 =	seq.s32 s26, $0x0  }
.Ltmp13:
0x24d: {  	_ = 	snop;
	(pc) =	sbr.rel @p3 .LBB2_15-.Ltmp13, $4  }
0x24e: {  	s6 =	smov.u32 s4;
	s25 =	simm.s32 $0x0  }
0x24f: {  	s24 =	sadd.s32 $0x40F8, s0;
	s0 =	simm.s32 @!p2 $0x1;
	s2 =	smin.u32 @!p2 s1, $0x270FE  }
0x250: {  	s30 =	sadd.s32 $0x1, s22;
	s0 =	smov.u32 @p2 s25;
	s5 =	sand.u32 @!p2 $0x3FFF8, s2  }
0x251: {  	s1 =	simm.s32 @!p2 $0x1B38;
	s2 =	sand.u32 @!p2 $0x7, s2;
	s5 =	sadd.s32 @!p2 s3, s5  }
.LBB2_14:
0x252: {  	s4 =	smov.u32 s0  }
0x253: {  	[tilespmem:s1], [sflag:$0x2] =	stream.linear.gather @!p2 [hbm4b:s5+s2], $0x10, $0x38;
	[tilespmem:$0x1F0F8] =	vst v63  }
0x254: {  	s26 =	sadd.s32 $0x1, s26;
	s2 =	smov.u32 s31;
	v1 =	vld.msk [tilespmem:s30+$0x0], $0x1  }
0x255: {  	p3 =	seq.s32 s26, $0x0;
	_ =	sdelay $0x3  }
0x256: {  	(v2sf) =	vpush v1, $0x0;
	_ =	sdelay $0xe  }
0x257: {  	s31 =	spop (v2sf)  }
0x258: {  	p2 =	seq.s32 s2, s31  }
0x259: {  	p4 =	sgt.s32 @!p2 s2, $0x0;
	s1 =	sshll.u32 @!p2 s0, $0x6;
	s0 =	sadd.s32 @!p2 $0x1, s0  }
.Ltmp14:
0x25a: {  	p4 =	por !p4, p2;
	s1 =	sshra.s32 @!p2 s1, $0x2;
	(pc) =	sbr.rel @!p3 .LBB2_14-.Ltmp14, $4  }
0x25b: {  	s0 =	smov.u32 @p2 s4;
	s2 =	simm.s32 @p4 $0x0;
	s1 =	sadd.s32 @!p2 $0x1B38, s1  }
0x25c: {  	s2 =	smin.u32 @!p2 s2, $0x270FE  }
0x25d: {  	s4 =	sand.u32 @!p2 $0x3FFF8, s2;
	s2 =	sand.u32 @!p2 $0x7, s2  }
0x25e: {  	s30 =	sadd.s32 $0x1, s30;
	s5 =	sadd.s32 @!p2 s3, s4  }
.LBB2_15:
0x25f: {  	[tilespmem:s1], [sflag:$0x2] =	stream.linear.gather @!p2 [hbm4b:s5+s2], $0x10, $0x38;
	[tilespmem:$0x1F0F8] =	vst v63  }
0x260: {  	s0 =	sshll.u32 s0, $0x4  }
0x261: {  	s31 =	simm.s32 $0x2;
	s0 =	sand.u32 $0x3FFFFFF0, s0  }
0x262: {  	_ =	swait.ge [sflag:s31], s0  }
0x263: {  	s0 =	ssub.s32 $0x0, s0;
	[sflag:s31] =	ssyncset.done $0x0  }
0x264: {  	[sflag:s31] =	ssyncadd.s32 s0  }
0x265: {  	v1 =	vld.msk [tilespmem:s22+$0x0], $0x1;
	_ =	sdelay $0x4  }
0x266: {  	(v2sf) =	vpush v1, $0x0;
	_ =	sdelay $0xe  }
0x267: {  	s26 =	spop (v2sf)  }
0x268: {  	p2 =	sne.s32 s28, s26  }
0x269: {  	p4 =	sne.s32 @p2 s28, s23  }
0x26a: {  	p3 =	por !p4, !p2  }
0x26b: {  	s0 =	simm.s32 @!p3 $0x0  }
0x26c: {  	v1 =	vld @!p3 [tilespmem:s0+$0x1B38]  }
0x26d: {  	p5 =	sgt.u32 @!p3 s28, $0x270FE  }
0x26e: {  	s1 =	sshll.u32 @!p3 s21, $0x6;
	p6 =	por @p2 p5, !p4  }
0x26f: {  	s1 =	sshra.s32 @!p3 s1, $0x2;
	p1 =	por p6, !p2;
	p6 =	por p4, !p2  }
0x270: {  	s2 =	sadd.s32 @!p3 $0x28, s1;
	s4 =	sand.u32 @!p1 $0x3FFF8, s28;
	s5 =	sshll.u32 @!p6 s21, $0x6  }
0x271: {  	s28 =	sand.u32 @!p1 $0x7, s28;
	[tilespmem:s1+$0x28] =	vst.add.f32.msk @!p3 $0xffff, v1;
	s1 =	sadd.s32 @!p1 s3, s4;
	s4 =	sshra.s32 @!p6 s5, $0x2  }
0x272: {  	[hbm4b:s1+s28] =	stream.linear.scatter @!p1 [tilespmem:s2], [sflag:$0xC], $0x10, $0x38;
	[tilespmem:$0x1F0F8] =	vst v63  }
0x273: {  	s0 =	rddreg [dreg:$0x4];
	s1 =	sadd.s32 @!p6 $0x28, s4;
	s2 =	simm.s32 @!p6 $0x1  }
0x274: {  	[spmem:s0] =	stream.linear.scatter @!p6 [tilespmem:s1], [sflag:$0x1], $0x10, $0x38;
	[tilespmem:$0x1F0F8] =	vst v63  }
0x275: {  	s0 =	sadd.s32 @p2 $0x1, s21;
	_ =	swait.ge @!p6 [sflag:s2], $0x10  }
0x276: {  	s1 =	sshrl.u32 @p2 s0, $0x4;
	[sflag:s2] =	ssyncset.done @!p6 $0x0  }
0x277: {  	s1 =	smulhi.u32 @p2 $0x97B425F, s1;
	[sflag:s2] =	ssyncadd.s32 @!p6 $0xFFFFFFF0  }
0x278: {  	s28 =	sadd.s32 $0x1, s29;
	v1 =	vld @p2 [tilespmem:s24+$0x0]  }
0x279: {  	p1 =	por @p2 !p5, !p4;
	p4 =	seq.s32 s28, $0x0;
	s1 =	smul.u32 @p2 $0x1B0, s1  }
.Ltmp15:
0x27a: {  	p1 =	por !p1, !p2;
	s2 =	simm.s32 @!p3 $0x0;
	(pc) =	sbr.rel @p4 .LBB2_17-.Ltmp15, $4  }
0x27b: {  	s4 =	sshll.u32 @!p2 s21, $0x6;
	s2 =	simm.s32 @!p1 $0x40;
	s0 =	ssub.s32 @p2 s0, s1  }
0x27c: {  	s29 =	simm.s32 $0x0;
	s2 =	sadd.s32 @!p3 $0x0, s2;
	s5 =	sshll.u32 @p2 s0, $0x4  }
0x27d: {  	s30 =	sshra.s32 @!p2 s4, $0x2;
	s1 =	simm.s32 @p2 $0x1;
	s2 =	smov.u32 @p3 s25;
	[tilespmem:s5+$0x28] =	vst @p2 v1  }
0x27e: {  	s21 =	smov.u32 @p2 s0;
	s29 =	smov.u32 @p2 s2;
	s25 =	smov.u32 @p2 s1;
	v1 =	vld @!p2 [tilespmem:s24+$0x0]  }
.LBB2_16:
0x27f: {  	_ =	sdelay $0x3  }
0x280: {  	s22 =	sadd.s32 $0x1, s22;
	[tilespmem:s30+$0x28] =	vst.add.f32.msk @!p2 $0xffff, v1  }
0x281: {  	v1 =	vld.msk [tilespmem:s22+$0x0], $0x1;
	_ =	sdelay $0x4  }
0x282: {  	(v2sf) =	vpush v1, $0x0;
	_ =	sdelay $0xe  }
0x283: {  	s0 =	smov.u32 s26;
	s26 =	spop (v2sf)  }
0x284: {  	p2 =	sne.s32 s0, s26  }
0x285: {  	p5 =	sne.s32 @p2 s0, s23  }
0x286: {  	s4 =	sshll.u32 @!p2 s21, $0x6;
	p4 =	por !p5, !p2  }
0x287: {  	s30 =	sshra.s32 @!p2 s4, $0x2;
	s4 =	sshll.u32 @!p4 s25, $0x6  }
0x288: {  	s4 =	sshra.s32 @!p4 s4, $0x2  }
0x289: {  	p1 =	sgt.u32 @!p4 s0, $0x270FE;
	v1 =	vld @!p4 [tilespmem:s4+$0x1B38]  }
0x28a: {  	s31 =	sshll.u32 @!p4 s21, $0x6;
	p6 =	por @p2 p1, !p5;
	p1 =	por @p2 !p1, !p5  }
0x28b: {  	s8 =	simm.s32 @!p4 $0x0;
	s31 =	sshra.s32 @!p4 s31, $0x2;
	p1 =	por !p1, !p2  }
0x28c: {  	p5 =	por p5, !p2;
	s8 =	simm.s32 @!p1 $0x40;
	p1 =	por p6, !p2  }
0x28d: {  	s4 =	sadd.s32 @!p4 $0x28, s31;
	s13 =	sshll.u32 @!p5 s21, $0x6;
	s10 =	sand.u32 @!p1 $0x3FFF8, s0  }
0x28e: {  	s13 =	sshra.s32 @!p5 s13, $0x2;
	s0 =	sand.u32 @!p1 $0x7, s0;
	s10 =	sadd.s32 @!p1 s3, s10;
	[tilespmem:s31+$0x28] =	vst.add.f32.msk @!p4 $0xffff, v1  }
0x28f: {  	[hbm4b:s10+s0] =	stream.linear.scatter @!p1 [tilespmem:s4], [sflag:$0xC], $0x10, $0x38;
	[tilespmem:$0x1F0F8] =	vst v63  }
0x290: {  	s1 =	rddreg [dreg:$0x4];
	s0 =	sadd.s32 @!p5 $0x28, s13;
	s4 =	simm.s32 @!p5 $0x1  }
0x291: {  	[spmem:s1] =	stream.linear.scatter @!p5 [tilespmem:s0], [sflag:$0x1], $0x10, $0x38;
	[tilespmem:$0x1F0F8] =	vst v63  }
0x292: {  	s2 =	sadd.s32 @p2 $0x1, s21;
	_ =	swait.ge @!p5 [sflag:s4], $0x10  }
0x293: {  	s5 =	sshrl.u32 @p2 s2, $0x4;
	[sflag:s4] =	ssyncset.done @!p5 $0x0  }
0x294: {  	s24 =	sadd.s32 $0x80, s24;
	s5 =	smulhi.u32 @p2 $0x97B425F, s5;
	[sflag:s4] =	ssyncadd.s32 @!p5 $0xFFFFFFF0  }
0x295: {  	s28 =	sadd.s32 $0x1, s28;
	v1 =	vld @p2 [tilespmem:s24+$0x0]  }
0x296: {  	p3 =	seq.s32 s28, $0x0;
	s5 =	smul.u32 @p2 $0x1B0, s5  }
.Ltmp16:
0x297: {  	_ = 	snop;
	(pc) =	sbr.rel @!p3 .LBB2_16-.Ltmp16, $4  }
0x298: {  	s2 =	ssub.s32 @p2 s2, s5  }
0x299: {  	s8 =	sadd.s32 @!p4 s8, s29;
	s5 =	sshll.u32 @p2 s2, $0x4  }
0x29a: {  	s9 =	sadd.s32 @p2 $0x1, s25;
	s8 =	smov.u32 @p4 s29;
	[tilespmem:s5+$0x28] =	vst @p2 v1  }
0x29b: {  	s25 =	smov.u32 @p2 s9;
	s21 =	smov.u32 @p2 s2;
	s29 =	smov.u32 @p2 s8;
	v1 =	vld @!p2 [tilespmem:s24+$0x0]  }
.LBB2_17:
.Ltmp17:
0x29c: {  	_ = 	snop;
	(pc) =	sbr.rel .LBB2_19-.Ltmp17, $3  }
0x29d: {  	s1 =	sld [smem:$0x7FD];
	_ =	sdelay $0x1  }
0x29e: {  	s0 =	sshrl.u32 s29, $0x2;
	s28 =	smov.u32 s26  }
0x29f: {  	s4 =	smov.u32 s6;
	s6 =	rddreg [dreg:$0x6];
	p4 =	seq.s32 s1, $0x1;
	[tilespmem:s30+$0x28] =	vst.add.f32.msk @!p2 $0xffff, v1  }
.LBB2_21:
0x2a0: {  	_ =	sfence.sel $0x180000  }
0x2a1: {  	s0 =	simm.s32 $0x9;
	[bflag:$0x0] =	sbarrier.arrive $0xFFFF  }
0x2a2: {  	s24 =	simm.s32 $0xA;
	[sflag:s0] =	ssyncpa.u1 $0x1  }
0x2a3: {  	s25 =	simm.s32 $0xB;
	[sflag:s24] =	ssyncpa.u1 $0x1  }
0x2a4: {  	s26 =	simm.s32 $0x2;
	[sflag:s25] =	ssyncpa.u1 $0x1  }
0x2a5: {  	[sflag:s26] =	ssyncpa.u1 $0x1  }
0x2a6: {  	v0 =	vld [tilespmem:$0x3648];
	_ =	sdelay $0x4  }
0x2a7: {  	(v2sf) =	vpush v0, $0x0  }
0x2a8: {  	(v2sf) =	vpush v0, $0x1;
	_ =	sdelay $0x1  }
0x2a9: {  	(v2sf) =	vpush v0, $0x2;
	_ =	sdelay $0xb  }
0x2aa: {  	s0 =	spop (v2sf)  }
0x2ab: {  	s1 =	spop (v2sf)  }
0x2ac: {  	s2 =	smov.u32 s0;
	p0 =	sne.s32 s0, s1  }
0x2ad: {  	s4 =	spop (v2sf);
	s2 =	simm.s32 @!p0 $0xFFFFFFFF  }
0x2ae: {  	v2 =	vimm.s32 $0x1;
	v3 =	vlaneseq.u32;
	p0 =	seq.s32 s4, $0xFFFFFFFF;
	v1 =	vmov s2  }
0x2af: {  	s16 =	stileid.u32;
	v0 =	vperm.xlane v0, v2;
	p1 =	sne.s32 @!p0 s0, s1;
	v1 =	vperm.xlane v1, v3  }
0x2b0: {  	vm0 =	vcmask $0x3F04;
	s6 =	simm.s32 $0x3648;
	s0 =	simm.s32 @!p0 $0x1;
	p1 =	por !p1, p0  }
0x2b1: {  	s2 =	sshll.u32 s16, $0x1;
	s1 =	sshll.u32 @!p0 s4, $0x6;
	s0 =	simm.s32 @p1 $0x0;
	v0 =	vsel vm0, v1, v0  }
0x2b2: {  	s5 =	sor.u32 $0x200, s2;
	s1 =	sshra.s32 @!p0 s1, $0x2;
	s0 =	sor.u32 @!p0 s0, s2;
	[tilespmem:$0x3648] =	vst v0  }
0x2b3: {  	[spmem:s5] =	stream.linear.scatter [tilespmem:s6], [sflag:$0x1], $0x2, $0x38;
	[tilespmem:$0x1F0F8] =	vst v63  }
0x2b4: {  	s1 =	sadd.s32 @!p0 $0x28, s1;
	s0 =	sshll.u32 @!p0 s0, $0x4  }
0x2b5: {  	[spmem:s0] =	stream.linear.scatter @!p0 [tilespmem:s1], [sflag:$0x1], $0x10, $0x38;
	[tilespmem:$0x1F0F8] =	vst v63  }
0x2b6: {  	s0 =	simm.s32 @!p0 $0x12  }
0x2b7: {  	s28 =	simm.s32 $0x1;
	s0 =	simm.s32 @p0 $0x2  }
0x2b8: {  	_ =	swait.ge [sflag:s28], s0  }
0x2b9: {  	s0 =	ssub.s32 $0x0, s0;
	[sflag:s28] =	ssyncset.done $0x0  }
0x2ba: {  	p0 =	sne.s32 s16, $0x0;
	[sflag:s28] =	ssyncadd.s32 s0  }
.Ltmp18:
0x2bb: {  	_ =	sfence.stream.spmem;
	(pc) =	sbr.rel @p0 .LBB2_38-.Ltmp18, $4  }
0x2bc: {  	s29 =	simm.s32 $0x3;
	[bflag:$0x0] =	sbarrier.arrive $0xFFFF  }
0x2bd: {  	s30 =	simm.s32 $0x4;
	[sflag:s29] =	ssyncpa.u1 $0x1  }
0x2be: {  	s31 =	simm.s32 $0x3C;
	[sflag:s30] =	ssyncpa.u1 $0x1  }
0x2bf: {  	s17 =	rddreg [dreg:$0x5];
	[sflag:s31] =	ssyncpa.u1 $0x1  }
0x2c0: {  	_ =	sfence.stream.spmem;
	s0 =	simm.s32 $0x5  }
0x2c1: {  	s1 =	simm.s32 $0x200;
	s2 =	simm.s32 $0x3658;
	[sflag:s0] =	ssyncpa.u1 $0x0  }
0x2c2: {  	[tilespmem:s2], [sflag:$0x5] =	stream.linear.gather [spmem:s1], $0x20, $0x38;
	[tilespmem:$0x1F0F8] =	vst v63  }
0x2c3: {  	s26 =	simm.s32 $0x0;
	s28 =	simm.s32 $0x3678  }
0x2c4: {  	[tilespmem:s28], [sflag:$0x5] =	stream.linear.gather [spmem:s26], $0x200, $0x38;
	[tilespmem:$0x1F0F8] =	vst v63  }
0x2c5: {  	_ =	swait.ge [sflag:s0], $0x220  }
0x2c6: {  	[sflag:s0] =	ssyncset.done $0x0  }
0x2c7: {  	s29 =	simm.s32 $0x0;
	[sflag:s0] =	ssyncadd.s32 $0xFFFFFDE0  }
0x2c8: {  	v0 =	vld.msk [tilespmem:s29+$0x3658], $0x1;
	_ =	sdelay $0x1  }
0x2c9: {  	s30 =	simm.s32 $0x1  }
0x2ca: {  	v1 =	vld.msk [tilespmem:s30+$0x3658], $0x1;
	_ =	sdelay $0x1  }
0x2cb: {  	(v2sf) =	vpush v0, $0x0;
	_ =	sdelay $0x2  }
0x2cc: {  	(v2sf) =	vpush v1, $0x0;
	_ =	sdelay $0x2  }
0x2cd: {  	s31 =	simm.s32 $0x2  }
0x2ce: {  	v0 =	vld.msk [tilespmem:s31+$0x3658], $0x1;
	_ =	sdelay $0x2  }
0x2cf: {  	s6 =	simm.s32 $0xFFFFFFFF;
	s1 =	simm.s32 $0xFFFFFFFF;
	s0 =	simm.s32 $0xC  }
.LBB2_23:
0x2d0: {  	s2 =	smov.u32 s6;
	s4 =	smov.u32 s1  }
0x2d1: {  	s1 =	sshra.s32 s0, $0x2;
	p1 =	sne.s32 s0, $0x7C;
	s0 =	sadd.s32 $0x4, s0;
	(v2sf) =	vpush v0, $0x0  }
0x2d2: {  	v0 =	vld.msk [tilespmem:s1+$0x3658], $0x1  }
.Ltmp19:
0x2d3: {  	(pc) =	sbr.rel @p1 .LBB2_23-.Ltmp19, $4  }
0x2d4: {  	s6 =	spop (v2sf)  }
0x2d5: {  	p2 =	sne.s32 s4, $0xFFFFFFFF;
	s1 =	smov.u32 s6  }
0x2d6: {  	p3 =	seq.s32 s6, $0xFFFFFFFF;
	s1 =	smov.u32 @p2 s4  }
0x2d7: {  	s6 =	smov.u32 @p3 s2;
	s1 =	smov.u32 @p3 s4  }
0x2d8: {  	(v2sf) =	vpush v0, $0x0;
	_ =	sdelay $0x8  }
0x2d9: {  	s0 =	spop (v2sf)  }
0x2da: {  	p1 =	sne.s32 s1, $0xFFFFFFFF;
	s2 =	smov.u32 s0  }
0x2db: {  	s9 =	simm.s32 $0x6;
	p2 =	seq.s32 s0, $0xFFFFFFFF;
	s2 =	smov.u32 @p1 s1  }
0x2dc: {  	s10 =	simm.s32 $0x3638;
	s2 =	smov.u32 @p2 s1;
	s1 =	spop (v2sf)  }
0x2dd: {  	s0 =	smov.u32 @p2 s6;
	p1 =	sne.s32 s2, $0xFFFFFFFF;
	s4 =	smov.u32 s1  }
.Ltmp20:
0x2de: {  	p2 =	seq.s32 s1, $0xFFFFFFFF;
	s4 =	smov.u32 @p1 s2;
	(pc) =	sbr.rel .LBB2_25-.Ltmp20, $4  }
0x2df: {  	s11 =	simm.s32 $0x0;
	s4 =	smov.u32 @p2 s2;
	s7 =	spop (v2sf)  }
0x2e0: {  	[sflag:s9] =	ssyncpa.u1 $0x0;
	p1 =	sne.s32 s4, $0xFFFFFFFF;
	s8 =	smov.u32 s7  }
0x2e1: {  	s1 =	smov.u32 @p2 s0;
	p2 =	seq.s32 s7, $0xFFFFFFFF;
	s8 =	smov.u32 @p1 s4  }
0x2e2: {  	s6 =	simm.s32 $0x0;
	s7 =	smov.u32 @p2 s1;
	s8 =	smov.u32 @p2 s4  }
.LBB2_30:
0x2e3: {  	p1 =	sgt.u32 s12, $0x270FE  }
0x2e4: {  	p2 =	seq.s32 @!p1 s12, s8  }
0x2e5: {  	p1 =	por p1, p2  }
0x2e6: {  	p2 =	sne.s32 @!p1 s12, s7  }
0x2e7: {  	p1 =	por p1, !p2  }
0x2e8: {  	s0 =	sshll.u32 @p1 s11, $0x6  }
0x2e9: {  	s0 =	sand.u32 @!p1 $0x3FFF8, s12  }
0x2ea: {  	s1 =	sand.u32 @!p1 $0x7, s12;
	s0 =	sadd.s32 @!p1 s3, s0  }
0x2eb: {  	[tilespmem:s10], [sflag:$0x6] =	stream.linear.gather @!p1 [hbm4b:s0+s1], $0x10, $0x38;
	[tilespmem:$0x1F0F8] =	vst v63  }
0x2ec: {  	_ =	swait.ge @!p1 [sflag:s9], $0x10  }
0x2ed: {  	[sflag:s9] =	ssyncset.done @!p1 $0x0  }
0x2ee: {  	[sflag:s9] =	ssyncadd.s32 @!p1 $0xFFFFFFF0  }
0x2ef: {  	v1 =	vld @!p1 [tilespmem:$0x3638];
	_ =	sdelay $0x2  }
0x2f0: {  	s0 =	sshll.u32 @!p1 s11, $0x6  }
0x2f1: {  	s1 =	sshrl.u32 @!p1 s0, $0x2  }
0x2f2: {  	[tilespmem:s1+$0x3678] =	vst.add.f32.msk @!p1 $0xffff, v1  }
0x2f3: {  	s0 =	sshrl.u32 s0, $0x2;
	[tilespmem:s6+$0x3658] =	vst.msk $0x1, v0  }
0x2f4: {  	v0 =	vld [tilespmem:s0+$0x3678];
	_ =	sdelay $0x2  }
0x2f5: {  	s31 =	sshll.u32 s6, $0x6  }
0x2f6: {  	s0 =	sshra.s32 s31, $0x2  }
0x2f7: {  	s6 =	sadd.s32 $0x1, s6;
	[tilespmem:s0+$0x3678] =	vst v0  }
.LBB2_32:
0x2f8: {  	s11 =	sadd.s32 $0x1, s11  }
0x2f9: {  	p1 =	sne.s32 s11, $0x20  }
.Ltmp21:
0x2fa: {  	_ = 	snop;
	(pc) =	sbr.rel @!p1 .LBB2_33-.Ltmp21, $1  }
0x2fb: {  	_ =	sdelay $0x3  }
.LBB2_25:
0x2fc: {  	v0 =	vld.msk [tilespmem:s11+$0x3658], $0x1;
	_ =	sdelay $0x4  }
0x2fd: {  	(v2sf) =	vpush v0, $0x0;
	_ =	sdelay $0xe  }
0x2fe: {  	s12 =	spop (v2sf)  }
0x2ff: {  	p1 =	seq.s32 s12, $0xFFFFFFFF  }
.Ltmp22:
0x300: {  	_ = 	snop;
	(pc) =	sbr.rel @p1 .LBB2_32-.Ltmp22, $1  }
0x301: {  	_ =	sdelay $0x3  }
0x302: {  	p1 =	slt.s32 s6, $0x1  }
.Ltmp23:
0x303: {  	_ = 	snop;
	(pc) =	sbr.rel @p1 .LBB2_30-.Ltmp23, $1  }
0x304: {  	_ =	sdelay $0x3  }
0x305: {  	s13 =	simm.s32 $0x3658;
	p1 =	por $0x0, $0x0  }
0x306: {  	v1 =	vld.msk @!p1 [tilespmem:s13+$0x0], $0x1;
	_ =	sdelay $0x4  }
0x307: {  	(v2sf) =	vpush @!p1 v1, $0x0;
	_ =	sdelay $0xd  }
0x308: {  	p3 =	sne.s32 s6, $0x1  }
.Ltmp24:
0x309: {  	s0 =	spop @!p1 (v2sf);
	(pc) =	sbr.rel @!p3 .LBB2_29-.Ltmp24, $4  }
0x30a: {  	p2 =	seq.s32 @!p1 s12, s0  }
0x30b: {  	s14 =	simm.s32 $0x0;
	p2 =	por !p2, p1  }
0x30c: {  	s0 =	simm.s32 $0xFFFFFFFF;
	s14 =	simm.s32 @p2 $0xFFFFFFFF  }
0x30d: {  	s15 =	simm.s32 $0x1;
	s14 =	smov.u32 @p1 s0  }
.LBB2_28:
0x30e: {  	s0 =	smov.u32 s14;
	p1 =	sne.s32 s14, $0xFFFFFFFF  }
0x30f: {  	s13 =	sadd.s32 $0x1, s13;
	s14 =	smov.u32 s15;
	s15 =	sadd.s32 $0x1, s15  }
0x310: {  	p2 =	sne.s32 s6, s15;
	v1 =	vld.msk @!p1 [tilespmem:s13+$0x0], $0x1;
	_ =	sdelay $0x4  }
0x311: {  	(v2sf) =	vpush @!p1 v1, $0x0;
	_ =	sdelay $0xe  }
.Ltmp25:
0x312: {  	s1 =	spop @!p1 (v2sf);
	(pc) =	sbr.rel @p2 .LBB2_28-.Ltmp25, $4  }
0x313: {  	p3 =	seq.s32 @!p1 s12, s1  }
0x314: {  	p3 =	por !p3, p1  }
0x315: {  	s14 =	simm.s32 @p3 $0xFFFFFFFF  }
0x316: {  	s14 =	smov.u32 @p1 s0  }
.LBB2_29:
0x317: {  	p1 =	sne.s32 s14, $0xFFFFFFFF  }
.Ltmp26:
0x318: {  	_ = 	snop;
	(pc) =	sbr.rel @!p1 .LBB2_30-.Ltmp26, $1  }
0x319: {  	_ =	sdelay $0x3  }
0x31a: {  	s0 =	sshll.u32 s11, $0x4  }
0x31b: {  	s0 =	sand.u32 $0x3FFFFFF0, s0  }
0x31c: {  	v0 =	vld [tilespmem:s0+$0x3678]  }
.Ltmp27:
0x31d: {  	_ = 	snop;
	(pc) =	sbr.rel .LBB2_32-.Ltmp27, $4  }
0x31e: {  	_ = 	snop  }
0x31f: {  	s31 =	sshll.u32 s14, $0x6  }
0x320: {  	s0 =	sshra.s32 s31, $0x2  }
0x321: {  	[tilespmem:s0+$0x3678] =	vst.add.f32.msk $0xffff, v0  }
.LBB2_33:
0x322: {  	s0 =	simm.s32 $0x6;
	p1 =	seq.s32 s6, $0x0  }
0x323: {  	[sflag:s0] =	ssyncpa.u1 $0x1;
	v0 =	vimm.s32 @p1 $0xFFFFFFFF  }
0x324: {  	s9 =	sadd.s32 $0xFFFFFFFF, s6;
	[tilespmem:$0x3878] =	vst @p1 v0  }
0x325: {  	v0 =	vld.msk @!p1 [tilespmem:s9+$0x3658], $0x1;
	_ =	sdelay $0x1  }
0x326: {  	v1 =	vld.msk @!p1 [tilespmem:$0x3658], $0x1;
	_ =	sdelay $0x2  }
0x327: {  	p2 =	seq.s32 @!p1 s9, $0x0;
	v0 =	vbroadcast @!p1 v0, $0x0  }
0x328: {  	vm0 =	vmmov @!p1 $0x1;
	p2 =	por !p2, p1  }
0x329: {  	v1 =	vnsel @!p1 vm0, $0xFFFFFFFF, v1;
	vm0 =	vcmask @!p1 $0x308;
	v0 =	vpsel !p2, $0xFFFFFFFF, v0  }
0x32a: {  	p2 =	sne.s32 @!p1 s8, s7;
	v0 =	vsel @!p1 vm0, v1, v0  }
0x32b: {  	s0 =	simm.s32 @!p1 $0x3678;
	s1 =	simm.s32 @!p1 $0x0;
	p3 =	por !p2, p1;
	[tilespmem:$0x3878] =	vst @!p1 v0  }
0x32c: {  	[spmem:s1] =	stream.linear.scatter @!p1 [tilespmem:s0], [sflag:$0x1], $0x10, $0x38;
	[tilespmem:$0x1F0F8] =	vst v63  }
0x32d: {  	s0 =	sshll.u32 @!p3 s9, $0x6  }
0x32e: {  	s0 =	sshra.s32 @!p3 s0, $0x2  }
0x32f: {  	s1 =	simm.s32 @!p3 $0x10;
	s0 =	sadd.s32 @!p3 $0x3678, s0  }
0x330: {  	[spmem:s1] =	stream.linear.scatter @!p3 [tilespmem:s0], [sflag:$0x1], $0x10, $0x38;
	[tilespmem:$0x1F0F8] =	vst v63  }
0x331: {  	s0 =	simm.s32 @!p3 $0x1  }
0x332: {  	_ =	swait.ge @!p3 [sflag:s0], $0x20  }
0x333: {  	p1 =	por p2, p1;
	[sflag:s0] =	ssyncset.done @!p3 $0x0  }
0x334: {  	[sflag:s0] =	ssyncadd.s32 @!p3 $0xFFFFFFE0;
	s0 =	simm.s32 @!p1 $0x1  }
0x335: {  	_ =	swait.ge @!p1 [sflag:s0], $0x10  }
0x336: {  	s29 =	simm.s32 $0x3878;
	[sflag:s0] =	ssyncset.done @!p1 $0x0  }
0x337: {  	s30 =	simm.s32 $0x200;
	s31 =	simm.s32 $0x1;
	[sflag:s0] =	ssyncadd.s32 @!p1 $0xFFFFFFF0  }
0x338: {  	[spmem:s30] =	stream.linear.scatter [tilespmem:s29], [sflag:$0x1], $0x10, $0x38;
	[tilespmem:$0x1F0F8] =	vst v63  }
0x339: {  	_ =	swait.ge [sflag:s31], $0x10  }
0x33a: {  	[sflag:s31] =	ssyncset.done $0x0  }
0x33b: {  	p1 =	seq.s32 s17, $0x0;
	s8 =	rddreg [dreg:$0x1];
	[sflag:s31] =	ssyncadd.s32 $0xFFFFFFF0  }
0x33c: {  	s1 =	sshll.u32 @p1 s8, $0xE;
	s7 =	rddreg [dreg:$0x2]  }
0x33d: {  	s0 =	sadd.s32 @p1 $0x15C3C, s1;
	s1 =	sshll.u32 @p1 s7, $0x11  }
0x33e: {  	_ =	sfence.stream.spmem;
	s0 =	sor.u32 @p1 s1, s0  }
0x33f: {  	[sflag:s0] =	ssyncadd.remote.s32 @p1 $0x1;
	s0 =	simm.s32 @p1 $0x4  }
0x340: {  	s2 =	simm.s32 @!p1 $0x3C;
	s1 =	sand.u32 $0xFFFFFFFE, s8;
	_ =	swait.ge @p1 [sflag:s0], $0x6  }
0x341: {  	s4 =	simm.s32 @!p1 $0x0;
	s1 =	sadd.s32 @!p1 $0x4, s1;
	[sflag:s0] =	ssyncset.done @p1 $0x0  }
0x342: {  	s5 =	simm.s32 @!p1 $0x20;
	[sflag:s0] =	ssyncadd.s32 @p1 $0xFFFFFFFA;
	s0 =	sshll.u32 @!p1 s1, $0x1A  }
0x343: {  	s1 =	sshll.u32 @!p1 s1, $0xD;
	s0 =	sor.u32 @!p1 s0, s7;
	_ =	swait.eq @!p1 [sflag:s2], $0x1  }
0x344: {  	s1 =	sor.u32 @!p1 $0x1C04, s1;
	s2 =	simm.s32 @!p1 $0x1C03;
	s0 =	sor.u32 @!p1 $0x80004000, s0  }
0x345: {  	[spmem:s5], [sflag:s1] =	dma.general @!p1 [spmem:s4], [sflag:s2], length:$0x4, [dreg:$0x0], stride_count:$0x0, ici_dest:s0, dma_misc:DstOpCode:WRITE  }
0x346: {  	p2 =	slt.s32 s9, $0x2;
	s4 =	simm.s32 @!p1 $0x40;
	s5 =	simm.s32 @!p1 $0x42  }
0x347: {  	[spmem:s5], [sflag:s1] =	dma.general @!p1 [spmem:s4], [sflag:s2], length:$0x2, [dreg:$0x0], stride_count:$0x0, ici_dest:s0, dma_misc:DstOpCode:WRITE  }
.Ltmp28:
0x348: {  	s0 =	simm.s32 @!p1 $0x3;
	(pc) =	sbr.rel @p2 .LBB2_37-.Ltmp28, $4  }
0x349: {  	s1 =	sshll.u32 @!p1 s8, $0xE;
	_ =	swait.ge @!p1 [sflag:s0], $0x6  }
0x34a: {  	s2 =	sshll.u32 @!p1 s7, $0x11;
	s1 =	sadd.s32 @!p1 $0x11C3C, s1;
	[sflag:s0] =	ssyncset.done @!p1 $0x0  }
0x34b: {  	[sflag:s0] =	ssyncadd.s32 @!p1 $0xFFFFFFFA;
	s0 =	sor.u32 @!p1 s2, s1  }
0x34c: {  	[sflag:s0] =	ssyncadd.remote.s32 @!p1 $0xFFFFFFFF;
	s0 =	simm.s32 $0x0  }
0x34d: {  	s0 =	simm.s32 $0x3659  }
0x34e: {  	v0 =	vld.msk [tilespmem:s0+$0x0], $0x1;
	_ =	sdelay $0x4  }
0x34f: {  	(v2sf) =	vpush v0, $0x0;
	_ =	sdelay $0xd  }
0x350: {  	s2 =	sadd.s32 $0xFFFFFFFE, s6  }
0x351: {  	s2 =	sadd.s32 $0xFFFFFFFF, s2;
	s0 =	spop (v2sf)  }
0x352: {  	p2 =	sne.s32 s2, $0x0;
	p1 =	sgt.u32 s0, $0x270FE  }
.Ltmp29:
0x353: {  	s4 =	sand.u32 @!p1 $0x3FFF8, s0;
	(pc) =	sbr.rel @!p2 .LBB2_36-.Ltmp29, $4  }
0x354: {  	s1 =	simm.s32 $0x3688;
	s0 =	sand.u32 @!p1 $0x7, s0;
	s4 =	sadd.s32 @!p1 s3, s4  }
0x355: {  	[hbm4b:s4+s0] =	stream.linear.scatter @!p1 [tilespmem:s1], [sflag:$0x5], $0x10, $0x38;
	[tilespmem:$0x1F0F8] =	vst v63  }
0x356: {  	s0 =	simm.s32 $0x0  }
0x357: {  	s6 =	simm.s32 $0x0;
	s7 =	simm.s32 $0x365A;
	s0 =	simm.s32 @!p1 $0x40  }
.LBB2_35:
0x358: {  	v0 =	vld.msk [tilespmem:s7+$0x0], $0x1;
	s2 =	sadd.s32 $0xFFFFFFFF, s2;
	s6 =	sadd.s32 s6, s0  }
0x359: {  	p1 =	sne.s32 s2, $0x0;
	_ =	sdelay $0x3  }
0x35a: {  	(v2sf) =	vpush v0, $0x0;
	_ =	sdelay $0xe  }
.Ltmp30:
0x35b: {  	s4 =	spop (v2sf);
	(pc) =	sbr.rel @p1 .LBB2_35-.Ltmp30, $4  }
0x35c: {  	s0 =	simm.s32 $0x0;
	p2 =	sgt.u32 s4, $0x270FE  }
0x35d: {  	s1 =	sadd.s32 $0x10, s1;
	s0 =	simm.s32 @!p2 $0x40;
	s5 =	sand.u32 @!p2 $0x3FFF8, s4  }
0x35e: {  	s7 =	sadd.s32 $0x1, s7;
	s4 =	sand.u32 @!p2 $0x7, s4;
	s5 =	sadd.s32 @!p2 s3, s5  }
0x35f: {  	[hbm4b:s5+s4] =	stream.linear.scatter @!p2 [tilespmem:s1], [sflag:$0x5], $0x10, $0x38;
	[tilespmem:$0x1F0F8] =	vst v63  }
.LBB2_36:
0x360: {  	s0 =	sadd.s32 s6, s0  }
0x361: {  	s0 =	sshrl.u32 s0, $0x2  }
.LBB2_37:
0x362: {  	s1 =	simm.s32 $0x5  }
0x363: {  	_ =	swait.ge [sflag:s1], s0  }
0x364: {  	s31 =	ssub.s32 $0x0, s0;
	[sflag:s1] =	ssyncset.done $0x0  }
0x365: {  	[sflag:s1] =	ssyncadd.s32 s31  }
0x366: {  	[sflag:s1] =	ssyncpa.u1 $0x1  }
.LBB2_38:
0x367: {  	s0 =	sor.u32 s17, s16  }
0x368: {  	p1 =	sne.s32 s0, $0x0  }
.Ltmp31:
0x369: {  	_ = 	snop;
	(pc) =	sbr.rel @p1 .LBB2_53-.Ltmp31, $3  }
0x36a: {  	_ =	sdelay $0x1  }
0x36b: {  	[bflag:$0x0] =	sbarrier.arrive $0xFFFF  }
0x36c: {  	_ =	sfence  }
0x36d: {  	s0 =	simm.s32 $0x7  }
0x36e: {  	s1 =	simm.s32 $0x200;
	s2 =	simm.s32 $0x3658;
	[sflag:s0] =	ssyncpa.u1 $0x0  }
0x36f: {  	[tilespmem:s2], [sflag:$0x7] =	stream.linear.gather [spmem:s1], $0x20, $0x38;
	[tilespmem:$0x1F0F8] =	vst v63  }
0x370: {  	s30 =	simm.s32 $0x3678;
	s1 =	simm.s32 $0x0  }
0x371: {  	[tilespmem:s30], [sflag:$0x7] =	stream.linear.gather [spmem:s1], $0x200, $0x38;
	[tilespmem:$0x1F0F8] =	vst v63  }
.Ltmp32:
0x372: {  	_ = 	snop;
	(pc) =	sbr.rel .LBB2_40-.Ltmp32, $4  }
0x373: {  	_ =	swait.ge [sflag:s0], $0x220  }
0x374: {  	[sflag:s0] =	ssyncset.done $0x0  }
0x375: {  	s31 =	simm.s32 $0x8;
	[sflag:s0] =	ssyncadd.s32 $0xFFFFFDE0  }
0x376: {  	s2 =	simm.s32 $0x0;
	[sflag:s31] =	ssyncpa.u1 $0x0  }
.LBB2_45:
0x377: {  	p1 =	slt.u32 s4, $0x270FF  }
0x378: {  	s0 =	sand.u32 @p1 $0x3FFF8, s4  }
0x379: {  	s4 =	sand.u32 @p1 $0x7, s4;
	s5 =	simm.s32 @p1 $0x3638;
	s0 =	sadd.s32 @p1 s3, s0  }
0x37a: {  	[tilespmem:s5], [sflag:$0x8] =	stream.linear.gather @p1 [hbm4b:s0+s4], $0x10, $0x38;
	[tilespmem:$0x1F0F8] =	vst v63  }
0x37b: {  	s0 =	simm.s32 @p1 $0x8  }
0x37c: {  	_ =	swait.ge @p1 [sflag:s0], $0x10  }
0x37d: {  	[sflag:s0] =	ssyncset.done @p1 $0x0  }
0x37e: {  	[sflag:s0] =	ssyncadd.s32 @p1 $0xFFFFFFF0  }
0x37f: {  	v1 =	vld @p1 [tilespmem:$0x3638];
	_ =	sdelay $0x2  }
0x380: {  	s0 =	sshll.u32 @p1 s2, $0x6  }
0x381: {  	s5 =	sshll.u32 @!p1 s2, $0x6;
	s4 =	sshrl.u32 @p1 s0, $0x2  }
0x382: {  	s5 =	smov.u32 @p1 s0;
	[tilespmem:s4+$0x3678] =	vst.add.f32.msk @p1 $0xffff, v1  }
0x383: {  	s0 =	sshrl.u32 s5, $0x2;
	[tilespmem:s1+$0x3658] =	vst.msk $0x1, v0  }
0x384: {  	v0 =	vld [tilespmem:s0+$0x3678];
	_ =	sdelay $0x2  }
0x385: {  	s31 =	sshll.u32 s1, $0x6  }
0x386: {  	s0 =	sshra.s32 s31, $0x2  }
0x387: {  	s1 =	sadd.s32 $0x1, s1;
	[tilespmem:s0+$0x3678] =	vst v0  }
.LBB2_47:
0x388: {  	s2 =	sadd.s32 $0x1, s2  }
0x389: {  	p1 =	sne.s32 s2, $0x20  }
.Ltmp33:
0x38a: {  	_ = 	snop;
	(pc) =	sbr.rel @!p1 .LBB2_48-.Ltmp33, $1  }
0x38b: {  	_ =	sdelay $0x3  }
.LBB2_40:
0x38c: {  	v0 =	vld.msk [tilespmem:s2+$0x3658], $0x1;
	_ =	sdelay $0x4  }
0x38d: {  	(v2sf) =	vpush v0, $0x0;
	_ =	sdelay $0xe  }
0x38e: {  	s4 =	spop (v2sf)  }
0x38f: {  	p1 =	seq.s32 s4, $0xFFFFFFFF  }
.Ltmp34:
0x390: {  	_ = 	snop;
	(pc) =	sbr.rel @p1 .LBB2_47-.Ltmp34, $1  }
0x391: {  	_ =	sdelay $0x3  }
0x392: {  	p1 =	slt.s32 s1, $0x1  }
.Ltmp35:
0x393: {  	_ = 	snop;
	(pc) =	sbr.rel @p1 .LBB2_45-.Ltmp35, $1  }
0x394: {  	_ =	sdelay $0x3  }
0x395: {  	s5 =	simm.s32 $0x3658;
	p1 =	por $0x0, $0x0  }
0x396: {  	v1 =	vld.msk @!p1 [tilespmem:s5+$0x0], $0x1;
	_ =	sdelay $0x4  }
0x397: {  	(v2sf) =	vpush @!p1 v1, $0x0;
	_ =	sdelay $0xd  }
0x398: {  	p3 =	sne.s32 s1, $0x1  }
.Ltmp36:
0x399: {  	s0 =	spop @!p1 (v2sf);
	(pc) =	sbr.rel @!p3 .LBB2_44-.Ltmp36, $4  }
0x39a: {  	p2 =	seq.s32 @!p1 s4, s0  }
0x39b: {  	s6 =	simm.s32 $0x0;
	p2 =	por !p2, p1  }
0x39c: {  	s0 =	simm.s32 $0xFFFFFFFF;
	s6 =	simm.s32 @p2 $0xFFFFFFFF  }
0x39d: {  	s7 =	simm.s32 $0x1;
	s6 =	smov.u32 @p1 s0  }
.LBB2_43:
0x39e: {  	s0 =	smov.u32 s6;
	p1 =	sne.s32 s6, $0xFFFFFFFF  }
0x39f: {  	s5 =	sadd.s32 $0x1, s5;
	s6 =	smov.u32 s7;
	s7 =	sadd.s32 $0x1, s7  }
0x3a0: {  	p2 =	sne.s32 s1, s7;
	v1 =	vld.msk @!p1 [tilespmem:s5+$0x0], $0x1;
	_ =	sdelay $0x4  }
0x3a1: {  	(v2sf) =	vpush @!p1 v1, $0x0;
	_ =	sdelay $0xe  }
.Ltmp37:
0x3a2: {  	s8 =	spop @!p1 (v2sf);
	(pc) =	sbr.rel @p2 .LBB2_43-.Ltmp37, $4  }
0x3a3: {  	p3 =	seq.s32 @!p1 s4, s8  }
0x3a4: {  	p3 =	por !p3, p1  }
0x3a5: {  	s6 =	simm.s32 @p3 $0xFFFFFFFF  }
0x3a6: {  	s6 =	smov.u32 @p1 s0  }
.LBB2_44:
0x3a7: {  	p1 =	sne.s32 s6, $0xFFFFFFFF  }
.Ltmp38:
0x3a8: {  	_ = 	snop;
	(pc) =	sbr.rel @!p1 .LBB2_45-.Ltmp38, $1  }
0x3a9: {  	_ =	sdelay $0x3  }
0x3aa: {  	s0 =	sshll.u32 s2, $0x4  }
0x3ab: {  	s0 =	sand.u32 $0x3FFFFFF0, s0  }
0x3ac: {  	v0 =	vld [tilespmem:s0+$0x3678]  }
.Ltmp39:
0x3ad: {  	_ = 	snop;
	(pc) =	sbr.rel .LBB2_47-.Ltmp39, $4  }
0x3ae: {  	_ = 	snop  }
0x3af: {  	s31 =	sshll.u32 s6, $0x6  }
0x3b0: {  	s0 =	sshra.s32 s31, $0x2  }
0x3b1: {  	[tilespmem:s0+$0x3678] =	vst.add.f32.msk $0xffff, v0  }
.LBB2_48:
0x3b2: {  	p1 =	slt.s32 s1, $0x1  }
.Ltmp40:
0x3b3: {  	_ = 	snop;
	(pc) =	sbr.rel @p1 .LBB2_52-.Ltmp40, $3  }
0x3b4: {  	_ =	sdelay $0x1  }
0x3b5: {  	s0 =	simm.s32 $0x8  }
0x3b6: {  	s2 =	simm.s32 $0x0;
	[sflag:s0] =	ssyncpa.u1 $0x1  }
0x3b7: {  	s0 =	simm.s32 $0x3658  }
0x3b8: {  	v0 =	vld.msk [tilespmem:s0+$0x0], $0x1;
	_ =	sdelay $0x4  }
0x3b9: {  	(v2sf) =	vpush v0, $0x0;
	_ =	sdelay $0xe  }
0x3ba: {  	s1 =	sadd.s32 $0xFFFFFFFF, s1;
	s0 =	spop (v2sf)  }
0x3bb: {  	p2 =	sne.s32 s1, $0x0;
	p1 =	sgt.u32 s0, $0x270FE  }
.Ltmp41:
0x3bc: {  	s5 =	sand.u32 @!p1 $0x3FFF8, s0;
	(pc) =	sbr.rel @!p2 .LBB2_51-.Ltmp41, $4  }
0x3bd: {  	s4 =	simm.s32 $0x3678;
	s0 =	sand.u32 @!p1 $0x7, s0;
	s5 =	sadd.s32 @!p1 s3, s5  }
0x3be: {  	[hbm4b:s5+s0] =	stream.linear.scatter @!p1 [tilespmem:s4], [sflag:$0x7], $0x10, $0x38;
	[tilespmem:$0x1F0F8] =	vst v63  }
0x3bf: {  	s0 =	simm.s32 $0x0  }
0x3c0: {  	s5 =	simm.s32 $0x3659;
	s0 =	simm.s32 @!p1 $0x40  }
.LBB2_50:
0x3c1: {  	v0 =	vld.msk [tilespmem:s5+$0x0], $0x1;
	s1 =	sadd.s32 $0xFFFFFFFF, s1;
	s2 =	sadd.s32 s2, s0  }
0x3c2: {  	p1 =	sne.s32 s1, $0x0;
	_ =	sdelay $0x3  }
0x3c3: {  	(v2sf) =	vpush v0, $0x0;
	_ =	sdelay $0xe  }
.Ltmp42:
0x3c4: {  	s6 =	spop (v2sf);
	(pc) =	sbr.rel @p1 .LBB2_50-.Ltmp42, $4  }
0x3c5: {  	s0 =	simm.s32 $0x0;
	p2 =	sgt.u32 s6, $0x270FE  }
0x3c6: {  	s4 =	sadd.s32 $0x10, s4;
	s0 =	simm.s32 @!p2 $0x40;
	s7 =	sand.u32 @!p2 $0x3FFF8, s6  }
0x3c7: {  	s5 =	sadd.s32 $0x1, s5;
	s6 =	sand.u32 @!p2 $0x7, s6;
	s7 =	sadd.s32 @!p2 s3, s7  }
0x3c8: {  	[hbm4b:s7+s6] =	stream.linear.scatter @!p2 [tilespmem:s4], [sflag:$0x7], $0x10, $0x38;
	[tilespmem:$0x1F0F8] =	vst v63  }
.LBB2_51:
0x3c9: {  	s0 =	sadd.s32 s2, s0  }
0x3ca: {  	s2 =	sshrl.u32 s0, $0x2  }
.LBB2_52:
0x3cb: {  	s0 =	simm.s32 $0x7  }
0x3cc: {  	_ =	swait.ge [sflag:s0], s2  }
0x3cd: {  	s1 =	ssub.s32 $0x0, s2;
	[sflag:s0] =	ssyncset.done $0x0  }
0x3ce: {  	[sflag:s0] =	ssyncadd.s32 s1  }
0x3cf: {  	[sflag:s0] =	ssyncpa.u1 $0x1  }
.LBB2_53:
0x3d0: {  	_ =	sfence;
	s0 =	simm.s32 $0x1  }
0x3d1: {  	[sflag:s0] =	ssyncpa.u1 $0x1  }
0x3d2: {  	_ =	strace $0x90000056  }
0x3d3: {  	[bflag:$0x2] =	sbarrier.arrive $0xFFFF  }
0x3d4: {  	s0 =	rddreg [dreg:$0x3]  }
0x3d5: {  	s0 =	sadd.s32 @!p0 $0x100000, s0  }
0x3d6: {  	[sflag:s0] =	ssyncadd.tile.s32 @!p0 $0x1;
	_ =	shalt  }
.Lfunc_end2:
_tile_overlayer_lowered:
.L_overlay_start_2:
0x3d7: {  	(tag) =	ssettag $0x2  }
0x3d8: {  	s0 =	rddreg [dreg:$0x0];
	s2 =	stileid.u32  }
0x3d9: {  	s1 =	rddreg [dreg:$0x1];
	p0 =	sne.s32 s2, $0x0  }
0x3da: {  	s3 =	rddreg [dreg:$0x2];
	[bflag:$0x3] =	sbarrier.arrive $0xFFFF;
	s2 =	simm.s32 @!p0 $0x1C01  }
0x3db: {  	[timem:s3], [sflag:s2] =	dma.local @!p0 [hbm:s0], s1  }
0x3dc: {  	s0 =	simm.s32 @!p0 $0x1  }
0x3dd: {  	_ =	swait.ge @!p0 [sflag:s0], s1  }
0x3de: {  	s1 =	ssub.s32 @!p0 $0x0, s1;
	[sflag:s0] =	ssyncset.done @!p0 $0x0  }
0x3df: {  	[sflag:s0] =	ssyncadd.s32 @!p0 s1  }
0x3e0: {  	[bflag:$0x3] =	sbarrier.arrive $0xFFFF  }
0x3e1: {  	_ =	shalt  }

// kernel: scatter_offload_async_start
scs
__scs_entry_jumppad:
0x0: {  	(pc) =	sbr.rel $0x88, $3  }
0x1: {  	(tag) =	ssettag $0x0;
	lr =	simm.s32 $0x1  }
0x2: {  	[smem:$0x3F8C] =	sst lr;
	_ =	strace $0xD0000000  }
0x3: {  	_ = 	snop  }
0x4: {  	_ = 	snop  }
0x5: {  	_ = 	snop  }
0x6: {  	_ = 	snop  }
0x7: {  	_ = 	snop  }
__scs_overlays_trampoline_lowered:
0x8: {  	[smem:$0x3F9B] =	sst s0  }
0x9: {  	[smem:$0x3F9C] =	sst s1  }
0xa: {  	[smem:$0x3F9D] =	sst s2  }
0xb: {  	[smem:$0x3F9E] =	sst s3  }
0xc: {  	[smem:$0x3F9F] =	sst s4  }
0xd: {  	[smem:$0x3FA0] =	sst s5  }
0xe: {  	[smem:$0x3FA1] =	sst s6  }
0xf: {  	[smem:$0x3FA2] =	sst s7  }
0x10: {  	[smem:$0x3FA3] =	sst s8  }
0x11: {  	[smem:$0x3FA4] =	sst s9;
	s0 =	simm.s32 @!p0 $0x0  }
0x12: {  	s1 =	sld [smem:$0x3F8A];
	s0 =	simm.s32 @p0 $0x1  }
0x13: {  	[smem:$0x3FA5] =	sst s0;
	s0 =	simm.s32 @!p1 $0x0  }
0x14: {  	s2 =	sld [smem:$0x3F89];
	s0 =	simm.s32 @p1 $0x1  }
0x15: {  	[smem:$0x3FA6] =	sst s0;
	s0 =	simm.s32 @!p2 $0x0  }
0x16: {  	s3 =	sld [smem:$0x3FDB];
	s0 =	simm.s32 @p2 $0x1  }
0x17: {  	s4 =	simm.s32 $0x1BF5;
	[smem:$0x3FA8] =	sst s0  }
0x18: {  	s0 =	sld [smem:$0x3F8B];
	_ =	swait.ge [sflag:s4], $0x0  }
0x19: {  	s7 =	sld [smem:$0x3F8C]  }
0x1a: {  	s8 =	sadd.s32 $0xFFFFE003, lr  }
0x1b: {  	s9 =	sadd.s32 $0xFFFFFEF7, lr;
	s5 =	simm.s32 $0xFFFFFFFF;
	p2 =	slt.u32 s8, $0xFFFFF086  }
0x1c: {  	p1 =	slt.u32 s9, $0xF7A;
	s5 =	simm.s32 @!p2 $0x0  }
0x1d: {  	s5 =	simm.s32 @p1 $0x1;
	p0 =	seq.s32 s7, s2  }
0x1e: {  	s7 =	smul.u32 @!p0 $0xF7A, s2;
	p2 =	seq.s32 @!p0 s5, $0x0  }
0x1f: {  	s9 =	smul.u32 $0xF7A, s1;
	s8 =	simm.s32 @!p0 $0x1BF5;
	p2 =	por !p2, p0  }
0x20: {  	[sflag:s8] =	ssyncset.s32 @!p0 $0xFFFFF086;
	s6 =	sadd.s32 @!p0 s3, s7;
	s7 =	simm.s32 @!p0 $0x108  }
0x21: {  	s3 =	sadd.s32 s3, s9;
	s6 =	sadd.s32 @!p0 $0x88, s6;
	s7 =	simm.s32 @p2 $0x1082  }
0x22: {  	[simem:s7], [sflag:s8] =	dma.local @!p0 [hbm:s6], $0xF7A  }
0x23: {  	s9 =	sor.u32 $0xD0000000, s2;
	s6 =	simm.s32 $0x108;
	_ =	swait.ge @!p0 [sflag:s8], $0x0  }
0x24: {  	s3 =	sadd.s32 $0x88, s3;
	s6 =	simm.s32 @!p1 $0x1082;
	[sflag:s4] =	ssyncset.s32 $0xFFFFF086  }
0x25: {  	[simem:s6], [sflag:s4] =	dma.local [hbm:s3], $0xF7A  }
0x26: {  	[smem:$0x3F8C] =	sst s1;
	(tag) =	ssettag s2;
	_ =	strace s9  }
0x27: {  	s1 =	sld [smem:$0x3F9C]  }
0x28: {  	s2 =	sld [smem:$0x3F9D]  }
0x29: {  	s4 =	sld [smem:$0x3F9F]  }
0x2a: {  	p0 =	seq.s32 s5, $0x0;
	s5 =	sld [smem:$0x3FA0]  }
0x2b: {  	s6 =	sld [smem:$0x3FA1]  }
0x2c: {  	s7 =	sld [smem:$0x3FA2]  }
0x2d: {  	s3 =	simm.s32 $0x108;
	s8 =	sld [smem:$0x3FA3]  }
0x2e: {  	s3 =	simm.s32 @!p0 $0x1082;
	s9 =	sld [smem:$0x3FA4]  }
0x2f: {  	lr =	sadd.s32 s0, s3;
	s0 =	sld [smem:$0x3F9B]  }
0x30: {  	s3 =	sld [smem:$0x3F9E]  }
0x31: {  	[smem:$0x3FA7] =	sst s10  }
0x32: {  	s10 =	sld [smem:$0x3FA5];
	_ =	sdelay $0x3  }
0x33: {  	p0 =	seq.s32 s10, $0x1;
	s10 =	sld [smem:$0x3FA7];
	_ =	sdelay $0x3  }
0x34: {  	[smem:$0x3FA7] =	sst s10  }
0x35: {  	s10 =	sld [smem:$0x3FA6];
	_ =	sdelay $0x3  }
0x36: {  	p1 =	seq.s32 s10, $0x1;
	s10 =	sld [smem:$0x3FA7];
	_ =	sdelay $0x3  }
0x37: {  	[smem:$0x3FA7] =	sst s10  }
0x38: {  	s10 =	sld [smem:$0x3FA8]  }
0x39: {  	_ = 	snop;
	(pc) =	sbr.ind lr, $3  }
0x3a: {  	_ = 	snop  }
0x3b: {  	_ = 	snop  }
0x3c: {  	p2 =	seq.s32 s10, $0x1;
	s10 =	sld [smem:$0x3FA7]  }
0x3d: {  	_ =	shalt  }
0x3e: {  	_ =	shalt  }
0x3f: {  	_ =	shalt  }
0x40: {  	_ =	shalt  }
0x41: {  	_ =	shalt  }
0x42: {  	_ =	shalt  }
0x43: {  	_ =	shalt  }
0x44: {  	_ =	shalt  }
0x45: {  	_ =	shalt  }
0x46: {  	_ =	shalt  }
0x47: {  	_ =	shalt  }
0x48: {  	_ =	shalt  }
0x49: {  	_ =	shalt  }
0x4a: {  	_ =	shalt  }
0x4b: {  	_ =	shalt  }
0x4c: {  	_ =	shalt  }
0x4d: {  	_ =	shalt  }
0x4e: {  	_ =	shalt  }
0x4f: {  	_ =	shalt  }
0x50: {  	_ =	shalt  }
0x51: {  	_ =	shalt  }
0x52: {  	_ =	shalt  }
0x53: {  	_ =	shalt  }
0x54: {  	_ =	shalt  }
0x55: {  	_ =	shalt  }
0x56: {  	_ =	shalt  }
0x57: {  	_ =	shalt  }
0x58: {  	_ =	shalt  }
0x59: {  	_ =	shalt  }
0x5a: {  	_ =	shalt  }
0x5b: {  	_ =	shalt  }
0x5c: {  	_ =	shalt  }
0x5d: {  	_ =	shalt  }
0x5e: {  	_ =	shalt  }
0x5f: {  	_ =	shalt  }
0x60: {  	_ =	shalt  }
0x61: {  	_ =	shalt  }
0x62: {  	_ =	shalt  }
0x63: {  	_ =	shalt  }
0x64: {  	_ =	shalt  }
0x65: {  	_ =	shalt  }
0x66: {  	_ =	shalt  }
0x67: {  	_ =	shalt  }
0x68: {  	_ =	shalt  }
0x69: {  	_ =	shalt  }
0x6a: {  	_ =	shalt  }
0x6b: {  	_ =	shalt  }
0x6c: {  	_ =	shalt  }
0x6d: {  	_ =	shalt  }
0x6e: {  	_ =	shalt  }
0x6f: {  	_ =	shalt  }
0x70: {  	_ =	shalt  }
0x71: {  	_ =	shalt  }
0x72: {  	_ =	shalt  }
0x73: {  	_ =	shalt  }
0x74: {  	_ =	shalt  }
0x75: {  	_ =	shalt  }
0x76: {  	_ =	shalt  }
0x77: {  	_ =	shalt  }
0x78: {  	_ =	shalt  }
0x79: {  	_ =	shalt  }
0x7a: {  	_ =	shalt  }
0x7b: {  	_ =	shalt  }
0x7c: {  	_ =	shalt  }
0x7d: {  	_ =	shalt  }
0x7e: {  	_ =	shalt  }
0x7f: {  	_ =	shalt  }
0x80: {  	_ =	shalt  }
0x81: {  	_ =	shalt  }
0x82: {  	_ =	shalt  }
0x83: {  	_ =	shalt  }
0x84: {  	_ =	shalt  }
0x85: {  	_ =	shalt  }
0x86: {  	_ =	shalt  }
0x87: {  	_ =	shalt  }
.Lfunc_end0:
.L_simem_size_0:
called_computation_lowered:
.L_overlay_start_0:
0x88: {  	s0 =	sld [smem:$0x3FD9]  }
0x89: {  	s1 =	sld [smem:$0x3FFE];
	_ =	sdelay $0x3  }
0x8a: {  	s0 =	sadd.s32 s1, s0  }
0x8b: {  	[smem:$0x3FB3] =	sst s0  }
0x8c: {  	_ = 	snop  }
0x8d: {  	(tm) =	ssettm $0x1  }
0x8e: {  	s14 =	sld [smem:$0x3FFB];
	_ =	sdelay $0x3  }
0x8f: {  	_ =	strace s14  }
0x90: {  	s0 =	sld [smem:$0x3FFC];
	_ =	sdelay $0x3  }
0x91: {  	_ =	strace s0  }
0x92: {  	s0 =	sld [smem:$0x3FFD];
	_ =	sdelay $0x3  }
0x93: {  	_ =	strace s0  }
0x94: {  	_ =	strace $0x8FFFFFFF  }
0x95: {  	s15 =	sld [smem:$0x3FDB];
	_ =	sdelay $0x1  }
0x96: {  	s16 =	simm.s32 $_scs_section_size  }
0x97: {  	s2 =	simm.s32 $_size__tile_overlayer_lowered;
	s3 =	simm.s32 $_tile_overlayer_lowered  }
0x98: {  	s4 =	simm.s32 $0x1BFF;
	s17 =	sshll.u32 s3, $0x1;
	s1 =	sadd.s32 s16, s15  }
0x99: {  	s18 =	simm.s32 $0x0;
	s2 =	sshll.u32 s2, $0x1;
	s3 =	sadd.s32 s17, s1  }
0x9a: {  	[timem:s18], [sflag:s4] =	dma.local [hbm:s3], s2  }
0x9b: {  	_ =	swait.ge [sflag:s4], s2  }
0x9c: {  	s2 =	ssub.s32 $0x0, s2;
	[sflag:s4] =	ssyncset.done $0x0  }
0x9d: {  	[sflag:s4] =	ssyncadd.s32 s2;
	_ =	sdelay $0x1  }
0x9e: {  	s19 =	simm.s32 $0x1B8B  }
0x9f: {  	_ =	swait.ge [sflag:s19], $0x1  }
0xa0: {  	[sflag:s19] =	ssyncset.done $0x0  }
0xa1: {  	s21 =	simm.s32 $0x1B8E;
	s20 =	sld [smem:$0x3FFE];
	[sflag:s19] =	ssyncadd.s32 $0xFFFFFFFF  }
0xa2: {  	s22 =	simm.s32 $execute0_lowered;
	[smem:$0x3FD2] =	sst s21  }
0xa3: {  	s3 =	sshll.u32 s22, $0x1;
	_ =	strace $0x80000049;
	[dreg:$0x1] =	wrdreg $0xFFFFFFFF  }
0xa4: {  	s23 =	simm.s32 $_size_execute0_lowered;
	s3 =	sadd.s32 s1, s3;
	[dreg:$0x0] =	wrdreg $0x0  }
0xa5: {  	s4 =	sshll.u32 s23, $0x1;
	[dreg:$0x2] =	wrdreg s3  }
0xa6: {  	[dreg:$0x3] =	wrdreg s4  }
0xa7: {  	[dreg:$0x4] =	wrdreg $0xC0  }
0xa8: {  	s24 =	simm.s32 $execute1_lowered;
	_ =	task [dreg:s18], $0x5FFFF  }
0xa9: {  	s3 =	sshll.u32 s24, $0x1;
	[dreg:$0x1] =	wrdreg $0xFFFFFFFF  }
0xaa: {  	s1 =	sadd.s32 s1, s3;
	[dreg:$0x0] =	wrdreg $0x60  }
0xab: {  	[dreg:$0x2] =	wrdreg s1  }
0xac: {  	[dreg:$0x3] =	wrdreg s20  }
0xad: {  	[dreg:$0x4] =	wrdreg $0x9  }
0xae: {  	_ =	task.clear_ibuf [dreg:s18], $0x5FFFF;
	_ =	strace $0x90000049  }
0xaf: {  	s25 =	simm.s32 $0x9;
	_ =	strace $0x8000004B  }
0xb0: {  	_ =	swait.ge [sflag:s25], $0x1  }
0xb1: {  	[sflag:s25] =	ssyncadd.s32 $0xFFFFFFFF  }
0xb2: {  	_ =	strace $0x9000004B  }
0xb3: {  	_ =	strace $0x8000004C;
	[dreg:$0x1] =	wrdreg $0xFFFFFFFF  }
0xb4: {  	[dreg:$0x0] =	wrdreg $0x2030  }
0xb5: {  	[dreg:$0x2] =	wrdreg s20  }
0xb6: {  	[dreg:$0x3] =	wrdreg $0xA  }
0xb7: {  	_ =	task.clear_ibuf [dreg:s18], $0x4FFFF;
	_ =	strace $0x9000004C  }
0xb8: {  	s26 =	simm.s32 $0xA;
	_ =	strace $0x8000004E  }
0xb9: {  	_ =	swait.ge [sflag:s26], $0x1  }
0xba: {  	[sflag:s26] =	ssyncadd.s32 $0xFFFFFFFF  }
0xbb: {  	_ =	strace $0x9000004E  }
0xbc: {  	_ =	sfence  }
0xbd: {  	s28 =	sld [smem:$0x0];
	_ =	sdelay $0x1  }
0xbe: {  	s29 =	srdreg.scid  }
0xbf: {  	s30 =	sshll.u32 s29, $0xD;
	s31 =	sshrl.u32 s29, $0x2  }
0xc0: {  	s2 =	sand.u32 $0x1, s29;
	s3 =	sand.u32 $0x4000, s30;
	s1 =	sadd.s32 s31, s28  }
0xc1: {  	s2 =	sor.u32 s3, s2;
	s1 =	sshll.u32 s1, $0x11  }
0xc2: {  	s1 =	sor.u32 s1, s2  }
0xc3: {  	s1 =	sadd.s32 $0x8F2B, s1  }
0xc4: {  	[sflag:s1] =	ssyncadd.remote.s32 $0x1  }
0xc5: {  	_ =	sfence.sel $0xFFFF  }
0xc6: {  	[dreg:$0x0] =	wrdreg $0xFFFFFFFF;
	(pc) =	sbr.abs _section_cstart, $3  }
0xc7: {  	[dreg:$0x1] =	wrdreg $0xFFFFFFFF  }
0xc8: {  	_ =	task.clear_ibuf [dreg:s18], $0x2FFFF;
	_ =	strace $0x9FFFFFFF  }
0xc9: {  	(tm) =	ssettm $0x7FFFFFFF  }
tec
execute0_lowered:
.L_overlay_start_1:
0x0: {  	(tag) =	ssettag $0x1  }
0x1: {  	s2 =	rddreg [dreg:$0x0]  }
0x2: {  	s4 =	rddreg [dreg:$0x1]  }
0x3: {  	s0 =	rddreg [dreg:$0x2];
	s3 =	stileid.u32  }
0x4: {  	[bflag:$0x3] =	sbarrier.arrive $0xFFFF;
	s1 =	simm.s32 $_size_execute1_lowered;
	p0 =	sne.s32 s3, $0x0  }
0x5: {  	s1 =	sshll.u32 s1, $0x1;
	s5 =	simm.s32 @!p0 $0x1C3F;
	s6 =	simm.s32 @!p0 $0x4060  }
0x6: {  	[timem:s6], [sflag:s5] =	dma.local @!p0 [hbm:s2], s1  }
0x7: {  	s2 =	smul.u32 $0x280, s3  }
.Ltmp0:
0x8: {  	s31 =	simm.s32 $0x2;
	s7 =	simm.s32 $0x280;
	(pc) =	sbr.rel .LBB2_1-.Ltmp0, $4  }
0x9: {  	s8 =	simm.s32 $0x780;
	s10 =	simm.s32 $0x0;
	s9 =	simm.s32 $0x0  }
0xa: {  	s3 =	simm.s32 $0x1;
	_ =	strace $0x8000004A;
	s30 =	sshrl.u32 s2, $0x3  }
0xb: {  	s6 =	simm.s32 $0x0;
	[sflag:s3] =	ssyncpa.u1 $0x0;
	s5 =	sadd.s32 s30, s4  }
0xc: {  	s4 =	sadd.s32 $0xA3EC00, s4;
	[sflag:s31] =	ssyncpa.u1 $0x0;
	s5 =	sadd.s32 $0x4400, s5  }
.LBB2_8:
0xd: {  	p1 =	seq.s32 s9, $0x2  }
.Ltmp1:
0xe: {  	_ = 	snop;
	(pc) =	sbr.rel @p1 .LBB2_10-.Ltmp1, $1  }
0xf: {  	_ =	sdelay $0x3  }
.LBB2_9:
0x10: {  	s9 =	sadd.s32 $0x1, s9;
	s10 =	smov.u32 s2  }
.LBB2_1:
0x11: {  	p1 =	sne.s32 s9, $0x0  }
.Ltmp2:
0x12: {  	_ = 	snop;
	(pc) =	sbr.rel @!p1 .LBB2_2-.Ltmp2, $1  }
0x13: {  	_ =	sdelay $0x3  }
0x14: {  	s11 =	sand.u32 $0x1, s9  }
0x15: {  	p1 =	seq.s32 s11, $0x0  }
.Ltmp3:
0x16: {  	_ = 	snop;
	(pc) =	sbr.rel @p1 .LBB2_8-.Ltmp3, $1  }
0x17: {  	_ =	sdelay $0x3  }
0x18: {  	_ =	swait.ge [sflag:s3], $0x280  }
0x19: {  	[sflag:s3] =	ssyncset.done $0x0  }
0x1a: {  	s11 =	simm.s32 $0x0;
	p1 =	por $0x1, $0x1;
	[sflag:s3] =	ssyncadd.s32 $0xFFFFFD80  }
.LBB2_5:
0x1b: {  	v0 =	vld [tilespmem:s11+$0x280]  }
0x1c: {  	v1 =	vld [tilespmem:s11+$0x290]  }
0x1d: {  	v2 =	vld [tilespmem:s11+$0x2A0]  }
0x1e: {  	v3 =	vld [tilespmem:s11+$0x2B0]  }
0x1f: {  	v4 =	vld [tilespmem:s11+$0x2C0]  }
0x20: {  	v53 =	vld [tilespmem:s11+$0x2D0];
	[tilespmem:s11+$0x780] =	vst v0  }
0x21: {  	v54 =	vld [tilespmem:s11+$0x2E0];
	[tilespmem:s11+$0x790] =	vst v1  }
0x22: {  	v55 =	vld [tilespmem:s11+$0x2F0];
	[tilespmem:s11+$0x7A0] =	vst v2  }
0x23: {  	v56 =	vld [tilespmem:s11+$0x300];
	[tilespmem:s11+$0x7B0] =	vst v3  }
0x24: {  	v57 =	vld [tilespmem:s11+$0x310];
	[tilespmem:s11+$0x7C0] =	vst v4  }
0x25: {  	v58 =	vld [tilespmem:s11+$0x320];
	[tilespmem:s11+$0x7D0] =	vst v53  }
0x26: {  	v59 =	vld [tilespmem:s11+$0x330];
	[tilespmem:s11+$0x7E0] =	vst v54  }
0x27: {  	v60 =	vld [tilespmem:s11+$0x340];
	[tilespmem:s11+$0x7F0] =	vst v55  }
0x28: {  	v61 =	vld [tilespmem:s11+$0x350];
	[tilespmem:s11+$0x800] =	vst v56  }
0x29: {  	v62 =	vld [tilespmem:s11+$0x360];
	[tilespmem:s11+$0x810] =	vst v57  }
0x2a: {  	v63 =	vld [tilespmem:s11+$0x370];
	p2 =	por p1, p1;
	[tilespmem:s11+$0x820] =	vst v58  }
.Ltmp4:
0x2b: {  	[tilespmem:s11+$0x830] =	vst v59;
	(pc) =	sbr.rel @p2 .LBB2_5-.Ltmp4, $4  }
0x2c: {  	[tilespmem:s11+$0x840] =	vst v60  }
0x2d: {  	[tilespmem:s11+$0x850] =	vst v61  }
0x2e: {  	s12 =	simm.s32 $0x1F0;
	s13 =	simm.s32 $0x980;
	[tilespmem:s11+$0x860] =	vst v62  }
0x2f: {  	s14 =	simm.s32 $0x480;
	p1 =	por $0x0, $0x0;
	[tilespmem:s11+$0x870] =	vst v63;
	s11 =	simm.s32 $0x100  }
.LBB2_6:
0x30: {  	s12 =	sadd.s32 $0x10, s12  }
0x31: {  	v0 =	vld [tilespmem:s14+$0x0];
	p1 =	slt.u32 s12, $0x270  }
.Ltmp5:
0x32: {  	_ = 	snop;
	(pc) =	sbr.rel @p1 .LBB2_6-.Ltmp5, $2  }
0x33: {  	_ =	sdelay $0x2  }
0x34: {  	s14 =	sadd.s32 $0x10, s14;
	[tilespmem:s13+$0x0] =	vst v0;
	s13 =	sadd.s32 $0x10, s13  }
.Ltmp6:
0x35: {  	(pc) =	sbr.rel .LBB2_8-.Ltmp6, $4  }
0x36: {  	_ = 	snop  }
0x37: {  	s10 =	sshrl.u32 s10, $0x3  }
0x38: {  	s10 =	sadd.s32 s4, s10  }
0x39: {  	[hbm4b:s10+s6] =	stream.linear.scatter [tilespmem:s8], [sflag:$0x2], $0x280, $0x38;
	[tilespmem:$0xA00] =	vst v63  }
.LBB2_2:
.Ltmp7:
0x3a: {  	(pc) =	sbr.rel .LBB2_9-.Ltmp7, $2  }
0x3b: {  	_ =	sdelay $0x2  }
0x3c: {  	[tilespmem:s7], [sflag:$0x1] =	stream.linear.gather [hbm4b:s5+s6], $0x280, $0x38;
	[tilespmem:$0xA00] =	vst v63  }
.LBB2_10:
0x3d: {  	s2 =	simm.s32 $0x2  }
0x3e: {  	_ =	swait.ge [sflag:s2], $0x280  }
0x3f: {  	[sflag:s2] =	ssyncset.done $0x0  }
0x40: {  	[sflag:s2] =	ssyncadd.s32 $0xFFFFFD80  }
0x41: {  	_ =	sfence.sel $0x180000  }
0x42: {  	s3 =	simm.s32 $0x1;
	[bflag:$0x0] =	sbarrier.arrive $0xFFFF  }
0x43: {  	[sflag:s3] =	ssyncpa.u1 $0x1  }
0x44: {  	[sflag:s2] =	ssyncpa.u1 $0x1  }
0x45: {  	_ =	strace $0x9000004A  }
0x46: {  	s0 =	sadd.s32 @!p0 $0x100000, s0;
	[bflag:$0x2] =	sbarrier.arrive $0xFFFF  }
0x47: {  	[sflag:s0] =	ssyncadd.tile.s32 @!p0 $0x1;
	s0 =	simm.s32 @!p0 $0x3F  }
0x48: {  	_ =	swait.ge @!p0 [sflag:s0], s1  }
0x49: {  	s1 =	ssub.s32 @!p0 $0x0, s1;
	[sflag:s0] =	ssyncset.done @!p0 $0x0  }
0x4a: {  	[sflag:s0] =	ssyncadd.s32 @!p0 s1  }
0x4b: {  	[bflag:$0x3] =	sbarrier.arrive $0xFFFF  }
0x4c: {  	_ =	shalt  }
.Lfunc_end2:
execute1_lowered:
.L_overlay_start_2:
0x4d: {  	(tag) =	ssettag $0x2  }
0x4e: {  	s0 =	rddreg [dreg:$0x0];
	_ =	strace $0x8000004D;
	s15 =	stileid.u32  }
0x4f: {  	s2 =	simm.s32 $0x1;
	s1 =	smin.u32 s15, $0x8;
	s3 =	sshll.u32 s15, $0x1  }
0x50: {  	v1 =	vimm.s32 $0xFFFFFFFF;
	[sflag:s2] =	ssyncpa.u1 $0x0;
	s1 =	sadd.s32 s1, s3  }
0x51: {  	p0 =	slt.u32 s15, $0x8;
	[tilespmem:$0x10] =	vst v1;
	s4 =	smul.u32 $0x1F40, s1;
	s1 =	simm.s32 $0x5DC0  }
0x52: {  	v0 =	vimm.f32 $0.0e+00;
	[tilespmem:$0x20] =	vst v1;
	s1 =	simm.s32 @!p0 $0x3E80  }
0x53: {  	[tilespmem:$0x30] =	vst v0;
	s1 =	sadd.s32 s1, s4  }
0x54: {  	[tilespmem:$0x40] =	vst v0;
	s5 =	smin.u32 s1, $0x4E200  }
0x55: {  	s7 =	simm.s32 $0x2;
	s8 =	simm.s32 $0x8;
	[tilespmem:$0x50] =	vst v0;
	s9 =	ssub.s32 s5, s4  }
0x56: {  	s31 =	simm.s32 $0x9;
	s16 =	simm.s32 $0x0;
	[tilespmem:$0x60] =	vst v1;
	p0 =	sgt.s32 s9, $0x0  }
0x57: {  	s17 =	simm.s32 $0xF0;
	s18 =	simm.s32 $0xFFFFFFFF;
	[tilespmem:$0x70] =	vst v1;
	s9 =	simm.s32 @!p0 $0x0  }
0x58: {  	s19 =	simm.s32 $0xFFFFC280;
	s20 =	simm.s32 $0xFFFFFFFE;
	[tilespmem:$0x80] =	vst v1;
	s30 =	smulhi.u32 $0x10624DD3, s9  }
0x59: {  	s21 =	simm.s32 $0xF;
	s25 =	simm.s32 $0x0;
	s24 =	simm.s32 $0x0;
	v1 =	vimm.s32 $0x0;
	[tilespmem:$0xB0] =	vst v0  }
0x5a: {  	s6 =	sadd.s32 $0xA03800, s0;
	s15 =	sshllo.u32 s15, $0x1;
	[tilespmem:$0x90] =	vst v1;
	s10 =	sshrl.u32 s30, $0x9  }
0x5b: {  	[tilespmem:$0xA0] =	vst v1;
	[sflag:s7] =	ssyncpa.u1 $0x0;
	s7 =	simm.s32 $0x7;
	s11 =	smul.u32 $0x1F40, s10  }
.Ltmp8:
0x5c: {  	s13 =	sor.u32 $0x80, s3;
	[sflag:s7] =	ssyncpa.u1 $0x0;
	(pc) =	sbr.rel .LBB3_1-.Ltmp8, $4  }
0x5d: {  	s14 =	sor.u32 $0x81, s3;
	[sflag:s8] =	ssyncpa.u1 $0x0;
	p0 =	sne.s32 s9, s11  }
0x5e: {  	s23 =	smov.u32 s4;
	s1 =	sadd.s32 $0xA3EC00, s0;
	s2 =	simm.s32 @!p0 $0x0  }
0x5f: {  	vm0 =	vmmov $0xffff;
	v2 =	vlaneseq.u32;
	[sflag:s31] =	ssyncpa.u1 $0x0;
	s9 =	sadd.s32 $0xA0D600, s0;
	s10 =	sadd.s32 s2, s10  }
0x60: {  	vm1 =	vmxor vm1, vm1;
	vm2 =	vmmov $0x1;
	vm3 =	vcmask $0x3F3C;
	p0 =	por $0x0, $0x0;
	s11 =	sadd.s32 $0x1, s10;
	s12 =	sadd.s32 $0x2, s10  }
.LBB3_9:
0x61: {  	p1 =	slt.u32 s24, $0x3  }
0x62: {  	s0 =	simm.s32 @!p1 $0x2  }
0x63: {  	_ =	swait.ge @!p1 [sflag:s0], $0x1F40  }
0x64: {  	[sflag:s0] =	ssyncset.done @!p1 $0x0  }
0x65: {  	[sflag:s0] =	ssyncadd.s32 @!p1 $0xFFFFE0C0;
	s0 =	simm.s32 @!p1 $0x9  }
0x66: {  	_ =	swait.ge @!p1 [sflag:s0], $0x10  }
0x67: {  	[sflag:s0] =	ssyncset.done @!p1 $0x0  }
0x68: {  	[sflag:s0] =	ssyncadd.s32 @!p1 $0xFFFFFFF0;
	p1 =	sne.s32 s24, s12  }
.Ltmp9:
0x69: {  	s2 =	sadd.s32 $0x1F40, s23;
	(pc) =	sbr.rel @!p1 .LBB3_10-.Ltmp9, $4  }
0x6a: {  	s22 =	smov.u32 s4;
	s31 =	sadd.s32 $0x1, s24;
	s17 =	sadd.s32 $0x1F40, s17  }
0x6b: {  	s18 =	sadd.s32 $0x1, s18;
	s25 =	smov.u32 s23;
	p2 =	slt.s32 s2, s5  }
0x6c: {  	p0 =	por !p0, !p0;
	s19 =	sadd.s32 $0x1F40, s19;
	s22 =	smov.u32 @p2 s2  }
0x6d: {  	s20 =	sadd.s32 $0x1, s20;
	s23 =	smov.u32 s22;
	s24 =	smov.u32 s31  }
.LBB3_1:
0x6e: {  	p1 =	sge.u32 s24, s10  }
0x6f: {  	s0 =	smulhi.u32 @!p1 $0xAAAAAAAB, s24;
	_ =	sdelay $0x1  }
0x70: {  	s0 =	sshrl.u32 @!p1 s0, $0x1  }
0x71: {  	s0 =	smul.u32 @!p1 $0x3, s0;
	_ =	sdelay $0x1  }
0x72: {  	s0 =	ssub.s32 @!p1 s24, s0  }
0x73: {  	s0 =	smul.u32 @!p1 $0x7D00, s0;
	_ =	sdelay $0x1  }
0x74: {  	s2 =	sshrl.u32 @!p1 s23, $0x3;
	s0 =	sshrl.u32 @!p1 s0, $0x2  }
0x75: {  	s22 =	sand.u32 @!p1 $0x7, s23;
	s2 =	sadd.s32 @!p1 s6, s2;
	s0 =	sadd.s32 @!p1 $0x100, s0  }
0x76: {  	[tilespmem:s0], [sflag:$0x7] =	stream.linear.gather @!p1 [hbm4b:s2+s22], $0x1F40, $0x38;
	[tilespmem:$0x11A60] =	vst v63  }
0x77: {  	s0 =	sadd.s32 $0xFFFFFFFF, s24  }
0x78: {  	p1 =	sge.u32 s0, s10  }
.Ltmp10:
0x79: {  	_ = 	snop;
	(pc) =	sbr.rel @p1 .LBB3_5-.Ltmp10, $1  }
0x7a: {  	_ =	sdelay $0x3  }
0x7b: {  	s2 =	smulhi.u32 $0xAAAAAAAB, s0;
	_ =	sdelay $0x1  }
0x7c: {  	s2 =	sshrl.u32 s2, $0x1  }
0x7d: {  	s2 =	smul.u32 $0x3, s2;
	_ =	sdelay $0x1  }
0x7e: {  	s2 =	ssub.s32 s0, s2  }
0x7f: {  	s2 =	smul.u32 $0x7D00, s2  }
0x80: {  	_ =	swait.ge [sflag:s7], $0x1F40  }
0x81: {  	[sflag:s7] =	ssyncset.done $0x0;
	s2 =	sshrl.u32 s2, $0x2  }
0x82: {  	[sflag:s7] =	ssyncadd.s32 $0xFFFFE0C0;
	(ifvalue) =	ssetifvalue $0xFFFFFFFF;
	v3 =	vld.msk [tilespmem:s2+$0x100 ss:$0x1], $0xffff;
	_ =	sdelay $0x2  }
0x83: {  	s30 =	smulhi.u32 $0xAAAAAAAB, s18;
	p1 =	sne.s32 s24, $0x1  }
0x84: {  	v4 =	vimm.s32 @!p1 $0x0  }
0x85: {  	s2 =	sshrl.u32 s30, $0x1;
	v4 =	vperm.xlane @!p1 v3, v4  }
0x86: {  	s22 =	sshll.u32 s24, $0x4;
	s2 =	smul.u32 $0xFFFE8900, s2;
	vm4 =	vlt.u32 v3, $0x2800  }
0x87: {  	s22 =	sand.u32 $0x10, s22;
	v3 =	vnsel vm4, $0xFFFFFFFE, v3;
	vm4 =	vlt.u32 @!p1 v4, $0x2800  }
0x88: {  	s2 =	sshra.s32 s2, $0x2;
	[tilespmem:s22+$0x60] =	vst v3;
	v3 =	vnsel @!p1 vm4, $0xFFFFFFFE, v4  }
0x89: {  	s28 =	sadd.s32 s2, s17;
	[tilespmem:$0x80] =	vst @!p1 v3  }
0x8a: {  	v3 =	vld.msk [tilespmem:s28+$0x0 ss:$0x1], $0xffff;
	_ =	sdelay $0x4  }
0x8b: {  	(xrf1) =	vunique.msk.u32 $0xffff, v3;
	_ =	sdelay $0xd  }
0x8c: {  	v4 =	vimm.s32 $0xFFFFFFFF;
	v5, _, _ =	vpop (xrf1)  }
0x8d: {  	vm5 =	vne.s32 v3, v4;
	vm4 =	veq.s32 v5, v2  }
0x8e: {  	vm6 =	vlt.u32 v3, $0x2800;
	vm4 =	vmand vm5, vm4  }
0x8f: {  	vm4 =	vmand vm6, vm4  }
0x90: {  	v4 =	vnsel vm4, $0xFFFFFFFF, v3  }
0x91: {  	s31 =	sand.u32 $0x1, s0  }
0x92: {  	s0 =	simm.s32 $0x1F40;
	p1 =	seq.s32 s31, $0x1  }
0x93: {  	s0 =	simm.s32 @!p1 $0x0  }
0x94: {  	s26 =	sadd.s32 $0x7DF0, s0;
	(ifvalue) =	ssetifvalue $0xFFFFFFFF  }
0x95: {  	v3 =	vperm.xlane v3, v1;
	[tilespmem:s26], [sflag:$0x8] =	stream.indirect_vreg.gather [hbm4b:s1+s16], $0x1, v4, vm0, $0x4038;
	v4 =	vnsel vm6, $0xFFFFFFFE, v4;
	[tilespmem:$0x11A60] =	vst v63  }
0x96: {  	s2 =	simm.s32 $0x0;
	s22 =	sadd.s32 $0xFFFFFFF0, s28;
	[tilespmem:s28+$0x0] =	vst v4  }
.LBB3_3:
0x97: {  	v4 =	vld.msk [tilespmem:s22+$0x0 ss:$0x1], $0xffff;
	s2 =	sadd.s32 $0x10, s2;
	v5 =	vmov v3;
	s28 =	smov.u32 s22  }
0x98: {  	p1 =	slt.u32 s2, $0x1F30;
	_ =	sdelay $0x4  }
0x99: {  	v3 =	vperm.xlane v4, v1;
	(xrf1) =	vunique.msk.u32 $0xffff, v4;
	_ =	sdelay $0xd  }
0x9a: {  	v6, _, _ =	vpop (xrf1)  }
0x9b: {  	vm5 =	vne.s32 v4, v5;
	vm4 =	veq.s32 v6, v2  }
0x9c: {  	vm6 =	vlt.u32 v4, $0x2800;
	vm4 =	vmand vm5, vm4  }
0x9d: {  	vm4 =	vmand vm6, vm4  }
0x9e: {  	v4 =	vnsel vm4, $0xFFFFFFFF, v4  }
.Ltmp11:
0x9f: {  	v5 =	vnsel vm6, $0xFFFFFFFE, v4;
	(pc) =	sbr.rel @p1 .LBB3_3-.Ltmp11, $3  }
0xa0: {  	_ =	sdelay $0x1  }
0xa1: {  	s22 =	sadd.s32 $0xFFFFFFF0, s22;
	s26 =	sadd.s32 $0xFFFFFFF0, s26;
	(ifvalue) =	ssetifvalue $0xFFFFFFFF  }
0xa2: {  	[tilespmem:s26], [sflag:$0x8] =	stream.indirect_vreg.gather [hbm4b:s1+s16], $0x1, v4, vm0, $0x4038;
	[tilespmem:s28+$0x0] =	vst v5  }
0xa3: {  	s2 =	sshrl.u32 s25, $0x3  }
0xa4: {  	s0 =	sadd.s32 $0x9D40, s0;
	s2 =	sadd.s32 s9, s2  }
0xa5: {  	[tilespmem:s0], [sflag:$0x8] =	stream.linear.gather [hbm:s2], $0x1F40, $0x38;
	[tilespmem:$0x11A60] =	vst v63  }
.LBB3_5:
0xa6: {  	p1 =	slt.u32 s24, $0x2  }
0xa7: {  	p2 =	sge.u32 @!p1 s24, s12  }
0xa8: {  	p1 =	por p1, p2  }
.Ltmp12:
0xa9: {  	_ = 	snop;
	(pc) =	sbr.rel @p1 .LBB3_9-.Ltmp12, $1  }
0xaa: {  	_ =	sdelay $0x3  }
0xab: {  	s0 =	sadd.s32 $0xFFFFFFFE, s24  }
0xac: {  	s2 =	smulhi.u32 $0xAAAAAAAB, s0;
	_ =	sdelay $0x1  }
0xad: {  	s2 =	sshrl.u32 s2, $0x1  }
0xae: {  	s2 =	smul.u32 $0x3, s2;
	_ =	sdelay $0x1  }
0xaf: {  	s0 =	ssub.s32 s0, s2  }
0xb0: {  	_ =	swait.ge [sflag:s8], $0x3E80;
	s0 =	smul.u32 $0x1F40, s0  }
0xb1: {  	p1 =	sne.s32 s24, s11;
	[sflag:s8] =	ssyncset.done $0x0  }
0xb2: {  	[sflag:s8] =	ssyncadd.s32 $0xFFFFC180;
	s2 =	sadd.s32 @!p1 $0x203F, s0  }
0xb3: {  	[spmem:s14] =	stream.linear.scatter @!p1 [tilespmem:s2], [sflag:$0x1], $0x1, $0x38;
	[tilespmem:$0x11A60] =	vst v63  }
0xb4: {  	s2 =	simm.s32 @!p1 $0x1  }
0xb5: {  	_ =	swait.ge @!p1 [sflag:s2], $0x1  }
0xb6: {  	s22 =	sshll.u32 s24, $0x4;
	[sflag:s2] =	ssyncset.done @!p1 $0x0  }
0xb7: {  	s25 =	sand.u32 $0x10, s22;
	[sflag:s2] =	ssyncadd.s32 @!p1 $0xFFFFFFFF  }
0xb8: {  	s2 =	sxor.u32 $0x10, s25;
	v4 =	vld [tilespmem:s25+$0x10]  }
0xb9: {  	v5 =	vld [tilespmem:s2+$0x60]  }
0xba: {  	v3 =	vld [tilespmem:$0x80];
	_ =	sdelay $0x2  }
0xbb: {  	(v2sf) =	vpush v4, $0x0  }
0xbc: {  	(v2sf) =	vpush v5, $0x0  }
0xbd: {  	(v2sf) =	vpush v3, $0x0;
	_ =	sdelay $0xc  }
0xbe: {  	s22 =	spop (v2sf)  }
0xbf: {  	s26 =	spop (v2sf)  }
0xc0: {  	s28 =	spop (v2sf)  }
0xc1: {  	p2 =	seq.s32 s22, s26;
	p3 =	seq.s32 s28, s22  }
0xc2: {  	p3 =	por p2, p3  }
0xc3: {  	s26 =	sand.u32 $0x1, s24;
	v4 =	vpsel p3, $0xFFFFFFFF, v4  }
0xc4: {  	s29 =	smul.u32 $0x1F40, s26;
	[tilespmem:s25+$0x10] =	vst.msk $0x1, v4  }
0xc5: {  	v4 =	vld [tilespmem:$0x30]  }
0xc6: {  	v5 =	vld [tilespmem:s29+$0x9D40]  }
0xc7: {  	v6 =	vld [tilespmem:s25+$0x40];
	_ =	sdelay $0x3  }
0xc8: {  	vm4 =	vmmov vm1;
	v5 =	vadd.f32 v5, v4  }
0xc9: {  	vm5 =	vmmov vm2;
	vm4 =	vmmov @p2 vm2;
	s22 =	sshll.u32 s26, $0x4;
	v4 =	vadd.f32 v6, v4  }
0xca: {  	s26 =	sor.u32 $0x11A40, s22;
	vm5 =	vmmov @p3 vm1;
	[tilespmem:s29+$0x9D40] =	vst.msk vm4, v5  }
0xcb: {  	[tilespmem:s26+$0x0] =	vst.msk vm5, v4  }
0xcc: {  	v4 =	vld [tilespmem:s29+$0x7DF0];
	_ =	sdelay $0x3  }
0xcd: {  	v5 =	vimm.f32 $0.0e+00  }
0xce: {  	v4 =	vshift.insert v4, v5, s21  }
0xcf: {  	s22 =	sor.u32 $0x40, s2  }
0xd0: {  	[tilespmem:s22+$0x0] =	vst.msk $0x1, v4  }
0xd1: {  	[tilespmem:s29+$0x7DFF] =	vst.msk $0x1, v5  }
0xd2: {  	v4 =	vld [tilespmem:s0+$0x2030];
	_ =	sdelay $0x1  }
0xd3: {  	s22 =	smulhi.u32 $0xAAAAAAAB, s20;
	s0 =	simm.s32 $0x1  }
0xd4: {  	s0 =	simm.s32 @!p0 $0x0  }
0xd5: {  	s22 =	sshrl.u32 s22, $0x1;
	s0 =	smul.u32 $0x7D00, s0  }
0xd6: {  	s22 =	smul.u32 $0xFFFE8900, s22;
	v4 =	vshift.insert v4, v1, s21  }
0xd7: {  	s0 =	sshrl.u32 s0, $0x2  }
0xd8: {  	s22 =	sshra.s32 s22, $0x2;
	s30 =	sadd.s32 $0x9D40, s0;
	[tilespmem:s2+$0x10] =	vst.msk $0x1, v4  }
0xd9: {  	s22 =	sadd.s32 s22, s19;
	v6 =	vld [tilespmem:s30+$0x0]  }
0xda: {  	v7 =	vld [tilespmem:s22+$0x0];
	_ =	sdelay $0x3  }
0xdb: {  	v5 =	vadd.f32 v6, v5  }
0xdc: {  	vm4 =	vne.s32 v7, $0xFFFFFFFF  }
0xdd: {  	(xrf2) =	vadd.seg.scan.f32 vm4, v5;
	_ =	sdelay $0x3  }
0xde: {  	s31 =	sadd.s32 $0x5EC0, s0;
	v5 =	vperm.xlane v4, v1  }
0xdf: {  	v6 =	vld [tilespmem:s31+$0x0]  }
0xe0: {  	vm5 =	veq.s32 v7, v3;
	vm6 =	veq.s32 v7, v5  }
0xe1: {  	vm7 =	vgt.u32 v7, $0xFFFFFFFD;
	vm6 =	vmor vm6, vm5  }
0xe2: {  	vm6 =	vmor vm6, vm7  }
0xe3: {  	v9 =	vld [tilespmem:$0xA0];
	v7 =	vsel vm6, $0xFFFFFFFF, v7  }
0xe4: {  	v10 =	vld [tilespmem:$0x90];
	v6 =	vsel vm5, $0x0, v6;
	v8, _, _ =	vpop (xrf2)  }
0xe5: {  	v6 =	vadd.f32 v8, v6  }
0xe6: {  	s0 =	sadd.s32 $0xDBC0, s0  }
0xe7: {  	vm4 =	vmand vm4, vm3;
	[tilespmem:s0+$0x0] =	vst v6;
	(ifvalue) =	ssetifvalue $0xFFFFFFFF  }
0xe8: {  	vm6 =	veq.s32 v9, $0x1;
	[hbm4b:s1+s16] =	stream.indirect_vreg.scatter [tilespmem:s0], [sflag:$0x2], $0x1, v7, vm0, $0x4038;
	v7 =	vsel vm4, $0x0, v8;
	[tilespmem:$0x11A60] =	vst v63  }
0xe9: {  	s2 =	simm.s32 $0x0;
	s22 =	sadd.s32 $0x10, s22;
	vm4 =	vmor vm6, vm5;
	v6 =	vsel vm5, v8, v10;
	v7 =	vshift.insert v7, v0, s21  }
.LBB3_7:
0xea: {  	v8 =	vld [tilespmem:s22+$0x0];
	s30 =	sadd.s32 $0x10, s30  }
0xeb: {  	s31 =	sadd.s32 $0x10, s31;
	v9 =	vld [tilespmem:s30+$0x0]  }
0xec: {  	s2 =	sadd.s32 $0x10, s2;
	v10 =	vld [tilespmem:s31+$0x0]  }
0xed: {  	p2 =	slt.u32 s2, $0x1F30;
	_ =	sdelay $0x2  }
0xee: {  	v7 =	vadd.f32 v9, v7  }
0xef: {  	vm5 =	vne.s32 v8, $0xFFFFFFFF  }
0xf0: {  	vm6 =	vmand vm5, vm3;
	(xrf2) =	vadd.seg.scan.f32 vm5, v7;
	_ =	sdelay $0x5  }
0xf1: {  	vm7 =	veq.s32 v8, v5;
	vm5 =	veq.s32 v8, v3  }
0xf2: {  	vm8 =	vgt.u32 v8, $0xFFFFFFFD;
	vm4 =	vmor vm4, vm5;
	vm7 =	vmor vm7, vm5  }
0xf3: {  	vm7 =	vmor vm7, vm8  }
0xf4: {  	v8 =	vsel vm7, $0xFFFFFFFF, v8  }
.Ltmp13:
0xf5: {  	v7 =	vsel vm5, $0x0, v10;
	v9, _, _ =	vpop (xrf2);
	(pc) =	sbr.rel @p2 .LBB3_7-.Ltmp13, $4  }
0xf6: {  	v6 =	vsel vm5, v9, v6;
	v10 =	vadd.f32 v9, v7;
	v7 =	vsel vm6, $0x0, v9  }
0xf7: {  	s0 =	sadd.s32 $0x10, s0;
	v7 =	vshift.insert v7, v0, s21  }
0xf8: {  	s22 =	sadd.s32 $0x10, s22;
	[tilespmem:s0+$0x0] =	vst v10;
	(ifvalue) =	ssetifvalue $0xFFFFFFFF  }
0xf9: {  	[hbm4b:s1+s16] =	stream.indirect_vreg.scatter [tilespmem:s0], [sflag:$0x2], $0x1, v8, vm0, $0x4038;
	[tilespmem:$0x11A60] =	vst v63  }
0xfa: {  	v3 =	vld [tilespmem:s29+$0xFAF0];
	_ =	sdelay $0x4  }
0xfb: {  	v3 =	vshift.insert v3, v0, s21  }
0xfc: {  	s0 =	simm.s32 $0x30  }
0xfd: {  	[tilespmem:s0+$0x0] =	vst.msk $0x1, v3  }
0xfe: {  	v3 =	vsel vm4, $0x1, v1;
	[tilespmem:$0x90] =	vst v6  }
0xff: {  	s0 =	sadd.s32 @!p1 $0xFAFF, s29;
	[tilespmem:$0xA0] =	vst v3  }
0x100: {  	[spmem:s15] =	stream.linear.scatter @!p1 [tilespmem:s0], [sflag:$0x1], $0x1, $0x38;
	[tilespmem:$0x11A60] =	vst v63  }
0x101: {  	s0 =	simm.s32 @!p1 $0x1  }
0x102: {  	v3 =	vmctz.xlane @!p1 vm4;
	_ =	swait.ge @!p1 [sflag:s0], $0x1  }
0x103: {  	(v2sf) =	vpush @!p1 v4, $0x0  }
0x104: {  	(v2sf) =	vpush @!p1 v3, $0x0;
	_ =	sdelay $0xd  }
0x105: {  	s2 =	spop @!p1 (v2sf)  }
0x106: {  	s22 =	spop @!p1 (v2sf)  }
0x107: {  	p2 =	sne.s32 @!p1 s28, s2;
	p3 =	slt.s32 @!p1 s22, $0xF  }
0x108: {  	[sflag:s0] =	ssyncset.done @!p1 $0x0;
	p2 =	por p2, p1;
	p3 =	por !p3, p1  }
0x109: {  	[sflag:s0] =	ssyncadd.s32 @!p1 $0xFFFFFFFF;
	v3 =	vimm.s32 @!p2 $0xFFFFFFFF;
	s22 =	simm.s32 @p3 $0xF  }
0x10a: {  	[tilespmem:$0x80] =	vst @!p2 v3;
	s2 =	sadd.s32 @!p1 $0x90, s22  }
0x10b: {  	[spmem:s3] =	stream.linear.scatter @!p1 [tilespmem:s2], [sflag:$0x1], $0x1, $0x38;
	[tilespmem:$0x11A60] =	vst v63  }
0x10c: {  	_ =	swait.ge @!p1 [sflag:s0], $0x1  }
0x10d: {  	[sflag:s0] =	ssyncset.done @!p1 $0x0  }
0x10e: {  	s2 =	simm.s32 @!p1 $0x80;
	[sflag:s0] =	ssyncadd.s32 @!p1 $0xFFFFFFFF  }
0x10f: {  	[spmem:s13] =	stream.linear.scatter @!p1 [tilespmem:s2], [sflag:$0x1], $0x1, $0x38;
	[tilespmem:$0x11A60] =	vst v63  }
0x110: {  	_ =	swait.ge @!p1 [sflag:s0], $0x1  }
0x111: {  	[sflag:s0] =	ssyncset.done @!p1 $0x0  }
0x112: {  	[sflag:s0] =	ssyncadd.s32 @!p1 $0xFFFFFFFF;
	(ifvalue) =	ssetifvalue $0xFFFFFFFF;
	v3 =	vld [tilespmem:s25+$0x10];
	_ =	sdelay $0x3  }
.Ltmp14:
0x113: {  	_ = 	snop;
	(pc) =	sbr.rel .LBB3_9-.Ltmp14, $3  }
0x114: {  	_ =	sdelay $0x1  }
0x115: {  	(ifvalue) =	ssetifvalue $0xFFFFFFFF  }
0x116: {  	[hbm4b:s1+s16] =	stream.indirect_vreg.scatter [tilespmem:s26], [sflag:$0x9], $0x1, v3, vm0, $0x4038;
	[tilespmem:$0x11A60] =	vst v63  }
.LBB3_10:
0x117: {  	_ =	sfence.sel $0x180000  }
0x118: {  	s0 =	simm.s32 $0x7;
	[bflag:$0x0] =	sbarrier.arrive $0xFFFF  }
0x119: {  	s26 =	simm.s32 $0x8;
	[sflag:s0] =	ssyncpa.u1 $0x1  }
0x11a: {  	s28 =	simm.s32 $0x9;
	[sflag:s26] =	ssyncpa.u1 $0x1  }
0x11b: {  	[sflag:s28] =	ssyncpa.u1 $0x1  }
0x11c: {  	_ =	sfence.stream.spmem  }
0x11d: {  	s29 =	simm.s32 $0x3;
	[bflag:$0x0] =	sbarrier.arrive $0xFFFF  }
0x11e: {  	s30 =	simm.s32 $0x4;
	[sflag:s29] =	ssyncpa.u1 $0x1  }
0x11f: {  	s31 =	simm.s32 $0x3C;
	s2 =	stileid.u32;
	[sflag:s30] =	ssyncpa.u1 $0x1  }
0x120: {  	p0 =	sne.s32 s2, $0x0;
	[sflag:s31] =	ssyncpa.u1 $0x1  }
0x121: {  	s0 =	simm.s32 @p0 $0x1;
	_ =	sfence @p0  }
0x122: {  	[sflag:s0] =	ssyncpa.u1 @p0 $0x1;
	s0 =	simm.s32 @p0 $0x2  }
0x123: {  	[sflag:s0] =	ssyncpa.u1 @p0 $0x1  }
0x124: {  	_ =	strace @p0 $0x9000004D  }
0x125: {  	[bflag:$0x2] =	sbarrier.arrive @p0 $0xFFFF  }
0x126: {  	_ =	shalt @p0  }
.LBB3_11:
0x127: {  	_ =	sfence.stream.spmem;
	s0 =	simm.s32 $0x5  }
0x128: {  	s2 =	simm.s32 $0x80;
	s3 =	simm.s32 $0xC0;
	[sflag:s0] =	ssyncpa.u1 $0x0  }
0x129: {  	[tilespmem:s3], [sflag:$0x5] =	stream.linear.gather [spmem:s2], $0x20, $0x38;
	[tilespmem:$0x11A60] =	vst v63  }
0x12a: {  	s2 =	simm.s32 $0x0;
	s3 =	simm.s32 $0xE0  }
0x12b: {  	[tilespmem:s3], [sflag:$0x5] =	stream.linear.gather [spmem:s2], $0x20, $0x38;
	[tilespmem:$0x11A60] =	vst v63  }
.Ltmp15:
0x12c: {  	_ = 	snop;
	(pc) =	sbr.rel .LBB3_12-.Ltmp15, $4  }
0x12d: {  	_ =	swait.ge [sflag:s0], $0x40  }
0x12e: {  	[sflag:s0] =	ssyncset.done $0x0  }
0x12f: {  	s31 =	simm.s32 $0x6;
	[sflag:s0] =	ssyncadd.s32 $0xFFFFFFC0  }
0x130: {  	s4 =	simm.s32 $0x0;
	[sflag:s31] =	ssyncpa.u1 $0x0  }
.LBB3_17:
0x131: {  	p0 =	sgt.u32 s5, $0x27FF  }
0x132: {  	s0 =	sshrl.u32 @!p0 s5, $0x3  }
0x133: {  	s5 =	sand.u32 @!p0 $0x7, s5;
	s6 =	simm.s32 @!p0 $0xB0;
	s0 =	sadd.s32 @!p0 s1, s0  }
0x134: {  	[tilespmem:s6], [sflag:$0x6] =	stream.linear.gather @!p0 [hbm4b:s0+s5], $0x1, $0x38;
	[tilespmem:$0x11A60] =	vst v63  }
0x135: {  	s0 =	simm.s32 @!p0 $0x6  }
0x136: {  	_ =	swait.ge @!p0 [sflag:s0], $0x1  }
0x137: {  	[sflag:s0] =	ssyncset.done @!p0 $0x0  }
0x138: {  	[sflag:s0] =	ssyncadd.s32 @!p0 $0xFFFFFFFF  }
0x139: {  	v2 =	vmov @!p0 s4;
	v1 =	vld.msk @!p0 [tilespmem:$0xB0], $0x1;
	_ =	sdelay $0x3  }
0x13a: {  	s0 =	simm.s32 @!p0 $0xE0  }
0x13b: {  	[tilespmem:v2+s0+$0x0], v1 =	vst.idx.ret.add.f32.msk @!p0 $0x1, v1  }
0x13c: {  	[tilespmem:s2+$0xC0] =	vst.msk $0x1, v0  }
0x13d: {  	v0 =	vld.msk [tilespmem:s4+$0xE0], $0x1;
	_ =	sdelay $0x4  }
0x13e: {  	[tilespmem:s2+$0xE0] =	vst.msk $0x1, v0;
	s2 =	sadd.s32 $0x1, s2  }
.LBB3_19:
0x13f: {  	s4 =	sadd.s32 $0x1, s4  }
0x140: {  	p0 =	sne.s32 s4, $0x20  }
.Ltmp16:
0x141: {  	_ = 	snop;
	(pc) =	sbr.rel @!p0 .LBB3_20-.Ltmp16, $1  }
0x142: {  	_ =	sdelay $0x3  }
.LBB3_12:
0x143: {  	v0 =	vld.msk [tilespmem:s4+$0xC0], $0x1;
	_ =	sdelay $0x4  }
0x144: {  	(v2sf) =	vpush v0, $0x0;
	_ =	sdelay $0xe  }
0x145: {  	s5 =	spop (v2sf)  }
0x146: {  	p0 =	seq.s32 s5, $0xFFFFFFFF  }
.Ltmp17:
0x147: {  	_ = 	snop;
	(pc) =	sbr.rel @p0 .LBB3_19-.Ltmp17, $1  }
0x148: {  	_ =	sdelay $0x3  }
0x149: {  	p0 =	slt.s32 s2, $0x1  }
.Ltmp18:
0x14a: {  	_ = 	snop;
	(pc) =	sbr.rel @p0 .LBB3_17-.Ltmp18, $1  }
0x14b: {  	_ =	sdelay $0x3  }
0x14c: {  	s0 =	simm.s32 $0xC0;
	p0 =	por $0x0, $0x0  }
0x14d: {  	v1 =	vld.msk @!p0 [tilespmem:s0+$0x0], $0x1;
	_ =	sdelay $0x4  }
0x14e: {  	(v2sf) =	vpush @!p0 v1, $0x0;
	_ =	sdelay $0xd  }
0x14f: {  	p2 =	sne.s32 s2, $0x1  }
.Ltmp19:
0x150: {  	s6 =	spop @!p0 (v2sf);
	(pc) =	sbr.rel @!p2 .LBB3_16-.Ltmp19, $4  }
0x151: {  	p1 =	seq.s32 @!p0 s5, s6  }
0x152: {  	s6 =	simm.s32 $0x0;
	p1 =	por !p1, p0  }
0x153: {  	s8 =	simm.s32 $0xFFFFFFFF;
	s6 =	simm.s32 @p1 $0xFFFFFFFF  }
0x154: {  	s7 =	simm.s32 $0x1;
	s6 =	smov.u32 @p0 s8  }
.LBB3_15:
0x155: {  	s8 =	smov.u32 s6;
	p0 =	sne.s32 s6, $0xFFFFFFFF  }
0x156: {  	s0 =	sadd.s32 $0x1, s0;
	s6 =	smov.u32 s7;
	s7 =	sadd.s32 $0x1, s7  }
0x157: {  	p1 =	sne.s32 s2, s7;
	v1 =	vld.msk @!p0 [tilespmem:s0+$0x0], $0x1;
	_ =	sdelay $0x4  }
0x158: {  	(v2sf) =	vpush @!p0 v1, $0x0;
	_ =	sdelay $0xe  }
.Ltmp20:
0x159: {  	s9 =	spop @!p0 (v2sf);
	(pc) =	sbr.rel @p1 .LBB3_15-.Ltmp20, $4  }
0x15a: {  	p2 =	seq.s32 @!p0 s5, s9  }
0x15b: {  	p2 =	por !p2, p0  }
0x15c: {  	s6 =	simm.s32 @p2 $0xFFFFFFFF  }
0x15d: {  	s6 =	smov.u32 @p0 s8  }
.LBB3_16:
0x15e: {  	p0 =	sne.s32 s6, $0xFFFFFFFF  }
.Ltmp21:
0x15f: {  	_ = 	snop;
	(pc) =	sbr.rel @!p0 .LBB3_17-.Ltmp21, $1  }
0x160: {  	_ =	sdelay $0x3  }
0x161: {  	v0 =	vld.msk [tilespmem:s4+$0xE0], $0x1;
	v1 =	vmov s6  }
.Ltmp22:
0x162: {  	_ = 	snop;
	(pc) =	sbr.rel .LBB3_19-.Ltmp22, $2  }
0x163: {  	_ =	sdelay $0x2  }
0x164: {  	[tilespmem:v1+s3+$0x0], v0 =	vst.idx.ret.add.f32.msk $0x1, v0  }
.LBB3_20:
0x165: {  	p0 =	slt.s32 s2, $0x1  }
.Ltmp23:
0x166: {  	_ = 	snop;
	(pc) =	sbr.rel @p0 .LBB3_24-.Ltmp23, $3  }
0x167: {  	_ =	sdelay $0x1  }
0x168: {  	s0 =	simm.s32 $0x6  }
0x169: {  	s3 =	simm.s32 $0x0;
	[sflag:s0] =	ssyncpa.u1 $0x1  }
0x16a: {  	s0 =	simm.s32 $0xC0  }
0x16b: {  	v0 =	vld.msk [tilespmem:s0+$0x0], $0x1;
	_ =	sdelay $0x4  }
0x16c: {  	(v2sf) =	vpush v0, $0x0;
	_ =	sdelay $0xe  }
0x16d: {  	s2 =	sadd.s32 $0xFFFFFFFF, s2;
	s4 =	spop (v2sf)  }
0x16e: {  	p1 =	sne.s32 s2, $0x0;
	p0 =	sgt.u32 s4, $0x27FF  }
.Ltmp24:
0x16f: {  	s5 =	sshrl.u32 @!p0 s4, $0x3;
	(pc) =	sbr.rel @!p1 .LBB3_23-.Ltmp24, $4  }
0x170: {  	s0 =	simm.s32 $0xE0;
	s4 =	sand.u32 @!p0 $0x7, s4;
	s5 =	sadd.s32 @!p0 s1, s5  }
0x171: {  	[hbm4b:s5+s4] =	stream.linear.scatter @!p0 [tilespmem:s0], [sflag:$0x5], $0x1, $0x38;
	[tilespmem:$0x11A60] =	vst v63  }
0x172: {  	s5 =	simm.s32 $0x0  }
0x173: {  	s4 =	simm.s32 $0xC1;
	s5 =	simm.s32 @!p0 $0x4  }
.LBB3_22:
0x174: {  	v0 =	vld.msk [tilespmem:s4+$0x0], $0x1;
	s2 =	sadd.s32 $0xFFFFFFFF, s2;
	s3 =	sadd.s32 s3, s5  }
0x175: {  	p0 =	sne.s32 s2, $0x0;
	_ =	sdelay $0x3  }
0x176: {  	(v2sf) =	vpush v0, $0x0;
	_ =	sdelay $0xe  }
.Ltmp25:
0x177: {  	s6 =	spop (v2sf);
	(pc) =	sbr.rel @p0 .LBB3_22-.Ltmp25, $4  }
0x178: {  	s5 =	simm.s32 $0x0;
	p1 =	sgt.u32 s6, $0x27FF  }
0x179: {  	s0 =	sadd.s32 $0x1, s0;
	s5 =	simm.s32 @!p1 $0x4;
	s7 =	sshrl.u32 @!p1 s6, $0x3  }
0x17a: {  	s4 =	sadd.s32 $0x1, s4;
	s6 =	sand.u32 @!p1 $0x7, s6;
	s7 =	sadd.s32 @!p1 s1, s7  }
0x17b: {  	[hbm4b:s7+s6] =	stream.linear.scatter @!p1 [tilespmem:s0], [sflag:$0x5], $0x1, $0x38;
	[tilespmem:$0x11A60] =	vst v63  }
.LBB3_23:
0x17c: {  	s0 =	sadd.s32 s3, s5  }
0x17d: {  	s3 =	sshrl.u32 s0, $0x2  }
.LBB3_24:
0x17e: {  	s0 =	simm.s32 $0x5  }
0x17f: {  	_ =	swait.ge [sflag:s0], s3  }
0x180: {  	s1 =	ssub.s32 $0x0, s3;
	[sflag:s0] =	ssyncset.done $0x0  }
0x181: {  	[sflag:s0] =	ssyncadd.s32 s1  }
0x182: {  	[sflag:s0] =	ssyncpa.u1 $0x1  }
0x183: {  	s29 =	simm.s32 $0x1;
	_ =	sfence  }
0x184: {  	s30 =	simm.s32 $0x2;
	[sflag:s29] =	ssyncpa.u1 $0x1  }
0x185: {  	[sflag:s30] =	ssyncpa.u1 $0x1  }
0x186: {  	_ =	strace $0x9000004D  }
0x187: {  	[bflag:$0x2] =	sbarrier.arrive $0xFFFF  }
0x188: {  	s31 =	rddreg [dreg:$0x1]  }
0x189: {  	s0 =	sadd.s32 $0x100000, s31  }
0x18a: {  	[sflag:s0] =	ssyncadd.tile.s32 $0x1;
	_ =	shalt  }
.Lfunc_end3:
_tile_overlayer_lowered:
.L_overlay_start_3:
0x18b: {  	(tag) =	ssettag $0x3  }
0x18c: {  	s0 =	rddreg [dreg:$0x0];
	s2 =	stileid.u32  }
0x18d: {  	s1 =	rddreg [dreg:$0x1];
	p0 =	sne.s32 s2, $0x0  }
0x18e: {  	s3 =	rddreg [dreg:$0x2];
	[bflag:$0x3] =	sbarrier.arrive $0xFFFF;
	s2 =	simm.s32 @!p0 $0x1C01  }
0x18f: {  	[timem:s3], [sflag:s2] =	dma.local @!p0 [hbm:s0], s1  }
0x190: {  	s0 =	simm.s32 @!p0 $0x1  }
0x191: {  	_ =	swait.ge @!p0 [sflag:s0], s1  }
0x192: {  	s1 =	ssub.s32 @!p0 $0x0, s1;
	[sflag:s0] =	ssyncset.done @!p0 $0x0  }
0x193: {  	[sflag:s0] =	ssyncadd.s32 @!p0 s1  }
0x194: {  	[bflag:$0x3] =	sbarrier.arrive $0xFFFF  }
0x195: {  	_ =	shalt  }

</sc_bundles>
